<compile_context>
chip_gen: v7x
topology: tpu7x:2x2x1
jax: 0.10.2.dev20260603
libtpu: 0.0.44.dev20260713+nightly
codegen_flags: <defaults>
</compile_context>

<pallas_src>
import jax
import jax.numpy as jnp
from jax import lax
from jax.experimental import pallas as pl
from jax.experimental.pallas import tpu as pltpu
from jax.experimental.pallas import tpu_sc as plsc

N = 10000
NP = 10240
E = 320000
EMB = 128
HEADS = 4
OUT = 64
HO = HEADS * OUT

EPT = E // 16
CHUNK = 80
NCHUNK = EPT // CHUNK
STRIPE = NP // 16
ABLK = 2000
NABLK = EPT // ABLK
MBLK = 800
NCHB = MBLK // CHUNK
NMBLK = EPT // MBLK


def _proj_body(x_ref, w_ref, b_ref, ht_ref, scal_ref, c8_ref):
  i = pl.program_id(0)
  bn = x_ref.shape[0]
  hblk = jnp.dot(x_ref[...], w_ref[...], preferred_element_type=jnp.float32)
  ht_ref[...] = hblk.reshape(bn, 2, EMB).transpose(1, 0, 2)
  sc = jnp.dot(hblk, b_ref[...], preferred_element_type=jnp.float32)
  scal_ref[...] = sc
  m = jnp.max(sc, axis=0, keepdims=True)

  @pl.when(i == 0)
  def _():
    c8_ref[...] = m

  @pl.when(i > 0)
  def _():
    c8_ref[...] = jnp.maximum(c8_ref[...], m)


def _project(x, W, B):
  bn = 1000
  return pl.pallas_call(
      _proj_body,
      grid=(N // bn,),
      in_specs=[
          pl.BlockSpec((bn, EMB), lambda i: (i, 0)),
          pl.BlockSpec((EMB, HO), lambda i: (0, 0)),
          pl.BlockSpec((HO, 8), lambda i: (0, 0)),
      ],
      out_specs=[
          pl.BlockSpec((2, bn, EMB), lambda i: (0, i, 0)),
          pl.BlockSpec((bn, 8), lambda i: (i, 0)),
          pl.BlockSpec((1, 8), lambda i: (0, 0)),
      ],
      out_shape=[
          jax.ShapeDtypeStruct((2, N, EMB), jnp.float32),
          jax.ShapeDtypeStruct((N, 8), jnp.float32),
          jax.ShapeDtypeStruct((1, 8), jnp.float32),
      ],
  )(x, W, B)


def _attn_body(scalt_h, c16_h, src_h, dst_h, a_h,
               tblD, tblS, tblDen, srcv, dstv, a_st0, a_st1,
               tmp, acc, c_v, bsem, sp_den, sp_comb):
  a_sts = (a_st0, a_st1)
  cid = lax.axis_index("c")
  sid = lax.axis_index("s")
  ebase = sid * EPT
  zero16 = jnp.zeros((16,), jnp.float32)

  pltpu.sync_copy(c16_h, c_v)
  cb = [plsc.load_gather(c_v, [jnp.full((16,), 2 * cid + hd, jnp.int32)])
        for hd in range(2)]
  for hd in range(2):
    pltpu.sync_copy(scalt_h.at[pl.ds((2 * cid + hd) * NP, NP)], tblD.at[hd])
    pltpu.sync_copy(scalt_h.at[pl.ds((4 + 2 * cid + hd) * NP, NP)],
                    tblS.at[hd])

  def zden(j, _):
    tblDen[0, pl.ds(j * 16, 16)] = zero16
    tblDen[1, pl.ds(j * 16, 16)] = zero16
    return 0
  lax.fori_loop(0, NP // 16, zden, 0)

  def p1(k, _):
    e0 = ebase + k * ABLK
    descs = [(src_h.at[pl.ds(e0, ABLK)], srcv),
             (dst_h.at[pl.ds(e0, ABLK)], dstv)]
    for sref, dref in descs:
      pltpu.async_copy(sref, dref, bsem)
    for sref, dref in descs:
      pltpu.make_async_copy(sref, dref, bsem).wait()

    @plsc.parallel_loop(0, ABLK // 16, unroll=5)
    def vec(v):
      sv = srcv[pl.ds(v * 16, 16)]
      dv = dstv[pl.ds(v * 16, 16)]
      for hd in range(2):
        hs = jnp.full((16,), hd, jnp.int32)
        s = plsc.load_gather(tblD, [hs, dv]) + plsc.load_gather(tblS, [hs, sv])
        al = jnp.where(s > 0, s, 0.2 * s)
        ex = jnp.exp(al - cb[hd])
        plsc.addupdate_scatter(tblDen, [hs, dv], ex)
    return 0
  lax.fori_loop(0, NABLK, p1, 0)

  for hd in range(2):
    pltpu.sync_copy(tblDen.at[hd],
                    sp_den.at[pl.ds((sid * 2 + hd) * NP, NP)])
  plsc.subcore_barrier()

  def czero(j, _):
    acc[0, pl.ds(j * 16, 16)] = zero16
    acc[1, pl.ds(j * 16, 16)] = zero16
    return 0
  lax.fori_loop(0, STRIPE // 16, czero, 0)

  def comb(t, _):
    for hd in range(2):
      pltpu.sync_copy(
          sp_den.at[pl.ds((t * 2 + hd) * NP + sid * STRIPE, STRIPE)], tmp)

      def addv(j, _):
        acc[hd, pl.ds(j * 16, 16)] = (acc[hd, pl.ds(j * 16, 16)]
                                      + tmp[pl.ds(j * 16, 16)])
        return 0
      lax.fori_loop(0, STRIPE // 16, addv, 0)
    return 0
  lax.fori_loop(0, 16, comb, 0)

  for hd in range(2):
    pltpu.sync_copy(acc.at[hd],
                    sp_comb.at[pl.ds(hd * NP + sid * STRIPE, STRIPE)])
  plsc.subcore_barrier()
  for hd in range(2):
    pltpu.sync_copy(sp_comb.at[pl.ds(hd * NP, NP)], tblDen.at[hd])

  def p2(k, _):
    e0 = ebase + k * ABLK
    descs = [(src_h.at[pl.ds(e0, ABLK)], srcv),
             (dst_h.at[pl.ds(e0, ABLK)], dstv)]
    for sref, dref in descs:
      pltpu.async_copy(sref, dref, bsem)
    for sref, dref in descs:
      pltpu.make_async_copy(sref, dref, bsem).wait()

    @plsc.parallel_loop(0, ABLK // 16, unroll=5)
    def vec(v):
      sv = srcv[pl.ds(v * 16, 16)]
      dv = dstv[pl.ds(v * 16, 16)]
      for hd in range(2):
        hs = jnp.full((16,), hd, jnp.int32)
        s = plsc.load_gather(tblD, [hs, dv]) + plsc.load_gather(tblS, [hs, sv])
        al = jnp.where(s > 0, s, 0.2 * s)
        ex = jnp.exp(al - cb[hd])
        den = plsc.load_gather(tblDen, [hs, dv])
        a_sts[hd][pl.ds(v * 16, 16)] = ex / (den + 1e-16)

    for hd in range(2):
      pltpu.sync_copy(a_sts[hd],
                      a_h.at[pl.ds((2 * cid + hd) * E + e0, ABLK)])
    return 0
  lax.fori_loop(0, NABLK, p2, 0)


def _attn_kernel(scalt, c16, src, dst):
  mesh = plsc.VectorSubcoreMesh(core_axis_name="c", subcore_axis_name="s")
  k = pl.kernel(
      _attn_body,
      out_type=jax.ShapeDtypeStruct((HEADS * E,), jnp.float32),
      mesh=mesh,
      compiler_params=pltpu.CompilerParams(needs_layout_passes=False),
      scratch_types=[
          pltpu.VMEM((2, NP), jnp.float32),
          pltpu.VMEM((2, NP), jnp.float32),
          pltpu.VMEM((2, NP), jnp.float32),
          pltpu.VMEM((ABLK,), jnp.int32),
          pltpu.VMEM((ABLK,), jnp.int32),
          pltpu.VMEM((ABLK,), jnp.float32),
          pltpu.VMEM((ABLK,), jnp.float32),
          pltpu.VMEM((STRIPE,), jnp.float32),
          pltpu.VMEM((2, STRIPE), jnp.float32),
          pltpu.VMEM((16,), jnp.float32),
          pltpu.SemaphoreType.DMA,
          pltpu.VMEM_SHARED((16 * 2 * NP,), jnp.float32),
          pltpu.VMEM_SHARED((2 * NP,), jnp.float32),
      ],
  )
  return k(scalt, c16, src, dst)


def _msg_body(ht_h, a_h, src_h, dst_h, agg_h,
              rows0, rows1, out0, out1, srcv, sadj, dstv2, a_st0, a_st1,
              gsem0, gsem1, ssem0, ssem1, bsem, sp_agg):
  a_sts = (a_st0, a_st1)
  rows = (rows0, rows1)
  out = (out0, out1)
  gsem = (gsem0, gsem1)
  ssem = (ssem0, ssem1)
  cid = lax.axis_index("c")
  sid = lax.axis_index("s")
  ebase = sid * EPT
  zero16 = jnp.zeros((16,), jnp.float32)

  def zrow(i2, _):
    for j in range(8):
      rows0[i2, pl.ds(j * 16, 16)] = zero16
    return 0
  lax.fori_loop(0, CHUNK, zrow, 0)

  def zsp(b, _):
    pltpu.sync_copy(rows0, sp_agg.at[pl.ds(sid * STRIPE + b * CHUNK, CHUNK)])
    return 0
  lax.fori_loop(0, STRIPE // CHUNK, zsp, 0)
  plsc.subcore_barrier()

  def blk(kb, _):
    e0 = ebase + kb * MBLK
    descs = [(src_h.at[pl.ds(e0, MBLK)], srcv)]
    for jj in range(NCHB):
      descs.append((dst_h.at[pl.ds(e0 + jj * CHUNK, CHUNK)], dstv2.at[jj]))
    for hd in range(2):
      descs.append((a_h.at[pl.ds((2 * cid + hd) * E + e0, MBLK)],
                    a_sts[hd]))
    for sref, dref in descs:
      pltpu.async_copy(sref, dref, bsem)
    for sref, dref in descs:
      pltpu.make_async_copy(sref, dref, bsem).wait()

    @plsc.parallel_loop(0, MBLK // 16, unroll=5)
    def vec(v):
      sadj[pl.ds(v * 16, 16)] = srcv[pl.ds(v * 16, 16)] + cid * N

    pltpu.async_copy(ht_h.at[sadj.at[pl.ds(0, CHUNK)]], rows0, gsem0)
    pltpu.async_copy(ht_h.at[sadj.at[pl.ds(CHUNK, CHUNK)]], rows1, gsem1)

    def pair(j2, _):
      for b in range(2):
        j = 2 * j2 + b
        pltpu.make_async_copy(
            ht_h.at[sadj.at[pl.ds(j * CHUNK, CHUNK)]], rows[b],
            gsem[b]).wait()

        @pl.when(j2 >= 1)
        def _():
          pltpu.make_async_copy(out[b], sp_agg.at[dstv2.at[j - 2]],
                                ssem[b]).wait()

        @plsc.parallel_loop(0, CHUNK, unroll=8)
        def scale(i2):
          i2v = jnp.full((16,), j * CHUNK + i2, jnp.int32)
          for hd in range(2):
            ab = plsc.load_gather(a_sts[hd], [i2v])
            for j4 in range(4):
              col = hd * 64 + j4 * 16
              out[b][i2, pl.ds(col, 16)] = rows[b][i2, pl.ds(col, 16)] * ab

        pltpu.async_copy(out[b], sp_agg.at[dstv2.at[j]], ssem[b], add=True)

        @pl.when(j + 2 < NCHB)
        def _():
          pltpu.async_copy(ht_h.at[sadj.at[pl.ds((j + 2) * CHUNK, CHUNK)]],
                           rows[b], gsem[b])
      return 0
    lax.fori_loop(0, NCHB // 2, pair, 0)

    for b in range(2):
      pltpu.make_async_copy(out[b], sp_agg.at[dstv2.at[NCHB - 2 + b]],
                            ssem[b]).wait()
    return 0
  lax.fori_loop(0, NMBLK, blk, 0)

  plsc.subcore_barrier()
  pltpu.sync_copy(
      sp_agg.at[pl.ds(sid * STRIPE, STRIPE)],
      agg_h.at[pl.ds(cid * NP + sid * STRIPE, STRIPE)])


def _msg_kernel(ht, a_flat, src, dst):
  mesh = plsc.VectorSubcoreMesh(core_axis_name="c", subcore_axis_name="s")
  k = pl.kernel(
      _msg_body,
      out_type=jax.ShapeDtypeStruct((2 * NP, EMB), jnp.float32),
      mesh=mesh,
      compiler_params=pltpu.CompilerParams(needs_layout_passes=False),
      scratch_types=[
          pltpu.VMEM((CHUNK, EMB), jnp.float32),
          pltpu.VMEM((CHUNK, EMB), jnp.float32),
          pltpu.VMEM((CHUNK, EMB), jnp.float32),
          pltpu.VMEM((CHUNK, EMB), jnp.float32),
          pltpu.VMEM((MBLK,), jnp.int32),
          pltpu.VMEM((MBLK,), jnp.int32),
          pltpu.VMEM((NCHB, CHUNK), jnp.int32),
          pltpu.VMEM((MBLK,), jnp.float32),
          pltpu.VMEM((MBLK,), jnp.float32),
          pltpu.SemaphoreType.DMA,
          pltpu.SemaphoreType.DMA,
          pltpu.SemaphoreType.DMA,
          pltpu.SemaphoreType.DMA,
          pltpu.SemaphoreType.DMA,
          pltpu.VMEM_SHARED((NP, EMB), jnp.float32),
      ],
  )
  return k(ht, a_flat, src, dst)


def _mean_body(agg_ref, bias_ref, out_ref):
  s = (agg_ref[0, :, 0:OUT] + agg_ref[0, :, OUT:EMB]
       + agg_ref[1, :, 0:OUT] + agg_ref[1, :, OUT:EMB])
  out_ref[...] = s * 0.25 + bias_ref[...]


def _head_mean(agg, bias2d):
  bn = 512
  return pl.pallas_call(
      _mean_body,
      grid=(NP // bn,),
      in_specs=[
          pl.BlockSpec((2, bn, EMB), lambda i: (0, i, 0)),
          pl.BlockSpec((1, OUT), lambda i: (0, 0)),
      ],
      out_specs=pl.BlockSpec((bn, OUT), lambda i: (i, 0)),
      out_shape=jax.ShapeDtypeStruct((N, OUT), jnp.float32),
  )(agg, bias2d)


def kernel(x, path_index, W, att, bias):
  src = path_index[0]
  dst = path_index[1]

  att_d = att[0, :, :OUT]
  att_s = att[0, :, OUT:]
  eye = jnp.eye(HEADS, dtype=jnp.float32)
  Bd = jnp.einsum("ho,hk->hok", att_d, eye).reshape(HO, HEADS)
  Bs = jnp.einsum("ho,hk->hok", att_s, eye).reshape(HO, HEADS)
  B = jnp.concatenate([Bd, Bs], axis=1)

  ht3, scal, c8 = _project(x, W, B)
  ht = ht3.reshape(2 * N, EMB)

  scalt = jnp.pad(scal, ((0, NP - N), (0, 0))).T.reshape(-1)
  c4 = c8[0, :HEADS] + c8[0, HEADS:]
  c4 = jnp.where(c4 > 0, c4, 0.2 * c4)
  c16 = jnp.pad(c4, (0, 12))

  a_flat = _attn_kernel(scalt, c16, src, dst)
  agg = _msg_kernel(ht, a_flat, src, dst)

  out = _head_mean(agg.reshape(2, NP, EMB), bias.reshape(1, OUT))
  a = a_flat.reshape(HEADS, E).T
  return out, a

# --- scband reference (transcript-rebuilt; emitter-appended) ---
"""Pipeline reference for scband-pagatnet-24618752541025 (READ-ONLY COPY).

The authoritative reference and input builder live on the scoring server;
editing this copy changes nothing except your own understanding.
"""

import jax, jax.numpy as jnp
import numpy as np

N = 10000
E = 320000
EMB = 128
HEADS = 4
OUT = 64

def setup_inputs(seed: int = 0) -> dict:
    key = jax.random.key(seed)
    k1, k2, k3, k4, k5 = jax.random.split(key, 5)
    x = jax.random.normal(k1, (N, EMB), dtype=jnp.float32)
    path_index = jax.random.randint(k2, (2, E), 0, N, dtype=jnp.int32)
    # learned parameters of PAGATConv (GAT-style): weight [EMB, HEADS*OUT], att [1, HEADS, 2*OUT], bias [OUT]
    W = jax.random.normal(k3, (EMB, HEADS * OUT), dtype=jnp.float32) * (1.0 / np.sqrt(EMB))
    att = jax.random.normal(k4, (1, HEADS, 2 * OUT), dtype=jnp.float32) * 0.1
    bias = jax.random.normal(k5, (OUT,), dtype=jnp.float32) * 0.01
    return {"x": x, "path_index": path_index, "W": W, "att": att, "bias": bias}

def reference(x, path_index, W, att, bias):
    # Eval-mode forward of PAGATNet: dropout and path_dropout subsampling are identity
    # (self.training == False), so path_index is used as-is.
    src = path_index[0]
    dst = path_index[1]
    h = (x @ W).reshape(N, HEADS, OUT)                      # linear projection per head
    h_src = h[src]                                          # gather  [E, HEADS, OUT]
    h_dst = h[dst]                                          # gather  [E, HEADS, OUT]
    e = jnp.concatenate([h_dst, h_src], axis=-1)            # [E, HEADS, 2*OUT]
    alpha = jnp.sum(e * att, axis=-1)                       # [E, HEADS]
    alpha = jax.nn.leaky_relu(alpha, negative_slope=0.2)
    # softmax over incoming edges of each destination node
    amax = jax.ops.segment_max(alpha, dst, num_segments=N)
    amax = jnp.where(jnp.isfinite(amax), amax, 0.0)
    ex = jnp.exp(alpha - amax[dst])
    denom = jax.ops.segment_sum(ex, dst, num_segments=N)
    a = ex / (denom[dst] + 1e-16)                           # [E, HEADS]
    msg = h_src * a[:, :, None]                             # weighted messages
    agg = jnp.zeros((N, HEADS, OUT), dtype=x.dtype).at[dst].add(msg)  # scatter-add
    out = agg.mean(axis=1) + bias                           # concat=False -> head average
    return out, a

if __name__ == "__main__":
    import jax
    _d = setup_inputs()
    print(jax.jit(kernel)(*tuple(_d.values())))

</pallas_src>

<mosaic_0001>
#map = affine_map<(d0, d1) -> (0)>
module attributes {stable_mosaic.version = 14 : i64} {
  func.func @_attn_body(%arg0: i32, %arg1: i32, %arg2: memref<81920xf32, #tpu.memory_space<hbm>>, %arg3: memref<16xf32, #tpu.memory_space<hbm>>, %arg4: memref<320000xi32, #tpu.memory_space<hbm>>, %arg5: memref<320000xi32, #tpu.memory_space<hbm>>, %arg6: memref<1280000xf32, #tpu.memory_space<hbm>>, %arg7: memref<2x10240xf32, #tpu.memory_space<vmem>>, %arg8: memref<2x10240xf32, #tpu.memory_space<vmem>>, %arg9: memref<2x10240xf32, #tpu.memory_space<vmem>>, %arg10: memref<2000xi32, #tpu.memory_space<vmem>>, %arg11: memref<2000xi32, #tpu.memory_space<vmem>>, %arg12: memref<2000xf32, #tpu.memory_space<vmem>>, %arg13: memref<2000xf32, #tpu.memory_space<vmem>>, %arg14: memref<640xf32, #tpu.memory_space<vmem>>, %arg15: memref<2x640xf32, #tpu.memory_space<vmem>>, %arg16: memref<16xf32, #tpu.memory_space<vmem>>, %arg17: memref<!tpu.dma_semaphore, #tpu.memory_space<semaphore_mem>>, %arg18: memref<327680xf32, #tpu.memory_space<vmem_shared>>, %arg19: memref<20480xf32, #tpu.memory_space<vmem_shared>>) attributes {dimension_semantics = [#tpu.dimension_semantics<core_parallel>, #tpu.dimension_semantics<subcore_parallel>], iteration_bounds = array<i64: 2, 16>, scalar_prefetch = 0 : i64, scratch_operands = 13 : i64, tpu.core_type = #tpu.core_type<sc_vector_subcore>, window_params = [{transform_indices = #map}, {transform_indices = #map}, {transform_indices = #map}, {transform_indices = #map}, {transform_indices = #map}]} {
    %mul3A = arith.constant 20000 : i32
    %mul3A_0 = arith.muli %arg1, %mul3A : i32
    %broadcast_in_dim3A = arith.constant 0.000000e+00 : f32
    %broadcast_in_dim3A_1 = vector.broadcast %broadcast_in_dim3A : f32 to vector<16xf32>
    "tpu.region"() ({
      %run_scoped3A_104 = tpu.sem_alloc : memref<!tpu.dma_semaphore, #tpu.memory_space<semaphore_mem>>
      tpu.enqueue_dma source(%arg3 : memref<16xf32, #tpu.memory_space<hbm>>) target(%arg16 : memref<16xf32, #tpu.memory_space<vmem>>) target_semaphore(%run_scoped3A_104 : memref<!tpu.dma_semaphore, #tpu.memory_space<semaphore_mem>>)
      tpu.wait_dma2 semaphore(%run_scoped3A_104 : memref<!tpu.dma_semaphore, #tpu.memory_space<semaphore_mem>>) src(%arg3 : memref<16xf32, #tpu.memory_space<hbm>>) dst(%arg16 : memref<16xf32, #tpu.memory_space<vmem>>)
      tpu.yield
    }) : () -> ()
    %mul3A_2 = arith.constant 2 : i32
    %mul3A_3 = arith.muli %mul3A_2, %arg0 : i32
    %add3A = arith.constant 0 : i32
    %add3A_4 = arith.addi %mul3A_3, %add3A : i32
    %broadcast_in_dim3A_5 = vector.broadcast %add3A_4 : i32 to vector<16xi32>
    %gather3A = tpu.vector_load_idx %arg16[%broadcast_in_dim3A_5] : memref<16xf32, #tpu.memory_space<vmem>>[vector<16xi32>], vector<16xf32>,
    %mul3A_6 = arith.constant 2 : i32
    %mul3A_7 = arith.muli %mul3A_6, %arg0 : i32
    %add3A_8 = arith.constant 1 : i32
    %add3A_9 = arith.addi %mul3A_7, %add3A_8 : i32
    %broadcast_in_dim3A_10 = vector.broadcast %add3A_9 : i32 to vector<16xi32>
    %gather3A_11 = tpu.vector_load_idx %arg16[%broadcast_in_dim3A_10] : memref<16xf32, #tpu.memory_space<vmem>>[vector<16xi32>], vector<16xf32>,
    %mul3A_12 = arith.constant 2 : i32
    %mul3A_13 = arith.muli %mul3A_12, %arg0 : i32
    %add3A_14 = arith.constant 0 : i32
    %add3A_15 = arith.addi %mul3A_13, %add3A_14 : i32
    %mul3A_16 = arith.constant 10240 : i32
    %mul3A_17 = arith.muli %add3A_15, %mul3A_16 : i32
    %run_scoped3A = arith.constant 0 : i32
    "tpu.region"() ({
      %run_scoped3A_104 = tpu.sem_alloc : memref<!tpu.dma_semaphore, #tpu.memory_space<semaphore_mem>>
      %dma_start3A = arith.constant 0 : i32
      %dma_start3A_105 = tpu.memref_slice %arg7[%run_scoped3A, %dma_start3A] : memref<2x10240xf32, #tpu.memory_space<vmem>> -> memref<1x10240xf32, #tpu.memory_space<vmem>>
      %dma_start3A_106 = tpu.memref_squeeze %dma_start3A_105 : memref<1x10240xf32, #tpu.memory_space<vmem>> -> memref<10240xf32, #tpu.memory_space<vmem>>
      %dma_start3A_107 = tpu.memref_slice %arg2[%mul3A_17] : memref<81920xf32, #tpu.memory_space<hbm>> -> memref<10240xf32, #tpu.memory_space<hbm>>
      %dma_start3A_108 = arith.constant 0 : i32
      %dma_start3A_109 = tpu.memref_slice %arg7[%run_scoped3A, %dma_start3A_108] : memref<2x10240xf32, #tpu.memory_space<vmem>> -> memref<1x10240xf32, #tpu.memory_space<vmem>>
      %dma_start3A_110 = tpu.memref_squeeze %dma_start3A_109 : memref<1x10240xf32, #tpu.memory_space<vmem>> -> memref<10240xf32, #tpu.memory_space<vmem>>
      %dma_start3A_111 = tpu.memref_slice %arg2[%mul3A_17] : memref<81920xf32, #tpu.memory_space<hbm>> -> memref<10240xf32, #tpu.memory_space<hbm>>
      tpu.enqueue_dma source(%dma_start3A_111 : memref<10240xf32, #tpu.memory_space<hbm>>) target(%dma_start3A_110 : memref<10240xf32, #tpu.memory_space<vmem>>) target_semaphore(%run_scoped3A_104 : memref<!tpu.dma_semaphore, #tpu.memory_space<semaphore_mem>>)
      %dma_wait3A = arith.constant 0 : i32
      %dma_wait3A_112 = tpu.memref_slice %arg7[%run_scoped3A, %dma_wait3A] : memref<2x10240xf32, #tpu.memory_space<vmem>> -> memref<1x10240xf32, #tpu.memory_space<vmem>>
      %dma_wait3A_113 = tpu.memref_squeeze %dma_wait3A_112 : memref<1x10240xf32, #tpu.memory_space<vmem>> -> memref<10240xf32, #tpu.memory_space<vmem>>
      %dma_wait3A_114 = tpu.memref_slice %arg2[%mul3A_17] : memref<81920xf32, #tpu.memory_space<hbm>> -> memref<10240xf32, #tpu.memory_space<hbm>>
      %dma_wait3A_115 = arith.constant 0 : i32
      %dma_wait3A_116 = tpu.memref_slice %arg7[%run_scoped3A, %dma_wait3A_115] : memref<2x10240xf32, #tpu.memory_space<vmem>> -> memref<1x10240xf32, #tpu.memory_space<vmem>>
      %dma_wait3A_117 = tpu.memref_squeeze %dma_wait3A_116 : memref<1x10240xf32, #tpu.memory_space<vmem>> -> memref<10240xf32, #tpu.memory_space<vmem>>
      %dma_wait3A_118 = tpu.memref_slice %arg2[%mul3A_17] : memref<81920xf32, #tpu.memory_space<hbm>> -> memref<10240xf32, #tpu.memory_space<hbm>>
      tpu.wait_dma2 semaphore(%run_scoped3A_104 : memref<!tpu.dma_semaphore, #tpu.memory_space<semaphore_mem>>) src(%dma_wait3A_118 : memref<10240xf32, #tpu.memory_space<hbm>>) dst(%dma_wait3A_117 : memref<10240xf32, #tpu.memory_space<vmem>>)
      tpu.yield
    }) : () -> ()
    %mul3A_18 = arith.constant 2 : i32
    %mul3A_19 = arith.muli %mul3A_18, %arg0 : i32
    %add3A_20 = arith.constant 4 : i32
    %add3A_21 = arith.addi %add3A_20, %mul3A_19 : i32
    %add3A_22 = arith.constant 0 : i32
    %add3A_23 = arith.addi %add3A_21, %add3A_22 : i32
    %mul3A_24 = arith.constant 10240 : i32
    %mul3A_25 = arith.muli %add3A_23, %mul3A_24 : i32
    %run_scoped3A_26 = arith.constant 0 : i32
    "tpu.region"() ({
      %run_scoped3A_104 = tpu.sem_alloc : memref<!tpu.dma_semaphore, #tpu.memory_space<semaphore_mem>>
      %dma_start3A = arith.constant 0 : i32
      %dma_start3A_105 = tpu.memref_slice %arg8[%run_scoped3A_26, %dma_start3A] : memref<2x10240xf32, #tpu.memory_space<vmem>> -> memref<1x10240xf32, #tpu.memory_space<vmem>>
      %dma_start3A_106 = tpu.memref_squeeze %dma_start3A_105 : memref<1x10240xf32, #tpu.memory_space<vmem>> -> memref<10240xf32, #tpu.memory_space<vmem>>
      %dma_start3A_107 = tpu.memref_slice %arg2[%mul3A_25] : memref<81920xf32, #tpu.memory_space<hbm>> -> memref<10240xf32, #tpu.memory_space<hbm>>
      %dma_start3A_108 = arith.constant 0 : i32
      %dma_start3A_109 = tpu.memref_slice %arg8[%run_scoped3A_26, %dma_start3A_108] : memref<2x10240xf32, #tpu.memory_space<vmem>> -> memref<1x10240xf32, #tpu.memory_space<vmem>>
      %dma_start3A_110 = tpu.memref_squeeze %dma_start3A_109 : memref<1x10240xf32, #tpu.memory_space<vmem>> -> memref<10240xf32, #tpu.memory_space<vmem>>
      %dma_start3A_111 = tpu.memref_slice %arg2[%mul3A_25] : memref<81920xf32, #tpu.memory_space<hbm>> -> memref<10240xf32, #tpu.memory_space<hbm>>
      tpu.enqueue_dma source(%dma_start3A_111 : memref<10240xf32, #tpu.memory_space<hbm>>) target(%dma_start3A_110 : memref<10240xf32, #tpu.memory_space<vmem>>) target_semaphore(%run_scoped3A_104 : memref<!tpu.dma_semaphore, #tpu.memory_space<semaphore_mem>>)
      %dma_wait3A = arith.constant 0 : i32
      %dma_wait3A_112 = tpu.memref_slice %arg8[%run_scoped3A_26, %dma_wait3A] : memref<2x10240xf32, #tpu.memory_space<vmem>> -> memref<1x10240xf32, #tpu.memory_space<vmem>>
      %dma_wait3A_113 = tpu.memref_squeeze %dma_wait3A_112 : memref<1x10240xf32, #tpu.memory_space<vmem>> -> memref<10240xf32, #tpu.memory_space<vmem>>
      %dma_wait3A_114 = tpu.memref_slice %arg2[%mul3A_25] : memref<81920xf32, #tpu.memory_space<hbm>> -> memref<10240xf32, #tpu.memory_space<hbm>>
      %dma_wait3A_115 = arith.constant 0 : i32
      %dma_wait3A_116 = tpu.memref_slice %arg8[%run_scoped3A_26, %dma_wait3A_115] : memref<2x10240xf32, #tpu.memory_space<vmem>> -> memref<1x10240xf32, #tpu.memory_space<vmem>>
      %dma_wait3A_117 = tpu.memref_squeeze %dma_wait3A_116 : memref<1x10240xf32, #tpu.memory_space<vmem>> -> memref<10240xf32, #tpu.memory_space<vmem>>
      %dma_wait3A_118 = tpu.memref_slice %arg2[%mul3A_25] : memref<81920xf32, #tpu.memory_space<hbm>> -> memref<10240xf32, #tpu.memory_space<hbm>>
      tpu.wait_dma2 semaphore(%run_scoped3A_104 : memref<!tpu.dma_semaphore, #tpu.memory_space<semaphore_mem>>) src(%dma_wait3A_118 : memref<10240xf32, #tpu.memory_space<hbm>>) dst(%dma_wait3A_117 : memref<10240xf32, #tpu.memory_space<vmem>>)
      tpu.yield
    }) : () -> ()
    %mul3A_27 = arith.constant 2 : i32
    %mul3A_28 = arith.muli %mul3A_27, %arg0 : i32
    %add3A_29 = arith.constant 1 : i32
    %add3A_30 = arith.addi %mul3A_28, %add3A_29 : i32
    %mul3A_31 = arith.constant 10240 : i32
    %mul3A_32 = arith.muli %add3A_30, %mul3A_31 : i32
    %run_scoped3A_33 = arith.constant 1 : i32
    "tpu.region"() ({
      %run_scoped3A_104 = tpu.sem_alloc : memref<!tpu.dma_semaphore, #tpu.memory_space<semaphore_mem>>
      %dma_start3A = arith.constant 0 : i32
      %dma_start3A_105 = tpu.memref_slice %arg7[%run_scoped3A_33, %dma_start3A] : memref<2x10240xf32, #tpu.memory_space<vmem>> -> memref<1x10240xf32, #tpu.memory_space<vmem>>
      %dma_start3A_106 = tpu.memref_squeeze %dma_start3A_105 : memref<1x10240xf32, #tpu.memory_space<vmem>> -> memref<10240xf32, #tpu.memory_space<vmem>>
      %dma_start3A_107 = tpu.memref_slice %arg2[%mul3A_32] : memref<81920xf32, #tpu.memory_space<hbm>> -> memref<10240xf32, #tpu.memory_space<hbm>>
      %dma_start3A_108 = arith.constant 0 : i32
      %dma_start3A_109 = tpu.memref_slice %arg7[%run_scoped3A_33, %dma_start3A_108] : memref<2x10240xf32, #tpu.memory_space<vmem>> -> memref<1x10240xf32, #tpu.memory_space<vmem>>
      %dma_start3A_110 = tpu.memref_squeeze %dma_start3A_109 : memref<1x10240xf32, #tpu.memory_space<vmem>> -> memref<10240xf32, #tpu.memory_space<vmem>>
      %dma_start3A_111 = tpu.memref_slice %arg2[%mul3A_32] : memref<81920xf32, #tpu.memory_space<hbm>> -> memref<10240xf32, #tpu.memory_space<hbm>>
      tpu.enqueue_dma source(%dma_start3A_111 : memref<10240xf32, #tpu.memory_space<hbm>>) target(%dma_start3A_110 : memref<10240xf32, #tpu.memory_space<vmem>>) target_semaphore(%run_scoped3A_104 : memref<!tpu.dma_semaphore, #tpu.memory_space<semaphore_mem>>)
      %dma_wait3A = arith.constant 0 : i32
      %dma_wait3A_112 = tpu.memref_slice %arg7[%run_scoped3A_33, %dma_wait3A] : memref<2x10240xf32, #tpu.memory_space<vmem>> -> memref<1x10240xf32, #tpu.memory_space<vmem>>
      %dma_wait3A_113 = tpu.memref_squeeze %dma_wait3A_112 : memref<1x10240xf32, #tpu.memory_space<vmem>> -> memref<10240xf32, #tpu.memory_space<vmem>>
      %dma_wait3A_114 = tpu.memref_slice %arg2[%mul3A_32] : memref<81920xf32, #tpu.memory_space<hbm>> -> memref<10240xf32, #tpu.memory_space<hbm>>
      %dma_wait3A_115 = arith.constant 0 : i32
      %dma_wait3A_116 = tpu.memref_slice %arg7[%run_scoped3A_33, %dma_wait3A_115] : memref<2x10240xf32, #tpu.memory_space<vmem>> -> memref<1x10240xf32, #tpu.memory_space<vmem>>
      %dma_wait3A_117 = tpu.memref_squeeze %dma_wait3A_116 : memref<1x10240xf32, #tpu.memory_space<vmem>> -> memref<10240xf32, #tpu.memory_space<vmem>>
      %dma_wait3A_118 = tpu.memref_slice %arg2[%mul3A_32] : memref<81920xf32, #tpu.memory_space<hbm>> -> memref<10240xf32, #tpu.memory_space<hbm>>
      tpu.wait_dma2 semaphore(%run_scoped3A_104 : memref<!tpu.dma_semaphore, #tpu.memory_space<semaphore_mem>>) src(%dma_wait3A_118 : memref<10240xf32, #tpu.memory_space<hbm>>) dst(%dma_wait3A_117 : memref<10240xf32, #tpu.memory_space<vmem>>)
      tpu.yield
    }) : () -> ()
    %mul3A_34 = arith.constant 2 : i32
    %mul3A_35 = arith.muli %mul3A_34, %arg0 : i32
    %add3A_36 = arith.constant 4 : i32
    %add3A_37 = arith.addi %add3A_36, %mul3A_35 : i32
    %add3A_38 = arith.constant 1 : i32
    %add3A_39 = arith.addi %add3A_37, %add3A_38 : i32
    %mul3A_40 = arith.constant 10240 : i32
    %mul3A_41 = arith.muli %add3A_39, %mul3A_40 : i32
    %run_scoped3A_42 = arith.constant 1 : i32
    "tpu.region"() ({
      %run_scoped3A_104 = tpu.sem_alloc : memref<!tpu.dma_semaphore, #tpu.memory_space<semaphore_mem>>
      %dma_start3A = arith.constant 0 : i32
      %dma_start3A_105 = tpu.memref_slice %arg8[%run_scoped3A_42, %dma_start3A] : memref<2x10240xf32, #tpu.memory_space<vmem>> -> memref<1x10240xf32, #tpu.memory_space<vmem>>
      %dma_start3A_106 = tpu.memref_squeeze %dma_start3A_105 : memref<1x10240xf32, #tpu.memory_space<vmem>> -> memref<10240xf32, #tpu.memory_space<vmem>>
      %dma_start3A_107 = tpu.memref_slice %arg2[%mul3A_41] : memref<81920xf32, #tpu.memory_space<hbm>> -> memref<10240xf32, #tpu.memory_space<hbm>>
      %dma_start3A_108 = arith.constant 0 : i32
      %dma_start3A_109 = tpu.memref_slice %arg8[%run_scoped3A_42, %dma_start3A_108] : memref<2x10240xf32, #tpu.memory_space<vmem>> -> memref<1x10240xf32, #tpu.memory_space<vmem>>
      %dma_start3A_110 = tpu.memref_squeeze %dma_start3A_109 : memref<1x10240xf32, #tpu.memory_space<vmem>> -> memref<10240xf32, #tpu.memory_space<vmem>>
      %dma_start3A_111 = tpu.memref_slice %arg2[%mul3A_41] : memref<81920xf32, #tpu.memory_space<hbm>> -> memref<10240xf32, #tpu.memory_space<hbm>>
      tpu.enqueue_dma source(%dma_start3A_111 : memref<10240xf32, #tpu.memory_space<hbm>>) target(%dma_start3A_110 : memref<10240xf32, #tpu.memory_space<vmem>>) target_semaphore(%run_scoped3A_104 : memref<!tpu.dma_semaphore, #tpu.memory_space<semaphore_mem>>)
      %dma_wait3A = arith.constant 0 : i32
      %dma_wait3A_112 = tpu.memref_slice %arg8[%run_scoped3A_42, %dma_wait3A] : memref<2x10240xf32, #tpu.memory_space<vmem>> -> memref<1x10240xf32, #tpu.memory_space<vmem>>
      %dma_wait3A_113 = tpu.memref_squeeze %dma_wait3A_112 : memref<1x10240xf32, #tpu.memory_space<vmem>> -> memref<10240xf32, #tpu.memory_space<vmem>>
      %dma_wait3A_114 = tpu.memref_slice %arg2[%mul3A_41] : memref<81920xf32, #tpu.memory_space<hbm>> -> memref<10240xf32, #tpu.memory_space<hbm>>
      %dma_wait3A_115 = arith.constant 0 : i32
      %dma_wait3A_116 = tpu.memref_slice %arg8[%run_scoped3A_42, %dma_wait3A_115] : memref<2x10240xf32, #tpu.memory_space<vmem>> -> memref<1x10240xf32, #tpu.memory_space<vmem>>
      %dma_wait3A_117 = tpu.memref_squeeze %dma_wait3A_116 : memref<1x10240xf32, #tpu.memory_space<vmem>> -> memref<10240xf32, #tpu.memory_space<vmem>>
      %dma_wait3A_118 = tpu.memref_slice %arg2[%mul3A_41] : memref<81920xf32, #tpu.memory_space<hbm>> -> memref<10240xf32, #tpu.memory_space<hbm>>
      tpu.wait_dma2 semaphore(%run_scoped3A_104 : memref<!tpu.dma_semaphore, #tpu.memory_space<semaphore_mem>>) src(%dma_wait3A_118 : memref<10240xf32, #tpu.memory_space<hbm>>) dst(%dma_wait3A_117 : memref<10240xf32, #tpu.memory_space<vmem>>)
      tpu.yield
    }) : () -> ()
    %scan3A = arith.constant 0 : i32
    %scan3A_43 = arith.constant 0 : i32
    %scan3A_44 = arith.constant 640 : i32
    %scan3A_45 = arith.addi %scan3A_43, %scan3A_44 : i32
    %scan3A_46 = arith.constant 1 : i32
    %scan3A_47 = scf.for %scan3A_104 = %scan3A_43 to %scan3A_45 step %scan3A_46 iter_args(%scan3A_105 = %scan3A) -> (i32)  : i32 {
      %mul3A_106 = arith.constant 16 : i32
      %mul3A_107 = arith.muli %scan3A_104, %mul3A_106 : i32
      %swap3A = arith.constant 0 : i32
      %swap3A_108 = arith.index_cast %swap3A : i32 to index
      %swap3A_109 = arith.index_cast %mul3A_107 : i32 to index
      %swap3A_110 = tpu.vector_load %arg9[%swap3A_108, %swap3A_109] {strides = array<i32>} : memref<2x10240xf32, #tpu.memory_space<vmem>>, vector<16xf32>,
      tpu.vector_store %arg9[%swap3A_108, %swap3A_109], %broadcast_in_dim3A_1 {strides = array<i32>} : memref<2x10240xf32, #tpu.memory_space<vmem>>, vector<16xf32>,
      %mul3A_111 = arith.constant 16 : i32
      %mul3A_112 = arith.muli %scan3A_104, %mul3A_111 : i32
      %swap3A_113 = arith.constant 1 : i32
      %swap3A_114 = arith.index_cast %swap3A_113 : i32 to index
      %swap3A_115 = arith.index_cast %mul3A_112 : i32 to index
      %swap3A_116 = tpu.vector_load %arg9[%swap3A_114, %swap3A_115] {strides = array<i32>} : memref<2x10240xf32, #tpu.memory_space<vmem>>, vector<16xf32>,
      tpu.vector_store %arg9[%swap3A_114, %swap3A_115], %broadcast_in_dim3A_1 {strides = array<i32>} : memref<2x10240xf32, #tpu.memory_space<vmem>>, vector<16xf32>,
      %scan3A_117 = arith.constant 0 : i32
      scf.yield %scan3A_117 : i32
    }
    %scan3A_48 = arith.constant 640 : i32
    %scan3A_49 = arith.constant 0 : i32
    %scan3A_50 = arith.constant 0 : i32
    %scan3A_51 = arith.constant 10 : i32
    %scan3A_52 = arith.addi %scan3A_50, %scan3A_51 : i32
    %scan3A_53 = arith.constant 1 : i32
    %scan3A_54 = scf.for %scan3A_104 = %scan3A_50 to %scan3A_52 step %scan3A_53 iter_args(%scan3A_105 = %scan3A_49) -> (i32)  : i32 {
      %mul3A_106 = arith.constant 2000 : i32
      %mul3A_107 = arith.muli %scan3A_104, %mul3A_106 : i32
      %add3A_108 = arith.addi %mul3A_0, %mul3A_107 : i32
      %dma_start3A = tpu.memref_slice %arg4[%add3A_108] : memref<320000xi32, #tpu.memory_space<hbm>> -> memref<2000xi32, #tpu.memory_space<hbm>>
      %dma_start3A_109 = tpu.memref_slice %arg4[%add3A_108] : memref<320000xi32, #tpu.memory_space<hbm>> -> memref<2000xi32, #tpu.memory_space<hbm>>
      tpu.enqueue_dma source(%dma_start3A_109 : memref<2000xi32, #tpu.memory_space<hbm>>) target(%arg10 : memref<2000xi32, #tpu.memory_space<vmem>>) target_semaphore(%arg17 : memref<!tpu.dma_semaphore, #tpu.memory_space<semaphore_mem>>)
      %dma_start3A_110 = tpu.memref_slice %arg5[%add3A_108] : memref<320000xi32, #tpu.memory_space<hbm>> -> memref<2000xi32, #tpu.memory_space<hbm>>
      %dma_start3A_111 = tpu.memref_slice %arg5[%add3A_108] : memref<320000xi32, #tpu.memory_space<hbm>> -> memref<2000xi32, #tpu.memory_space<hbm>>
      tpu.enqueue_dma source(%dma_start3A_111 : memref<2000xi32, #tpu.memory_space<hbm>>) target(%arg11 : memref<2000xi32, #tpu.memory_space<vmem>>) target_semaphore(%arg17 : memref<!tpu.dma_semaphore, #tpu.memory_space<semaphore_mem>>)
      %dma_wait3A = tpu.memref_slice %arg4[%add3A_108] : memref<320000xi32, #tpu.memory_space<hbm>> -> memref<2000xi32, #tpu.memory_space<hbm>>
      %dma_wait3A_112 = tpu.memref_slice %arg4[%add3A_108] : memref<320000xi32, #tpu.memory_space<hbm>> -> memref<2000xi32, #tpu.memory_space<hbm>>
      tpu.wait_dma2 semaphore(%arg17 : memref<!tpu.dma_semaphore, #tpu.memory_space<semaphore_mem>>) src(%dma_wait3A_112 : memref<2000xi32, #tpu.memory_space<hbm>>) dst(%arg10 : memref<2000xi32, #tpu.memory_space<vmem>>)
      %dma_wait3A_113 = tpu.memref_slice %arg5[%add3A_108] : memref<320000xi32, #tpu.memory_space<hbm>> -> memref<2000xi32, #tpu.memory_space<hbm>>
      %dma_wait3A_114 = tpu.memref_slice %arg5[%add3A_108] : memref<320000xi32, #tpu.memory_space<hbm>> -> memref<2000xi32, #tpu.memory_space<hbm>>
      tpu.wait_dma2 semaphore(%arg17 : memref<!tpu.dma_semaphore, #tpu.memory_space<semaphore_mem>>) src(%dma_wait3A_114 : memref<2000xi32, #tpu.memory_space<hbm>>) dst(%arg11 : memref<2000xi32, #tpu.memory_space<vmem>>)
      %parallel_loop3A = arith.constant 0 : i32
      %parallel_loop3A_115 = arith.constant 125 : i32
      %parallel_loop3A_116 = arith.constant 1 : i32
      scf.for %parallel_loop3A_118 = %parallel_loop3A to %parallel_loop3A_115 step %parallel_loop3A_116  : i32 {
        %parallel_loop3A_119 = arith.constant 16 : i32
        %parallel_loop3A_120 = arith.muli %parallel_loop3A_118, %parallel_loop3A_119 : i32
        %parallel_loop3A_121 = arith.index_cast %parallel_loop3A_120 : i32 to index
        %parallel_loop3A_122 = tpu.vector_load %arg10[%parallel_loop3A_121] {strides = array<i32>} : memref<2000xi32, #tpu.memory_space<vmem>>, vector<16xi32>,
        %parallel_loop3A_123 = arith.constant 16 : i32
        %parallel_loop3A_124 = arith.muli %parallel_loop3A_118, %parallel_loop3A_123 : i32
        %parallel_loop3A_125 = arith.index_cast %parallel_loop3A_124 : i32 to index
        %parallel_loop3A_126 = tpu.vector_load %arg11[%parallel_loop3A_125] {strides = array<i32>} : memref<2000xi32, #tpu.memory_space<vmem>>, vector<16xi32>,
        %parallel_loop3A_127 = arith.constant 0 : i32
        %parallel_loop3A_128 = vector.broadcast %parallel_loop3A_127 : i32 to vector<16xi32>
        %parallel_loop3A_129 = tpu.vector_load_idx %arg7[%parallel_loop3A_128, %parallel_loop3A_126] : memref<2x10240xf32, #tpu.memory_space<vmem>>[vector<16xi32>, vector<16xi32>], vector<16xf32>,
        %parallel_loop3A_130 = tpu.vector_load_idx %arg8[%parallel_loop3A_128, %parallel_loop3A_122] : memref<2x10240xf32, #tpu.memory_space<vmem>>[vector<16xi32>, vector<16xi32>], vector<16xf32>,
        %parallel_loop3A_131 = arith.addf %parallel_loop3A_129, %parallel_loop3A_130 : vector<16xf32>
        %parallel_loop3A_132 = arith.constant 0.000000e+00 : f32
        %parallel_loop3A_133 = vector.broadcast %parallel_loop3A_132 : f32 to vector<16xf32>
        %parallel_loop3A_134 = arith.cmpf ogt, %parallel_loop3A_131, %parallel_loop3A_133 : vector<16xf32>
        %parallel_loop3A_135 = arith.constant 2.000000e-01 : f32
        %parallel_loop3A_136 = vector.broadcast %parallel_loop3A_135 : f32 to vector<16xf32>
        %parallel_loop3A_137 = arith.mulf %parallel_loop3A_136, %parallel_loop3A_131 : vector<16xf32>
        %parallel_loop3A_138 = arith.select %parallel_loop3A_134, %parallel_loop3A_131, %parallel_loop3A_137 : vector<16xi1>, vector<16xf32>
        %parallel_loop3A_139 = arith.subf %parallel_loop3A_138, %gather3A : vector<16xf32>
        %parallel_loop3A_140 = math.exp %parallel_loop3A_139 : vector<16xf32>
        tpu.vector_store_idx %arg9[%parallel_loop3A_128, %parallel_loop3A_126], %parallel_loop3A_140 {add = true} : memref<2x10240xf32, #tpu.memory_space<vmem>>[vector<16xi32>, vector<16xi32>], vector<16xf32>,
        %parallel_loop3A_141 = arith.constant 1 : i32
        %parallel_loop3A_142 = vector.broadcast %parallel_loop3A_141 : i32 to vector<16xi32>
        %parallel_loop3A_143 = tpu.vector_load_idx %arg7[%parallel_loop3A_142, %parallel_loop3A_126] : memref<2x10240xf32, #tpu.memory_space<vmem>>[vector<16xi32>, vector<16xi32>], vector<16xf32>,
        %parallel_loop3A_144 = tpu.vector_load_idx %arg8[%parallel_loop3A_142, %parallel_loop3A_122] : memref<2x10240xf32, #tpu.memory_space<vmem>>[vector<16xi32>, vector<16xi32>], vector<16xf32>,
        %parallel_loop3A_145 = arith.addf %parallel_loop3A_143, %parallel_loop3A_144 : vector<16xf32>
        %parallel_loop3A_146 = arith.constant 0.000000e+00 : f32
        %parallel_loop3A_147 = vector.broadcast %parallel_loop3A_146 : f32 to vector<16xf32>
        %parallel_loop3A_148 = arith.cmpf ogt, %parallel_loop3A_145, %parallel_loop3A_147 : vector<16xf32>
        %parallel_loop3A_149 = arith.constant 2.000000e-01 : f32
        %parallel_loop3A_150 = vector.broadcast %parallel_loop3A_149 : f32 to vector<16xf32>
        %parallel_loop3A_151 = arith.mulf %parallel_loop3A_150, %parallel_loop3A_145 : vector<16xf32>
        %parallel_loop3A_152 = arith.select %parallel_loop3A_148, %parallel_loop3A_145, %parallel_loop3A_151 : vector<16xi1>, vector<16xf32>
        %parallel_loop3A_153 = arith.subf %parallel_loop3A_152, %gather3A_11 : vector<16xf32>
        %parallel_loop3A_154 = math.exp %parallel_loop3A_153 : vector<16xf32>
        tpu.vector_store_idx %arg9[%parallel_loop3A_142, %parallel_loop3A_126], %parallel_loop3A_154 {add = true} : memref<2x10240xf32, #tpu.memory_space<vmem>>[vector<16xi32>, vector<16xi32>], vector<16xf32>,
      } {sc.loop_unroll_factor = 5 : i64, sc.parallel_access}
      %scan3A_117 = arith.constant 0 : i32
      scf.yield %scan3A_117 : i32
    }
    %scan3A_55 = arith.constant 10 : i32
    %mul3A_56 = arith.constant 2 : i32
    %mul3A_57 = arith.muli %arg1, %mul3A_56 : i32
    %add3A_58 = arith.constant 0 : i32
    %add3A_59 = arith.addi %mul3A_57, %add3A_58 : i32
    %mul3A_60 = arith.constant 10240 : i32
    %mul3A_61 = arith.muli %add3A_59, %mul3A_60 : i32
    %run_scoped3A_62 = arith.constant 0 : i32
    "tpu.region"() ({
      %run_scoped3A_104 = tpu.sem_alloc : memref<!tpu.dma_semaphore, #tpu.memory_space<semaphore_mem>>
      %dma_start3A = arith.constant 0 : i32
      %dma_start3A_105 = tpu.memref_slice %arg9[%run_scoped3A_62, %dma_start3A] : memref<2x10240xf32, #tpu.memory_space<vmem>> -> memref<1x10240xf32, #tpu.memory_space<vmem>>
      %dma_start3A_106 = tpu.memref_squeeze %dma_start3A_105 : memref<1x10240xf32, #tpu.memory_space<vmem>> -> memref<10240xf32, #tpu.memory_space<vmem>>
      %dma_start3A_107 = tpu.memref_slice %arg18[%mul3A_61] : memref<327680xf32, #tpu.memory_space<vmem_shared>> -> memref<10240xf32, #tpu.memory_space<vmem_shared>>
      %dma_start3A_108 = tpu.memref_slice %arg18[%mul3A_61] : memref<327680xf32, #tpu.memory_space<vmem_shared>> -> memref<10240xf32, #tpu.memory_space<vmem_shared>>
      %dma_start3A_109 = arith.constant 0 : i32
      %dma_start3A_110 = tpu.memref_slice %arg9[%run_scoped3A_62, %dma_start3A_109] : memref<2x10240xf32, #tpu.memory_space<vmem>> -> memref<1x10240xf32, #tpu.memory_space<vmem>>
      %dma_start3A_111 = tpu.memref_squeeze %dma_start3A_110 : memref<1x10240xf32, #tpu.memory_space<vmem>> -> memref<10240xf32, #tpu.memory_space<vmem>>
      tpu.enqueue_dma source(%dma_start3A_111 : memref<10240xf32, #tpu.memory_space<vmem>>) target(%dma_start3A_108 : memref<10240xf32, #tpu.memory_space<vmem_shared>>) target_semaphore(%run_scoped3A_104 : memref<!tpu.dma_semaphore, #tpu.memory_space<semaphore_mem>>)
      %dma_wait3A = arith.constant 0 : i32
      %dma_wait3A_112 = tpu.memref_slice %arg9[%run_scoped3A_62, %dma_wait3A] : memref<2x10240xf32, #tpu.memory_space<vmem>> -> memref<1x10240xf32, #tpu.memory_space<vmem>>
      %dma_wait3A_113 = tpu.memref_squeeze %dma_wait3A_112 : memref<1x10240xf32, #tpu.memory_space<vmem>> -> memref<10240xf32, #tpu.memory_space<vmem>>
      %dma_wait3A_114 = tpu.memref_slice %arg18[%mul3A_61] : memref<327680xf32, #tpu.memory_space<vmem_shared>> -> memref<10240xf32, #tpu.memory_space<vmem_shared>>
      %dma_wait3A_115 = tpu.memref_slice %arg18[%mul3A_61] : memref<327680xf32, #tpu.memory_space<vmem_shared>> -> memref<10240xf32, #tpu.memory_space<vmem_shared>>
      %dma_wait3A_116 = arith.constant 0 : i32
      %dma_wait3A_117 = tpu.memref_slice %arg9[%run_scoped3A_62, %dma_wait3A_116] : memref<2x10240xf32, #tpu.memory_space<vmem>> -> memref<1x10240xf32, #tpu.memory_space<vmem>>
      %dma_wait3A_118 = tpu.memref_squeeze %dma_wait3A_117 : memref<1x10240xf32, #tpu.memory_space<vmem>> -> memref<10240xf32, #tpu.memory_space<vmem>>
      tpu.wait_dma2 semaphore(%run_scoped3A_104 : memref<!tpu.dma_semaphore, #tpu.memory_space<semaphore_mem>>) src(%dma_wait3A_118 : memref<10240xf32, #tpu.memory_space<vmem>>) dst(%dma_wait3A_115 : memref<10240xf32, #tpu.memory_space<vmem_shared>>)
      tpu.yield
    }) : () -> ()
    %mul3A_63 = arith.constant 2 : i32
    %mul3A_64 = arith.muli %arg1, %mul3A_63 : i32
    %add3A_65 = arith.constant 1 : i32
    %add3A_66 = arith.addi %mul3A_64, %add3A_65 : i32
    %mul3A_67 = arith.constant 10240 : i32
    %mul3A_68 = arith.muli %add3A_66, %mul3A_67 : i32
    %run_scoped3A_69 = arith.constant 1 : i32
    "tpu.region"() ({
      %run_scoped3A_104 = tpu.sem_alloc : memref<!tpu.dma_semaphore, #tpu.memory_space<semaphore_mem>>
      %dma_start3A = arith.constant 0 : i32
      %dma_start3A_105 = tpu.memref_slice %arg9[%run_scoped3A_69, %dma_start3A] : memref<2x10240xf32, #tpu.memory_space<vmem>> -> memref<1x10240xf32, #tpu.memory_space<vmem>>
      %dma_start3A_106 = tpu.memref_squeeze %dma_start3A_105 : memref<1x10240xf32, #tpu.memory_space<vmem>> -> memref<10240xf32, #tpu.memory_space<vmem>>
      %dma_start3A_107 = tpu.memref_slice %arg18[%mul3A_68] : memref<327680xf32, #tpu.memory_space<vmem_shared>> -> memref<10240xf32, #tpu.memory_space<vmem_shared>>
      %dma_start3A_108 = tpu.memref_slice %arg18[%mul3A_68] : memref<327680xf32, #tpu.memory_space<vmem_shared>> -> memref<10240xf32, #tpu.memory_space<vmem_shared>>
      %dma_start3A_109 = arith.constant 0 : i32
      %dma_start3A_110 = tpu.memref_slice %arg9[%run_scoped3A_69, %dma_start3A_109] : memref<2x10240xf32, #tpu.memory_space<vmem>> -> memref<1x10240xf32, #tpu.memory_space<vmem>>
      %dma_start3A_111 = tpu.memref_squeeze %dma_start3A_110 : memref<1x10240xf32, #tpu.memory_space<vmem>> -> memref<10240xf32, #tpu.memory_space<vmem>>
      tpu.enqueue_dma source(%dma_start3A_111 : memref<10240xf32, #tpu.memory_space<vmem>>) target(%dma_start3A_108 : memref<10240xf32, #tpu.memory_space<vmem_shared>>) target_semaphore(%run_scoped3A_104 : memref<!tpu.dma_semaphore, #tpu.memory_space<semaphore_mem>>)
      %dma_wait3A = arith.constant 0 : i32
      %dma_wait3A_112 = tpu.memref_slice %arg9[%run_scoped3A_69, %dma_wait3A] : memref<2x10240xf32, #tpu.memory_space<vmem>> -> memref<1x10240xf32, #tpu.memory_space<vmem>>
      %dma_wait3A_113 = tpu.memref_squeeze %dma_wait3A_112 : memref<1x10240xf32, #tpu.memory_space<vmem>> -> memref<10240xf32, #tpu.memory_space<vmem>>
      %dma_wait3A_114 = tpu.memref_slice %arg18[%mul3A_68] : memref<327680xf32, #tpu.memory_space<vmem_shared>> -> memref<10240xf32, #tpu.memory_space<vmem_shared>>
      %dma_wait3A_115 = tpu.memref_slice %arg18[%mul3A_68] : memref<327680xf32, #tpu.memory_space<vmem_shared>> -> memref<10240xf32, #tpu.memory_space<vmem_shared>>
      %dma_wait3A_116 = arith.constant 0 : i32
      %dma_wait3A_117 = tpu.memref_slice %arg9[%run_scoped3A_69, %dma_wait3A_116] : memref<2x10240xf32, #tpu.memory_space<vmem>> -> memref<1x10240xf32, #tpu.memory_space<vmem>>
      %dma_wait3A_118 = tpu.memref_squeeze %dma_wait3A_117 : memref<1x10240xf32, #tpu.memory_space<vmem>> -> memref<10240xf32, #tpu.memory_space<vmem>>
      tpu.wait_dma2 semaphore(%run_scoped3A_104 : memref<!tpu.dma_semaphore, #tpu.memory_space<semaphore_mem>>) src(%dma_wait3A_118 : memref<10240xf32, #tpu.memory_space<vmem>>) dst(%dma_wait3A_115 : memref<10240xf32, #tpu.memory_space<vmem_shared>>)
      tpu.yield
    }) : () -> ()
    %barrier3A = arith.constant 0 : index
    tpu.barrier barrier_id(%barrier3A)
    %scan3A_70 = arith.constant 0 : i32
    %scan3A_71 = arith.constant 0 : i32
    %scan3A_72 = arith.constant 40 : i32
    %scan3A_73 = arith.addi %scan3A_71, %scan3A_72 : i32
    %scan3A_74 = arith.constant 1 : i32
    %scan3A_75 = scf.for %scan3A_104 = %scan3A_71 to %scan3A_73 step %scan3A_74 iter_args(%scan3A_105 = %scan3A_70) -> (i32)  : i32 {
      %mul3A_106 = arith.constant 16 : i32
      %mul3A_107 = arith.muli %scan3A_104, %mul3A_106 : i32
      %swap3A = arith.constant 0 : i32
      %swap3A_108 = arith.index_cast %swap3A : i32 to index
      %swap3A_109 = arith.index_cast %mul3A_107 : i32 to index
      %swap3A_110 = tpu.vector_load %arg15[%swap3A_108, %swap3A_109] {strides = array<i32>} : memref<2x640xf32, #tpu.memory_space<vmem>>, vector<16xf32>,
      tpu.vector_store %arg15[%swap3A_108, %swap3A_109], %broadcast_in_dim3A_1 {strides = array<i32>} : memref<2x640xf32, #tpu.memory_space<vmem>>, vector<16xf32>,
      %mul3A_111 = arith.constant 16 : i32
      %mul3A_112 = arith.muli %scan3A_104, %mul3A_111 : i32
      %swap3A_113 = arith.constant 1 : i32
      %swap3A_114 = arith.index_cast %swap3A_113 : i32 to index
      %swap3A_115 = arith.index_cast %mul3A_112 : i32 to index
      %swap3A_116 = tpu.vector_load %arg15[%swap3A_114, %swap3A_115] {strides = array<i32>} : memref<2x640xf32, #tpu.memory_space<vmem>>, vector<16xf32>,
      tpu.vector_store %arg15[%swap3A_114, %swap3A_115], %broadcast_in_dim3A_1 {strides = array<i32>} : memref<2x640xf32, #tpu.memory_space<vmem>>, vector<16xf32>,
      %scan3A_117 = arith.constant 0 : i32
      scf.yield %scan3A_117 : i32
    }
    %scan3A_76 = arith.constant 40 : i32
    %scan3A_77 = arith.constant 0 : i32
    %scan3A_78 = arith.constant 0 : i32
    %scan3A_79 = arith.constant 16 : i32
    %scan3A_80 = arith.addi %scan3A_78, %scan3A_79 : i32
    %scan3A_81 = arith.constant 1 : i32
    %scan3A_82 = scf.for %scan3A_104 = %scan3A_78 to %scan3A_80 step %scan3A_81 iter_args(%scan3A_105 = %scan3A_77) -> (i32)  : i32 {
      %mul3A_106 = arith.constant 2 : i32
      %mul3A_107 = arith.muli %scan3A_104, %mul3A_106 : i32
      %add3A_108 = arith.constant 0 : i32
      %add3A_109 = arith.addi %mul3A_107, %add3A_108 : i32
      %mul3A_110 = arith.constant 10240 : i32
      %mul3A_111 = arith.muli %add3A_109, %mul3A_110 : i32
      %mul3A_112 = arith.constant 640 : i32
      %mul3A_113 = arith.muli %arg1, %mul3A_112 : i32
      %add3A_114 = arith.addi %mul3A_111, %mul3A_113 : i32
      "tpu.region"() ({
        %run_scoped3A_139 = tpu.sem_alloc : memref<!tpu.dma_semaphore, #tpu.memory_space<semaphore_mem>>
        %dma_start3A = tpu.memref_slice %arg18[%add3A_114] : memref<327680xf32, #tpu.memory_space<vmem_shared>> -> memref<640xf32, #tpu.memory_space<vmem_shared>>
        %dma_start3A_140 = tpu.memref_slice %arg18[%add3A_114] : memref<327680xf32, #tpu.memory_space<vmem_shared>> -> memref<640xf32, #tpu.memory_space<vmem_shared>>
        tpu.enqueue_dma source(%dma_start3A_140 : memref<640xf32, #tpu.memory_space<vmem_shared>>) target(%arg14 : memref<640xf32, #tpu.memory_space<vmem>>) target_semaphore(%run_scoped3A_139 : memref<!tpu.dma_semaphore, #tpu.memory_space<semaphore_mem>>)
        %dma_wait3A = tpu.memref_slice %arg18[%add3A_114] : memref<327680xf32, #tpu.memory_space<vmem_shared>> -> memref<640xf32, #tpu.memory_space<vmem_shared>>
        %dma_wait3A_141 = tpu.memref_slice %arg18[%add3A_114] : memref<327680xf32, #tpu.memory_space<vmem_shared>> -> memref<640xf32, #tpu.memory_space<vmem_shared>>
        tpu.wait_dma2 semaphore(%run_scoped3A_139 : memref<!tpu.dma_semaphore, #tpu.memory_space<semaphore_mem>>) src(%dma_wait3A_141 : memref<640xf32, #tpu.memory_space<vmem_shared>>) dst(%arg14 : memref<640xf32, #tpu.memory_space<vmem>>)
        tpu.yield
      }) : () -> ()
      %scan3A_115 = arith.constant 0 : i32
      %scan3A_116 = arith.constant 0 : i32
      %scan3A_117 = arith.constant 40 : i32
      %scan3A_118 = arith.addi %scan3A_116, %scan3A_117 : i32
      %scan3A_119 = arith.constant 1 : i32
      %scan3A_120 = scf.for %scan3A_139 = %scan3A_116 to %scan3A_118 step %scan3A_119 iter_args(%scan3A_140 = %scan3A_115) -> (i32)  : i32 {
        %mul3A_141 = arith.constant 16 : i32
        %mul3A_142 = arith.muli %scan3A_139, %mul3A_141 : i32
        %get3A = arith.constant 0 : i32
        %get3A_143 = arith.index_cast %get3A : i32 to index
        %get3A_144 = arith.index_cast %mul3A_142 : i32 to index
        %get3A_145 = tpu.vector_load %arg15[%get3A_143, %get3A_144] {strides = array<i32>} : memref<2x640xf32, #tpu.memory_space<vmem>>, vector<16xf32>,
        %mul3A_146 = arith.constant 16 : i32
        %mul3A_147 = arith.muli %scan3A_139, %mul3A_146 : i32
        %get3A_148 = arith.index_cast %mul3A_147 : i32 to index
        %get3A_149 = tpu.vector_load %arg14[%get3A_148] {strides = array<i32>} : memref<640xf32, #tpu.memory_space<vmem>>, vector<16xf32>,
        %add3A_150 = arith.addf %get3A_145, %get3A_149 : vector<16xf32>
        %mul3A_151 = arith.constant 16 : i32
        %mul3A_152 = arith.muli %scan3A_139, %mul3A_151 : i32
        %swap3A = arith.constant 0 : i32
        %swap3A_153 = arith.index_cast %swap3A : i32 to index
        %swap3A_154 = arith.index_cast %mul3A_152 : i32 to index
        %swap3A_155 = tpu.vector_load %arg15[%swap3A_153, %swap3A_154] {strides = array<i32>} : memref<2x640xf32, #tpu.memory_space<vmem>>, vector<16xf32>,
        tpu.vector_store %arg15[%swap3A_153, %swap3A_154], %add3A_150 {strides = array<i32>} : memref<2x640xf32, #tpu.memory_space<vmem>>, vector<16xf32>,
        %scan3A_156 = arith.constant 0 : i32
        scf.yield %scan3A_156 : i32
      }
      %scan3A_121 = arith.constant 40 : i32
      %mul3A_122 = arith.constant 2 : i32
      %mul3A_123 = arith.muli %scan3A_104, %mul3A_122 : i32
      %add3A_124 = arith.constant 1 : i32
      %add3A_125 = arith.addi %mul3A_123, %add3A_124 : i32
      %mul3A_126 = arith.constant 10240 : i32
      %mul3A_127 = arith.muli %add3A_125, %mul3A_126 : i32
      %mul3A_128 = arith.constant 640 : i32
      %mul3A_129 = arith.muli %arg1, %mul3A_128 : i32
      %add3A_130 = arith.addi %mul3A_127, %mul3A_129 : i32
      "tpu.region"() ({
        %run_scoped3A_139 = tpu.sem_alloc : memref<!tpu.dma_semaphore, #tpu.memory_space<semaphore_mem>>
        %dma_start3A = tpu.memref_slice %arg18[%add3A_130] : memref<327680xf32, #tpu.memory_space<vmem_shared>> -> memref<640xf32, #tpu.memory_space<vmem_shared>>
        %dma_start3A_140 = tpu.memref_slice %arg18[%add3A_130] : memref<327680xf32, #tpu.memory_space<vmem_shared>> -> memref<640xf32, #tpu.memory_space<vmem_shared>>
        tpu.enqueue_dma source(%dma_start3A_140 : memref<640xf32, #tpu.memory_space<vmem_shared>>) target(%arg14 : memref<640xf32, #tpu.memory_space<vmem>>) target_semaphore(%run_scoped3A_139 : memref<!tpu.dma_semaphore, #tpu.memory_space<semaphore_mem>>)
        %dma_wait3A = tpu.memref_slice %arg18[%add3A_130] : memref<327680xf32, #tpu.memory_space<vmem_shared>> -> memref<640xf32, #tpu.memory_space<vmem_shared>>
        %dma_wait3A_141 = tpu.memref_slice %arg18[%add3A_130] : memref<327680xf32, #tpu.memory_space<vmem_shared>> -> memref<640xf32, #tpu.memory_space<vmem_shared>>
        tpu.wait_dma2 semaphore(%run_scoped3A_139 : memref<!tpu.dma_semaphore, #tpu.memory_space<semaphore_mem>>) src(%dma_wait3A_141 : memref<640xf32, #tpu.memory_space<vmem_shared>>) dst(%arg14 : memref<640xf32, #tpu.memory_space<vmem>>)
        tpu.yield
      }) : () -> ()
      %scan3A_131 = arith.constant 0 : i32
      %scan3A_132 = arith.constant 0 : i32
      %scan3A_133 = arith.constant 40 : i32
      %scan3A_134 = arith.addi %scan3A_132, %scan3A_133 : i32
      %scan3A_135 = arith.constant 1 : i32
      %scan3A_136 = scf.for %scan3A_139 = %scan3A_132 to %scan3A_134 step %scan3A_135 iter_args(%scan3A_140 = %scan3A_131) -> (i32)  : i32 {
        %mul3A_141 = arith.constant 16 : i32
        %mul3A_142 = arith.muli %scan3A_139, %mul3A_141 : i32
        %get3A = arith.constant 1 : i32
        %get3A_143 = arith.index_cast %get3A : i32 to index
        %get3A_144 = arith.index_cast %mul3A_142 : i32 to index
        %get3A_145 = tpu.vector_load %arg15[%get3A_143, %get3A_144] {strides = array<i32>} : memref<2x640xf32, #tpu.memory_space<vmem>>, vector<16xf32>,
        %mul3A_146 = arith.constant 16 : i32
        %mul3A_147 = arith.muli %scan3A_139, %mul3A_146 : i32
        %get3A_148 = arith.index_cast %mul3A_147 : i32 to index
        %get3A_149 = tpu.vector_load %arg14[%get3A_148] {strides = array<i32>} : memref<640xf32, #tpu.memory_space<vmem>>, vector<16xf32>,
        %add3A_150 = arith.addf %get3A_145, %get3A_149 : vector<16xf32>
        %mul3A_151 = arith.constant 16 : i32
        %mul3A_152 = arith.muli %scan3A_139, %mul3A_151 : i32
        %swap3A = arith.constant 1 : i32
        %swap3A_153 = arith.index_cast %swap3A : i32 to index
        %swap3A_154 = arith.index_cast %mul3A_152 : i32 to index
        %swap3A_155 = tpu.vector_load %arg15[%swap3A_153, %swap3A_154] {strides = array<i32>} : memref<2x640xf32, #tpu.memory_space<vmem>>, vector<16xf32>,
        tpu.vector_store %arg15[%swap3A_153, %swap3A_154], %add3A_150 {strides = array<i32>} : memref<2x640xf32, #tpu.memory_space<vmem>>, vector<16xf32>,
        %scan3A_156 = arith.constant 0 : i32
        scf.yield %scan3A_156 : i32
      }
      %scan3A_137 = arith.constant 40 : i32
      %scan3A_138 = arith.constant 0 : i32
      scf.yield %scan3A_138 : i32
    }
    %scan3A_83 = arith.constant 16 : i32
    %mul3A_84 = arith.constant 640 : i32
    %mul3A_85 = arith.muli %arg1, %mul3A_84 : i32
    %add3A_86 = arith.constant 0 : i32
    %add3A_87 = arith.addi %add3A_86, %mul3A_85 : i32
    %run_scoped3A_88 = arith.constant 0 : i32
    "tpu.region"() ({
      %run_scoped3A_104 = tpu.sem_alloc : memref<!tpu.dma_semaphore, #tpu.memory_space<semaphore_mem>>
      %dma_start3A = arith.constant 0 : i32
      %dma_start3A_105 = tpu.memref_slice %arg15[%run_scoped3A_88, %dma_start3A] : memref<2x640xf32, #tpu.memory_space<vmem>> -> memref<1x640xf32, #tpu.memory_space<vmem>>
      %dma_start3A_106 = tpu.memref_squeeze %dma_start3A_105 : memref<1x640xf32, #tpu.memory_space<vmem>> -> memref<640xf32, #tpu.memory_space<vmem>>
      %dma_start3A_107 = tpu.memref_slice %arg19[%add3A_87] : memref<20480xf32, #tpu.memory_space<vmem_shared>> -> memref<640xf32, #tpu.memory_space<vmem_shared>>
      %dma_start3A_108 = tpu.memref_slice %arg19[%add3A_87] : memref<20480xf32, #tpu.memory_space<vmem_shared>> -> memref<640xf32, #tpu.memory_space<vmem_shared>>
      %dma_start3A_109 = arith.constant 0 : i32
      %dma_start3A_110 = tpu.memref_slice %arg15[%run_scoped3A_88, %dma_start3A_109] : memref<2x640xf32, #tpu.memory_space<vmem>> -> memref<1x640xf32, #tpu.memory_space<vmem>>
      %dma_start3A_111 = tpu.memref_squeeze %dma_start3A_110 : memref<1x640xf32, #tpu.memory_space<vmem>> -> memref<640xf32, #tpu.memory_space<vmem>>
      tpu.enqueue_dma source(%dma_start3A_111 : memref<640xf32, #tpu.memory_space<vmem>>) target(%dma_start3A_108 : memref<640xf32, #tpu.memory_space<vmem_shared>>) target_semaphore(%run_scoped3A_104 : memref<!tpu.dma_semaphore, #tpu.memory_space<semaphore_mem>>)
      %dma_wait3A = arith.constant 0 : i32
      %dma_wait3A_112 = tpu.memref_slice %arg15[%run_scoped3A_88, %dma_wait3A] : memref<2x640xf32, #tpu.memory_space<vmem>> -> memref<1x640xf32, #tpu.memory_space<vmem>>
      %dma_wait3A_113 = tpu.memref_squeeze %dma_wait3A_112 : memref<1x640xf32, #tpu.memory_space<vmem>> -> memref<640xf32, #tpu.memory_space<vmem>>
      %dma_wait3A_114 = tpu.memref_slice %arg19[%add3A_87] : memref<20480xf32, #tpu.memory_space<vmem_shared>> -> memref<640xf32, #tpu.memory_space<vmem_shared>>
      %dma_wait3A_115 = tpu.memref_slice %arg19[%add3A_87] : memref<20480xf32, #tpu.memory_space<vmem_shared>> -> memref<640xf32, #tpu.memory_space<vmem_shared>>
      %dma_wait3A_116 = arith.constant 0 : i32
      %dma_wait3A_117 = tpu.memref_slice %arg15[%run_scoped3A_88, %dma_wait3A_116] : memref<2x640xf32, #tpu.memory_space<vmem>> -> memref<1x640xf32, #tpu.memory_space<vmem>>
      %dma_wait3A_118 = tpu.memref_squeeze %dma_wait3A_117 : memref<1x640xf32, #tpu.memory_space<vmem>> -> memref<640xf32, #tpu.memory_space<vmem>>
      tpu.wait_dma2 semaphore(%run_scoped3A_104 : memref<!tpu.dma_semaphore, #tpu.memory_space<semaphore_mem>>) src(%dma_wait3A_118 : memref<640xf32, #tpu.memory_space<vmem>>) dst(%dma_wait3A_115 : memref<640xf32, #tpu.memory_space<vmem_shared>>)
      tpu.yield
    }) : () -> ()
    %mul3A_89 = arith.constant 640 : i32
    %mul3A_90 = arith.muli %arg1, %mul3A_89 : i32
    %add3A_91 = arith.constant 10240 : i32
    %add3A_92 = arith.addi %add3A_91, %mul3A_90 : i32
    %run_scoped3A_93 = arith.constant 1 : i32
    "tpu.region"() ({
      %run_scoped3A_104 = tpu.sem_alloc : memref<!tpu.dma_semaphore, #tpu.memory_space<semaphore_mem>>
      %dma_start3A = arith.constant 0 : i32
      %dma_start3A_105 = tpu.memref_slice %arg15[%run_scoped3A_93, %dma_start3A] : memref<2x640xf32, #tpu.memory_space<vmem>> -> memref<1x640xf32, #tpu.memory_space<vmem>>
      %dma_start3A_106 = tpu.memref_squeeze %dma_start3A_105 : memref<1x640xf32, #tpu.memory_space<vmem>> -> memref<640xf32, #tpu.memory_space<vmem>>
      %dma_start3A_107 = tpu.memref_slice %arg19[%add3A_92] : memref<20480xf32, #tpu.memory_space<vmem_shared>> -> memref<640xf32, #tpu.memory_space<vmem_shared>>
      %dma_start3A_108 = tpu.memref_slice %arg19[%add3A_92] : memref<20480xf32, #tpu.memory_space<vmem_shared>> -> memref<640xf32, #tpu.memory_space<vmem_shared>>
      %dma_start3A_109 = arith.constant 0 : i32
      %dma_start3A_110 = tpu.memref_slice %arg15[%run_scoped3A_93, %dma_start3A_109] : memref<2x640xf32, #tpu.memory_space<vmem>> -> memref<1x640xf32, #tpu.memory_space<vmem>>
      %dma_start3A_111 = tpu.memref_squeeze %dma_start3A_110 : memref<1x640xf32, #tpu.memory_space<vmem>> -> memref<640xf32, #tpu.memory_space<vmem>>
      tpu.enqueue_dma source(%dma_start3A_111 : memref<640xf32, #tpu.memory_space<vmem>>) target(%dma_start3A_108 : memref<640xf32, #tpu.memory_space<vmem_shared>>) target_semaphore(%run_scoped3A_104 : memref<!tpu.dma_semaphore, #tpu.memory_space<semaphore_mem>>)
      %dma_wait3A = arith.constant 0 : i32
      %dma_wait3A_112 = tpu.memref_slice %arg15[%run_scoped3A_93, %dma_wait3A] : memref<2x640xf32, #tpu.memory_space<vmem>> -> memref<1x640xf32, #tpu.memory_space<vmem>>
      %dma_wait3A_113 = tpu.memref_squeeze %dma_wait3A_112 : memref<1x640xf32, #tpu.memory_space<vmem>> -> memref<640xf32, #tpu.memory_space<vmem>>
      %dma_wait3A_114 = tpu.memref_slice %arg19[%add3A_92] : memref<20480xf32, #tpu.memory_space<vmem_shared>> -> memref<640xf32, #tpu.memory_space<vmem_shared>>
      %dma_wait3A_115 = tpu.memref_slice %arg19[%add3A_92] : memref<20480xf32, #tpu.memory_space<vmem_shared>> -> memref<640xf32, #tpu.memory_space<vmem_shared>>
      %dma_wait3A_116 = arith.constant 0 : i32
      %dma_wait3A_117 = tpu.memref_slice %arg15[%run_scoped3A_93, %dma_wait3A_116] : memref<2x640xf32, #tpu.memory_space<vmem>> -> memref<1x640xf32, #tpu.memory_space<vmem>>
      %dma_wait3A_118 = tpu.memref_squeeze %dma_wait3A_117 : memref<1x640xf32, #tpu.memory_space<vmem>> -> memref<640xf32, #tpu.memory_space<vmem>>
      tpu.wait_dma2 semaphore(%run_scoped3A_104 : memref<!tpu.dma_semaphore, #tpu.memory_space<semaphore_mem>>) src(%dma_wait3A_118 : memref<640xf32, #tpu.memory_space<vmem>>) dst(%dma_wait3A_115 : memref<640xf32, #tpu.memory_space<vmem_shared>>)
      tpu.yield
    }) : () -> ()
    %barrier3A_94 = arith.constant 0 : index
    tpu.barrier barrier_id(%barrier3A_94)
    %run_scoped3A_95 = arith.constant 0 : i32
    "tpu.region"() ({
      %run_scoped3A_104 = tpu.sem_alloc : memref<!tpu.dma_semaphore, #tpu.memory_space<semaphore_mem>>
      %dma_start3A = arith.constant 0 : i32
      %dma_start3A_105 = tpu.memref_slice %arg9[%run_scoped3A_95, %dma_start3A] : memref<2x10240xf32, #tpu.memory_space<vmem>> -> memref<1x10240xf32, #tpu.memory_space<vmem>>
      %dma_start3A_106 = tpu.memref_squeeze %dma_start3A_105 : memref<1x10240xf32, #tpu.memory_space<vmem>> -> memref<10240xf32, #tpu.memory_space<vmem>>
      %dma_start3A_107 = arith.constant 0 : i32
      %dma_start3A_108 = tpu.memref_slice %arg19[%dma_start3A_107] : memref<20480xf32, #tpu.memory_space<vmem_shared>> -> memref<10240xf32, #tpu.memory_space<vmem_shared>>
      %dma_start3A_109 = arith.constant 0 : i32
      %dma_start3A_110 = tpu.memref_slice %arg9[%run_scoped3A_95, %dma_start3A_109] : memref<2x10240xf32, #tpu.memory_space<vmem>> -> memref<1x10240xf32, #tpu.memory_space<vmem>>
      %dma_start3A_111 = tpu.memref_squeeze %dma_start3A_110 : memref<1x10240xf32, #tpu.memory_space<vmem>> -> memref<10240xf32, #tpu.memory_space<vmem>>
      %dma_start3A_112 = arith.constant 0 : i32
      %dma_start3A_113 = tpu.memref_slice %arg19[%dma_start3A_112] : memref<20480xf32, #tpu.memory_space<vmem_shared>> -> memref<10240xf32, #tpu.memory_space<vmem_shared>>
      tpu.enqueue_dma source(%dma_start3A_113 : memref<10240xf32, #tpu.memory_space<vmem_shared>>) target(%dma_start3A_111 : memref<10240xf32, #tpu.memory_space<vmem>>) target_semaphore(%run_scoped3A_104 : memref<!tpu.dma_semaphore, #tpu.memory_space<semaphore_mem>>)
      %dma_wait3A = arith.constant 0 : i32
      %dma_wait3A_114 = tpu.memref_slice %arg9[%run_scoped3A_95, %dma_wait3A] : memref<2x10240xf32, #tpu.memory_space<vmem>> -> memref<1x10240xf32, #tpu.memory_space<vmem>>
      %dma_wait3A_115 = tpu.memref_squeeze %dma_wait3A_114 : memref<1x10240xf32, #tpu.memory_space<vmem>> -> memref<10240xf32, #tpu.memory_space<vmem>>
      %dma_wait3A_116 = arith.constant 0 : i32
      %dma_wait3A_117 = tpu.memref_slice %arg19[%dma_wait3A_116] : memref<20480xf32, #tpu.memory_space<vmem_shared>> -> memref<10240xf32, #tpu.memory_space<vmem_shared>>
      %dma_wait3A_118 = arith.constant 0 : i32
      %dma_wait3A_119 = tpu.memref_slice %arg9[%run_scoped3A_95, %dma_wait3A_118] : memref<2x10240xf32, #tpu.memory_space<vmem>> -> memref<1x10240xf32, #tpu.memory_space<vmem>>
      %dma_wait3A_120 = tpu.memref_squeeze %dma_wait3A_119 : memref<1x10240xf32, #tpu.memory_space<vmem>> -> memref<10240xf32, #tpu.memory_space<vmem>>
      %dma_wait3A_121 = arith.constant 0 : i32
      %dma_wait3A_122 = tpu.memref_slice %arg19[%dma_wait3A_121] : memref<20480xf32, #tpu.memory_space<vmem_shared>> -> memref<10240xf32, #tpu.memory_space<vmem_shared>>
      tpu.wait_dma2 semaphore(%run_scoped3A_104 : memref<!tpu.dma_semaphore, #tpu.memory_space<semaphore_mem>>) src(%dma_wait3A_122 : memref<10240xf32, #tpu.memory_space<vmem_shared>>) dst(%dma_wait3A_120 : memref<10240xf32, #tpu.memory_space<vmem>>)
      tpu.yield
    }) : () -> ()
    %run_scoped3A_96 = arith.constant 1 : i32
    "tpu.region"() ({
      %run_scoped3A_104 = tpu.sem_alloc : memref<!tpu.dma_semaphore, #tpu.memory_space<semaphore_mem>>
      %dma_start3A = arith.constant 0 : i32
      %dma_start3A_105 = tpu.memref_slice %arg9[%run_scoped3A_96, %dma_start3A] : memref<2x10240xf32, #tpu.memory_space<vmem>> -> memref<1x10240xf32, #tpu.memory_space<vmem>>
      %dma_start3A_106 = tpu.memref_squeeze %dma_start3A_105 : memref<1x10240xf32, #tpu.memory_space<vmem>> -> memref<10240xf32, #tpu.memory_space<vmem>>
      %dma_start3A_107 = arith.constant 10240 : i32
      %dma_start3A_108 = tpu.memref_slice %arg19[%dma_start3A_107] : memref<20480xf32, #tpu.memory_space<vmem_shared>> -> memref<10240xf32, #tpu.memory_space<vmem_shared>>
      %dma_start3A_109 = arith.constant 0 : i32
      %dma_start3A_110 = tpu.memref_slice %arg9[%run_scoped3A_96, %dma_start3A_109] : memref<2x10240xf32, #tpu.memory_space<vmem>> -> memref<1x10240xf32, #tpu.memory_space<vmem>>
      %dma_start3A_111 = tpu.memref_squeeze %dma_start3A_110 : memref<1x10240xf32, #tpu.memory_space<vmem>> -> memref<10240xf32, #tpu.memory_space<vmem>>
      %dma_start3A_112 = arith.constant 10240 : i32
      %dma_start3A_113 = tpu.memref_slice %arg19[%dma_start3A_112] : memref<20480xf32, #tpu.memory_space<vmem_shared>> -> memref<10240xf32, #tpu.memory_space<vmem_shared>>
      tpu.enqueue_dma source(%dma_start3A_113 : memref<10240xf32, #tpu.memory_space<vmem_shared>>) target(%dma_start3A_111 : memref<10240xf32, #tpu.memory_space<vmem>>) target_semaphore(%run_scoped3A_104 : memref<!tpu.dma_semaphore, #tpu.memory_space<semaphore_mem>>)
      %dma_wait3A = arith.constant 0 : i32
      %dma_wait3A_114 = tpu.memref_slice %arg9[%run_scoped3A_96, %dma_wait3A] : memref<2x10240xf32, #tpu.memory_space<vmem>> -> memref<1x10240xf32, #tpu.memory_space<vmem>>
      %dma_wait3A_115 = tpu.memref_squeeze %dma_wait3A_114 : memref<1x10240xf32, #tpu.memory_space<vmem>> -> memref<10240xf32, #tpu.memory_space<vmem>>
      %dma_wait3A_116 = arith.constant 10240 : i32
      %dma_wait3A_117 = tpu.memref_slice %arg19[%dma_wait3A_116] : memref<20480xf32, #tpu.memory_space<vmem_shared>> -> memref<10240xf32, #tpu.memory_space<vmem_shared>>
      %dma_wait3A_118 = arith.constant 0 : i32
      %dma_wait3A_119 = tpu.memref_slice %arg9[%run_scoped3A_96, %dma_wait3A_118] : memref<2x10240xf32, #tpu.memory_space<vmem>> -> memref<1x10240xf32, #tpu.memory_space<vmem>>
      %dma_wait3A_120 = tpu.memref_squeeze %dma_wait3A_119 : memref<1x10240xf32, #tpu.memory_space<vmem>> -> memref<10240xf32, #tpu.memory_space<vmem>>
      %dma_wait3A_121 = arith.constant 10240 : i32
      %dma_wait3A_122 = tpu.memref_slice %arg19[%dma_wait3A_121] : memref<20480xf32, #tpu.memory_space<vmem_shared>> -> memref<10240xf32, #tpu.memory_space<vmem_shared>>
      tpu.wait_dma2 semaphore(%run_scoped3A_104 : memref<!tpu.dma_semaphore, #tpu.memory_space<semaphore_mem>>) src(%dma_wait3A_122 : memref<10240xf32, #tpu.memory_space<vmem_shared>>) dst(%dma_wait3A_120 : memref<10240xf32, #tpu.memory_space<vmem>>)
      tpu.yield
    }) : () -> ()
    %scan3A_97 = arith.constant 0 : i32
    %scan3A_98 = arith.constant 0 : i32
    %scan3A_99 = arith.constant 10 : i32
    %scan3A_100 = arith.addi %scan3A_98, %scan3A_99 : i32
    %scan3A_101 = arith.constant 1 : i32
    %scan3A_102 = scf.for %scan3A_104 = %scan3A_98 to %scan3A_100 step %scan3A_101 iter_args(%scan3A_105 = %scan3A_97) -> (i32)  : i32 {
      %mul3A_106 = arith.constant 2000 : i32
      %mul3A_107 = arith.muli %scan3A_104, %mul3A_106 : i32
      %add3A_108 = arith.addi %mul3A_0, %mul3A_107 : i32
      %dma_start3A = tpu.memref_slice %arg4[%add3A_108] : memref<320000xi32, #tpu.memory_space<hbm>> -> memref<2000xi32, #tpu.memory_space<hbm>>
      %dma_start3A_109 = tpu.memref_slice %arg4[%add3A_108] : memref<320000xi32, #tpu.memory_space<hbm>> -> memref<2000xi32, #tpu.memory_space<hbm>>
      tpu.enqueue_dma source(%dma_start3A_109 : memref<2000xi32, #tpu.memory_space<hbm>>) target(%arg10 : memref<2000xi32, #tpu.memory_space<vmem>>) target_semaphore(%arg17 : memref<!tpu.dma_semaphore, #tpu.memory_space<semaphore_mem>>)
      %dma_start3A_110 = tpu.memref_slice %arg5[%add3A_108] : memref<320000xi32, #tpu.memory_space<hbm>> -> memref<2000xi32, #tpu.memory_space<hbm>>
      %dma_start3A_111 = tpu.memref_slice %arg5[%add3A_108] : memref<320000xi32, #tpu.memory_space<hbm>> -> memref<2000xi32, #tpu.memory_space<hbm>>
      tpu.enqueue_dma source(%dma_start3A_111 : memref<2000xi32, #tpu.memory_space<hbm>>) target(%arg11 : memref<2000xi32, #tpu.memory_space<vmem>>) target_semaphore(%arg17 : memref<!tpu.dma_semaphore, #tpu.memory_space<semaphore_mem>>)
      %dma_wait3A = tpu.memref_slice %arg4[%add3A_108] : memref<320000xi32, #tpu.memory_space<hbm>> -> memref<2000xi32, #tpu.memory_space<hbm>>
      %dma_wait3A_112 = tpu.memref_slice %arg4[%add3A_108] : memref<320000xi32, #tpu.memory_space<hbm>> -> memref<2000xi32, #tpu.memory_space<hbm>>
      tpu.wait_dma2 semaphore(%arg17 : memref<!tpu.dma_semaphore, #tpu.memory_space<semaphore_mem>>) src(%dma_wait3A_112 : memref<2000xi32, #tpu.memory_space<hbm>>) dst(%arg10 : memref<2000xi32, #tpu.memory_space<vmem>>)
      %dma_wait3A_113 = tpu.memref_slice %arg5[%add3A_108] : memref<320000xi32, #tpu.memory_space<hbm>> -> memref<2000xi32, #tpu.memory_space<hbm>>
      %dma_wait3A_114 = tpu.memref_slice %arg5[%add3A_108] : memref<320000xi32, #tpu.memory_space<hbm>> -> memref<2000xi32, #tpu.memory_space<hbm>>
      tpu.wait_dma2 semaphore(%arg17 : memref<!tpu.dma_semaphore, #tpu.memory_space<semaphore_mem>>) src(%dma_wait3A_114 : memref<2000xi32, #tpu.memory_space<hbm>>) dst(%arg11 : memref<2000xi32, #tpu.memory_space<vmem>>)
      %parallel_loop3A = arith.constant 0 : i32
      %parallel_loop3A_115 = arith.constant 125 : i32
      %parallel_loop3A_116 = arith.constant 1 : i32
      scf.for %parallel_loop3A_132 = %parallel_loop3A to %parallel_loop3A_115 step %parallel_loop3A_116  : i32 {
        %parallel_loop3A_133 = arith.constant 16 : i32
        %parallel_loop3A_134 = arith.muli %parallel_loop3A_132, %parallel_loop3A_133 : i32
        %parallel_loop3A_135 = arith.index_cast %parallel_loop3A_134 : i32 to index
        %parallel_loop3A_136 = tpu.vector_load %arg10[%parallel_loop3A_135] {strides = array<i32>} : memref<2000xi32, #tpu.memory_space<vmem>>, vector<16xi32>,
        %parallel_loop3A_137 = arith.constant 16 : i32
        %parallel_loop3A_138 = arith.muli %parallel_loop3A_132, %parallel_loop3A_137 : i32
        %parallel_loop3A_139 = arith.index_cast %parallel_loop3A_138 : i32 to index
        %parallel_loop3A_140 = tpu.vector_load %arg11[%parallel_loop3A_139] {strides = array<i32>} : memref<2000xi32, #tpu.memory_space<vmem>>, vector<16xi32>,
        %parallel_loop3A_141 = arith.constant 0 : i32
        %parallel_loop3A_142 = vector.broadcast %parallel_loop3A_141 : i32 to vector<16xi32>
        %parallel_loop3A_143 = tpu.vector_load_idx %arg7[%parallel_loop3A_142, %parallel_loop3A_140] : memref<2x10240xf32, #tpu.memory_space<vmem>>[vector<16xi32>, vector<16xi32>], vector<16xf32>,
        %parallel_loop3A_144 = tpu.vector_load_idx %arg8[%parallel_loop3A_142, %parallel_loop3A_136] : memref<2x10240xf32, #tpu.memory_space<vmem>>[vector<16xi32>, vector<16xi32>], vector<16xf32>,
        %parallel_loop3A_145 = arith.addf %parallel_loop3A_143, %parallel_loop3A_144 : vector<16xf32>
        %parallel_loop3A_146 = arith.constant 0.000000e+00 : f32
        %parallel_loop3A_147 = vector.broadcast %parallel_loop3A_146 : f32 to vector<16xf32>
        %parallel_loop3A_148 = arith.cmpf ogt, %parallel_loop3A_145, %parallel_loop3A_147 : vector<16xf32>
        %parallel_loop3A_149 = arith.constant 2.000000e-01 : f32
        %parallel_loop3A_150 = vector.broadcast %parallel_loop3A_149 : f32 to vector<16xf32>
        %parallel_loop3A_151 = arith.mulf %parallel_loop3A_150, %parallel_loop3A_145 : vector<16xf32>
        %parallel_loop3A_152 = arith.select %parallel_loop3A_148, %parallel_loop3A_145, %parallel_loop3A_151 : vector<16xi1>, vector<16xf32>
        %parallel_loop3A_153 = arith.subf %parallel_loop3A_152, %gather3A : vector<16xf32>
        %parallel_loop3A_154 = math.exp %parallel_loop3A_153 : vector<16xf32>
        %parallel_loop3A_155 = tpu.vector_load_idx %arg9[%parallel_loop3A_142, %parallel_loop3A_140] : memref<2x10240xf32, #tpu.memory_space<vmem>>[vector<16xi32>, vector<16xi32>], vector<16xf32>,
        %parallel_loop3A_156 = arith.constant 1.000000e-16 : f32
        %parallel_loop3A_157 = vector.broadcast %parallel_loop3A_156 : f32 to vector<16xf32>
        %parallel_loop3A_158 = arith.addf %parallel_loop3A_155, %parallel_loop3A_157 : vector<16xf32>
        %parallel_loop3A_159 = arith.divf %parallel_loop3A_154, %parallel_loop3A_158 : vector<16xf32>
        %parallel_loop3A_160 = arith.constant 16 : i32
        %parallel_loop3A_161 = arith.muli %parallel_loop3A_132, %parallel_loop3A_160 : i32
        %parallel_loop3A_162 = arith.index_cast %parallel_loop3A_161 : i32 to index
        %parallel_loop3A_163 = tpu.vector_load %arg12[%parallel_loop3A_162] {strides = array<i32>} : memref<2000xf32, #tpu.memory_space<vmem>>, vector<16xf32>,
        tpu.vector_store %arg12[%parallel_loop3A_162], %parallel_loop3A_159 {strides = array<i32>} : memref<2000xf32, #tpu.memory_space<vmem>>, vector<16xf32>,
        %parallel_loop3A_164 = arith.constant 1 : i32
        %parallel_loop3A_165 = vector.broadcast %parallel_loop3A_164 : i32 to vector<16xi32>
        %parallel_loop3A_166 = tpu.vector_load_idx %arg7[%parallel_loop3A_165, %parallel_loop3A_140] : memref<2x10240xf32, #tpu.memory_space<vmem>>[vector<16xi32>, vector<16xi32>], vector<16xf32>,
        %parallel_loop3A_167 = tpu.vector_load_idx %arg8[%parallel_loop3A_165, %parallel_loop3A_136] : memref<2x10240xf32, #tpu.memory_space<vmem>>[vector<16xi32>, vector<16xi32>], vector<16xf32>,
        %parallel_loop3A_168 = arith.addf %parallel_loop3A_166, %parallel_loop3A_167 : vector<16xf32>
        %parallel_loop3A_169 = arith.constant 0.000000e+00 : f32
        %parallel_loop3A_170 = vector.broadcast %parallel_loop3A_169 : f32 to vector<16xf32>
        %parallel_loop3A_171 = arith.cmpf ogt, %parallel_loop3A_168, %parallel_loop3A_170 : vector<16xf32>
        %parallel_loop3A_172 = arith.constant 2.000000e-01 : f32
        %parallel_loop3A_173 = vector.broadcast %parallel_loop3A_172 : f32 to vector<16xf32>
        %parallel_loop3A_174 = arith.mulf %parallel_loop3A_173, %parallel_loop3A_168 : vector<16xf32>
        %parallel_loop3A_175 = arith.select %parallel_loop3A_171, %parallel_loop3A_168, %parallel_loop3A_174 : vector<16xi1>, vector<16xf32>
        %parallel_loop3A_176 = arith.subf %parallel_loop3A_175, %gather3A_11 : vector<16xf32>
        %parallel_loop3A_177 = math.exp %parallel_loop3A_176 : vector<16xf32>
        %parallel_loop3A_178 = tpu.vector_load_idx %arg9[%parallel_loop3A_165, %parallel_loop3A_140] : memref<2x10240xf32, #tpu.memory_space<vmem>>[vector<16xi32>, vector<16xi32>], vector<16xf32>,
        %parallel_loop3A_179 = arith.constant 1.000000e-16 : f32
        %parallel_loop3A_180 = vector.broadcast %parallel_loop3A_179 : f32 to vector<16xf32>
        %parallel_loop3A_181 = arith.addf %parallel_loop3A_178, %parallel_loop3A_180 : vector<16xf32>
        %parallel_loop3A_182 = arith.divf %parallel_loop3A_177, %parallel_loop3A_181 : vector<16xf32>
        %parallel_loop3A_183 = arith.constant 16 : i32
        %parallel_loop3A_184 = arith.muli %parallel_loop3A_132, %parallel_loop3A_183 : i32
        %parallel_loop3A_185 = arith.index_cast %parallel_loop3A_184 : i32 to index
        %parallel_loop3A_186 = tpu.vector_load %arg13[%parallel_loop3A_185] {strides = array<i32>} : memref<2000xf32, #tpu.memory_space<vmem>>, vector<16xf32>,
        tpu.vector_store %arg13[%parallel_loop3A_185], %parallel_loop3A_182 {strides = array<i32>} : memref<2000xf32, #tpu.memory_space<vmem>>, vector<16xf32>,
      } {sc.loop_unroll_factor = 5 : i64, sc.parallel_access}
      %mul3A_117 = arith.constant 2 : i32
      %mul3A_118 = arith.muli %mul3A_117, %arg0 : i32
      %add3A_119 = arith.constant 0 : i32
      %add3A_120 = arith.addi %mul3A_118, %add3A_119 : i32
      %mul3A_121 = arith.constant 320000 : i32
      %mul3A_122 = arith.muli %add3A_120, %mul3A_121 : i32
      %add3A_123 = arith.addi %mul3A_122, %add3A_108 : i32
      "tpu.region"() ({
        %run_scoped3A_132 = tpu.sem_alloc : memref<!tpu.dma_semaphore, #tpu.memory_space<semaphore_mem>>
        %dma_start3A_133 = tpu.memref_slice %arg6[%add3A_123] : memref<1280000xf32, #tpu.memory_space<hbm>> -> memref<2000xf32, #tpu.memory_space<hbm>>
        %dma_start3A_134 = tpu.memref_slice %arg6[%add3A_123] : memref<1280000xf32, #tpu.memory_space<hbm>> -> memref<2000xf32, #tpu.memory_space<hbm>>
        tpu.enqueue_dma source(%arg12 : memref<2000xf32, #tpu.memory_space<vmem>>) target(%dma_start3A_134 : memref<2000xf32, #tpu.memory_space<hbm>>) target_semaphore(%run_scoped3A_132 : memref<!tpu.dma_semaphore, #tpu.memory_space<semaphore_mem>>)
        %dma_wait3A_135 = tpu.memref_slice %arg6[%add3A_123] : memref<1280000xf32, #tpu.memory_space<hbm>> -> memref<2000xf32, #tpu.memory_space<hbm>>
        %dma_wait3A_136 = tpu.memref_slice %arg6[%add3A_123] : memref<1280000xf32, #tpu.memory_space<hbm>> -> memref<2000xf32, #tpu.memory_space<hbm>>
        tpu.wait_dma2 semaphore(%run_scoped3A_132 : memref<!tpu.dma_semaphore, #tpu.memory_space<semaphore_mem>>) src(%arg12 : memref<2000xf32, #tpu.memory_space<vmem>>) dst(%dma_wait3A_136 : memref<2000xf32, #tpu.memory_space<hbm>>)
        tpu.yield
      }) : () -> ()
      %mul3A_124 = arith.constant 2 : i32
      %mul3A_125 = arith.muli %mul3A_124, %arg0 : i32
      %add3A_126 = arith.constant 1 : i32
      %add3A_127 = arith.addi %mul3A_125, %add3A_126 : i32
      %mul3A_128 = arith.constant 320000 : i32
      %mul3A_129 = arith.muli %add3A_127, %mul3A_128 : i32
      %add3A_130 = arith.addi %mul3A_129, %add3A_108 : i32
      "tpu.region"() ({
        %run_scoped3A_132 = tpu.sem_alloc : memref<!tpu.dma_semaphore, #tpu.memory_space<semaphore_mem>>
        %dma_start3A_133 = tpu.memref_slice %arg6[%add3A_130] : memref<1280000xf32, #tpu.memory_space<hbm>> -> memref<2000xf32, #tpu.memory_space<hbm>>
        %dma_start3A_134 = tpu.memref_slice %arg6[%add3A_130] : memref<1280000xf32, #tpu.memory_space<hbm>> -> memref<2000xf32, #tpu.memory_space<hbm>>
        tpu.enqueue_dma source(%arg13 : memref<2000xf32, #tpu.memory_space<vmem>>) target(%dma_start3A_134 : memref<2000xf32, #tpu.memory_space<hbm>>) target_semaphore(%run_scoped3A_132 : memref<!tpu.dma_semaphore, #tpu.memory_space<semaphore_mem>>)
        %dma_wait3A_135 = tpu.memref_slice %arg6[%add3A_130] : memref<1280000xf32, #tpu.memory_space<hbm>> -> memref<2000xf32, #tpu.memory_space<hbm>>
        %dma_wait3A_136 = tpu.memref_slice %arg6[%add3A_130] : memref<1280000xf32, #tpu.memory_space<hbm>> -> memref<2000xf32, #tpu.memory_space<hbm>>
        tpu.wait_dma2 semaphore(%run_scoped3A_132 : memref<!tpu.dma_semaphore, #tpu.memory_space<semaphore_mem>>) src(%arg13 : memref<2000xf32, #tpu.memory_space<vmem>>) dst(%dma_wait3A_136 : memref<2000xf32, #tpu.memory_space<hbm>>)
        tpu.yield
      }) : () -> ()
      %scan3A_131 = arith.constant 0 : i32
      scf.yield %scan3A_131 : i32
    }
    %scan3A_103 = arith.constant 10 : i32
    return
  }
}

#map = affine_map<(d0, d1) -> (0, 0)>
#map1 = affine_map<(d0, d1) -> (0)>
module attributes {stable_mosaic.version = 14 : i64} {
  func.func @_msg_body(%arg0: i32, %arg1: i32, %arg2: memref<20000x128xf32, #tpu.memory_space<hbm>>, %arg3: memref<1280000xf32, #tpu.memory_space<hbm>>, %arg4: memref<320000xi32, #tpu.memory_space<hbm>>, %arg5: memref<320000xi32, #tpu.memory_space<hbm>>, %arg6: memref<20480x128xf32, #tpu.memory_space<hbm>>, %arg7: memref<80x128xf32, #tpu.memory_space<vmem>>, %arg8: memref<80x128xf32, #tpu.memory_space<vmem>>, %arg9: memref<80x128xf32, #tpu.memory_space<vmem>>, %arg10: memref<80x128xf32, #tpu.memory_space<vmem>>, %arg11: memref<800xi32, #tpu.memory_space<vmem>>, %arg12: memref<800xi32, #tpu.memory_space<vmem>>, %arg13: memref<10x80xi32, #tpu.memory_space<vmem>>, %arg14: memref<800xf32, #tpu.memory_space<vmem>>, %arg15: memref<800xf32, #tpu.memory_space<vmem>>, %arg16: memref<!tpu.dma_semaphore, #tpu.memory_space<semaphore_mem>>, %arg17: memref<!tpu.dma_semaphore, #tpu.memory_space<semaphore_mem>>, %arg18: memref<!tpu.dma_semaphore, #tpu.memory_space<semaphore_mem>>, %arg19: memref<!tpu.dma_semaphore, #tpu.memory_space<semaphore_mem>>, %arg20: memref<!tpu.dma_semaphore, #tpu.memory_space<semaphore_mem>>, %arg21: memref<10240x128xf32, #tpu.memory_space<vmem_shared>>) attributes {dimension_semantics = [#tpu.dimension_semantics<core_parallel>, #tpu.dimension_semantics<subcore_parallel>], iteration_bounds = array<i64: 2, 16>, scalar_prefetch = 0 : i64, scratch_operands = 15 : i64, tpu.core_type = #tpu.core_type<sc_vector_subcore>, window_params = [{transform_indices = #map}, {transform_indices = #map1}, {transform_indices = #map1}, {transform_indices = #map1}, {transform_indices = #map}]} {
    %mul3A = arith.constant 20000 : i32
    %mul3A_0 = arith.muli %arg1, %mul3A : i32
    %broadcast_in_dim3A = arith.constant 0.000000e+00 : f32
    %broadcast_in_dim3A_1 = vector.broadcast %broadcast_in_dim3A : f32 to vector<16xf32>
    %scan3A = arith.constant 0 : i32
    %scan3A_2 = arith.constant 0 : i32
    %scan3A_3 = arith.constant 80 : i32
    %scan3A_4 = arith.addi %scan3A_2, %scan3A_3 : i32
    %scan3A_5 = arith.constant 1 : i32
    %scan3A_6 = scf.for %scan3A_29 = %scan3A_2 to %scan3A_4 step %scan3A_5 iter_args(%scan3A_30 = %scan3A) -> (i32)  : i32 {
      %swap3A = arith.index_cast %scan3A_29 : i32 to index
      %swap3A_31 = arith.constant 0 : index
      %swap3A_32 = tpu.vector_load %arg7[%swap3A, %swap3A_31] {strides = array<i32>} : memref<80x128xf32, #tpu.memory_space<vmem>>, vector<16xf32>,
      tpu.vector_store %arg7[%swap3A, %swap3A_31], %broadcast_in_dim3A_1 {strides = array<i32>} : memref<80x128xf32, #tpu.memory_space<vmem>>, vector<16xf32>,
      %swap3A_33 = arith.index_cast %scan3A_29 : i32 to index
      %swap3A_34 = arith.constant 16 : index
      %swap3A_35 = tpu.vector_load %arg7[%swap3A_33, %swap3A_34] {strides = array<i32>} : memref<80x128xf32, #tpu.memory_space<vmem>>, vector<16xf32>,
      tpu.vector_store %arg7[%swap3A_33, %swap3A_34], %broadcast_in_dim3A_1 {strides = array<i32>} : memref<80x128xf32, #tpu.memory_space<vmem>>, vector<16xf32>,
      %swap3A_36 = arith.index_cast %scan3A_29 : i32 to index
      %swap3A_37 = arith.constant 32 : index
      %swap3A_38 = tpu.vector_load %arg7[%swap3A_36, %swap3A_37] {strides = array<i32>} : memref<80x128xf32, #tpu.memory_space<vmem>>, vector<16xf32>,
      tpu.vector_store %arg7[%swap3A_36, %swap3A_37], %broadcast_in_dim3A_1 {strides = array<i32>} : memref<80x128xf32, #tpu.memory_space<vmem>>, vector<16xf32>,
      %swap3A_39 = arith.index_cast %scan3A_29 : i32 to index
      %swap3A_40 = arith.constant 48 : index
      %swap3A_41 = tpu.vector_load %arg7[%swap3A_39, %swap3A_40] {strides = array<i32>} : memref<80x128xf32, #tpu.memory_space<vmem>>, vector<16xf32>,
      tpu.vector_store %arg7[%swap3A_39, %swap3A_40], %broadcast_in_dim3A_1 {strides = array<i32>} : memref<80x128xf32, #tpu.memory_space<vmem>>, vector<16xf32>,
      %swap3A_42 = arith.index_cast %scan3A_29 : i32 to index
      %swap3A_43 = arith.constant 64 : index
      %swap3A_44 = tpu.vector_load %arg7[%swap3A_42, %swap3A_43] {strides = array<i32>} : memref<80x128xf32, #tpu.memory_space<vmem>>, vector<16xf32>,
      tpu.vector_store %arg7[%swap3A_42, %swap3A_43], %broadcast_in_dim3A_1 {strides = array<i32>} : memref<80x128xf32, #tpu.memory_space<vmem>>, vector<16xf32>,
      %swap3A_45 = arith.index_cast %scan3A_29 : i32 to index
      %swap3A_46 = arith.constant 80 : index
      %swap3A_47 = tpu.vector_load %arg7[%swap3A_45, %swap3A_46] {strides = array<i32>} : memref<80x128xf32, #tpu.memory_space<vmem>>, vector<16xf32>,
      tpu.vector_store %arg7[%swap3A_45, %swap3A_46], %broadcast_in_dim3A_1 {strides = array<i32>} : memref<80x128xf32, #tpu.memory_space<vmem>>, vector<16xf32>,
      %swap3A_48 = arith.index_cast %scan3A_29 : i32 to index
      %swap3A_49 = arith.constant 96 : index
      %swap3A_50 = tpu.vector_load %arg7[%swap3A_48, %swap3A_49] {strides = array<i32>} : memref<80x128xf32, #tpu.memory_space<vmem>>, vector<16xf32>,
      tpu.vector_store %arg7[%swap3A_48, %swap3A_49], %broadcast_in_dim3A_1 {strides = array<i32>} : memref<80x128xf32, #tpu.memory_space<vmem>>, vector<16xf32>,
      %swap3A_51 = arith.index_cast %scan3A_29 : i32 to index
      %swap3A_52 = arith.constant 112 : index
      %swap3A_53 = tpu.vector_load %arg7[%swap3A_51, %swap3A_52] {strides = array<i32>} : memref<80x128xf32, #tpu.memory_space<vmem>>, vector<16xf32>,
      tpu.vector_store %arg7[%swap3A_51, %swap3A_52], %broadcast_in_dim3A_1 {strides = array<i32>} : memref<80x128xf32, #tpu.memory_space<vmem>>, vector<16xf32>,
      %scan3A_54 = arith.constant 0 : i32
      scf.yield %scan3A_54 : i32
    }
    %scan3A_7 = arith.constant 80 : i32
    %scan3A_8 = arith.constant 0 : i32
    %scan3A_9 = arith.constant 0 : i32
    %scan3A_10 = arith.constant 8 : i32
    %scan3A_11 = arith.addi %scan3A_9, %scan3A_10 : i32
    %scan3A_12 = arith.constant 1 : i32
    %scan3A_13 = scf.for %scan3A_29 = %scan3A_9 to %scan3A_11 step %scan3A_12 iter_args(%scan3A_30 = %scan3A_8) -> (i32)  : i32 {
      %mul3A_31 = arith.constant 640 : i32
      %mul3A_32 = arith.muli %arg1, %mul3A_31 : i32
      %mul3A_33 = arith.constant 80 : i32
      %mul3A_34 = arith.muli %scan3A_29, %mul3A_33 : i32
      %add3A_35 = arith.addi %mul3A_32, %mul3A_34 : i32
      "tpu.region"() ({
        %run_scoped3A = tpu.sem_alloc : memref<!tpu.dma_semaphore, #tpu.memory_space<semaphore_mem>>
        %dma_start3A = arith.constant 0 : i32
        %dma_start3A_37 = tpu.memref_slice %arg21[%add3A_35, %dma_start3A] : memref<10240x128xf32, #tpu.memory_space<vmem_shared>> -> memref<80x128xf32, #tpu.memory_space<vmem_shared>>
        %dma_start3A_38 = arith.constant 0 : i32
        %dma_start3A_39 = tpu.memref_slice %arg21[%add3A_35, %dma_start3A_38] : memref<10240x128xf32, #tpu.memory_space<vmem_shared>> -> memref<80x128xf32, #tpu.memory_space<vmem_shared>>
        tpu.enqueue_dma source(%arg7 : memref<80x128xf32, #tpu.memory_space<vmem>>) target(%dma_start3A_39 : memref<80x128xf32, #tpu.memory_space<vmem_shared>>) target_semaphore(%run_scoped3A : memref<!tpu.dma_semaphore, #tpu.memory_space<semaphore_mem>>)
        %dma_wait3A = arith.constant 0 : i32
        %dma_wait3A_40 = tpu.memref_slice %arg21[%add3A_35, %dma_wait3A] : memref<10240x128xf32, #tpu.memory_space<vmem_shared>> -> memref<80x128xf32, #tpu.memory_space<vmem_shared>>
        %dma_wait3A_41 = arith.constant 0 : i32
        %dma_wait3A_42 = tpu.memref_slice %arg21[%add3A_35, %dma_wait3A_41] : memref<10240x128xf32, #tpu.memory_space<vmem_shared>> -> memref<80x128xf32, #tpu.memory_space<vmem_shared>>
        tpu.wait_dma2 semaphore(%run_scoped3A : memref<!tpu.dma_semaphore, #tpu.memory_space<semaphore_mem>>) src(%arg7 : memref<80x128xf32, #tpu.memory_space<vmem>>) dst(%dma_wait3A_42 : memref<80x128xf32, #tpu.memory_space<vmem_shared>>)
        tpu.yield
      }) : () -> ()
      %scan3A_36 = arith.constant 0 : i32
      scf.yield %scan3A_36 : i32
    }
    %scan3A_14 = arith.constant 8 : i32
    %barrier3A = arith.constant 0 : index
    tpu.barrier barrier_id(%barrier3A)
    %scan3A_15 = arith.constant 0 : i32
    %scan3A_16 = arith.constant 0 : i32
    %scan3A_17 = arith.constant 25 : i32
    %scan3A_18 = arith.addi %scan3A_16, %scan3A_17 : i32
    %scan3A_19 = arith.constant 1 : i32
    %scan3A_20 = scf.for %scan3A_29 = %scan3A_16 to %scan3A_18 step %scan3A_19 iter_args(%scan3A_30 = %scan3A_15) -> (i32)  : i32 {
      %mul3A_31 = arith.constant 800 : i32
      %mul3A_32 = arith.muli %scan3A_29, %mul3A_31 : i32
      %add3A_33 = arith.addi %mul3A_0, %mul3A_32 : i32
      %add3A_34 = arith.constant 0 : i32
      %add3A_35 = arith.addi %add3A_33, %add3A_34 : i32
      %add3A_36 = arith.constant 80 : i32
      %add3A_37 = arith.addi %add3A_33, %add3A_36 : i32
      %add3A_38 = arith.constant 160 : i32
      %add3A_39 = arith.addi %add3A_33, %add3A_38 : i32
      %add3A_40 = arith.constant 240 : i32
      %add3A_41 = arith.addi %add3A_33, %add3A_40 : i32
      %add3A_42 = arith.constant 320 : i32
      %add3A_43 = arith.addi %add3A_33, %add3A_42 : i32
      %add3A_44 = arith.constant 400 : i32
      %add3A_45 = arith.addi %add3A_33, %add3A_44 : i32
      %add3A_46 = arith.constant 480 : i32
      %add3A_47 = arith.addi %add3A_33, %add3A_46 : i32
      %add3A_48 = arith.constant 560 : i32
      %add3A_49 = arith.addi %add3A_33, %add3A_48 : i32
      %add3A_50 = arith.constant 640 : i32
      %add3A_51 = arith.addi %add3A_33, %add3A_50 : i32
      %add3A_52 = arith.constant 720 : i32
      %add3A_53 = arith.addi %add3A_33, %add3A_52 : i32
      %mul3A_54 = arith.constant 2 : i32
      %mul3A_55 = arith.muli %mul3A_54, %arg0 : i32
      %add3A_56 = arith.constant 0 : i32
      %add3A_57 = arith.addi %mul3A_55, %add3A_56 : i32
      %mul3A_58 = arith.constant 320000 : i32
      %mul3A_59 = arith.muli %add3A_57, %mul3A_58 : i32
      %add3A_60 = arith.addi %mul3A_59, %add3A_33 : i32
      %mul3A_61 = arith.constant 2 : i32
      %mul3A_62 = arith.muli %mul3A_61, %arg0 : i32
      %add3A_63 = arith.constant 1 : i32
      %add3A_64 = arith.addi %mul3A_62, %add3A_63 : i32
      %mul3A_65 = arith.constant 320000 : i32
      %mul3A_66 = arith.muli %add3A_64, %mul3A_65 : i32
      %add3A_67 = arith.addi %mul3A_66, %add3A_33 : i32
      %dma_start3A = tpu.memref_slice %arg4[%add3A_33] : memref<320000xi32, #tpu.memory_space<hbm>> -> memref<800xi32, #tpu.memory_space<hbm>>
      %dma_start3A_68 = tpu.memref_slice %arg4[%add3A_33] : memref<320000xi32, #tpu.memory_space<hbm>> -> memref<800xi32, #tpu.memory_space<hbm>>
      tpu.enqueue_dma source(%dma_start3A_68 : memref<800xi32, #tpu.memory_space<hbm>>) target(%arg11 : memref<800xi32, #tpu.memory_space<vmem>>) target_semaphore(%arg20 : memref<!tpu.dma_semaphore, #tpu.memory_space<semaphore_mem>>)
      %dma_start3A_69 = arith.constant 0 : i32
      %dma_start3A_70 = arith.constant 0 : i32
      %dma_start3A_71 = tpu.memref_slice %arg13[%dma_start3A_69, %dma_start3A_70] : memref<10x80xi32, #tpu.memory_space<vmem>> -> memref<1x80xi32, #tpu.memory_space<vmem>>
      %dma_start3A_72 = tpu.memref_squeeze %dma_start3A_71 : memref<1x80xi32, #tpu.memory_space<vmem>> -> memref<80xi32, #tpu.memory_space<vmem>>
      %dma_start3A_73 = tpu.memref_slice %arg5[%add3A_35] : memref<320000xi32, #tpu.memory_space<hbm>> -> memref<80xi32, #tpu.memory_space<hbm>>
      %dma_start3A_74 = arith.constant 0 : i32
      %dma_start3A_75 = tpu.memref_slice %arg13[%dma_start3A_69, %dma_start3A_74] : memref<10x80xi32, #tpu.memory_space<vmem>> -> memref<1x80xi32, #tpu.memory_space<vmem>>
      %dma_start3A_76 = tpu.memref_squeeze %dma_start3A_75 : memref<1x80xi32, #tpu.memory_space<vmem>> -> memref<80xi32, #tpu.memory_space<vmem>>
      %dma_start3A_77 = tpu.memref_slice %arg5[%add3A_35] : memref<320000xi32, #tpu.memory_space<hbm>> -> memref<80xi32, #tpu.memory_space<hbm>>
      tpu.enqueue_dma source(%dma_start3A_77 : memref<80xi32, #tpu.memory_space<hbm>>) target(%dma_start3A_76 : memref<80xi32, #tpu.memory_space<vmem>>) target_semaphore(%arg20 : memref<!tpu.dma_semaphore, #tpu.memory_space<semaphore_mem>>)
      %dma_start3A_78 = arith.constant 1 : i32
      %dma_start3A_79 = arith.constant 0 : i32
      %dma_start3A_80 = tpu.memref_slice %arg13[%dma_start3A_78, %dma_start3A_79] : memref<10x80xi32, #tpu.memory_space<vmem>> -> memref<1x80xi32, #tpu.memory_space<vmem>>
      %dma_start3A_81 = tpu.memref_squeeze %dma_start3A_80 : memref<1x80xi32, #tpu.memory_space<vmem>> -> memref<80xi32, #tpu.memory_space<vmem>>
      %dma_start3A_82 = tpu.memref_slice %arg5[%add3A_37] : memref<320000xi32, #tpu.memory_space<hbm>> -> memref<80xi32, #tpu.memory_space<hbm>>
      %dma_start3A_83 = arith.constant 0 : i32
      %dma_start3A_84 = tpu.memref_slice %arg13[%dma_start3A_78, %dma_start3A_83] : memref<10x80xi32, #tpu.memory_space<vmem>> -> memref<1x80xi32, #tpu.memory_space<vmem>>
      %dma_start3A_85 = tpu.memref_squeeze %dma_start3A_84 : memref<1x80xi32, #tpu.memory_space<vmem>> -> memref<80xi32, #tpu.memory_space<vmem>>
      %dma_start3A_86 = tpu.memref_slice %arg5[%add3A_37] : memref<320000xi32, #tpu.memory_space<hbm>> -> memref<80xi32, #tpu.memory_space<hbm>>
      tpu.enqueue_dma source(%dma_start3A_86 : memref<80xi32, #tpu.memory_space<hbm>>) target(%dma_start3A_85 : memref<80xi32, #tpu.memory_space<vmem>>) target_semaphore(%arg20 : memref<!tpu.dma_semaphore, #tpu.memory_space<semaphore_mem>>)
      %dma_start3A_87 = arith.constant 2 : i32
      %dma_start3A_88 = arith.constant 0 : i32
      %dma_start3A_89 = tpu.memref_slice %arg13[%dma_start3A_87, %dma_start3A_88] : memref<10x80xi32, #tpu.memory_space<vmem>> -> memref<1x80xi32, #tpu.memory_space<vmem>>
      %dma_start3A_90 = tpu.memref_squeeze %dma_start3A_89 : memref<1x80xi32, #tpu.memory_space<vmem>> -> memref<80xi32, #tpu.memory_space<vmem>>
      %dma_start3A_91 = tpu.memref_slice %arg5[%add3A_39] : memref<320000xi32, #tpu.memory_space<hbm>> -> memref<80xi32, #tpu.memory_space<hbm>>
      %dma_start3A_92 = arith.constant 0 : i32
      %dma_start3A_93 = tpu.memref_slice %arg13[%dma_start3A_87, %dma_start3A_92] : memref<10x80xi32, #tpu.memory_space<vmem>> -> memref<1x80xi32, #tpu.memory_space<vmem>>
      %dma_start3A_94 = tpu.memref_squeeze %dma_start3A_93 : memref<1x80xi32, #tpu.memory_space<vmem>> -> memref<80xi32, #tpu.memory_space<vmem>>
      %dma_start3A_95 = tpu.memref_slice %arg5[%add3A_39] : memref<320000xi32, #tpu.memory_space<hbm>> -> memref<80xi32, #tpu.memory_space<hbm>>
      tpu.enqueue_dma source(%dma_start3A_95 : memref<80xi32, #tpu.memory_space<hbm>>) target(%dma_start3A_94 : memref<80xi32, #tpu.memory_space<vmem>>) target_semaphore(%arg20 : memref<!tpu.dma_semaphore, #tpu.memory_space<semaphore_mem>>)
      %dma_start3A_96 = arith.constant 3 : i32
      %dma_start3A_97 = arith.constant 0 : i32
      %dma_start3A_98 = tpu.memref_slice %arg13[%dma_start3A_96, %dma_start3A_97] : memref<10x80xi32, #tpu.memory_space<vmem>> -> memref<1x80xi32, #tpu.memory_space<vmem>>
      %dma_start3A_99 = tpu.memref_squeeze %dma_start3A_98 : memref<1x80xi32, #tpu.memory_space<vmem>> -> memref<80xi32, #tpu.memory_space<vmem>>
      %dma_start3A_100 = tpu.memref_slice %arg5[%add3A_41] : memref<320000xi32, #tpu.memory_space<hbm>> -> memref<80xi32, #tpu.memory_space<hbm>>
      %dma_start3A_101 = arith.constant 0 : i32
      %dma_start3A_102 = tpu.memref_slice %arg13[%dma_start3A_96, %dma_start3A_101] : memref<10x80xi32, #tpu.memory_space<vmem>> -> memref<1x80xi32, #tpu.memory_space<vmem>>
      %dma_start3A_103 = tpu.memref_squeeze %dma_start3A_102 : memref<1x80xi32, #tpu.memory_space<vmem>> -> memref<80xi32, #tpu.memory_space<vmem>>
      %dma_start3A_104 = tpu.memref_slice %arg5[%add3A_41] : memref<320000xi32, #tpu.memory_space<hbm>> -> memref<80xi32, #tpu.memory_space<hbm>>
      tpu.enqueue_dma source(%dma_start3A_104 : memref<80xi32, #tpu.memory_space<hbm>>) target(%dma_start3A_103 : memref<80xi32, #tpu.memory_space<vmem>>) target_semaphore(%arg20 : memref<!tpu.dma_semaphore, #tpu.memory_space<semaphore_mem>>)
      %dma_start3A_105 = arith.constant 4 : i32
      %dma_start3A_106 = arith.constant 0 : i32
      %dma_start3A_107 = tpu.memref_slice %arg13[%dma_start3A_105, %dma_start3A_106] : memref<10x80xi32, #tpu.memory_space<vmem>> -> memref<1x80xi32, #tpu.memory_space<vmem>>
      %dma_start3A_108 = tpu.memref_squeeze %dma_start3A_107 : memref<1x80xi32, #tpu.memory_space<vmem>> -> memref<80xi32, #tpu.memory_space<vmem>>
      %dma_start3A_109 = tpu.memref_slice %arg5[%add3A_43] : memref<320000xi32, #tpu.memory_space<hbm>> -> memref<80xi32, #tpu.memory_space<hbm>>
      %dma_start3A_110 = arith.constant 0 : i32
      %dma_start3A_111 = tpu.memref_slice %arg13[%dma_start3A_105, %dma_start3A_110] : memref<10x80xi32, #tpu.memory_space<vmem>> -> memref<1x80xi32, #tpu.memory_space<vmem>>
      %dma_start3A_112 = tpu.memref_squeeze %dma_start3A_111 : memref<1x80xi32, #tpu.memory_space<vmem>> -> memref<80xi32, #tpu.memory_space<vmem>>
      %dma_start3A_113 = tpu.memref_slice %arg5[%add3A_43] : memref<320000xi32, #tpu.memory_space<hbm>> -> memref<80xi32, #tpu.memory_space<hbm>>
      tpu.enqueue_dma source(%dma_start3A_113 : memref<80xi32, #tpu.memory_space<hbm>>) target(%dma_start3A_112 : memref<80xi32, #tpu.memory_space<vmem>>) target_semaphore(%arg20 : memref<!tpu.dma_semaphore, #tpu.memory_space<semaphore_mem>>)
      %dma_start3A_114 = arith.constant 5 : i32
      %dma_start3A_115 = arith.constant 0 : i32
      %dma_start3A_116 = tpu.memref_slice %arg13[%dma_start3A_114, %dma_start3A_115] : memref<10x80xi32, #tpu.memory_space<vmem>> -> memref<1x80xi32, #tpu.memory_space<vmem>>
      %dma_start3A_117 = tpu.memref_squeeze %dma_start3A_116 : memref<1x80xi32, #tpu.memory_space<vmem>> -> memref<80xi32, #tpu.memory_space<vmem>>
      %dma_start3A_118 = tpu.memref_slice %arg5[%add3A_45] : memref<320000xi32, #tpu.memory_space<hbm>> -> memref<80xi32, #tpu.memory_space<hbm>>
      %dma_start3A_119 = arith.constant 0 : i32
      %dma_start3A_120 = tpu.memref_slice %arg13[%dma_start3A_114, %dma_start3A_119] : memref<10x80xi32, #tpu.memory_space<vmem>> -> memref<1x80xi32, #tpu.memory_space<vmem>>
      %dma_start3A_121 = tpu.memref_squeeze %dma_start3A_120 : memref<1x80xi32, #tpu.memory_space<vmem>> -> memref<80xi32, #tpu.memory_space<vmem>>
      %dma_start3A_122 = tpu.memref_slice %arg5[%add3A_45] : memref<320000xi32, #tpu.memory_space<hbm>> -> memref<80xi32, #tpu.memory_space<hbm>>
      tpu.enqueue_dma source(%dma_start3A_122 : memref<80xi32, #tpu.memory_space<hbm>>) target(%dma_start3A_121 : memref<80xi32, #tpu.memory_space<vmem>>) target_semaphore(%arg20 : memref<!tpu.dma_semaphore, #tpu.memory_space<semaphore_mem>>)
      %dma_start3A_123 = arith.constant 6 : i32
      %dma_start3A_124 = arith.constant 0 : i32
      %dma_start3A_125 = tpu.memref_slice %arg13[%dma_start3A_123, %dma_start3A_124] : memref<10x80xi32, #tpu.memory_space<vmem>> -> memref<1x80xi32, #tpu.memory_space<vmem>>
      %dma_start3A_126 = tpu.memref_squeeze %dma_start3A_125 : memref<1x80xi32, #tpu.memory_space<vmem>> -> memref<80xi32, #tpu.memory_space<vmem>>
      %dma_start3A_127 = tpu.memref_slice %arg5[%add3A_47] : memref<320000xi32, #tpu.memory_space<hbm>> -> memref<80xi32, #tpu.memory_space<hbm>>
      %dma_start3A_128 = arith.constant 0 : i32
      %dma_start3A_129 = tpu.memref_slice %arg13[%dma_start3A_123, %dma_start3A_128] : memref<10x80xi32, #tpu.memory_space<vmem>> -> memref<1x80xi32, #tpu.memory_space<vmem>>
      %dma_start3A_130 = tpu.memref_squeeze %dma_start3A_129 : memref<1x80xi32, #tpu.memory_space<vmem>> -> memref<80xi32, #tpu.memory_space<vmem>>
      %dma_start3A_131 = tpu.memref_slice %arg5[%add3A_47] : memref<320000xi32, #tpu.memory_space<hbm>> -> memref<80xi32, #tpu.memory_space<hbm>>
      tpu.enqueue_dma source(%dma_start3A_131 : memref<80xi32, #tpu.memory_space<hbm>>) target(%dma_start3A_130 : memref<80xi32, #tpu.memory_space<vmem>>) target_semaphore(%arg20 : memref<!tpu.dma_semaphore, #tpu.memory_space<semaphore_mem>>)
      %dma_start3A_132 = arith.constant 7 : i32
      %dma_start3A_133 = arith.constant 0 : i32
      %dma_start3A_134 = tpu.memref_slice %arg13[%dma_start3A_132, %dma_start3A_133] : memref<10x80xi32, #tpu.memory_space<vmem>> -> memref<1x80xi32, #tpu.memory_space<vmem>>
      %dma_start3A_135 = tpu.memref_squeeze %dma_start3A_134 : memref<1x80xi32, #tpu.memory_space<vmem>> -> memref<80xi32, #tpu.memory_space<vmem>>
      %dma_start3A_136 = tpu.memref_slice %arg5[%add3A_49] : memref<320000xi32, #tpu.memory_space<hbm>> -> memref<80xi32, #tpu.memory_space<hbm>>
      %dma_start3A_137 = arith.constant 0 : i32
      %dma_start3A_138 = tpu.memref_slice %arg13[%dma_start3A_132, %dma_start3A_137] : memref<10x80xi32, #tpu.memory_space<vmem>> -> memref<1x80xi32, #tpu.memory_space<vmem>>
      %dma_start3A_139 = tpu.memref_squeeze %dma_start3A_138 : memref<1x80xi32, #tpu.memory_space<vmem>> -> memref<80xi32, #tpu.memory_space<vmem>>
      %dma_start3A_140 = tpu.memref_slice %arg5[%add3A_49] : memref<320000xi32, #tpu.memory_space<hbm>> -> memref<80xi32, #tpu.memory_space<hbm>>
      tpu.enqueue_dma source(%dma_start3A_140 : memref<80xi32, #tpu.memory_space<hbm>>) target(%dma_start3A_139 : memref<80xi32, #tpu.memory_space<vmem>>) target_semaphore(%arg20 : memref<!tpu.dma_semaphore, #tpu.memory_space<semaphore_mem>>)
      %dma_start3A_141 = arith.constant 8 : i32
      %dma_start3A_142 = arith.constant 0 : i32
      %dma_start3A_143 = tpu.memref_slice %arg13[%dma_start3A_141, %dma_start3A_142] : memref<10x80xi32, #tpu.memory_space<vmem>> -> memref<1x80xi32, #tpu.memory_space<vmem>>
      %dma_start3A_144 = tpu.memref_squeeze %dma_start3A_143 : memref<1x80xi32, #tpu.memory_space<vmem>> -> memref<80xi32, #tpu.memory_space<vmem>>
      %dma_start3A_145 = tpu.memref_slice %arg5[%add3A_51] : memref<320000xi32, #tpu.memory_space<hbm>> -> memref<80xi32, #tpu.memory_space<hbm>>
      %dma_start3A_146 = arith.constant 0 : i32
      %dma_start3A_147 = tpu.memref_slice %arg13[%dma_start3A_141, %dma_start3A_146] : memref<10x80xi32, #tpu.memory_space<vmem>> -> memref<1x80xi32, #tpu.memory_space<vmem>>
      %dma_start3A_148 = tpu.memref_squeeze %dma_start3A_147 : memref<1x80xi32, #tpu.memory_space<vmem>> -> memref<80xi32, #tpu.memory_space<vmem>>
      %dma_start3A_149 = tpu.memref_slice %arg5[%add3A_51] : memref<320000xi32, #tpu.memory_space<hbm>> -> memref<80xi32, #tpu.memory_space<hbm>>
      tpu.enqueue_dma source(%dma_start3A_149 : memref<80xi32, #tpu.memory_space<hbm>>) target(%dma_start3A_148 : memref<80xi32, #tpu.memory_space<vmem>>) target_semaphore(%arg20 : memref<!tpu.dma_semaphore, #tpu.memory_space<semaphore_mem>>)
      %dma_start3A_150 = arith.constant 9 : i32
      %dma_start3A_151 = arith.constant 0 : i32
      %dma_start3A_152 = tpu.memref_slice %arg13[%dma_start3A_150, %dma_start3A_151] : memref<10x80xi32, #tpu.memory_space<vmem>> -> memref<1x80xi32, #tpu.memory_space<vmem>>
      %dma_start3A_153 = tpu.memref_squeeze %dma_start3A_152 : memref<1x80xi32, #tpu.memory_space<vmem>> -> memref<80xi32, #tpu.memory_space<vmem>>
      %dma_start3A_154 = tpu.memref_slice %arg5[%add3A_53] : memref<320000xi32, #tpu.memory_space<hbm>> -> memref<80xi32, #tpu.memory_space<hbm>>
      %dma_start3A_155 = arith.constant 0 : i32
      %dma_start3A_156 = tpu.memref_slice %arg13[%dma_start3A_150, %dma_start3A_155] : memref<10x80xi32, #tpu.memory_space<vmem>> -> memref<1x80xi32, #tpu.memory_space<vmem>>
      %dma_start3A_157 = tpu.memref_squeeze %dma_start3A_156 : memref<1x80xi32, #tpu.memory_space<vmem>> -> memref<80xi32, #tpu.memory_space<vmem>>
      %dma_start3A_158 = tpu.memref_slice %arg5[%add3A_53] : memref<320000xi32, #tpu.memory_space<hbm>> -> memref<80xi32, #tpu.memory_space<hbm>>
      tpu.enqueue_dma source(%dma_start3A_158 : memref<80xi32, #tpu.memory_space<hbm>>) target(%dma_start3A_157 : memref<80xi32, #tpu.memory_space<vmem>>) target_semaphore(%arg20 : memref<!tpu.dma_semaphore, #tpu.memory_space<semaphore_mem>>)
      %dma_start3A_159 = tpu.memref_slice %arg3[%add3A_60] : memref<1280000xf32, #tpu.memory_space<hbm>> -> memref<800xf32, #tpu.memory_space<hbm>>
      %dma_start3A_160 = tpu.memref_slice %arg3[%add3A_60] : memref<1280000xf32, #tpu.memory_space<hbm>> -> memref<800xf32, #tpu.memory_space<hbm>>
      tpu.enqueue_dma source(%dma_start3A_160 : memref<800xf32, #tpu.memory_space<hbm>>) target(%arg14 : memref<800xf32, #tpu.memory_space<vmem>>) target_semaphore(%arg20 : memref<!tpu.dma_semaphore, #tpu.memory_space<semaphore_mem>>)
      %dma_start3A_161 = tpu.memref_slice %arg3[%add3A_67] : memref<1280000xf32, #tpu.memory_space<hbm>> -> memref<800xf32, #tpu.memory_space<hbm>>
      %dma_start3A_162 = tpu.memref_slice %arg3[%add3A_67] : memref<1280000xf32, #tpu.memory_space<hbm>> -> memref<800xf32, #tpu.memory_space<hbm>>
      tpu.enqueue_dma source(%dma_start3A_162 : memref<800xf32, #tpu.memory_space<hbm>>) target(%arg15 : memref<800xf32, #tpu.memory_space<vmem>>) target_semaphore(%arg20 : memref<!tpu.dma_semaphore, #tpu.memory_space<semaphore_mem>>)
      %dma_wait3A = tpu.memref_slice %arg4[%add3A_33] : memref<320000xi32, #tpu.memory_space<hbm>> -> memref<800xi32, #tpu.memory_space<hbm>>
      %dma_wait3A_163 = tpu.memref_slice %arg4[%add3A_33] : memref<320000xi32, #tpu.memory_space<hbm>> -> memref<800xi32, #tpu.memory_space<hbm>>
      tpu.wait_dma2 semaphore(%arg20 : memref<!tpu.dma_semaphore, #tpu.memory_space<semaphore_mem>>) src(%dma_wait3A_163 : memref<800xi32, #tpu.memory_space<hbm>>) dst(%arg11 : memref<800xi32, #tpu.memory_space<vmem>>)
      %dma_wait3A_164 = arith.constant 0 : i32
      %dma_wait3A_165 = arith.constant 0 : i32
      %dma_wait3A_166 = tpu.memref_slice %arg13[%dma_wait3A_164, %dma_wait3A_165] : memref<10x80xi32, #tpu.memory_space<vmem>> -> memref<1x80xi32, #tpu.memory_space<vmem>>
      %dma_wait3A_167 = tpu.memref_squeeze %dma_wait3A_166 : memref<1x80xi32, #tpu.memory_space<vmem>> -> memref<80xi32, #tpu.memory_space<vmem>>
      %dma_wait3A_168 = tpu.memref_slice %arg5[%add3A_35] : memref<320000xi32, #tpu.memory_space<hbm>> -> memref<80xi32, #tpu.memory_space<hbm>>
      %dma_wait3A_169 = arith.constant 0 : i32
      %dma_wait3A_170 = tpu.memref_slice %arg13[%dma_wait3A_164, %dma_wait3A_169] : memref<10x80xi32, #tpu.memory_space<vmem>> -> memref<1x80xi32, #tpu.memory_space<vmem>>
      %dma_wait3A_171 = tpu.memref_squeeze %dma_wait3A_170 : memref<1x80xi32, #tpu.memory_space<vmem>> -> memref<80xi32, #tpu.memory_space<vmem>>
      %dma_wait3A_172 = tpu.memref_slice %arg5[%add3A_35] : memref<320000xi32, #tpu.memory_space<hbm>> -> memref<80xi32, #tpu.memory_space<hbm>>
      tpu.wait_dma2 semaphore(%arg20 : memref<!tpu.dma_semaphore, #tpu.memory_space<semaphore_mem>>) src(%dma_wait3A_172 : memref<80xi32, #tpu.memory_space<hbm>>) dst(%dma_wait3A_171 : memref<80xi32, #tpu.memory_space<vmem>>)
      %dma_wait3A_173 = arith.constant 1 : i32
      %dma_wait3A_174 = arith.constant 0 : i32
      %dma_wait3A_175 = tpu.memref_slice %arg13[%dma_wait3A_173, %dma_wait3A_174] : memref<10x80xi32, #tpu.memory_space<vmem>> -> memref<1x80xi32, #tpu.memory_space<vmem>>
      %dma_wait3A_176 = tpu.memref_squeeze %dma_wait3A_175 : memref<1x80xi32, #tpu.memory_space<vmem>> -> memref<80xi32, #tpu.memory_space<vmem>>
      %dma_wait3A_177 = tpu.memref_slice %arg5[%add3A_37] : memref<320000xi32, #tpu.memory_space<hbm>> -> memref<80xi32, #tpu.memory_space<hbm>>
      %dma_wait3A_178 = arith.constant 0 : i32
      %dma_wait3A_179 = tpu.memref_slice %arg13[%dma_wait3A_173, %dma_wait3A_178] : memref<10x80xi32, #tpu.memory_space<vmem>> -> memref<1x80xi32, #tpu.memory_space<vmem>>
      %dma_wait3A_180 = tpu.memref_squeeze %dma_wait3A_179 : memref<1x80xi32, #tpu.memory_space<vmem>> -> memref<80xi32, #tpu.memory_space<vmem>>
      %dma_wait3A_181 = tpu.memref_slice %arg5[%add3A_37] : memref<320000xi32, #tpu.memory_space<hbm>> -> memref<80xi32, #tpu.memory_space<hbm>>
      tpu.wait_dma2 semaphore(%arg20 : memref<!tpu.dma_semaphore, #tpu.memory_space<semaphore_mem>>) src(%dma_wait3A_181 : memref<80xi32, #tpu.memory_space<hbm>>) dst(%dma_wait3A_180 : memref<80xi32, #tpu.memory_space<vmem>>)
      %dma_wait3A_182 = arith.constant 2 : i32
      %dma_wait3A_183 = arith.constant 0 : i32
      %dma_wait3A_184 = tpu.memref_slice %arg13[%dma_wait3A_182, %dma_wait3A_183] : memref<10x80xi32, #tpu.memory_space<vmem>> -> memref<1x80xi32, #tpu.memory_space<vmem>>
      %dma_wait3A_185 = tpu.memref_squeeze %dma_wait3A_184 : memref<1x80xi32, #tpu.memory_space<vmem>> -> memref<80xi32, #tpu.memory_space<vmem>>
      %dma_wait3A_186 = tpu.memref_slice %arg5[%add3A_39] : memref<320000xi32, #tpu.memory_space<hbm>> -> memref<80xi32, #tpu.memory_space<hbm>>
      %dma_wait3A_187 = arith.constant 0 : i32
      %dma_wait3A_188 = tpu.memref_slice %arg13[%dma_wait3A_182, %dma_wait3A_187] : memref<10x80xi32, #tpu.memory_space<vmem>> -> memref<1x80xi32, #tpu.memory_space<vmem>>
      %dma_wait3A_189 = tpu.memref_squeeze %dma_wait3A_188 : memref<1x80xi32, #tpu.memory_space<vmem>> -> memref<80xi32, #tpu.memory_space<vmem>>
      %dma_wait3A_190 = tpu.memref_slice %arg5[%add3A_39] : memref<320000xi32, #tpu.memory_space<hbm>> -> memref<80xi32, #tpu.memory_space<hbm>>
      tpu.wait_dma2 semaphore(%arg20 : memref<!tpu.dma_semaphore, #tpu.memory_space<semaphore_mem>>) src(%dma_wait3A_190 : memref<80xi32, #tpu.memory_space<hbm>>) dst(%dma_wait3A_189 : memref<80xi32, #tpu.memory_space<vmem>>)
      %dma_wait3A_191 = arith.constant 3 : i32
      %dma_wait3A_192 = arith.constant 0 : i32
      %dma_wait3A_193 = tpu.memref_slice %arg13[%dma_wait3A_191, %dma_wait3A_192] : memref<10x80xi32, #tpu.memory_space<vmem>> -> memref<1x80xi32, #tpu.memory_space<vmem>>
      %dma_wait3A_194 = tpu.memref_squeeze %dma_wait3A_193 : memref<1x80xi32, #tpu.memory_space<vmem>> -> memref<80xi32, #tpu.memory_space<vmem>>
      %dma_wait3A_195 = tpu.memref_slice %arg5[%add3A_41] : memref<320000xi32, #tpu.memory_space<hbm>> -> memref<80xi32, #tpu.memory_space<hbm>>
      %dma_wait3A_196 = arith.constant 0 : i32
      %dma_wait3A_197 = tpu.memref_slice %arg13[%dma_wait3A_191, %dma_wait3A_196] : memref<10x80xi32, #tpu.memory_space<vmem>> -> memref<1x80xi32, #tpu.memory_space<vmem>>
      %dma_wait3A_198 = tpu.memref_squeeze %dma_wait3A_197 : memref<1x80xi32, #tpu.memory_space<vmem>> -> memref<80xi32, #tpu.memory_space<vmem>>
      %dma_wait3A_199 = tpu.memref_slice %arg5[%add3A_41] : memref<320000xi32, #tpu.memory_space<hbm>> -> memref<80xi32, #tpu.memory_space<hbm>>
      tpu.wait_dma2 semaphore(%arg20 : memref<!tpu.dma_semaphore, #tpu.memory_space<semaphore_mem>>) src(%dma_wait3A_199 : memref<80xi32, #tpu.memory_space<hbm>>) dst(%dma_wait3A_198 : memref<80xi32, #tpu.memory_space<vmem>>)
      %dma_wait3A_200 = arith.constant 4 : i32
      %dma_wait3A_201 = arith.constant 0 : i32
      %dma_wait3A_202 = tpu.memref_slice %arg13[%dma_wait3A_200, %dma_wait3A_201] : memref<10x80xi32, #tpu.memory_space<vmem>> -> memref<1x80xi32, #tpu.memory_space<vmem>>
      %dma_wait3A_203 = tpu.memref_squeeze %dma_wait3A_202 : memref<1x80xi32, #tpu.memory_space<vmem>> -> memref<80xi32, #tpu.memory_space<vmem>>
      %dma_wait3A_204 = tpu.memref_slice %arg5[%add3A_43] : memref<320000xi32, #tpu.memory_space<hbm>> -> memref<80xi32, #tpu.memory_space<hbm>>
      %dma_wait3A_205 = arith.constant 0 : i32
      %dma_wait3A_206 = tpu.memref_slice %arg13[%dma_wait3A_200, %dma_wait3A_205] : memref<10x80xi32, #tpu.memory_space<vmem>> -> memref<1x80xi32, #tpu.memory_space<vmem>>
      %dma_wait3A_207 = tpu.memref_squeeze %dma_wait3A_206 : memref<1x80xi32, #tpu.memory_space<vmem>> -> memref<80xi32, #tpu.memory_space<vmem>>
      %dma_wait3A_208 = tpu.memref_slice %arg5[%add3A_43] : memref<320000xi32, #tpu.memory_space<hbm>> -> memref<80xi32, #tpu.memory_space<hbm>>
      tpu.wait_dma2 semaphore(%arg20 : memref<!tpu.dma_semaphore, #tpu.memory_space<semaphore_mem>>) src(%dma_wait3A_208 : memref<80xi32, #tpu.memory_space<hbm>>) dst(%dma_wait3A_207 : memref<80xi32, #tpu.memory_space<vmem>>)
      %dma_wait3A_209 = arith.constant 5 : i32
      %dma_wait3A_210 = arith.constant 0 : i32
      %dma_wait3A_211 = tpu.memref_slice %arg13[%dma_wait3A_209, %dma_wait3A_210] : memref<10x80xi32, #tpu.memory_space<vmem>> -> memref<1x80xi32, #tpu.memory_space<vmem>>
      %dma_wait3A_212 = tpu.memref_squeeze %dma_wait3A_211 : memref<1x80xi32, #tpu.memory_space<vmem>> -> memref<80xi32, #tpu.memory_space<vmem>>
      %dma_wait3A_213 = tpu.memref_slice %arg5[%add3A_45] : memref<320000xi32, #tpu.memory_space<hbm>> -> memref<80xi32, #tpu.memory_space<hbm>>
      %dma_wait3A_214 = arith.constant 0 : i32
      %dma_wait3A_215 = tpu.memref_slice %arg13[%dma_wait3A_209, %dma_wait3A_214] : memref<10x80xi32, #tpu.memory_space<vmem>> -> memref<1x80xi32, #tpu.memory_space<vmem>>
      %dma_wait3A_216 = tpu.memref_squeeze %dma_wait3A_215 : memref<1x80xi32, #tpu.memory_space<vmem>> -> memref<80xi32, #tpu.memory_space<vmem>>
      %dma_wait3A_217 = tpu.memref_slice %arg5[%add3A_45] : memref<320000xi32, #tpu.memory_space<hbm>> -> memref<80xi32, #tpu.memory_space<hbm>>
      tpu.wait_dma2 semaphore(%arg20 : memref<!tpu.dma_semaphore, #tpu.memory_space<semaphore_mem>>) src(%dma_wait3A_217 : memref<80xi32, #tpu.memory_space<hbm>>) dst(%dma_wait3A_216 : memref<80xi32, #tpu.memory_space<vmem>>)
      %dma_wait3A_218 = arith.constant 6 : i32
      %dma_wait3A_219 = arith.constant 0 : i32
      %dma_wait3A_220 = tpu.memref_slice %arg13[%dma_wait3A_218, %dma_wait3A_219] : memref<10x80xi32, #tpu.memory_space<vmem>> -> memref<1x80xi32, #tpu.memory_space<vmem>>
      %dma_wait3A_221 = tpu.memref_squeeze %dma_wait3A_220 : memref<1x80xi32, #tpu.memory_space<vmem>> -> memref<80xi32, #tpu.memory_space<vmem>>
      %dma_wait3A_222 = tpu.memref_slice %arg5[%add3A_47] : memref<320000xi32, #tpu.memory_space<hbm>> -> memref<80xi32, #tpu.memory_space<hbm>>
      %dma_wait3A_223 = arith.constant 0 : i32
      %dma_wait3A_224 = tpu.memref_slice %arg13[%dma_wait3A_218, %dma_wait3A_223] : memref<10x80xi32, #tpu.memory_space<vmem>> -> memref<1x80xi32, #tpu.memory_space<vmem>>
      %dma_wait3A_225 = tpu.memref_squeeze %dma_wait3A_224 : memref<1x80xi32, #tpu.memory_space<vmem>> -> memref<80xi32, #tpu.memory_space<vmem>>
      %dma_wait3A_226 = tpu.memref_slice %arg5[%add3A_47] : memref<320000xi32, #tpu.memory_space<hbm>> -> memref<80xi32, #tpu.memory_space<hbm>>
      tpu.wait_dma2 semaphore(%arg20 : memref<!tpu.dma_semaphore, #tpu.memory_space<semaphore_mem>>) src(%dma_wait3A_226 : memref<80xi32, #tpu.memory_space<hbm>>) dst(%dma_wait3A_225 : memref<80xi32, #tpu.memory_space<vmem>>)
      %dma_wait3A_227 = arith.constant 7 : i32
      %dma_wait3A_228 = arith.constant 0 : i32
      %dma_wait3A_229 = tpu.memref_slice %arg13[%dma_wait3A_227, %dma_wait3A_228] : memref<10x80xi32, #tpu.memory_space<vmem>> -> memref<1x80xi32, #tpu.memory_space<vmem>>
      %dma_wait3A_230 = tpu.memref_squeeze %dma_wait3A_229 : memref<1x80xi32, #tpu.memory_space<vmem>> -> memref<80xi32, #tpu.memory_space<vmem>>
      %dma_wait3A_231 = tpu.memref_slice %arg5[%add3A_49] : memref<320000xi32, #tpu.memory_space<hbm>> -> memref<80xi32, #tpu.memory_space<hbm>>
      %dma_wait3A_232 = arith.constant 0 : i32
      %dma_wait3A_233 = tpu.memref_slice %arg13[%dma_wait3A_227, %dma_wait3A_232] : memref<10x80xi32, #tpu.memory_space<vmem>> -> memref<1x80xi32, #tpu.memory_space<vmem>>
      %dma_wait3A_234 = tpu.memref_squeeze %dma_wait3A_233 : memref<1x80xi32, #tpu.memory_space<vmem>> -> memref<80xi32, #tpu.memory_space<vmem>>
      %dma_wait3A_235 = tpu.memref_slice %arg5[%add3A_49] : memref<320000xi32, #tpu.memory_space<hbm>> -> memref<80xi32, #tpu.memory_space<hbm>>
      tpu.wait_dma2 semaphore(%arg20 : memref<!tpu.dma_semaphore, #tpu.memory_space<semaphore_mem>>) src(%dma_wait3A_235 : memref<80xi32, #tpu.memory_space<hbm>>) dst(%dma_wait3A_234 : memref<80xi32, #tpu.memory_space<vmem>>)
      %dma_wait3A_236 = arith.constant 8 : i32
      %dma_wait3A_237 = arith.constant 0 : i32
      %dma_wait3A_238 = tpu.memref_slice %arg13[%dma_wait3A_236, %dma_wait3A_237] : memref<10x80xi32, #tpu.memory_space<vmem>> -> memref<1x80xi32, #tpu.memory_space<vmem>>
      %dma_wait3A_239 = tpu.memref_squeeze %dma_wait3A_238 : memref<1x80xi32, #tpu.memory_space<vmem>> -> memref<80xi32, #tpu.memory_space<vmem>>
      %dma_wait3A_240 = tpu.memref_slice %arg5[%add3A_51] : memref<320000xi32, #tpu.memory_space<hbm>> -> memref<80xi32, #tpu.memory_space<hbm>>
      %dma_wait3A_241 = arith.constant 0 : i32
      %dma_wait3A_242 = tpu.memref_slice %arg13[%dma_wait3A_236, %dma_wait3A_241] : memref<10x80xi32, #tpu.memory_space<vmem>> -> memref<1x80xi32, #tpu.memory_space<vmem>>
      %dma_wait3A_243 = tpu.memref_squeeze %dma_wait3A_242 : memref<1x80xi32, #tpu.memory_space<vmem>> -> memref<80xi32, #tpu.memory_space<vmem>>
      %dma_wait3A_244 = tpu.memref_slice %arg5[%add3A_51] : memref<320000xi32, #tpu.memory_space<hbm>> -> memref<80xi32, #tpu.memory_space<hbm>>
      tpu.wait_dma2 semaphore(%arg20 : memref<!tpu.dma_semaphore, #tpu.memory_space<semaphore_mem>>) src(%dma_wait3A_244 : memref<80xi32, #tpu.memory_space<hbm>>) dst(%dma_wait3A_243 : memref<80xi32, #tpu.memory_space<vmem>>)
      %dma_wait3A_245 = arith.constant 9 : i32
      %dma_wait3A_246 = arith.constant 0 : i32
      %dma_wait3A_247 = tpu.memref_slice %arg13[%dma_wait3A_245, %dma_wait3A_246] : memref<10x80xi32, #tpu.memory_space<vmem>> -> memref<1x80xi32, #tpu.memory_space<vmem>>
      %dma_wait3A_248 = tpu.memref_squeeze %dma_wait3A_247 : memref<1x80xi32, #tpu.memory_space<vmem>> -> memref<80xi32, #tpu.memory_space<vmem>>
      %dma_wait3A_249 = tpu.memref_slice %arg5[%add3A_53] : memref<320000xi32, #tpu.memory_space<hbm>> -> memref<80xi32, #tpu.memory_space<hbm>>
      %dma_wait3A_250 = arith.constant 0 : i32
      %dma_wait3A_251 = tpu.memref_slice %arg13[%dma_wait3A_245, %dma_wait3A_250] : memref<10x80xi32, #tpu.memory_space<vmem>> -> memref<1x80xi32, #tpu.memory_space<vmem>>
      %dma_wait3A_252 = tpu.memref_squeeze %dma_wait3A_251 : memref<1x80xi32, #tpu.memory_space<vmem>> -> memref<80xi32, #tpu.memory_space<vmem>>
      %dma_wait3A_253 = tpu.memref_slice %arg5[%add3A_53] : memref<320000xi32, #tpu.memory_space<hbm>> -> memref<80xi32, #tpu.memory_space<hbm>>
      tpu.wait_dma2 semaphore(%arg20 : memref<!tpu.dma_semaphore, #tpu.memory_space<semaphore_mem>>) src(%dma_wait3A_253 : memref<80xi32, #tpu.memory_space<hbm>>) dst(%dma_wait3A_252 : memref<80xi32, #tpu.memory_space<vmem>>)
      %dma_wait3A_254 = tpu.memref_slice %arg3[%add3A_60] : memref<1280000xf32, #tpu.memory_space<hbm>> -> memref<800xf32, #tpu.memory_space<hbm>>
      %dma_wait3A_255 = tpu.memref_slice %arg3[%add3A_60] : memref<1280000xf32, #tpu.memory_space<hbm>> -> memref<800xf32, #tpu.memory_space<hbm>>
      tpu.wait_dma2 semaphore(%arg20 : memref<!tpu.dma_semaphore, #tpu.memory_space<semaphore_mem>>) src(%dma_wait3A_255 : memref<800xf32, #tpu.memory_space<hbm>>) dst(%arg14 : memref<800xf32, #tpu.memory_space<vmem>>)
      %dma_wait3A_256 = tpu.memref_slice %arg3[%add3A_67] : memref<1280000xf32, #tpu.memory_space<hbm>> -> memref<800xf32, #tpu.memory_space<hbm>>
      %dma_wait3A_257 = tpu.memref_slice %arg3[%add3A_67] : memref<1280000xf32, #tpu.memory_space<hbm>> -> memref<800xf32, #tpu.memory_space<hbm>>
      tpu.wait_dma2 semaphore(%arg20 : memref<!tpu.dma_semaphore, #tpu.memory_space<semaphore_mem>>) src(%dma_wait3A_257 : memref<800xf32, #tpu.memory_space<hbm>>) dst(%arg15 : memref<800xf32, #tpu.memory_space<vmem>>)
      %parallel_loop3A = arith.constant 0 : i32
      %parallel_loop3A_258 = arith.constant 50 : i32
      %parallel_loop3A_259 = arith.constant 1 : i32
      scf.for %parallel_loop3A_292 = %parallel_loop3A to %parallel_loop3A_258 step %parallel_loop3A_259  : i32 {
        %parallel_loop3A_293 = arith.constant 16 : i32
        %parallel_loop3A_294 = arith.muli %parallel_loop3A_292, %parallel_loop3A_293 : i32
        %parallel_loop3A_295 = arith.index_cast %parallel_loop3A_294 : i32 to index
        %parallel_loop3A_296 = tpu.vector_load %arg11[%parallel_loop3A_295] {strides = array<i32>} : memref<800xi32, #tpu.memory_space<vmem>>, vector<16xi32>,
        %parallel_loop3A_297 = arith.constant 10000 : i32
        %parallel_loop3A_298 = arith.muli %arg0, %parallel_loop3A_297 : i32
        %parallel_loop3A_299 = vector.broadcast %parallel_loop3A_298 : i32 to vector<16xi32>
        %parallel_loop3A_300 = arith.addi %parallel_loop3A_296, %parallel_loop3A_299 : vector<16xi32>
        %parallel_loop3A_301 = arith.constant 16 : i32
        %parallel_loop3A_302 = arith.muli %parallel_loop3A_292, %parallel_loop3A_301 : i32
        %parallel_loop3A_303 = arith.index_cast %parallel_loop3A_302 : i32 to index
        %parallel_loop3A_304 = tpu.vector_load %arg12[%parallel_loop3A_303] {strides = array<i32>} : memref<800xi32, #tpu.memory_space<vmem>>, vector<16xi32>,
        tpu.vector_store %arg12[%parallel_loop3A_303], %parallel_loop3A_300 {strides = array<i32>} : memref<800xi32, #tpu.memory_space<vmem>>, vector<16xi32>,
      } {sc.loop_unroll_factor = 5 : i64, sc.parallel_access}
      %dma_start3A_260 = arith.constant 0 : i32
      %dma_start3A_261 = tpu.memref_slice %arg12[%dma_start3A_260] : memref<800xi32, #tpu.memory_space<vmem>> -> memref<80xi32, #tpu.memory_space<vmem>>
      %dma_start3A_262 = arith.constant 0 : i32
      %dma_start3A_263 = arith.constant 0 : i32
      %dma_start3A_264 = tpu.memref_slice %arg2[%dma_start3A_262, %dma_start3A_263] : memref<20000x128xf32, #tpu.memory_space<hbm>> -> memref<20000x128xf32, #tpu.memory_space<hbm>>
      tpu.enqueue_indirect_dma source(%dma_start3A_264 : memref<20000x128xf32, #tpu.memory_space<hbm>>) target(%arg7 : memref<80x128xf32, #tpu.memory_space<vmem>>) offsets(%dma_start3A_261 : memref<80xi32, #tpu.memory_space<vmem>>) semaphore(%arg16 : memref<!tpu.dma_semaphore, #tpu.memory_space<semaphore_mem>>)
      %dma_start3A_265 = arith.constant 80 : i32
      %dma_start3A_266 = tpu.memref_slice %arg12[%dma_start3A_265] : memref<800xi32, #tpu.memory_space<vmem>> -> memref<80xi32, #tpu.memory_space<vmem>>
      %dma_start3A_267 = arith.constant 0 : i32
      %dma_start3A_268 = arith.constant 0 : i32
      %dma_start3A_269 = tpu.memref_slice %arg2[%dma_start3A_267, %dma_start3A_268] : memref<20000x128xf32, #tpu.memory_space<hbm>> -> memref<20000x128xf32, #tpu.memory_space<hbm>>
      tpu.enqueue_indirect_dma source(%dma_start3A_269 : memref<20000x128xf32, #tpu.memory_space<hbm>>) target(%arg8 : memref<80x128xf32, #tpu.memory_space<vmem>>) offsets(%dma_start3A_266 : memref<80xi32, #tpu.memory_space<vmem>>) semaphore(%arg17 : memref<!tpu.dma_semaphore, #tpu.memory_space<semaphore_mem>>)
      %scan3A_270 = arith.constant 0 : i32
      %scan3A_271 = arith.constant 0 : i32
      %scan3A_272 = arith.constant 5 : i32
      %scan3A_273 = arith.addi %scan3A_271, %scan3A_272 : i32
      %scan3A_274 = arith.constant 1 : i32
      %scan3A_275 = scf.for %scan3A_292 = %scan3A_271 to %scan3A_273 step %scan3A_274 iter_args(%scan3A_293 = %scan3A_270) -> (i32)  : i32 {
        %mul3A_294 = arith.constant 2 : i32
        %mul3A_295 = arith.muli %mul3A_294, %scan3A_292 : i32
        %add3A_296 = arith.constant 0 : i32
        %add3A_297 = arith.addi %mul3A_295, %add3A_296 : i32
        %mul3A_298 = arith.constant 80 : i32
        %mul3A_299 = arith.muli %add3A_297, %mul3A_298 : i32
        %dma_wait3A_300 = tpu.memref_slice %arg12[%mul3A_299] : memref<800xi32, #tpu.memory_space<vmem>> -> memref<80xi32, #tpu.memory_space<vmem>>
        %dma_wait3A_301 = arith.constant 0 : i32
        %dma_wait3A_302 = arith.constant 0 : i32
        %dma_wait3A_303 = tpu.memref_slice %arg2[%dma_wait3A_301, %dma_wait3A_302] : memref<20000x128xf32, #tpu.memory_space<hbm>> -> memref<20000x128xf32, #tpu.memory_space<hbm>>
        tpu.wait_indirect_dma semaphore(%arg16 : memref<!tpu.dma_semaphore, #tpu.memory_space<semaphore_mem>>) src(%dma_wait3A_303 : memref<20000x128xf32, #tpu.memory_space<hbm>>) dst(%arg7 : memref<80x128xf32, #tpu.memory_space<vmem>>)
        %ge3A = arith.constant 1 : i32
        %ge3A_304 = arith.cmpi sge, %scan3A_292, %ge3A : i32
        %convert_element_type3A = arith.extui %ge3A_304 : i1 to i32
        %cond3A = arith.constant 0 : i32
        %cond3A_305 = arith.cmpi ne, %convert_element_type3A, %cond3A : i32
        scf.if %cond3A_305 {
          %sub3A = arith.constant 2 : i32
          %sub3A_353 = arith.subi %add3A_297, %sub3A : i32
          %dma_wait3A_354 = arith.constant 0 : i32
          %dma_wait3A_355 = tpu.memref_slice %arg13[%sub3A_353, %dma_wait3A_354] : memref<10x80xi32, #tpu.memory_space<vmem>> -> memref<1x80xi32, #tpu.memory_space<vmem>>
          %dma_wait3A_356 = tpu.memref_squeeze %dma_wait3A_355 : memref<1x80xi32, #tpu.memory_space<vmem>> -> memref<80xi32, #tpu.memory_space<vmem>>
          %dma_wait3A_357 = arith.constant 0 : i32
          %dma_wait3A_358 = arith.constant 0 : i32
          %dma_wait3A_359 = tpu.memref_slice %arg21[%dma_wait3A_357, %dma_wait3A_358] : memref<10240x128xf32, #tpu.memory_space<vmem_shared>> -> memref<10240x128xf32, #tpu.memory_space<vmem_shared>>
          tpu.wait_indirect_dma semaphore(%arg18 : memref<!tpu.dma_semaphore, #tpu.memory_space<semaphore_mem>>) src(%arg9 : memref<80x128xf32, #tpu.memory_space<vmem>>) dst(%dma_wait3A_359 : memref<10240x128xf32, #tpu.memory_space<vmem_shared>>)
        } else {
        }
        %parallel_loop3A_306 = arith.constant 0 : i32
        %parallel_loop3A_307 = arith.constant 80 : i32
        %parallel_loop3A_308 = arith.constant 1 : i32
        scf.for %parallel_loop3A_353 = %parallel_loop3A_306 to %parallel_loop3A_307 step %parallel_loop3A_308  : i32 {
          %parallel_loop3A_354 = arith.constant 80 : i32
          %parallel_loop3A_355 = arith.muli %add3A_297, %parallel_loop3A_354 : i32
          %parallel_loop3A_356 = arith.addi %parallel_loop3A_355, %parallel_loop3A_353 : i32
          %parallel_loop3A_357 = vector.broadcast %parallel_loop3A_356 : i32 to vector<16xi32>
          %parallel_loop3A_358 = tpu.vector_load_idx %arg14[%parallel_loop3A_357] : memref<800xf32, #tpu.memory_space<vmem>>[vector<16xi32>], vector<16xf32>,
          %parallel_loop3A_359 = arith.index_cast %parallel_loop3A_353 : i32 to index
          %parallel_loop3A_360 = arith.constant 0 : index
          %parallel_loop3A_361 = tpu.vector_load %arg7[%parallel_loop3A_359, %parallel_loop3A_360] {strides = array<i32>} : memref<80x128xf32, #tpu.memory_space<vmem>>, vector<16xf32>,
          %parallel_loop3A_362 = arith.mulf %parallel_loop3A_361, %parallel_loop3A_358 : vector<16xf32>
          %parallel_loop3A_363 = arith.index_cast %parallel_loop3A_353 : i32 to index
          %parallel_loop3A_364 = arith.constant 0 : index
          %parallel_loop3A_365 = tpu.vector_load %arg9[%parallel_loop3A_363, %parallel_loop3A_364] {strides = array<i32>} : memref<80x128xf32, #tpu.memory_space<vmem>>, vector<16xf32>,
          tpu.vector_store %arg9[%parallel_loop3A_363, %parallel_loop3A_364], %parallel_loop3A_362 {strides = array<i32>} : memref<80x128xf32, #tpu.memory_space<vmem>>, vector<16xf32>,
          %parallel_loop3A_366 = arith.index_cast %parallel_loop3A_353 : i32 to index
          %parallel_loop3A_367 = arith.constant 16 : index
          %parallel_loop3A_368 = tpu.vector_load %arg7[%parallel_loop3A_366, %parallel_loop3A_367] {strides = array<i32>} : memref<80x128xf32, #tpu.memory_space<vmem>>, vector<16xf32>,
          %parallel_loop3A_369 = arith.mulf %parallel_loop3A_368, %parallel_loop3A_358 : vector<16xf32>
          %parallel_loop3A_370 = arith.index_cast %parallel_loop3A_353 : i32 to index
          %parallel_loop3A_371 = arith.constant 16 : index
          %parallel_loop3A_372 = tpu.vector_load %arg9[%parallel_loop3A_370, %parallel_loop3A_371] {strides = array<i32>} : memref<80x128xf32, #tpu.memory_space<vmem>>, vector<16xf32>,
          tpu.vector_store %arg9[%parallel_loop3A_370, %parallel_loop3A_371], %parallel_loop3A_369 {strides = array<i32>} : memref<80x128xf32, #tpu.memory_space<vmem>>, vector<16xf32>,
          %parallel_loop3A_373 = arith.index_cast %parallel_loop3A_353 : i32 to index
          %parallel_loop3A_374 = arith.constant 32 : index
          %parallel_loop3A_375 = tpu.vector_load %arg7[%parallel_loop3A_373, %parallel_loop3A_374] {strides = array<i32>} : memref<80x128xf32, #tpu.memory_space<vmem>>, vector<16xf32>,
          %parallel_loop3A_376 = arith.mulf %parallel_loop3A_375, %parallel_loop3A_358 : vector<16xf32>
          %parallel_loop3A_377 = arith.index_cast %parallel_loop3A_353 : i32 to index
          %parallel_loop3A_378 = arith.constant 32 : index
          %parallel_loop3A_379 = tpu.vector_load %arg9[%parallel_loop3A_377, %parallel_loop3A_378] {strides = array<i32>} : memref<80x128xf32, #tpu.memory_space<vmem>>, vector<16xf32>,
          tpu.vector_store %arg9[%parallel_loop3A_377, %parallel_loop3A_378], %parallel_loop3A_376 {strides = array<i32>} : memref<80x128xf32, #tpu.memory_space<vmem>>, vector<16xf32>,
          %parallel_loop3A_380 = arith.index_cast %parallel_loop3A_353 : i32 to index
          %parallel_loop3A_381 = arith.constant 48 : index
          %parallel_loop3A_382 = tpu.vector_load %arg7[%parallel_loop3A_380, %parallel_loop3A_381] {strides = array<i32>} : memref<80x128xf32, #tpu.memory_space<vmem>>, vector<16xf32>,
          %parallel_loop3A_383 = arith.mulf %parallel_loop3A_382, %parallel_loop3A_358 : vector<16xf32>
          %parallel_loop3A_384 = arith.index_cast %parallel_loop3A_353 : i32 to index
          %parallel_loop3A_385 = arith.constant 48 : index
          %parallel_loop3A_386 = tpu.vector_load %arg9[%parallel_loop3A_384, %parallel_loop3A_385] {strides = array<i32>} : memref<80x128xf32, #tpu.memory_space<vmem>>, vector<16xf32>,
          tpu.vector_store %arg9[%parallel_loop3A_384, %parallel_loop3A_385], %parallel_loop3A_383 {strides = array<i32>} : memref<80x128xf32, #tpu.memory_space<vmem>>, vector<16xf32>,
          %parallel_loop3A_387 = tpu.vector_load_idx %arg15[%parallel_loop3A_357] : memref<800xf32, #tpu.memory_space<vmem>>[vector<16xi32>], vector<16xf32>,
          %parallel_loop3A_388 = arith.index_cast %parallel_loop3A_353 : i32 to index
          %parallel_loop3A_389 = arith.constant 64 : index
          %parallel_loop3A_390 = tpu.vector_load %arg7[%parallel_loop3A_388, %parallel_loop3A_389] {strides = array<i32>} : memref<80x128xf32, #tpu.memory_space<vmem>>, vector<16xf32>,
          %parallel_loop3A_391 = arith.mulf %parallel_loop3A_390, %parallel_loop3A_387 : vector<16xf32>
          %parallel_loop3A_392 = arith.index_cast %parallel_loop3A_353 : i32 to index
          %parallel_loop3A_393 = arith.constant 64 : index
          %parallel_loop3A_394 = tpu.vector_load %arg9[%parallel_loop3A_392, %parallel_loop3A_393] {strides = array<i32>} : memref<80x128xf32, #tpu.memory_space<vmem>>, vector<16xf32>,
          tpu.vector_store %arg9[%parallel_loop3A_392, %parallel_loop3A_393], %parallel_loop3A_391 {strides = array<i32>} : memref<80x128xf32, #tpu.memory_space<vmem>>, vector<16xf32>,
          %parallel_loop3A_395 = arith.index_cast %parallel_loop3A_353 : i32 to index
          %parallel_loop3A_396 = arith.constant 80 : index
          %parallel_loop3A_397 = tpu.vector_load %arg7[%parallel_loop3A_395, %parallel_loop3A_396] {strides = array<i32>} : memref<80x128xf32, #tpu.memory_space<vmem>>, vector<16xf32>,
          %parallel_loop3A_398 = arith.mulf %parallel_loop3A_397, %parallel_loop3A_387 : vector<16xf32>
          %parallel_loop3A_399 = arith.index_cast %parallel_loop3A_353 : i32 to index
          %parallel_loop3A_400 = arith.constant 80 : index
          %parallel_loop3A_401 = tpu.vector_load %arg9[%parallel_loop3A_399, %parallel_loop3A_400] {strides = array<i32>} : memref<80x128xf32, #tpu.memory_space<vmem>>, vector<16xf32>,
          tpu.vector_store %arg9[%parallel_loop3A_399, %parallel_loop3A_400], %parallel_loop3A_398 {strides = array<i32>} : memref<80x128xf32, #tpu.memory_space<vmem>>, vector<16xf32>,
          %parallel_loop3A_402 = arith.index_cast %parallel_loop3A_353 : i32 to index
          %parallel_loop3A_403 = arith.constant 96 : index
          %parallel_loop3A_404 = tpu.vector_load %arg7[%parallel_loop3A_402, %parallel_loop3A_403] {strides = array<i32>} : memref<80x128xf32, #tpu.memory_space<vmem>>, vector<16xf32>,
          %parallel_loop3A_405 = arith.mulf %parallel_loop3A_404, %parallel_loop3A_387 : vector<16xf32>
          %parallel_loop3A_406 = arith.index_cast %parallel_loop3A_353 : i32 to index
          %parallel_loop3A_407 = arith.constant 96 : index
          %parallel_loop3A_408 = tpu.vector_load %arg9[%parallel_loop3A_406, %parallel_loop3A_407] {strides = array<i32>} : memref<80x128xf32, #tpu.memory_space<vmem>>, vector<16xf32>,
          tpu.vector_store %arg9[%parallel_loop3A_406, %parallel_loop3A_407], %parallel_loop3A_405 {strides = array<i32>} : memref<80x128xf32, #tpu.memory_space<vmem>>, vector<16xf32>,
          %parallel_loop3A_409 = arith.index_cast %parallel_loop3A_353 : i32 to index
          %parallel_loop3A_410 = arith.constant 112 : index
          %parallel_loop3A_411 = tpu.vector_load %arg7[%parallel_loop3A_409, %parallel_loop3A_410] {strides = array<i32>} : memref<80x128xf32, #tpu.memory_space<vmem>>, vector<16xf32>,
          %parallel_loop3A_412 = arith.mulf %parallel_loop3A_411, %parallel_loop3A_387 : vector<16xf32>
          %parallel_loop3A_413 = arith.index_cast %parallel_loop3A_353 : i32 to index
          %parallel_loop3A_414 = arith.constant 112 : index
          %parallel_loop3A_415 = tpu.vector_load %arg9[%parallel_loop3A_413, %parallel_loop3A_414] {strides = array<i32>} : memref<80x128xf32, #tpu.memory_space<vmem>>, vector<16xf32>,
          tpu.vector_store %arg9[%parallel_loop3A_413, %parallel_loop3A_414], %parallel_loop3A_412 {strides = array<i32>} : memref<80x128xf32, #tpu.memory_space<vmem>>, vector<16xf32>,
        } {sc.loop_unroll_factor = 8 : i64, sc.parallel_access}
        %dma_start3A_309 = arith.constant 0 : i32
        %dma_start3A_310 = tpu.memref_slice %arg13[%add3A_297, %dma_start3A_309] : memref<10x80xi32, #tpu.memory_space<vmem>> -> memref<1x80xi32, #tpu.memory_space<vmem>>
        %dma_start3A_311 = tpu.memref_squeeze %dma_start3A_310 : memref<1x80xi32, #tpu.memory_space<vmem>> -> memref<80xi32, #tpu.memory_space<vmem>>
        %dma_start3A_312 = arith.constant 0 : i32
        %dma_start3A_313 = arith.constant 0 : i32
        %dma_start3A_314 = tpu.memref_slice %arg21[%dma_start3A_312, %dma_start3A_313] : memref<10240x128xf32, #tpu.memory_space<vmem_shared>> -> memref<10240x128xf32, #tpu.memory_space<vmem_shared>>
        tpu.enqueue_indirect_dma source(%arg9 : memref<80x128xf32, #tpu.memory_space<vmem>>) target(%dma_start3A_314 : memref<10240x128xf32, #tpu.memory_space<vmem_shared>>) offsets(%dma_start3A_311 : memref<80xi32, #tpu.memory_space<vmem>>) semaphore(%arg18 : memref<!tpu.dma_semaphore, #tpu.memory_space<semaphore_mem>>) {add = true}
        %add3A_315 = arith.constant 2 : i32
        %add3A_316 = arith.addi %add3A_297, %add3A_315 : i32
        %lt3A = arith.constant 10 : i32
        %lt3A_317 = arith.cmpi slt, %add3A_316, %lt3A : i32
        %convert_element_type3A_318 = arith.extui %lt3A_317 : i1 to i32
        %cond3A_319 = arith.constant 0 : i32
        %cond3A_320 = arith.cmpi ne, %convert_element_type3A_318, %cond3A_319 : i32
        scf.if %cond3A_320 {
          %add3A_353 = arith.constant 2 : i32
          %add3A_354 = arith.addi %add3A_297, %add3A_353 : i32
          %mul3A_355 = arith.constant 80 : i32
          %mul3A_356 = arith.muli %add3A_354, %mul3A_355 : i32
          %dma_start3A_357 = tpu.memref_slice %arg12[%mul3A_356] : memref<800xi32, #tpu.memory_space<vmem>> -> memref<80xi32, #tpu.memory_space<vmem>>
          %dma_start3A_358 = arith.constant 0 : i32
          %dma_start3A_359 = arith.constant 0 : i32
          %dma_start3A_360 = tpu.memref_slice %arg2[%dma_start3A_358, %dma_start3A_359] : memref<20000x128xf32, #tpu.memory_space<hbm>> -> memref<20000x128xf32, #tpu.memory_space<hbm>>
          tpu.enqueue_indirect_dma source(%dma_start3A_360 : memref<20000x128xf32, #tpu.memory_space<hbm>>) target(%arg7 : memref<80x128xf32, #tpu.memory_space<vmem>>) offsets(%dma_start3A_357 : memref<80xi32, #tpu.memory_space<vmem>>) semaphore(%arg16 : memref<!tpu.dma_semaphore, #tpu.memory_space<semaphore_mem>>)
        } else {
        }
        %mul3A_321 = arith.constant 2 : i32
        %mul3A_322 = arith.muli %mul3A_321, %scan3A_292 : i32
        %add3A_323 = arith.constant 1 : i32
        %add3A_324 = arith.addi %mul3A_322, %add3A_323 : i32
        %mul3A_325 = arith.constant 80 : i32
        %mul3A_326 = arith.muli %add3A_324, %mul3A_325 : i32
        %dma_wait3A_327 = tpu.memref_slice %arg12[%mul3A_326] : memref<800xi32, #tpu.memory_space<vmem>> -> memref<80xi32, #tpu.memory_space<vmem>>
        %dma_wait3A_328 = arith.constant 0 : i32
        %dma_wait3A_329 = arith.constant 0 : i32
        %dma_wait3A_330 = tpu.memref_slice %arg2[%dma_wait3A_328, %dma_wait3A_329] : memref<20000x128xf32, #tpu.memory_space<hbm>> -> memref<20000x128xf32, #tpu.memory_space<hbm>>
        tpu.wait_indirect_dma semaphore(%arg17 : memref<!tpu.dma_semaphore, #tpu.memory_space<semaphore_mem>>) src(%dma_wait3A_330 : memref<20000x128xf32, #tpu.memory_space<hbm>>) dst(%arg8 : memref<80x128xf32, #tpu.memory_space<vmem>>)
        %ge3A_331 = arith.constant 1 : i32
        %ge3A_332 = arith.cmpi sge, %scan3A_292, %ge3A_331 : i32
        %convert_element_type3A_333 = arith.extui %ge3A_332 : i1 to i32
        %cond3A_334 = arith.constant 0 : i32
        %cond3A_335 = arith.cmpi ne, %convert_element_type3A_333, %cond3A_334 : i32
        scf.if %cond3A_335 {
          %sub3A = arith.constant 2 : i32
          %sub3A_353 = arith.subi %add3A_324, %sub3A : i32
          %dma_wait3A_354 = arith.constant 0 : i32
          %dma_wait3A_355 = tpu.memref_slice %arg13[%sub3A_353, %dma_wait3A_354] : memref<10x80xi32, #tpu.memory_space<vmem>> -> memref<1x80xi32, #tpu.memory_space<vmem>>
          %dma_wait3A_356 = tpu.memref_squeeze %dma_wait3A_355 : memref<1x80xi32, #tpu.memory_space<vmem>> -> memref<80xi32, #tpu.memory_space<vmem>>
          %dma_wait3A_357 = arith.constant 0 : i32
          %dma_wait3A_358 = arith.constant 0 : i32
          %dma_wait3A_359 = tpu.memref_slice %arg21[%dma_wait3A_357, %dma_wait3A_358] : memref<10240x128xf32, #tpu.memory_space<vmem_shared>> -> memref<10240x128xf32, #tpu.memory_space<vmem_shared>>
          tpu.wait_indirect_dma semaphore(%arg19 : memref<!tpu.dma_semaphore, #tpu.memory_space<semaphore_mem>>) src(%arg10 : memref<80x128xf32, #tpu.memory_space<vmem>>) dst(%dma_wait3A_359 : memref<10240x128xf32, #tpu.memory_space<vmem_shared>>)
        } else {
        }
        %parallel_loop3A_336 = arith.constant 0 : i32
        %parallel_loop3A_337 = arith.constant 80 : i32
        %parallel_loop3A_338 = arith.constant 1 : i32
        scf.for %parallel_loop3A_353 = %parallel_loop3A_336 to %parallel_loop3A_337 step %parallel_loop3A_338  : i32 {
          %parallel_loop3A_354 = arith.constant 80 : i32
          %parallel_loop3A_355 = arith.muli %add3A_324, %parallel_loop3A_354 : i32
          %parallel_loop3A_356 = arith.addi %parallel_loop3A_355, %parallel_loop3A_353 : i32
          %parallel_loop3A_357 = vector.broadcast %parallel_loop3A_356 : i32 to vector<16xi32>
          %parallel_loop3A_358 = tpu.vector_load_idx %arg14[%parallel_loop3A_357] : memref<800xf32, #tpu.memory_space<vmem>>[vector<16xi32>], vector<16xf32>,
          %parallel_loop3A_359 = arith.index_cast %parallel_loop3A_353 : i32 to index
          %parallel_loop3A_360 = arith.constant 0 : index
          %parallel_loop3A_361 = tpu.vector_load %arg8[%parallel_loop3A_359, %parallel_loop3A_360] {strides = array<i32>} : memref<80x128xf32, #tpu.memory_space<vmem>>, vector<16xf32>,
          %parallel_loop3A_362 = arith.mulf %parallel_loop3A_361, %parallel_loop3A_358 : vector<16xf32>
          %parallel_loop3A_363 = arith.index_cast %parallel_loop3A_353 : i32 to index
          %parallel_loop3A_364 = arith.constant 0 : index
          %parallel_loop3A_365 = tpu.vector_load %arg10[%parallel_loop3A_363, %parallel_loop3A_364] {strides = array<i32>} : memref<80x128xf32, #tpu.memory_space<vmem>>, vector<16xf32>,
          tpu.vector_store %arg10[%parallel_loop3A_363, %parallel_loop3A_364], %parallel_loop3A_362 {strides = array<i32>} : memref<80x128xf32, #tpu.memory_space<vmem>>, vector<16xf32>,
          %parallel_loop3A_366 = arith.index_cast %parallel_loop3A_353 : i32 to index
          %parallel_loop3A_367 = arith.constant 16 : index
          %parallel_loop3A_368 = tpu.vector_load %arg8[%parallel_loop3A_366, %parallel_loop3A_367] {strides = array<i32>} : memref<80x128xf32, #tpu.memory_space<vmem>>, vector<16xf32>,
          %parallel_loop3A_369 = arith.mulf %parallel_loop3A_368, %parallel_loop3A_358 : vector<16xf32>
          %parallel_loop3A_370 = arith.index_cast %parallel_loop3A_353 : i32 to index
          %parallel_loop3A_371 = arith.constant 16 : index
          %parallel_loop3A_372 = tpu.vector_load %arg10[%parallel_loop3A_370, %parallel_loop3A_371] {strides = array<i32>} : memref<80x128xf32, #tpu.memory_space<vmem>>, vector<16xf32>,
          tpu.vector_store %arg10[%parallel_loop3A_370, %parallel_loop3A_371], %parallel_loop3A_369 {strides = array<i32>} : memref<80x128xf32, #tpu.memory_space<vmem>>, vector<16xf32>,
          %parallel_loop3A_373 = arith.index_cast %parallel_loop3A_353 : i32 to index
          %parallel_loop3A_374 = arith.constant 32 : index
          %parallel_loop3A_375 = tpu.vector_load %arg8[%parallel_loop3A_373, %parallel_loop3A_374] {strides = array<i32>} : memref<80x128xf32, #tpu.memory_space<vmem>>, vector<16xf32>,
          %parallel_loop3A_376 = arith.mulf %parallel_loop3A_375, %parallel_loop3A_358 : vector<16xf32>
          %parallel_loop3A_377 = arith.index_cast %parallel_loop3A_353 : i32 to index
          %parallel_loop3A_378 = arith.constant 32 : index
          %parallel_loop3A_379 = tpu.vector_load %arg10[%parallel_loop3A_377, %parallel_loop3A_378] {strides = array<i32>} : memref<80x128xf32, #tpu.memory_space<vmem>>, vector<16xf32>,
          tpu.vector_store %arg10[%parallel_loop3A_377, %parallel_loop3A_378], %parallel_loop3A_376 {strides = array<i32>} : memref<80x128xf32, #tpu.memory_space<vmem>>, vector<16xf32>,
          %parallel_loop3A_380 = arith.index_cast %parallel_loop3A_353 : i32 to index
          %parallel_loop3A_381 = arith.constant 48 : index
          %parallel_loop3A_382 = tpu.vector_load %arg8[%parallel_loop3A_380, %parallel_loop3A_381] {strides = array<i32>} : memref<80x128xf32, #tpu.memory_space<vmem>>, vector<16xf32>,
          %parallel_loop3A_383 = arith.mulf %parallel_loop3A_382, %parallel_loop3A_358 : vector<16xf32>
          %parallel_loop3A_384 = arith.index_cast %parallel_loop3A_353 : i32 to index
          %parallel_loop3A_385 = arith.constant 48 : index
          %parallel_loop3A_386 = tpu.vector_load %arg10[%parallel_loop3A_384, %parallel_loop3A_385] {strides = array<i32>} : memref<80x128xf32, #tpu.memory_space<vmem>>, vector<16xf32>,
          tpu.vector_store %arg10[%parallel_loop3A_384, %parallel_loop3A_385], %parallel_loop3A_383 {strides = array<i32>} : memref<80x128xf32, #tpu.memory_space<vmem>>, vector<16xf32>,
          %parallel_loop3A_387 = tpu.vector_load_idx %arg15[%parallel_loop3A_357] : memref<800xf32, #tpu.memory_space<vmem>>[vector<16xi32>], vector<16xf32>,
          %parallel_loop3A_388 = arith.index_cast %parallel_loop3A_353 : i32 to index
          %parallel_loop3A_389 = arith.constant 64 : index
          %parallel_loop3A_390 = tpu.vector_load %arg8[%parallel_loop3A_388, %parallel_loop3A_389] {strides = array<i32>} : memref<80x128xf32, #tpu.memory_space<vmem>>, vector<16xf32>,
          %parallel_loop3A_391 = arith.mulf %parallel_loop3A_390, %parallel_loop3A_387 : vector<16xf32>
          %parallel_loop3A_392 = arith.index_cast %parallel_loop3A_353 : i32 to index
          %parallel_loop3A_393 = arith.constant 64 : index
          %parallel_loop3A_394 = tpu.vector_load %arg10[%parallel_loop3A_392, %parallel_loop3A_393] {strides = array<i32>} : memref<80x128xf32, #tpu.memory_space<vmem>>, vector<16xf32>,
          tpu.vector_store %arg10[%parallel_loop3A_392, %parallel_loop3A_393], %parallel_loop3A_391 {strides = array<i32>} : memref<80x128xf32, #tpu.memory_space<vmem>>, vector<16xf32>,
          %parallel_loop3A_395 = arith.index_cast %parallel_loop3A_353 : i32 to index
          %parallel_loop3A_396 = arith.constant 80 : index
          %parallel_loop3A_397 = tpu.vector_load %arg8[%parallel_loop3A_395, %parallel_loop3A_396] {strides = array<i32>} : memref<80x128xf32, #tpu.memory_space<vmem>>, vector<16xf32>,
          %parallel_loop3A_398 = arith.mulf %parallel_loop3A_397, %parallel_loop3A_387 : vector<16xf32>
          %parallel_loop3A_399 = arith.index_cast %parallel_loop3A_353 : i32 to index
          %parallel_loop3A_400 = arith.constant 80 : index
          %parallel_loop3A_401 = tpu.vector_load %arg10[%parallel_loop3A_399, %parallel_loop3A_400] {strides = array<i32>} : memref<80x128xf32, #tpu.memory_space<vmem>>, vector<16xf32>,
          tpu.vector_store %arg10[%parallel_loop3A_399, %parallel_loop3A_400], %parallel_loop3A_398 {strides = array<i32>} : memref<80x128xf32, #tpu.memory_space<vmem>>, vector<16xf32>,
          %parallel_loop3A_402 = arith.index_cast %parallel_loop3A_353 : i32 to index
          %parallel_loop3A_403 = arith.constant 96 : index
          %parallel_loop3A_404 = tpu.vector_load %arg8[%parallel_loop3A_402, %parallel_loop3A_403] {strides = array<i32>} : memref<80x128xf32, #tpu.memory_space<vmem>>, vector<16xf32>,
          %parallel_loop3A_405 = arith.mulf %parallel_loop3A_404, %parallel_loop3A_387 : vector<16xf32>
          %parallel_loop3A_406 = arith.index_cast %parallel_loop3A_353 : i32 to index
          %parallel_loop3A_407 = arith.constant 96 : index
          %parallel_loop3A_408 = tpu.vector_load %arg10[%parallel_loop3A_406, %parallel_loop3A_407] {strides = array<i32>} : memref<80x128xf32, #tpu.memory_space<vmem>>, vector<16xf32>,
          tpu.vector_store %arg10[%parallel_loop3A_406, %parallel_loop3A_407], %parallel_loop3A_405 {strides = array<i32>} : memref<80x128xf32, #tpu.memory_space<vmem>>, vector<16xf32>,
          %parallel_loop3A_409 = arith.index_cast %parallel_loop3A_353 : i32 to index
          %parallel_loop3A_410 = arith.constant 112 : index
          %parallel_loop3A_411 = tpu.vector_load %arg8[%parallel_loop3A_409, %parallel_loop3A_410] {strides = array<i32>} : memref<80x128xf32, #tpu.memory_space<vmem>>, vector<16xf32>,
          %parallel_loop3A_412 = arith.mulf %parallel_loop3A_411, %parallel_loop3A_387 : vector<16xf32>
          %parallel_loop3A_413 = arith.index_cast %parallel_loop3A_353 : i32 to index
          %parallel_loop3A_414 = arith.constant 112 : index
          %parallel_loop3A_415 = tpu.vector_load %arg10[%parallel_loop3A_413, %parallel_loop3A_414] {strides = array<i32>} : memref<80x128xf32, #tpu.memory_space<vmem>>, vector<16xf32>,
          tpu.vector_store %arg10[%parallel_loop3A_413, %parallel_loop3A_414], %parallel_loop3A_412 {strides = array<i32>} : memref<80x128xf32, #tpu.memory_space<vmem>>, vector<16xf32>,
        } {sc.loop_unroll_factor = 8 : i64, sc.parallel_access}
        %dma_start3A_339 = arith.constant 0 : i32
        %dma_start3A_340 = tpu.memref_slice %arg13[%add3A_324, %dma_start3A_339] : memref<10x80xi32, #tpu.memory_space<vmem>> -> memref<1x80xi32, #tpu.memory_space<vmem>>
        %dma_start3A_341 = tpu.memref_squeeze %dma_start3A_340 : memref<1x80xi32, #tpu.memory_space<vmem>> -> memref<80xi32, #tpu.memory_space<vmem>>
        %dma_start3A_342 = arith.constant 0 : i32
        %dma_start3A_343 = arith.constant 0 : i32
        %dma_start3A_344 = tpu.memref_slice %arg21[%dma_start3A_342, %dma_start3A_343] : memref<10240x128xf32, #tpu.memory_space<vmem_shared>> -> memref<10240x128xf32, #tpu.memory_space<vmem_shared>>
        tpu.enqueue_indirect_dma source(%arg10 : memref<80x128xf32, #tpu.memory_space<vmem>>) target(%dma_start3A_344 : memref<10240x128xf32, #tpu.memory_space<vmem_shared>>) offsets(%dma_start3A_341 : memref<80xi32, #tpu.memory_space<vmem>>) semaphore(%arg19 : memref<!tpu.dma_semaphore, #tpu.memory_space<semaphore_mem>>) {add = true}
        %add3A_345 = arith.constant 2 : i32
        %add3A_346 = arith.addi %add3A_324, %add3A_345 : i32
        %lt3A_347 = arith.constant 10 : i32
        %lt3A_348 = arith.cmpi slt, %add3A_346, %lt3A_347 : i32
        %convert_element_type3A_349 = arith.extui %lt3A_348 : i1 to i32
        %cond3A_350 = arith.constant 0 : i32
        %cond3A_351 = arith.cmpi ne, %convert_element_type3A_349, %cond3A_350 : i32
        scf.if %cond3A_351 {
          %add3A_353 = arith.constant 2 : i32
          %add3A_354 = arith.addi %add3A_324, %add3A_353 : i32
          %mul3A_355 = arith.constant 80 : i32
          %mul3A_356 = arith.muli %add3A_354, %mul3A_355 : i32
          %dma_start3A_357 = tpu.memref_slice %arg12[%mul3A_356] : memref<800xi32, #tpu.memory_space<vmem>> -> memref<80xi32, #tpu.memory_space<vmem>>
          %dma_start3A_358 = arith.constant 0 : i32
          %dma_start3A_359 = arith.constant 0 : i32
          %dma_start3A_360 = tpu.memref_slice %arg2[%dma_start3A_358, %dma_start3A_359] : memref<20000x128xf32, #tpu.memory_space<hbm>> -> memref<20000x128xf32, #tpu.memory_space<hbm>>
          tpu.enqueue_indirect_dma source(%dma_start3A_360 : memref<20000x128xf32, #tpu.memory_space<hbm>>) target(%arg8 : memref<80x128xf32, #tpu.memory_space<vmem>>) offsets(%dma_start3A_357 : memref<80xi32, #tpu.memory_space<vmem>>) semaphore(%arg17 : memref<!tpu.dma_semaphore, #tpu.memory_space<semaphore_mem>>)
        } else {
        }
        %scan3A_352 = arith.constant 0 : i32
        scf.yield %scan3A_352 : i32
      }
      %scan3A_276 = arith.constant 5 : i32
      %dma_wait3A_277 = arith.constant 8 : i32
      %dma_wait3A_278 = arith.constant 0 : i32
      %dma_wait3A_279 = tpu.memref_slice %arg13[%dma_wait3A_277, %dma_wait3A_278] : memref<10x80xi32, #tpu.memory_space<vmem>> -> memref<1x80xi32, #tpu.memory_space<vmem>>
      %dma_wait3A_280 = tpu.memref_squeeze %dma_wait3A_279 : memref<1x80xi32, #tpu.memory_space<vmem>> -> memref<80xi32, #tpu.memory_space<vmem>>
      %dma_wait3A_281 = arith.constant 0 : i32
      %dma_wait3A_282 = arith.constant 0 : i32
      %dma_wait3A_283 = tpu.memref_slice %arg21[%dma_wait3A_281, %dma_wait3A_282] : memref<10240x128xf32, #tpu.memory_space<vmem_shared>> -> memref<10240x128xf32, #tpu.memory_space<vmem_shared>>
      tpu.wait_indirect_dma semaphore(%arg18 : memref<!tpu.dma_semaphore, #tpu.memory_space<semaphore_mem>>) src(%arg9 : memref<80x128xf32, #tpu.memory_space<vmem>>) dst(%dma_wait3A_283 : memref<10240x128xf32, #tpu.memory_space<vmem_shared>>)
      %dma_wait3A_284 = arith.constant 9 : i32
      %dma_wait3A_285 = arith.constant 0 : i32
      %dma_wait3A_286 = tpu.memref_slice %arg13[%dma_wait3A_284, %dma_wait3A_285] : memref<10x80xi32, #tpu.memory_space<vmem>> -> memref<1x80xi32, #tpu.memory_space<vmem>>
      %dma_wait3A_287 = tpu.memref_squeeze %dma_wait3A_286 : memref<1x80xi32, #tpu.memory_space<vmem>> -> memref<80xi32, #tpu.memory_space<vmem>>
      %dma_wait3A_288 = arith.constant 0 : i32
      %dma_wait3A_289 = arith.constant 0 : i32
      %dma_wait3A_290 = tpu.memref_slice %arg21[%dma_wait3A_288, %dma_wait3A_289] : memref<10240x128xf32, #tpu.memory_space<vmem_shared>> -> memref<10240x128xf32, #tpu.memory_space<vmem_shared>>
      tpu.wait_indirect_dma semaphore(%arg19 : memref<!tpu.dma_semaphore, #tpu.memory_space<semaphore_mem>>) src(%arg10 : memref<80x128xf32, #tpu.memory_space<vmem>>) dst(%dma_wait3A_290 : memref<10240x128xf32, #tpu.memory_space<vmem_shared>>)
      %scan3A_291 = arith.constant 0 : i32
      scf.yield %scan3A_291 : i32
    }
    %scan3A_21 = arith.constant 25 : i32
    %barrier3A_22 = arith.constant 0 : index
    tpu.barrier barrier_id(%barrier3A_22)
    %mul3A_23 = arith.constant 640 : i32
    %mul3A_24 = arith.muli %arg1, %mul3A_23 : i32
    %mul3A_25 = arith.constant 10240 : i32
    %mul3A_26 = arith.muli %arg0, %mul3A_25 : i32
    %mul3A_27 = arith.constant 640 : i32
    %mul3A_28 = arith.muli %arg1, %mul3A_27 : i32
    %add3A = arith.addi %mul3A_26, %mul3A_28 : i32
    "tpu.region"() ({
      %run_scoped3A = tpu.sem_alloc : memref<!tpu.dma_semaphore, #tpu.memory_space<semaphore_mem>>
      %dma_start3A = arith.constant 0 : i32
      %dma_start3A_29 = tpu.memref_slice %arg6[%add3A, %dma_start3A] : memref<20480x128xf32, #tpu.memory_space<hbm>> -> memref<640x128xf32, #tpu.memory_space<hbm>>
      %dma_start3A_30 = arith.constant 0 : i32
      %dma_start3A_31 = tpu.memref_slice %arg21[%mul3A_24, %dma_start3A_30] : memref<10240x128xf32, #tpu.memory_space<vmem_shared>> -> memref<640x128xf32, #tpu.memory_space<vmem_shared>>
      tpu.enqueue_dma source(%dma_start3A_31 : memref<640x128xf32, #tpu.memory_space<vmem_shared>>) target(%dma_start3A_29 : memref<640x128xf32, #tpu.memory_space<hbm>>) target_semaphore(%run_scoped3A : memref<!tpu.dma_semaphore, #tpu.memory_space<semaphore_mem>>)
      %dma_wait3A = arith.constant 0 : i32
      %dma_wait3A_32 = tpu.memref_slice %arg6[%add3A, %dma_wait3A] : memref<20480x128xf32, #tpu.memory_space<hbm>> -> memref<640x128xf32, #tpu.memory_space<hbm>>
      %dma_wait3A_33 = arith.constant 0 : i32
      %dma_wait3A_34 = tpu.memref_slice %arg21[%mul3A_24, %dma_wait3A_33] : memref<10240x128xf32, #tpu.memory_space<vmem_shared>> -> memref<640x128xf32, #tpu.memory_space<vmem_shared>>
      tpu.wait_dma2 semaphore(%run_scoped3A : memref<!tpu.dma_semaphore, #tpu.memory_space<semaphore_mem>>) src(%dma_wait3A_34 : memref<640x128xf32, #tpu.memory_space<vmem_shared>>) dst(%dma_wait3A_32 : memref<640x128xf32, #tpu.memory_space<hbm>>)
      tpu.yield
    }) : () -> ()
    return
  }
}

module attributes {stable_mosaic.version = 14 : i64} {
  func.func @_proj_body(%arg0: i32, %arg1: memref<1000x128xf32, #tpu.memory_space<vmem>>, %arg2: memref<128x256xf32, #tpu.memory_space<vmem>>, %arg3: memref<256x8xf32, #tpu.memory_space<vmem>>, %arg4: memref<2x1000x128xf32, #tpu.memory_space<vmem>>, %arg5: memref<1000x8xf32, #tpu.memory_space<vmem>>, %arg6: memref<1x8xf32, #tpu.memory_space<vmem>>) attributes {dimension_semantics = [#tpu.dimension_semantics<arbitrary>], iteration_bounds = array<i64: 10>, scalar_prefetch = 0 : i64, scratch_operands = 0 : i64, tpu.core_type = #tpu.core_type<tc>, window_params = [{transform_indices = @transform_0, window_bounds = array<i64: 1000, 128>}, {pipeline_mode = #tpu.pipeline_mode<synchronous>, transform_indices = @transform_1, window_bounds = array<i64: 128, 256>}, {pipeline_mode = #tpu.pipeline_mode<synchronous>, transform_indices = @transform_2, window_bounds = array<i64: 256, 8>}, {transform_indices = @transform_3, window_bounds = array<i64: 2, 1000, 128>}, {transform_indices = @transform_4, window_bounds = array<i64: 1000, 8>}, {pipeline_mode = #tpu.pipeline_mode<synchronous>, transform_indices = @transform_5, window_bounds = array<i64: 1, 8>}]} {
    %get3A = arith.constant 0 : index
    %get3A_0 = arith.constant 0 : index
    %get3A_1 = vector.load %arg1[%get3A, %get3A_0] : memref<1000x128xf32, #tpu.memory_space<vmem>>, vector<1000x128xf32>
    %get3A_2 = arith.constant 0 : index
    %get3A_3 = arith.constant 0 : index
    %get3A_4 = vector.load %arg2[%get3A_2, %get3A_3] : memref<128x256xf32, #tpu.memory_space<vmem>>, vector<128x256xf32>
    %dot_general3A = arith.constant dense<0.000000e+00> : vector<1000x256xf32>
    %dot_general3A_5 = tpu.matmul %get3A_1, %get3A_4, %dot_general3A {dimension_numbers = #tpu.dot_dimension_numbers<[1], [0], [0], [1], [0, 0, 1, 1], [], []>, transpose_lhs_hint = false} : vector<1000x128xf32>, vector<128x256xf32>, vector<1000x256xf32> -> vector<1000x256xf32>
    %reshape3A = vector.shape_cast %dot_general3A_5 : vector<1000x256xf32> to vector<1000x2x128xf32>
    %transpose3A = tpu.transpose %reshape3A, [1, 0, 2] : vector<1000x2x128xf32> -> vector<2x1000x128xf32>
    %swap3A = arith.constant 0 : index
    %swap3A_6 = arith.constant 0 : index
    %swap3A_7 = arith.constant 0 : index
    %swap3A_8 = vector.load %arg4[%swap3A, %swap3A_6, %swap3A_7] : memref<2x1000x128xf32, #tpu.memory_space<vmem>>, vector<2x1000x128xf32>
    tpu.vector_store %arg4[%swap3A, %swap3A_6, %swap3A_7], %transpose3A {strides = array<i32>} : memref<2x1000x128xf32, #tpu.memory_space<vmem>>, vector<2x1000x128xf32>,
    %get3A_9 = arith.constant 0 : index
    %get3A_10 = arith.constant 0 : index
    %get3A_11 = vector.load %arg3[%get3A_9, %get3A_10] : memref<256x8xf32, #tpu.memory_space<vmem>>, vector<256x8xf32>
    %dot_general3A_12 = arith.constant dense<0.000000e+00> : vector<1000x8xf32>
    %dot_general3A_13 = tpu.matmul %dot_general3A_5, %get3A_11, %dot_general3A_12 {dimension_numbers = #tpu.dot_dimension_numbers<[1], [0], [0], [1], [0, 0, 1, 1], [], []>, transpose_lhs_hint = false} : vector<1000x256xf32>, vector<256x8xf32>, vector<1000x8xf32> -> vector<1000x8xf32>
    %swap3A_14 = arith.constant 0 : index
    %swap3A_15 = arith.constant 0 : index
    %swap3A_16 = vector.load %arg5[%swap3A_14, %swap3A_15] : memref<1000x8xf32, #tpu.memory_space<vmem>>, vector<1000x8xf32>
    tpu.vector_store %arg5[%swap3A_14, %swap3A_15], %dot_general3A_13 {strides = array<i32>} : memref<1000x8xf32, #tpu.memory_space<vmem>>, vector<1000x8xf32>,
    %reduce_max3A = arith.constant dense<0xFF800000> : vector<8xf32>
    %reduce_max3A_17 = vector.multi_reduction <maximumf>, %dot_general3A_13, %reduce_max3A [0] : vector<1000x8xf32> to vector<8xf32>
    %broadcast_in_dim3A = vector.shape_cast %reduce_max3A_17 : vector<8xf32> to vector<1x8xf32>
    %eq3A = arith.constant 0 : i32
    %eq3A_18 = arith.cmpi eq, %arg0, %eq3A : i32
    %convert_element_type3A = arith.extui %eq3A_18 : i1 to i32
    %cond3A = arith.constant 0 : i32
    %cond3A_19 = arith.cmpi ne, %convert_element_type3A, %cond3A : i32
    scf.if %cond3A_19 {
      %swap3A_24 = arith.constant 0 : index
      %swap3A_25 = arith.constant 0 : index
      %swap3A_26 = vector.load %arg6[%swap3A_24, %swap3A_25] : memref<1x8xf32, #tpu.memory_space<vmem>>, vector<1x8xf32>
      tpu.vector_store %arg6[%swap3A_24, %swap3A_25], %broadcast_in_dim3A {strides = array<i32>} : memref<1x8xf32, #tpu.memory_space<vmem>>, vector<1x8xf32>,
    } else {
    }
    %gt3A = arith.constant 0 : i32
    %gt3A_20 = arith.cmpi sgt, %arg0, %gt3A : i32
    %convert_element_type3A_21 = arith.extui %gt3A_20 : i1 to i32
    %cond3A_22 = arith.constant 0 : i32
    %cond3A_23 = arith.cmpi ne, %convert_element_type3A_21, %cond3A_22 : i32
    scf.if %cond3A_23 {
      %get3A_24 = arith.constant 0 : index
      %get3A_25 = arith.constant 0 : index
      %get3A_26 = vector.load %arg6[%get3A_24, %get3A_25] : memref<1x8xf32, #tpu.memory_space<vmem>>, vector<1x8xf32>
      %max3A = arith.maximumf %get3A_26, %broadcast_in_dim3A : vector<1x8xf32>
      %swap3A_27 = arith.constant 0 : index
      %swap3A_28 = arith.constant 0 : index
      %swap3A_29 = vector.load %arg6[%swap3A_27, %swap3A_28] : memref<1x8xf32, #tpu.memory_space<vmem>>, vector<1x8xf32>
      tpu.vector_store %arg6[%swap3A_27, %swap3A_28], %max3A {strides = array<i32>} : memref<1x8xf32, #tpu.memory_space<vmem>>, vector<1x8xf32>,
    } else {
    }
    return
  }
  func.func @transform_0(%arg0: i32) -> (i32, i32) {
    %c0_i32 = arith.constant 0 : i32
    %c0_i32_0 = arith.constant 0 : i32
    return %arg0, %c0_i32 : i32, i32
  }
  func.func @transform_1(%arg0: i32) -> (i32, i32) {
    %c0_i32 = arith.constant 0 : i32
    %c0_i32_0 = arith.constant 0 : i32
    %c0_i32_1 = arith.constant 0 : i32
    return %c0_i32, %c0_i32_0 : i32, i32
  }
  func.func @transform_2(%arg0: i32) -> (i32, i32) {
    %c0_i32 = arith.constant 0 : i32
    %c0_i32_0 = arith.constant 0 : i32
    %c0_i32_1 = arith.constant 0 : i32
    return %c0_i32, %c0_i32_0 : i32, i32
  }
  func.func @transform_3(%arg0: i32) -> (i32, i32, i32) {
    %c0_i32 = arith.constant 0 : i32
    %c0_i32_0 = arith.constant 0 : i32
    %c0_i32_1 = arith.constant 0 : i32
    return %c0_i32, %arg0, %c0_i32_0 : i32, i32, i32
  }
  func.func @transform_4(%arg0: i32) -> (i32, i32) {
    %c0_i32 = arith.constant 0 : i32
    %c0_i32_0 = arith.constant 0 : i32
    return %arg0, %c0_i32 : i32, i32
  }
  func.func @transform_5(%arg0: i32) -> (i32, i32) {
    %c0_i32 = arith.constant 0 : i32
    %c0_i32_0 = arith.constant 0 : i32
    %c0_i32_1 = arith.constant 0 : i32
    return %c0_i32, %c0_i32_0 : i32, i32
  }
}

module attributes {stable_mosaic.version = 14 : i64} {
  func.func @_mean_body(%arg0: i32, %arg1: memref<2x512x128xf32, #tpu.memory_space<vmem>>, %arg2: memref<1x64xf32, #tpu.memory_space<vmem>>, %arg3: memref<512x64xf32, #tpu.memory_space<vmem>>) attributes {dimension_semantics = [#tpu.dimension_semantics<arbitrary>], iteration_bounds = array<i64: 20>, scalar_prefetch = 0 : i64, scratch_operands = 0 : i64, tpu.core_type = #tpu.core_type<tc>, window_params = [{transform_indices = @transform_0, window_bounds = array<i64: 2, 512, 128>}, {pipeline_mode = #tpu.pipeline_mode<synchronous>, transform_indices = @transform_1, window_bounds = array<i64: 1, 64>}, {transform_indices = @transform_2, window_bounds = array<i64: 512, 64>}]} {
    %get3A = arith.constant 0 : index
    %get3A_0 = arith.constant 0 : index
    %get3A_1 = arith.constant 0 : index
    %get3A_2 = vector.load %arg1[%get3A, %get3A_0, %get3A_1] : memref<2x512x128xf32, #tpu.memory_space<vmem>>, vector<1x512x64xf32>
    %get3A_3 = vector.shape_cast %get3A_2 : vector<1x512x64xf32> to vector<512x64xf32>
    %get3A_4 = arith.constant 0 : index
    %get3A_5 = arith.constant 0 : index
    %get3A_6 = arith.constant 64 : index
    %get3A_7 = vector.load %arg1[%get3A_4, %get3A_5, %get3A_6] : memref<2x512x128xf32, #tpu.memory_space<vmem>>, vector<1x512x64xf32>
    %get3A_8 = vector.shape_cast %get3A_7 : vector<1x512x64xf32> to vector<512x64xf32>
    %add3A = arith.addf %get3A_3, %get3A_8 : vector<512x64xf32>
    %get3A_9 = arith.constant 1 : index
    %get3A_10 = arith.constant 0 : index
    %get3A_11 = arith.constant 0 : index
    %get3A_12 = vector.load %arg1[%get3A_9, %get3A_10, %get3A_11] : memref<2x512x128xf32, #tpu.memory_space<vmem>>, vector<1x512x64xf32>
    %get3A_13 = vector.shape_cast %get3A_12 : vector<1x512x64xf32> to vector<512x64xf32>
    %add3A_14 = arith.addf %add3A, %get3A_13 : vector<512x64xf32>
    %get3A_15 = arith.constant 1 : index
    %get3A_16 = arith.constant 0 : index
    %get3A_17 = arith.constant 64 : index
    %get3A_18 = vector.load %arg1[%get3A_15, %get3A_16, %get3A_17] : memref<2x512x128xf32, #tpu.memory_space<vmem>>, vector<1x512x64xf32>
    %get3A_19 = vector.shape_cast %get3A_18 : vector<1x512x64xf32> to vector<512x64xf32>
    %add3A_20 = arith.addf %add3A_14, %get3A_19 : vector<512x64xf32>
    %mul3A = arith.constant 2.500000e-01 : f32
    %mul3A_21 = vector.broadcast %mul3A : f32 to vector<512x64xf32>
    %mul3A_22 = arith.mulf %add3A_20, %mul3A_21 : vector<512x64xf32>
    %get3A_23 = arith.constant 0 : index
    %get3A_24 = arith.constant 0 : index
    %get3A_25 = vector.load %arg2[%get3A_23, %get3A_24] : memref<1x64xf32, #tpu.memory_space<vmem>>, vector<1x64xf32>
    %add3A_26 = vector.broadcast %get3A_25 : vector<1x64xf32> to vector<512x64xf32>
    %add3A_27 = arith.addf %mul3A_22, %add3A_26 : vector<512x64xf32>
    %swap3A = arith.constant 0 : index
    %swap3A_28 = arith.constant 0 : index
    %swap3A_29 = vector.load %arg3[%swap3A, %swap3A_28] : memref<512x64xf32, #tpu.memory_space<vmem>>, vector<512x64xf32>
    tpu.vector_store %arg3[%swap3A, %swap3A_28], %add3A_27 {strides = array<i32>} : memref<512x64xf32, #tpu.memory_space<vmem>>, vector<512x64xf32>,
    return
  }
  func.func @transform_0(%arg0: i32) -> (i32, i32, i32) {
    %c0_i32 = arith.constant 0 : i32
    %c0_i32_0 = arith.constant 0 : i32
    %c0_i32_1 = arith.constant 0 : i32
    return %c0_i32, %arg0, %c0_i32_0 : i32, i32, i32
  }
  func.func @transform_1(%arg0: i32) -> (i32, i32) {
    %c0_i32 = arith.constant 0 : i32
    %c0_i32_0 = arith.constant 0 : i32
    %c0_i32_1 = arith.constant 0 : i32
    return %c0_i32, %c0_i32_0 : i32, i32
  }
  func.func @transform_2(%arg0: i32) -> (i32, i32) {
    %c0_i32 = arith.constant 0 : i32
    %c0_i32_0 = arith.constant 0 : i32
    return %arg0, %c0_i32 : i32, i32
  }
}

</mosaic_0001>

<sc_bundles>
// kernel: kernel.6.cloned.1.call-start
scs
__scs_entry_jumppad:
0x0: {  	(pc) =	sbr.rel $0x88, $3  }
0x1: {  	(tag) =	ssettag $0x0;
	lr =	simm.s32 $0x1  }
0x2: {  	[smem:$0x3F9C] =	sst lr;
	_ =	strace $0xD0000000  }
0x3: {  	_ = 	snop  }
0x4: {  	_ = 	snop  }
0x5: {  	_ = 	snop  }
0x6: {  	_ = 	snop  }
0x7: {  	_ = 	snop  }
__scs_overlays_trampoline_lowered:
0x8: {  	[smem:$0x3FAB] =	sst s0  }
0x9: {  	[smem:$0x3FAC] =	sst s1  }
0xa: {  	[smem:$0x3FAD] =	sst s2  }
0xb: {  	[smem:$0x3FAE] =	sst s3  }
0xc: {  	[smem:$0x3FAF] =	sst s4  }
0xd: {  	[smem:$0x3FB0] =	sst s5  }
0xe: {  	[smem:$0x3FB1] =	sst s6  }
0xf: {  	[smem:$0x3FB2] =	sst s7  }
0x10: {  	[smem:$0x3FB3] =	sst s8  }
0x11: {  	[smem:$0x3FB4] =	sst s9;
	s0 =	simm.s32 @!p0 $0x0  }
0x12: {  	s1 =	sld [smem:$0x3F9A];
	s0 =	simm.s32 @p0 $0x1  }
0x13: {  	[smem:$0x3FB5] =	sst s0;
	s0 =	simm.s32 @!p1 $0x0  }
0x14: {  	s2 =	sld [smem:$0x3F99];
	s0 =	simm.s32 @p1 $0x1  }
0x15: {  	[smem:$0x3FB6] =	sst s0;
	s0 =	simm.s32 @!p2 $0x0  }
0x16: {  	s3 =	sld [smem:$0x3FDB];
	s0 =	simm.s32 @p2 $0x1  }
0x17: {  	s4 =	simm.s32 $0x1BF5;
	[smem:$0x3FB8] =	sst s0  }
0x18: {  	s0 =	sld [smem:$0x3F9B];
	_ =	swait.ge [sflag:s4], $0x0  }
0x19: {  	s7 =	sld [smem:$0x3F9C]  }
0x1a: {  	s8 =	sadd.s32 $0xFFFFE003, lr  }
0x1b: {  	s9 =	sadd.s32 $0xFFFFFEF7, lr;
	s5 =	simm.s32 $0xFFFFFFFF;
	p2 =	slt.u32 s8, $0xFFFFF086  }
0x1c: {  	p1 =	slt.u32 s9, $0xF7A;
	s5 =	simm.s32 @!p2 $0x0  }
0x1d: {  	s5 =	simm.s32 @p1 $0x1;
	p0 =	seq.s32 s7, s2  }
0x1e: {  	s7 =	smul.u32 @!p0 $0xF7A, s2;
	p2 =	seq.s32 @!p0 s5, $0x0  }
0x1f: {  	s9 =	smul.u32 $0xF7A, s1;
	s8 =	simm.s32 @!p0 $0x1BF5;
	p2 =	por !p2, p0  }
0x20: {  	[sflag:s8] =	ssyncset.s32 @!p0 $0xFFFFF086;
	s6 =	sadd.s32 @!p0 s3, s7;
	s7 =	simm.s32 @!p0 $0x108  }
0x21: {  	s3 =	sadd.s32 s3, s9;
	s6 =	sadd.s32 @!p0 $0x88, s6;
	s7 =	simm.s32 @p2 $0x1082  }
0x22: {  	[simem:s7], [sflag:s8] =	dma.local @!p0 [hbm:s6], $0xF7A  }
0x23: {  	s9 =	sor.u32 $0xD0000000, s2;
	s6 =	simm.s32 $0x108;
	_ =	swait.ge @!p0 [sflag:s8], $0x0  }
0x24: {  	s3 =	sadd.s32 $0x88, s3;
	s6 =	simm.s32 @!p1 $0x1082;
	[sflag:s4] =	ssyncset.s32 $0xFFFFF086  }
0x25: {  	[simem:s6], [sflag:s4] =	dma.local [hbm:s3], $0xF7A  }
0x26: {  	[smem:$0x3F9C] =	sst s1;
	(tag) =	ssettag s2;
	_ =	strace s9  }
0x27: {  	s1 =	sld [smem:$0x3FAC]  }
0x28: {  	s2 =	sld [smem:$0x3FAD]  }
0x29: {  	s4 =	sld [smem:$0x3FAF]  }
0x2a: {  	p0 =	seq.s32 s5, $0x0;
	s5 =	sld [smem:$0x3FB0]  }
0x2b: {  	s6 =	sld [smem:$0x3FB1]  }
0x2c: {  	s7 =	sld [smem:$0x3FB2]  }
0x2d: {  	s3 =	simm.s32 $0x108;
	s8 =	sld [smem:$0x3FB3]  }
0x2e: {  	s3 =	simm.s32 @!p0 $0x1082;
	s9 =	sld [smem:$0x3FB4]  }
0x2f: {  	lr =	sadd.s32 s0, s3;
	s0 =	sld [smem:$0x3FAB]  }
0x30: {  	s3 =	sld [smem:$0x3FAE]  }
0x31: {  	[smem:$0x3FB7] =	sst s10  }
0x32: {  	s10 =	sld [smem:$0x3FB5];
	_ =	sdelay $0x3  }
0x33: {  	p0 =	seq.s32 s10, $0x1;
	s10 =	sld [smem:$0x3FB7];
	_ =	sdelay $0x3  }
0x34: {  	[smem:$0x3FB7] =	sst s10  }
0x35: {  	s10 =	sld [smem:$0x3FB6];
	_ =	sdelay $0x3  }
0x36: {  	p1 =	seq.s32 s10, $0x1;
	s10 =	sld [smem:$0x3FB7];
	_ =	sdelay $0x3  }
0x37: {  	[smem:$0x3FB7] =	sst s10  }
0x38: {  	s10 =	sld [smem:$0x3FB8]  }
0x39: {  	_ = 	snop;
	(pc) =	sbr.ind lr, $3  }
0x3a: {  	_ = 	snop  }
0x3b: {  	_ = 	snop  }
0x3c: {  	p2 =	seq.s32 s10, $0x1;
	s10 =	sld [smem:$0x3FB7]  }
0x3d: {  	_ =	shalt  }
0x3e: {  	_ =	shalt  }
0x3f: {  	_ =	shalt  }
0x40: {  	_ =	shalt  }
0x41: {  	_ =	shalt  }
0x42: {  	_ =	shalt  }
0x43: {  	_ =	shalt  }
0x44: {  	_ =	shalt  }
0x45: {  	_ =	shalt  }
0x46: {  	_ =	shalt  }
0x47: {  	_ =	shalt  }
0x48: {  	_ =	shalt  }
0x49: {  	_ =	shalt  }
0x4a: {  	_ =	shalt  }
0x4b: {  	_ =	shalt  }
0x4c: {  	_ =	shalt  }
0x4d: {  	_ =	shalt  }
0x4e: {  	_ =	shalt  }
0x4f: {  	_ =	shalt  }
0x50: {  	_ =	shalt  }
0x51: {  	_ =	shalt  }
0x52: {  	_ =	shalt  }
0x53: {  	_ =	shalt  }
0x54: {  	_ =	shalt  }
0x55: {  	_ =	shalt  }
0x56: {  	_ =	shalt  }
0x57: {  	_ =	shalt  }
0x58: {  	_ =	shalt  }
0x59: {  	_ =	shalt  }
0x5a: {  	_ =	shalt  }
0x5b: {  	_ =	shalt  }
0x5c: {  	_ =	shalt  }
0x5d: {  	_ =	shalt  }
0x5e: {  	_ =	shalt  }
0x5f: {  	_ =	shalt  }
0x60: {  	_ =	shalt  }
0x61: {  	_ =	shalt  }
0x62: {  	_ =	shalt  }
0x63: {  	_ =	shalt  }
0x64: {  	_ =	shalt  }
0x65: {  	_ =	shalt  }
0x66: {  	_ =	shalt  }
0x67: {  	_ =	shalt  }
0x68: {  	_ =	shalt  }
0x69: {  	_ =	shalt  }
0x6a: {  	_ =	shalt  }
0x6b: {  	_ =	shalt  }
0x6c: {  	_ =	shalt  }
0x6d: {  	_ =	shalt  }
0x6e: {  	_ =	shalt  }
0x6f: {  	_ =	shalt  }
0x70: {  	_ =	shalt  }
0x71: {  	_ =	shalt  }
0x72: {  	_ =	shalt  }
0x73: {  	_ =	shalt  }
0x74: {  	_ =	shalt  }
0x75: {  	_ =	shalt  }
0x76: {  	_ =	shalt  }
0x77: {  	_ =	shalt  }
0x78: {  	_ =	shalt  }
0x79: {  	_ =	shalt  }
0x7a: {  	_ =	shalt  }
0x7b: {  	_ =	shalt  }
0x7c: {  	_ =	shalt  }
0x7d: {  	_ =	shalt  }
0x7e: {  	_ =	shalt  }
0x7f: {  	_ =	shalt  }
0x80: {  	_ =	shalt  }
0x81: {  	_ =	shalt  }
0x82: {  	_ =	shalt  }
0x83: {  	_ =	shalt  }
0x84: {  	_ =	shalt  }
0x85: {  	_ =	shalt  }
0x86: {  	_ =	shalt  }
0x87: {  	_ =	shalt  }
.Lfunc_end0:
.L_simem_size_0:
called_computation_lowered:
.L_overlay_start_0:
0x88: {  	s2 =	sld [smem:$0x3FD9]  }
0x89: {  	s3 =	sld [smem:$0x3FFE];
	_ =	sdelay $0x1  }
0x8a: {  	s1 =	srdreg.scid  }
0x8b: {  	s0 =	sand.u32 $0x1, s1  }
0x8c: {  	s14 =	sshll.u32 s0, $0xA;
	s2 =	sadd.s32 s3, s2  }
0x8d: {  	s2 =	sadd.s32 s2, s14  }
0x8e: {  	[smem:$0x3FC3] =	sst s2  }
0x8f: {  	_ = 	snop  }
0x90: {  	s2 =	sld [smem:$0x3FD0];
	_ =	sdelay $0x2  }
0x91: {  	s15 =	simm.s32 $0xA;
	s4 =	simm.s32 $0x10  }
0x92: {  	[smem:s4], [sflag:s15] =	dma.local [hbm:s2], $0x1  }
0x93: {  	_ =	swait.eq [sflag:s15], $0x1  }
0x94: {  	[sflag:s15] =	ssyncset.done $0x0  }
0x95: {  	s16 =	sld [smem:$0x10];
	[sflag:s15] =	ssyncadd.s32 $0xFFFFFFFF  }
0x96: {  	s17 =	sld [smem:$0x11];
	(tm) =	ssettm $0x1  }
0x97: {  	s18 =	sld [smem:$0x3FFB];
	_ =	sdelay $0x3  }
0x98: {  	_ =	strace s18  }
0x99: {  	s4 =	sld [smem:$0x3FFC];
	_ =	sdelay $0x3  }
0x9a: {  	_ =	strace s4  }
0x9b: {  	s4 =	sld [smem:$0x3FFD];
	_ =	sdelay $0x3  }
0x9c: {  	_ =	strace s4  }
0x9d: {  	_ =	strace $0x8FFFFFFF  }
0x9e: {  	s19 =	sld [smem:$0x3FDB];
	_ =	sdelay $0x1  }
0x9f: {  	s5 =	simm.s32 $_scs_section_size  }
0xa0: {  	s6 =	simm.s32 $_size__tile_overlayer_lowered;
	s7 =	simm.s32 $_tile_overlayer_lowered  }
0xa1: {  	s22 =	simm.s32 $0x1BFF;
	s21 =	sshll.u32 s7, $0x1;
	s4 =	sadd.s32 s5, s19  }
0xa2: {  	s8 =	simm.s32 $0x0;
	s20 =	sshll.u32 s6, $0x1;
	s6 =	sadd.s32 s21, s4  }
0xa3: {  	[timem:s8], [sflag:s22] =	dma.local [hbm:s6], s20  }
0xa4: {  	_ =	swait.ge [sflag:s22], s20  }
0xa5: {  	s5 =	ssub.s32 $0x0, s20;
	[sflag:s22] =	ssyncset.done $0x0  }
0xa6: {  	[sflag:s22] =	ssyncadd.s32 s5;
	_ =	sdelay $0x1  }
0xa7: {  	s23 =	simm.s32 $0x1B8B  }
0xa8: {  	_ =	swait.ge [sflag:s23], $0x1  }
0xa9: {  	[sflag:s23] =	ssyncset.done $0x0  }
0xaa: {  	s25 =	simm.s32 $0x1B8E;
	s24 =	sld [smem:$0x3FFE];
	[sflag:s23] =	ssyncadd.s32 $0xFFFFFFFF  }
0xab: {  	s26 =	simm.s32 $execute0_lowered;
	[smem:$0x3FD2] =	sst s25  }
0xac: {  	s6 =	sshll.u32 s26, $0x1;
	_ =	strace $0x80000046;
	[dreg:$0x1] =	wrdreg $0xFFFFFFFF  }
0xad: {  	s28 =	simm.s32 $_size_execute0_lowered;
	s4 =	sadd.s32 s4, s6;
	[dreg:$0x0] =	wrdreg $0x0  }
0xae: {  	s6 =	sshll.u32 s28, $0x1;
	[dreg:$0x2] =	wrdreg s4  }
0xaf: {  	[dreg:$0x3] =	wrdreg s6  }
0xb0: {  	[dreg:$0x4] =	wrdreg $0xC0  }
0xb1: {  	_ =	task [dreg:s8], $0x5FFFF  }
0xb2: {  	[dreg:$0x1] =	wrdreg $0xFFFFFFFF  }
0xb3: {  	[dreg:$0x0] =	wrdreg $0x60  }
0xb4: {  	[dreg:$0x2] =	wrdreg s17  }
0xb5: {  	[dreg:$0x3] =	wrdreg s24  }
0xb6: {  	[dreg:$0x4] =	wrdreg s16  }
0xb7: {  	[dreg:$0x5] =	wrdreg $0x118000  }
0xb8: {  	[dreg:$0x6] =	wrdreg $0x168000  }
0xb9: {  	[dreg:$0x7] =	wrdreg $0x9  }
0xba: {  	_ =	task.clear_ibuf [dreg:s8], $0x8FFFF;
	_ =	strace $0x90000046  }
0xbb: {  	s29 =	simm.s32 $0x9;
	_ =	strace $0x80000048  }
0xbc: {  	_ =	swait.ge [sflag:s29], $0x1  }
0xbd: {  	[sflag:s29] =	ssyncadd.s32 $0xFFFFFFFF  }
0xbe: {  	_ =	strace $0x90000048  }
0xbf: {  	_ =	sfence  }
0xc0: {  	s30 =	sld [smem:$0x0];
	_ =	sdelay $0x2  }
0xc1: {  	s31 =	sshll.u32 s1, $0xD;
	s1 =	sshrl.u32 s1, $0x2  }
0xc2: {  	s3 =	sand.u32 $0x4000, s31;
	s1 =	sadd.s32 s1, s30  }
0xc3: {  	s0 =	sor.u32 s3, s0;
	s1 =	sshll.u32 s1, $0x11  }
0xc4: {  	s0 =	sor.u32 s1, s0  }
0xc5: {  	s0 =	sadd.s32 $0x8F2B, s0  }
0xc6: {  	[sflag:s0] =	ssyncadd.remote.s32 $0x1  }
0xc7: {  	_ =	sfence.sel $0xFFFF  }
0xc8: {  	[dreg:$0x0] =	wrdreg $0xFFFFFFFF;
	(pc) =	sbr.abs _section_cstart, $3  }
0xc9: {  	[dreg:$0x1] =	wrdreg $0xFFFFFFFF  }
0xca: {  	_ =	task.clear_ibuf [dreg:s8], $0x2FFFF;
	_ =	strace $0x9FFFFFFF  }
0xcb: {  	(tm) =	ssettm $0x7FFFFFFF  }
tec
execute0_lowered:
.L_overlay_start_1:
0x0: {  	(tag) =	ssettag $0x1  }
0x1: {  	s0 =	rddreg [dreg:$0x0]  }
0x2: {  	s2 =	rddreg [dreg:$0x1]  }
0x3: {  	s1 =	rddreg [dreg:$0x2]  }
0x4: {  	s31 =	rddreg [dreg:$0x3]  }
0x5: {  	s3 =	rddreg [dreg:$0x4];
	s16 =	stileid.u32  }
0x6: {  	s5 =	simm.s32 $0x0;
	s4 =	srdreg.scid;
	s7 =	smul.u32 $0x4E20, s16  }
0x7: {  	[smem:$0x7FF] =	sst s5;
	s6 =	sadd.s32 $0x59400, s2;
	s13 =	smul.u32 $0x14000, s16  }
0x8: {  	s4 =	sand.u32 $0x1, s4;
	s8 =	sadd.s32 $0x4F600, s2;
	s15 =	smul.u32 $0xA00, s16  }
0x9: {  	s9 =	sadd.s32 $0x59600, s2;
	s16 =	smul.u32 $0x280, s16;
	_ =	strace $0x80000047  }
0xa: {  	[dreg:$0x6] =	wrdreg s6;
	s28 =	ssub.s32 $0x2, s4;
	s10 =	smul.u32 $0xA00, s4  }
0xb: {  	s17 =	sshllo.u32 s4, $0x1;
	s12 =	smul.u32 $0x5000, s4;
	s25 =	sshll.u32 s4, $0x1  }
0xc: {  	s6 =	simm.s32 $0xF000;
	s11 =	sshrl.u32 s28, $0x1;
	s30 =	smul.u32 $0x500, s17  }
0xd: {  	s20 =	sshrl.u32 s15, $0x2;
	s29 =	ssub.s32 s28, s11;
	s18 =	sshrl.u32 s12, $0x3  }
0xe: {  	s10 =	sadd.s32 s0, s10;
	s14 =	sadd.s32 s0, s18;
	s2 =	smax.u32 s29, $0x1  }
0xf: {  	s12 =	sadd.s32 s0, s30;
	s0 =	sadd.s32 s20, s3;
	[dreg:$0x9] =	wrdreg s2  }
0x10: {  	s19 =	sshrl.u32 s13, $0x2;
	s21 =	sadd.s32 $0x2800, s0;
	[dreg:$0x7] =	wrdreg s0  }
0x11: {  	s20 =	smul.u32 $0x9C400, s4;
	s22 =	sadd.s32 $0x80, s0;
	[dreg:$0x8] =	wrdreg s21  }
0x12: {  	s4 =	simm.s32 $0x2;
	s23 =	sadd.s32 $0x100, s0;
	[dreg:$0xa] =	wrdreg s22  }
0x13: {  	s18 =	simm.s32 $0xF800;
	s24 =	sadd.s32 $0x180, s0;
	[dreg:$0xb] =	wrdreg s23  }
0x14: {  	s11 =	sadd.s32 $0x1400, s14;
	s26 =	sadd.s32 $0x200, s0;
	[dreg:$0xc] =	wrdreg s24  }
0x15: {  	s13 =	sadd.s32 $0x1900, s14;
	s28 =	sadd.s32 $0x2880, s0;
	[dreg:$0xd] =	wrdreg s26  }
0x16: {  	s14 =	sadd.s32 s19, s31;
	s29 =	sadd.s32 $0x2900, s0;
	[dreg:$0xe] =	wrdreg s28  }
0x17: {  	s19 =	sadd.s32 $0x2800, s3;
	s30 =	sadd.s32 $0x2980, s0;
	[dreg:$0xf] =	wrdreg s29  }
0x18: {  	s0 =	sadd.s32 $0x2A00, s0;
	s2 =	simm.s32 $0x0;
	[dreg:$0x10] =	wrdreg s30  }
0x19: {  	v1 =	vmov s25;
	s15 =	sadd.s32 $0x2800, s14;
	s21 =	smul.u32 $0x4E200, s17;
	[dreg:$0x11] =	wrdreg s0  }
0x1a: {  	v2 =	vimm.f32 $0.0e+00;
	v0 =	vmov s17;
	v1 =	vbroadcast v1, $0x0;
	s22 =	simm.s32 $0x1;
	s23 =	simm.s32 $0x5000;
	s24 =	simm.s32 $0xA000  }
.LBB2_1:
0x1b: {  	[dreg:$0x12] =	wrdreg s2  }
0x1c: {  	s0 =	rddreg [dreg:$0x6];
	s30 =	simm.s32 $0x11780  }
0x1d: {  	[tilespmem:s30], [sflag:$0x2] =	stream.linear.gather [hbm4b:s0+s5], $0x80, $0x38;
	[tilespmem:$0x16D00] =	vst v63  }
0x1e: {  	_ =	swait.ge [sflag:s4], $0x80  }
0x1f: {  	[sflag:s4] =	ssyncset.done $0x0  }
0x20: {  	[sflag:s4] =	ssyncadd.s32 $0xFFFFFF80  }
0x21: {  	v3 =	vld.idx.msk [tilespmem:v1+s30+$0x0], $0xffff  }
0x22: {  	s25 =	sadd.s32 $0x0, s10  }
0x23: {  	s2 =	simm.s32 $0x100;
	s17 =	simm.s32 $0x0;
	s0 =	simm.s32 $0x10;
	v4 =	vld.idx.msk [tilespmem:v0+s30+$0x0], $0xffff  }
.LBB2_2:
0x24: {  	[tilespmem:s17], [sflag:$0x2] =	stream.linear.gather [hbm4b:s25+s5], $0x80, $0x38;
	[tilespmem:$0x16D00] =	vst v63  }
0x25: {  	s25 =	smov.u32 s0;
	s17 =	smov.u32 s2;
	p0 =	sne.s32 s0, $0x4F0  }
.Ltmp0:
0x26: {  	s0 =	sadd.s32 $0x10, s0;
	(pc) =	sbr.rel @p0 .LBB2_2-.Ltmp0, $2  }
0x27: {  	_ =	sdelay $0x2  }
0x28: {  	s2 =	sadd.s32 $0x100, s2;
	s25 =	sadd.s32 s25, s10  }
0x29: {  	[tilespmem:s17], [sflag:$0x2] =	stream.linear.gather [hbm4b:s25+s5], $0x80, $0x38;
	[tilespmem:$0x16D00] =	vst v63  }
0x2a: {  	_ =	swait.ge [sflag:s4], $0x2800  }
0x2b: {  	s0 =	simm.s32 $0x5000;
	s2 =	simm.s32 $0x10;
	[sflag:s4] =	ssyncset.done $0x0  }
0x2c: {  	s25 =	sadd.s32 $0x0, s11;
	s17 =	simm.s32 $0x5100;
	[sflag:s4] =	ssyncadd.s32 $0xFFFFD800  }
.LBB2_4:
0x2d: {  	[tilespmem:s0], [sflag:$0x2] =	stream.linear.gather [hbm4b:s25+s5], $0x80, $0x38;
	[tilespmem:$0x16D00] =	vst v63  }
0x2e: {  	s25 =	smov.u32 s2;
	s0 =	smov.u32 s17;
	p0 =	sne.s32 s2, $0x4F0  }
.Ltmp1:
0x2f: {  	s2 =	sadd.s32 $0x10, s2;
	(pc) =	sbr.rel @p0 .LBB2_4-.Ltmp1, $2  }
0x30: {  	_ =	sdelay $0x2  }
0x31: {  	s17 =	sadd.s32 $0x100, s17;
	s25 =	sadd.s32 s25, s11  }
0x32: {  	[tilespmem:s0], [sflag:$0x2] =	stream.linear.gather [hbm4b:s25+s5], $0x80, $0x38;
	[tilespmem:$0x16D00] =	vst v63  }
0x33: {  	_ =	swait.ge [sflag:s4], $0x2800  }
0x34: {  	s0 =	simm.s32 $0x80;
	s2 =	simm.s32 $0x10;
	[sflag:s4] =	ssyncset.done $0x0  }
0x35: {  	s25 =	sadd.s32 $0x0, s12;
	s17 =	simm.s32 $0x180;
	[sflag:s4] =	ssyncadd.s32 $0xFFFFD800  }
.LBB2_6:
0x36: {  	[tilespmem:s0], [sflag:$0x2] =	stream.linear.gather [hbm4b:s25+s5], $0x80, $0x38;
	[tilespmem:$0x16D00] =	vst v63  }
0x37: {  	s25 =	smov.u32 s2;
	s0 =	smov.u32 s17;
	p0 =	sne.s32 s2, $0x4F0  }
.Ltmp2:
0x38: {  	s2 =	sadd.s32 $0x10, s2;
	(pc) =	sbr.rel @p0 .LBB2_6-.Ltmp2, $2  }
0x39: {  	_ =	sdelay $0x2  }
0x3a: {  	s17 =	sadd.s32 $0x100, s17;
	s25 =	sadd.s32 s25, s12  }
0x3b: {  	[tilespmem:s0], [sflag:$0x2] =	stream.linear.gather [hbm4b:s25+s5], $0x80, $0x38;
	[tilespmem:$0x16D00] =	vst v63  }
0x3c: {  	_ =	swait.ge [sflag:s4], $0x2800  }
0x3d: {  	s0 =	simm.s32 $0x5080;
	s2 =	simm.s32 $0x10;
	[sflag:s4] =	ssyncset.done $0x0  }
0x3e: {  	s25 =	sadd.s32 $0x0, s13;
	s17 =	simm.s32 $0x5180;
	[sflag:s4] =	ssyncadd.s32 $0xFFFFD800  }
.LBB2_8:
0x3f: {  	[tilespmem:s0], [sflag:$0x2] =	stream.linear.gather [hbm4b:s25+s5], $0x80, $0x38;
	[tilespmem:$0x16D00] =	vst v63  }
0x40: {  	s25 =	smov.u32 s2;
	s0 =	smov.u32 s17;
	p0 =	sne.s32 s2, $0x4F0  }
.Ltmp3:
0x41: {  	s2 =	sadd.s32 $0x10, s2;
	(pc) =	sbr.rel @p0 .LBB2_8-.Ltmp3, $2  }
0x42: {  	_ =	sdelay $0x2  }
0x43: {  	s17 =	sadd.s32 $0x100, s17;
	s25 =	sadd.s32 s25, s13  }
0x44: {  	[tilespmem:s0], [sflag:$0x2] =	stream.linear.gather [hbm4b:s25+s5], $0x80, $0x38;
	[tilespmem:$0x16D00] =	vst v63  }
0x45: {  	s29 =	simm.s32 $0x0;
	_ =	swait.ge [sflag:s4], $0x2800  }
0x46: {  	s30 =	sand.u32 $0x70, s29;
	s2 =	sand.u32 $0x7F00, s29;
	[sflag:s4] =	ssyncset.done $0x0  }
0x47: {  	s2 =	sor.u32 s30, s2;
	[sflag:s4] =	ssyncadd.s32 $0xFFFFD800  }
0x48: {  	[tilespmem:s2+$0xA080] =	vst v2  }
0x49: {  	s0 =	simm.s32 $0x10;
	[tilespmem:s2+$0xA000] =	vst v2;
	s2 =	simm.s32 $0x0  }
.LBB2_10:
0x4a: {  	p0 =	sne.s32 s0, $0x27F0  }
.Ltmp4:
0x4b: {  	s17 =	sand.u32 $0x70, s0;
	s2 =	sadd.s32 $0x20, s2;
	(pc) =	sbr.rel @p0 .LBB2_10-.Ltmp4, $4  }
0x4c: {  	s0 =	sadd.s32 $0x10, s0;
	s25 =	sand.u32 $0x7F00, s2  }
0x4d: {  	s17 =	sor.u32 s17, s25  }
0x4e: {  	[tilespmem:s17+$0xA080] =	vst v2  }
0x4f: {  	[tilespmem:s17+$0xA000] =	vst v2  }
.LBB2_11:
0x50: {  	s0 =	smul.u32 $0x7D0, s29;
	_ =	sdelay $0x1  }
0x51: {  	s0 =	sadd.s32 s7, s0  }
0x52: {  	s0 =	sshrl.u32 s0, $0x3  }
0x53: {  	s2 =	sadd.s32 s8, s0  }
0x54: {  	[tilespmem:s6], [sflag:$0x1] =	stream.linear.gather [hbm4b:s2+s5], $0x7D0, $0x38;
	[tilespmem:$0x16D00] =	vst v63  }
0x55: {  	s0 =	sadd.s32 s1, s0  }
0x56: {  	[tilespmem:s18], [sflag:$0x1] =	stream.linear.gather [hbm4b:s0+s5], $0x7D0, $0x38;
	[tilespmem:$0x16D00] =	vst v63  }
0x57: {  	_ =	swait.ge [sflag:s22], $0x7D0  }
0x58: {  	[sflag:s22] =	ssyncset.done $0x0  }
0x59: {  	[sflag:s22] =	ssyncadd.s32 $0xFFFFF830  }
0x5a: {  	_ =	swait.ge [sflag:s22], $0x7D0  }
0x5b: {  	[sflag:s22] =	ssyncset.done $0x0  }
0x5c: {  	s30 =	simm.s32 $0xF820;
	[sflag:s22] =	ssyncadd.s32 $0xFFFFF830  }
0x5d: {  	v5 =	vld [tilespmem:s30+$0x0]  }
0x5e: {  	s17 =	simm.s32 $0xF020;
	v6 =	vld [tilespmem:s30+$0x10]  }
0x5f: {  	v7 =	vld [tilespmem:s17+$0x10]  }
0x60: {  	v8 =	vld [tilespmem:s17+$0x0]  }
0x61: {  	v9 =	vld [tilespmem:s30+$0x20]  }
0x62: {  	v11 =	vld [tilespmem:s17+$0x20];
	v10 =	vshll.u32 v5, $0x1  }
0x63: {  	v5 =	vand.u32 $0x7F, v5;
	v12 =	vshll.u32 v6, $0x1;
	v6 =	vand.u32 $0x7F, v6  }
0x64: {  	v13 =	vld [tilespmem:s30+$0xFFFFFFE0];
	v14 =	vshll.u32 v7, $0x1;
	v7 =	vand.u32 $0x7F, v7;
	v12 =	vand.u32 $0xFFFFFF00, v12  }
0x65: {  	v15 =	vshll.u32 v8, $0x1;
	v14 =	vand.u32 $0xFFFFFF00, v14;
	v6 =	vor.u32 v6, v12;
	v12 =	vld [tilespmem:s17+$0xFFFFFFE0]  }
0x66: {  	s25 =	simm.s32 $0xF870;
	v19 =	vld [tilespmem:s30+$0xFFFFFFF0];
	v16 =	vand.u32 $0x7F, v9;
	v8 =	vand.u32 $0x7F, v8;
	v14 =	vor.u32 v7, v14  }
0x67: {  	v25 =	vld [tilespmem:s25+$0x10];
	v18 =	vshll.u32 v11, $0x1;
	v7 =	vshll.u32 v9, $0x1;
	v9 =	vand.u32 $0xFFFFFF00, v15  }
0x68: {  	v10 =	vand.u32 $0xFFFFFF00, v10;
	v15 =	vld [tilespmem:s17+$0xFFFFFFF0];
	v17 =	vand.u32 $0xFFFFFF00, v7;
	v9 =	vor.u32 v8, v9  }
0x69: {  	v27 =	vld [tilespmem:s25+$0xFFFFFFE0];
	v7 =	vor.u32 v5, v10;
	v5 =	vand.u32 $0x7F, v11;
	v10 =	vand.u32 $0xFFFFFF00, v18  }
0x6a: {  	v18 =	vshll.u32 v13, $0x1;
	v8 =	vor.u32 v16, v17;
	v11 =	vld.idx.msk [tilespmem:v6+s5+$0x0], $0xffff;
	v16 =	vshll.u32 v12, $0x1  }
0x6b: {  	s26 =	simm.s32 $0xF070;
	v10 =	vor.u32 v5, v10;
	v17 =	vld.idx.msk [tilespmem:v14+s23+$0x0], $0xffff;
	v5 =	vand.u32 $0x7F, v12;
	v12 =	vand.u32 $0xFFFFFF00, v16  }
0x6c: {  	v32 =	vld [tilespmem:s26+$0xFFFFFFF0];
	v13 =	vand.u32 $0x7F, v13;
	v16 =	vand.u32 $0xFFFFFF00, v18;
	v12 =	vor.u32 v5, v12  }
0x6d: {  	v18 =	vld.idx.msk [tilespmem:v9+s23+$0x0], $0xffff;
	v5 =	vshll.u32 v15, $0x1;
	v20 =	vor.u32 v13, v16  }
0x6e: {  	v16 =	vld.idx.msk [tilespmem:v7+s5+$0x0], $0xffff;
	v15 =	vand.u32 $0x7F, v15;
	v5 =	vand.u32 $0xFFFFFF00, v5  }
0x6f: {  	v22 =	vor.u32 v15, v5;
	v5 =	vld.idx.msk [tilespmem:v8+s5+$0x0], $0xffff  }
0x70: {  	v13 =	vshll.u32 v19, $0x1;
	v15 =	vld.idx.msk [tilespmem:v10+s23+$0x0], $0xffff;
	v11 =	vadd.f32 v17, v11  }
0x71: {  	v19 =	vand.u32 $0x7F, v19;
	v13 =	vand.u32 $0xFFFFFF00, v13;
	v17 =	vld.idx.msk [tilespmem:v12+s23+$0x0], $0xffff  }
0x72: {  	s30 =	simm.s32 $0xF0C0;
	v13 =	vor.u32 v19, v13;
	v19 =	vld.idx.msk [tilespmem:v20+s5+$0x0], $0xffff;
	v21 =	vmul.f32 $2.000000030e-01, v11  }
0x73: {  	v57 =	vld [tilespmem:s30+$0x20];
	v33 =	vand.u32 $0x7F, v25;
	v16 =	vadd.f32 v18, v16;
	vm0 =	vgt.f32 v11, $0.0e+00  }
0x74: {  	v25 =	vshll.u32 v25, $0x1;
	v36 =	vshll.u32 v32, $0x1;
	v11 =	vsel vm0, v11, v21  }
0x75: {  	v40 =	vshll.u32 v27, $0x1;
	v23 =	vmul.f32 $2.000000030e-01, v16;
	v11 =	vsub.f32 v11, v3  }
0x76: {  	v36 =	vand.u32 $0xFFFFFF00, v36;
	vm0 =	vgt.f32 v16, $0.0e+00;
	v5 =	vadd.f32 v15, v5  }
0x77: {  	v15 =	vsel vm0, v16, v23;
	v16 =	vadd.f32 v17, v19;
	v11 =	vmul.f32 $1.442695020e+00, v11  }
0x78: {  	v52 =	vand.u32 $0x7F, v57;
	v28 =	vor.u32 $0x80, v14;
	v18 =	vld.idx.msk [tilespmem:v22+s23+$0x0], $0xffff;
	v17 =	vmul.f32 $2.000000030e-01, v5  }
0x79: {  	v21 =	vld.idx.msk [tilespmem:v13+s5+$0x0], $0xffff;
	vm0 =	vgt.f32 v5, $0.0e+00;
	v19 =	vmul.f32 $2.000000030e-01, v16;
	(erf) = vpow2.f32 v11  }
0x7a: {  	v29 =	vld [tilespmem:s25+$0x20];
	v15 =	vsub.f32 v15, v3;
	v5 =	vsel vm0, v5, v17;
	vm0 =	vgt.f32 v16, $0.0e+00  }
0x7b: {  	v14 =	vor.u32 $0x80, v6;
	v17 =	vsub.f32 v5, v3;
	v5 =	vsel vm0, v16, v19;
	v16 =	vld [tilespmem:s26+$0x0]  }
0x7c: {  	v9 =	vor.u32 $0x80, v9;
	v11 =	vld [tilespmem:s25+$0x0];
	v15 =	vmul.f32 $1.442695020e+00, v15;
	v23 =	vsub.f32 v5, v3  }
0x7d: {  	v30 =	vld [tilespmem:s26+$0x20];
	v10 =	vor.u32 $0x80, v10;
	v12 =	vor.u32 $0x80, v12;
	v17 =	vmul.f32 $1.442695020e+00, v17  }
0x7e: {  	v31 =	vld [tilespmem:s25+$0xFFFFFFF0];
	v18 =	vadd.f32 v18, v21;
	(erf) = vpow2.f32 v15;
	v15 =	vmul.f32 $1.442695020e+00, v23  }
0x7f: {  	s28 =	simm.s32 $0xF8C0;
	v22 =	vor.u32 $0x80, v22;
	v21 =	vor.u32 $0x80, v20;
	v19 =	vld [tilespmem:s26+$0x10];
	(erf) = vpow2.f32 v17  }
0x80: {  	v50 =	vld [tilespmem:s28+$0x10];
	v24 =	vmul.f32 $2.000000030e-01, v18;
	(erf) = vpow2.f32 v15;
	v15 =	vshll.u32 v16, $0x1  }
0x81: {  	v55 =	vld [tilespmem:s28+$0x20];
	v17 =	vshll.u32 v11, $0x1;
	v16 =	vand.u32 $0x7F, v16;
	v15 =	vand.u32 $0xFFFFFF00, v15  }
0x82: {  	v54 =	vld [tilespmem:s30+$0x0];
	v11 =	vand.u32 $0x7F, v11;
	v17 =	vand.u32 $0xFFFFFF00, v17;
	v23 =	vpop (erf);
	v26 =	vor.u32 v16, v15  }
0x83: {  	vm0 =	vgt.f32 v18, $0.0e+00;
	v15 =	vand.u32 $0xFFFFFF00, v25;
	[tilespmem:v6+s24+$0x0] =	vst.idx.add.f32.msk $0xffff, v23;
	v23 =	vor.u32 v11, v17  }
0x84: {  	v18 =	vsel vm0, v18, v24;
	v6 =	vshll.u32 v19, $0x1;
	v15 =	vor.u32 v33, v15;
	v17 =	vld.idx.msk [tilespmem:v14+s5+$0x0], $0xffff  }
0x85: {  	v18 =	vsub.f32 v18, v3;
	v11 =	vand.u32 $0x7F, v19;
	v6 =	vand.u32 $0xFFFFFF00, v6;
	v25 =	vld.idx.msk [tilespmem:v28+s23+$0x0], $0xffff  }
0x86: {  	v5 =	vor.u32 $0x80, v13;
	v19 =	vshll.u32 v29, $0x1;
	v28 =	vld [tilespmem:s26+$0xFFFFFFE0];
	v60 =	vor.u32 v11, v6  }
0x87: {  	v18 =	vmul.f32 $1.442695020e+00, v18;
	v16 =	vand.u32 $0x7F, v29;
	v6 =	vand.u32 $0xFFFFFF00, v19;
	v34 =	vld.idx.msk [tilespmem:v26+s23+$0x0], $0xffff  }
0x88: {  	v35 =	vpop (erf);
	v11 =	vshll.u32 v30, $0x1;
	v19 =	vand.u32 $0x7F, v30;
	v30 =	vand.u32 $0x7F, v27;
	v37 =	vld.idx.msk [tilespmem:v23+s5+$0x0], $0xffff  }
0x89: {  	v29 =	vand.u32 $0xFFFFFF00, v11;
	v11 =	vand.u32 $0x7F, v31;
	v31 =	vshll.u32 v31, $0x1;
	v38 =	vpop (erf);
	v39 =	vld.idx.msk [tilespmem:v15+s5+$0x0], $0xffff  }
0x8a: {  	v16 =	vor.u32 v16, v6;
	v6 =	vand.u32 $0x7F, v32;
	v33 =	vor.u32 $0x80, v60;
	[tilespmem:v8+s24+$0x0] =	vst.idx.add.f32.msk $0xffff, v38  }
0x8b: {  	v32 =	vshll.u32 v50, $0x1;
	v31 =	vand.u32 $0xFFFFFF00, v31;
	v27 =	vor.u32 v6, v36;
	v61 =	vpop (erf);
	v62 =	vld.idx.msk [tilespmem:v60+s23+$0x0], $0xffff  }
0x8c: {  	v11 =	vor.u32 v11, v31;
	v31 =	vor.u32 v19, v29;
	v6 =	vshll.u32 v28, $0x1;
	[tilespmem:v20+s24+$0x0] =	vst.idx.add.f32.msk $0xffff, v61  }
0x8d: {  	v19 =	vand.u32 $0x7F, v28;
	v25 =	vadd.f32 v25, v17;
	v6 =	vand.u32 $0xFFFFFF00, v6;
	v20 =	vld.idx.msk [tilespmem:v21+s5+$0x0], $0xffff  }
0x8e: {  	v32 =	vand.u32 $0xFFFFFF00, v32;
	v29 =	vand.u32 $0xFFFFFF00, v40;
	v17 =	vor.u32 v19, v6;
	v12 =	vld.idx.msk [tilespmem:v12+s23+$0x0], $0xffff  }
0x8f: {  	v26 =	vor.u32 $0x80, v26;
	v19 =	vor.u32 v30, v29;
	v30 =	vld.idx.msk [tilespmem:v16+s5+$0x0], $0xffff;
	v29 =	vmul.f32 $2.000000030e-01, v25  }
0x90: {  	v38 =	vand.u32 $0x7F, v54;
	vm1 =	vgt.f32 v25, $0.0e+00;
	v44 =	vld.idx.msk [tilespmem:v27+s23+$0x0], $0xffff;
	v63 =	vadd.f32 v34, v37  }
0x91: {  	v28 =	vor.u32 $0x80, v7;
	v6 =	vor.u32 $0x80, v8;
	v45 =	vld.idx.msk [tilespmem:v11+s5+$0x0], $0xffff;
	v25 =	vsel vm1, v25, v29  }
0x92: {  	v27 =	vor.u32 $0x80, v27;
	v41 =	vld.idx.msk [tilespmem:v31+s23+$0x0], $0xffff;
	v25 =	vsub.f32 v25, v4;
	v37 =	vmul.f32 $2.000000030e-01, v63  }
0x93: {  	vm2 =	vgt.f32 v63, $0.0e+00;
	v36 =	vadd.f32 v62, v39;
	v62 =	vand.u32 $0x7F, v50;
	v46 =	vld.idx.msk [tilespmem:v17+s23+$0x0], $0xffff  }
0x94: {  	v12 =	vadd.f32 v12, v20;
	v20 =	vld.idx.msk [tilespmem:v19+s5+$0x0], $0xffff;
	v24 =	vmul.f32 $1.442695020e+00, v25;
	v29 =	vsel vm2, v63, v37  }
0x95: {  	vm0 =	vgt.f32 v36, $0.0e+00;
	v25 =	vmul.f32 $2.000000030e-01, v36;
	v37 =	vsub.f32 v29, v3  }
0x96: {  	v29 =	vadd.f32 v44, v45;
	(erf) = vpow2.f32 v24;
	v48 =	vmul.f32 $2.000000030e-01, v12  }
0x97: {  	v44 =	vor.u32 $0x80, v31;
	v8 =	vsel vm0, v36, v25;
	v25 =	vadd.f32 v41, v30  }
0x98: {  	[tilespmem:v7+s24+$0x0] =	vst.idx.add.f32.msk $0xffff, v35;
	v31 =	vand.u32 $0x7F, v55;
	v45 =	vshll.u32 v57, $0x1;
	v57 =	vor.u32 $0x80, v17  }
0x99: {  	v9 =	vld.idx.msk [tilespmem:v9+s23+$0x0], $0xffff;
	v7 =	vsub.f32 v8, v3;
	v8 =	vadd.f32 v46, v20;
	v20 =	vmul.f32 $2.000000030e-01, v25  }
0x9a: {  	v35 =	vld.idx.msk [tilespmem:v28+s5+$0x0], $0xffff;
	(erf) = vpow2.f32 v18;
	v45 =	vand.u32 $0xFFFFFF00, v45;
	vm1 =	vgt.f32 v25, $0.0e+00  }
0x9b: {  	v47 =	vmul.f32 $1.442695020e+00, v37;
	v30 =	vmul.f32 $2.000000030e-01, v29;
	v18 =	vsel vm1, v25, v20;
	v20 =	vld [tilespmem:s28+$0x0]  }
0x9c: {  	v51 =	vld [tilespmem:s28+$0xFFFFFFE0];
	vm0 =	vgt.f32 v29, $0.0e+00;
	v7 =	vmul.f32 $1.442695020e+00, v7;
	v18 =	vsub.f32 v18, v3  }
0x9d: {  	v49 =	vld.idx.msk [tilespmem:v10+s23+$0x0], $0xffff;
	v29 =	vsel vm0, v29, v30;
	v10 =	vmul.f32 $2.000000030e-01, v8;
	vm1 =	vgt.f32 v12, $0.0e+00  }
0x9e: {  	v24 =	vld.idx.msk [tilespmem:v6+s5+$0x0], $0xffff;
	vm2 =	vgt.f32 v8, $0.0e+00;
	(erf) = vpow2.f32 v7;
	v18 =	vmul.f32 $1.442695020e+00, v18  }
0x9f: {  	v42 =	vld [tilespmem:s28+$0xFFFFFFF0];
	v7 =	vsel vm2, v8, v10;
	v10 =	vsel vm1, v12, v48;
	(erf) = vpow2.f32 v47  }
0xa0: {  	v61 =	vld [tilespmem:s30+$0xFFFFFFF0];
	v58 =	vpop (erf);
	(erf) = vpow2.f32 v18;
	v18 =	vadd.f32 v9, v35;
	v9 =	vshll.u32 v20, $0x1  }
0xa1: {  	v12 =	vsub.f32 v7, v3;
	[tilespmem:v14+s24+$0x0] =	vst.idx.add.f32.msk $0xffff, v58;
	v14 =	vand.u32 $0x7F, v20;
	v56 =	vand.u32 $0xFFFFFF00, v9  }
0xa2: {  	v46 =	vld [tilespmem:s30+$0xFFFFFFE0];
	v53 =	vsub.f32 v10, v4;
	v43 =	vmul.f32 $2.000000030e-01, v18;
	v14 =	vor.u32 v14, v56  }
0xa3: {  	v25 =	vld [tilespmem:s30+$0x10];
	v24 =	vadd.f32 v49, v24;
	v12 =	vmul.f32 $1.442695020e+00, v12;
	v59 =	vpop (erf);
	vm1 =	vgt.f32 v18, $0.0e+00  }
0xa4: {  	v34 =	vmul.f32 $1.442695020e+00, v53;
	v9 =	vor.u32 $0x80, v15;
	[tilespmem:v13+s24+$0x0] =	vst.idx.add.f32.msk $0xffff, v59;
	v13 =	vsel vm1, v18, v43  }
0xa5: {  	v8 =	vor.u32 $0x80, v19;
	v47 =	vand.u32 $0x7F, v51;
	(erf) = vpow2.f32 v12;
	v22 =	vld.idx.msk [tilespmem:v22+s23+$0x0], $0xffff  }
0xa6: {  	v20 =	vshll.u32 v54, $0x1;
	v53 =	vmul.f32 $2.000000030e-01, v24;
	(erf) = vpow2.f32 v34;
	v34 =	vld.idx.msk [tilespmem:v5+s5+$0x0], $0xffff  }
0xa7: {  	v12 =	vor.u32 $0x80, v16;
	v18 =	vshll.u32 v55, $0x1;
	v60 =	vsub.f32 v13, v4;
	v13 =	vpop (erf);
	v48 =	vld.idx.msk [tilespmem:v14+s5+$0x0], $0xffff  }
0xa8: {  	vm1 =	vgt.f32 v24, $0.0e+00;
	v63 =	vand.u32 $0xFFFFFF00, v18;
	v18 =	vor.u32 v62, v32;
	[tilespmem:v15+s24+$0x0] =	vst.idx.add.f32.msk $0xffff, v13  }
0xa9: {  	v17 =	vor.u32 v31, v63;
	v31 =	vand.u32 $0x7F, v61;
	v35 =	vmul.f32 $1.442695020e+00, v60;
	v32 =	vld.idx.msk [tilespmem:v9+s5+$0x0], $0xffff  }
0xaa: {  	v13 =	vand.u32 $0xFFFFFF00, v20;
	v39 =	vpop (erf);
	v15 =	vand.u32 $0x7F, v25;
	v20 =	vshll.u32 v25, $0x1;
	v33 =	vld.idx.msk [tilespmem:v33+s23+$0x0], $0xffff  }
0xab: {  	v34 =	vadd.f32 v22, v34;
	v13 =	vor.u32 v38, v13;
	v54 =	vpop (erf);
	v20 =	vand.u32 $0xFFFFFF00, v20;
	[tilespmem:v23+s24+$0x0] =	vst.idx.add.f32.msk $0xffff, v39  }
0xac: {  	v22 =	vor.u32 v52, v45;
	(erf) = vpow2.f32 v35;
	v25 =	vor.u32 v15, v20;
	[tilespmem:v16+s24+$0x0] =	vst.idx.add.f32.msk $0xffff, v54  }
0xad: {  	v15 =	vsel vm1, v24, v53;
	v20 =	vand.u32 $0x7F, v42;
	v16 =	vshll.u32 v42, $0x1;
	v40 =	vld.idx.msk [tilespmem:v18+s5+$0x0], $0xffff  }
0xae: {  	v24 =	vshll.u32 v51, $0x1;
	v49 =	vmul.f32 $2.000000030e-01, v34;
	vm1 =	vgt.f32 v34, $0.0e+00;
	v60 =	vpop (erf);
	v52 =	vld.idx.msk [tilespmem:v17+s5+$0x0], $0xffff  }
0xaf: {  	v55 =	vand.u32 $0xFFFFFF00, v16;
	v16 =	vshll.u32 v61, $0x1;
	v59 =	vsub.f32 v15, v4;
	[tilespmem:v19+s24+$0x0] =	vst.idx.add.f32.msk $0xffff, v60  }
0xb0: {  	v61 =	vshll.u32 v46, $0x1;
	v58 =	vand.u32 $0xFFFFFF00, v16;
	v20 =	vor.u32 v20, v55;
	v56 =	vld.idx.msk [tilespmem:v13+s23+$0x0], $0xffff  }
0xb1: {  	v19 =	vand.u32 $0x7F, v46;
	v62 =	vand.u32 $0xFFFFFF00, v61;
	v15 =	vor.u32 v31, v58;
	v63 =	vld.idx.msk [tilespmem:v8+s5+$0x0], $0xffff  }
0xb2: {  	v16 =	vand.u32 $0xFFFFFF00, v24;
	v19 =	vor.u32 v19, v62;
	v50 =	vld.idx.msk [tilespmem:v57+s23+$0x0], $0xffff;
	v32 =	vadd.f32 v33, v32  }
0xb3: {  	v34 =	vsel vm1, v34, v49;
	v16 =	vor.u32 v47, v16;
	v36 =	vmul.f32 $1.442695020e+00, v59;
	v31 =	vld.idx.msk [tilespmem:v25+s23+$0x0], $0xffff  }
0xb4: {  	v29 =	vsub.f32 v29, v3;
	v34 =	vsub.f32 v34, v4;
	v57 =	vld.idx.msk [tilespmem:v22+s23+$0x0], $0xffff;
	v54 =	vmul.f32 $2.000000030e-01, v32  }
0xb5: {  	(erf) = vpow2.f32 v36;
	vm1 =	vgt.f32 v32, $0.0e+00;
	v55 =	vld.idx.msk [tilespmem:v20+s5+$0x0], $0xffff;
	v51 =	vadd.f32 v56, v48  }
0xb6: {  	v7 =	vor.u32 $0x80, v11;
	v34 =	vmul.f32 $1.442695020e+00, v34;
	v53 =	vld.idx.msk [tilespmem:v15+s23+$0x0], $0xffff;
	v32 =	vsel vm1, v32, v54  }
0xb7: {  	v10 =	vor.u32 $0x80, v23;
	v58 =	vld.idx.msk [tilespmem:v19+s23+$0x0], $0xffff;
	v32 =	vsub.f32 v32, v4;
	v56 =	vmul.f32 $2.000000030e-01, v51  }
0xb8: {  	v59 =	vpop (erf);
	(erf) = vpow2.f32 v34;
	v60 =	vld.idx.msk [tilespmem:v16+s5+$0x0], $0xffff;
	v40 =	vadd.f32 v31, v40;
	vm2 =	vgt.f32 v51, $0.0e+00  }
0xb9: {  	v24 =	vld.idx.msk [tilespmem:v12+s5+$0x0], $0xffff;
	v36 =	vmul.f32 $1.442695020e+00, v29;
	v32 =	vmul.f32 $1.442695020e+00, v32;
	v33 =	vsel vm2, v51, v56  }
0xba: {  	v29 =	vld.idx.msk [tilespmem:v44+s23+$0x0], $0xffff;
	v31 =	vadd.f32 v50, v63;
	v62 =	vmul.f32 $2.000000030e-01, v40;
	v33 =	vsub.f32 v33, v3  }
0xbb: {  	[tilespmem:v21+s24+$0x0] =	vst.idx.add.f32.msk $0xffff, v59;
	v61 =	vpop (erf);
	vm0 =	vgt.f32 v40, $0.0e+00;
	v21 =	vadd.f32 v53, v55;
	(erf) = vpow2.f32 v32  }
0xbc: {  	[tilespmem:v28+s24+$0x0] =	vst.idx.add.f32.msk $0xffff, v61;
	v63 =	vsel vm0, v40, v62;
	v30 =	vmul.f32 $1.442695020e+00, v33;
	v33 =	vadd.f32 v57, v52  }
0xbd: {  	v28 =	vld.idx.msk [tilespmem:v10+s5+$0x0], $0xffff;
	v35 =	vmul.f32 $2.000000030e-01, v31;
	v34 =	vadd.f32 v58, v60;
	v38 =	vsub.f32 v63, v3  }
0xbe: {  	s2 =	simm.s32 $0xF110;
	s0 =	simm.s32 $0xA;
	s17 =	simm.s32 $0xF910;
	v32 =	vld.idx.msk [tilespmem:v26+s23+$0x0], $0xffff;
	v26 =	vpop (erf);
	vm0 =	vgt.f32 v21, $0.0e+00;
	v23 =	vmul.f32 $2.000000030e-01, v21;
	v37 =	vmul.f32 $2.000000030e-01, v33  }
.LBB2_12:
0xbf: {  	v39 =	vld [tilespmem:s2+$0x10];
	s0 =	sadd.s32 $0x5, s0;
	v38 =	vmul.f32 $1.442695020e+00, v38;
	vm1 =	vgt.f32 v33, $0.0e+00;
	(erf) = vpow2.f32 v36  }
0xc0: {  	v36 =	vld [tilespmem:s17+$0x0];
	p0 =	slt.u32 s0, $0x78;
	v40 =	vmul.f32 $2.000000030e-01, v34;
	v33 =	vsel vm1, v33, v37;
	vm1 =	vgt.f32 v31, $0.0e+00  }
0xc1: {  	vm2 =	vgt.f32 v34, $0.0e+00;
	v33 =	vsub.f32 v33, v3;
	(erf) = vpow2.f32 v38;
	[tilespmem:v6+s24+$0x0] =	vst.idx.add.f32.msk $0xffff, v26;
	v6 =	vpop (erf)  }
0xc2: {  	v26 =	vor.u32 $0x80, v16;
	v31 =	vsel vm1, v31, v35;
	v34 =	vsel vm2, v34, v40;
	[tilespmem:v5+s24+$0x0] =	vst.idx.add.f32.msk $0xffff, v6  }
0xc3: {  	v5 =	vmovc v7;
	v7 =	vor.u32 $0x80, v20;
	v6 =	vmovc v12;
	v35 =	vld [tilespmem:s17+$0x10];
	v34 =	vsub.f32 v34, v3;
	v33 =	vmul.f32 $1.442695020e+00, v33  }
0xc4: {  	v25 =	vor.u32 $0x80, v25;
	v12 =	vsub.f32 v31, v4;
	v37 =	vld [tilespmem:s17+$0xFFFFFFE0];
	(erf) = vpow2.f32 v30;
	v30 =	vpop (erf)  }
0xc5: {  	v32 =	vadd.f32 v32, v28;
	v31 =	vld [tilespmem:s2+$0x0];
	v34 =	vmul.f32 $1.442695020e+00, v34;
	(erf) = vpow2.f32 v33  }
0xc6: {  	v28 =	vor.u32 $0x80, v14;
	v12 =	vmul.f32 $1.442695020e+00, v12;
	v33 =	vshll.u32 v36, $0x1;
	v38 =	vld [tilespmem:s17+$0x20]  }
0xc7: {  	v41 =	vor.u32 $0x80, v18;
	v33 =	vand.u32 $0xFFFFFF00, v33;
	v40 =	vld [tilespmem:s2+$0x20];
	(erf) = vpow2.f32 v34  }
0xc8: {  	v24 =	vadd.f32 v29, v24;
	v42 =	vmul.f32 $2.000000030e-01, v32;
	v34 =	vld [tilespmem:s17+$0xFFFFFFF0];
	(erf) = vpow2.f32 v12;
	v43 =	vpop (erf)  }
0xc9: {  	v29 =	vor.u32 $0x80, v22;
	vm1 =	vgt.f32 v32, $0.0e+00;
	v12 =	vor.u32 $0x80, v17;
	[tilespmem:v9+s24+$0x0] =	vst.idx.add.f32.msk $0xffff, v30;
	v9 =	vmovc v41  }
0xca: {  	v22 =	vand.u32 $0x7F, v36;
	v30 =	vshll.u32 v31, $0x1;
	v36 =	vpop (erf);
	[tilespmem:v11+s24+$0x0] =	vst.idx.add.f32.msk $0xffff, v43;
	v43 =	vsel vm1, v32, v42  }
0xcb: {  	v11 =	vmovc v20;
	v32 =	vand.u32 $0x7F, v38;
	v38 =	vshll.u32 v38, $0x1;
	v41 =	vld.idx.msk [tilespmem:v5+s5+$0x0], $0xffff;
	v42 =	vsub.f32 v43, v4  }
0xcc: {  	v45 =	vand.u32 $0x7F, v35;
	v35 =	vshll.u32 v35, $0x1;
	v31 =	vand.u32 $0x7F, v31;
	v20 =	vld [tilespmem:s2+$0xFFFFFFF0]  }
0xcd: {  	v35 =	vand.u32 $0xFFFFFF00, v35;
	v38 =	vand.u32 $0xFFFFFF00, v38;
	v44 =	vshll.u32 v40, $0x1;
	[tilespmem:v18+s24+$0x0] =	vst.idx.add.f32.msk $0xffff, v36;
	v36 =	vpop (erf)  }
0xce: {  	vm1 =	vgt.f32 v24, $0.0e+00;
	v30 =	vand.u32 $0xFFFFFF00, v30;
	v18 =	vor.u32 v45, v35;
	v35 =	vld.idx.msk [tilespmem:v9+s5+$0x0], $0xffff;
	v43 =	vpop (erf)  }
0xcf: {  	v30 =	vor.u32 v31, v30;
	v45 =	vor.u32 v22, v33;
	v22 =	vand.u32 $0x7F, v40;
	v31 =	vld.idx.msk [tilespmem:v25+s23+$0x0], $0xffff  }
0xd0: {  	v33 =	vshll.u32 v39, $0x1;
	v40 =	vmul.f32 $2.000000030e-01, v24;
	v25 =	vand.u32 $0x7F, v39;
	v39 =	vpop (erf);
	v27 =	vld.idx.msk [tilespmem:v27+s23+$0x0], $0xffff  }
0xd1: {  	v44 =	vand.u32 $0xFFFFFF00, v44;
	v42 =	vmul.f32 $1.442695020e+00, v42;
	v33 =	vand.u32 $0xFFFFFF00, v33;
	v46 =	vld [tilespmem:s2+$0xFFFFFFE0];
	v47 =	vpop (erf)  }
0xd2: {  	v48 =	vand.u32 $0x7F, v37;
	v25 =	vor.u32 v25, v33;
	v33 =	vsel vm1, v24, v40;
	[tilespmem:v17+s24+$0x0] =	vst.idx.add.f32.msk $0xffff, v43  }
0xd3: {  	v40 =	vand.u32 $0x7F, v34;
	v17 =	vshll.u32 v34, $0x1;
	v34 =	vld.idx.msk [tilespmem:v18+s5+$0x0], $0xffff;
	(erf) = vpow2.f32 v42  }
0xd4: {  	v49 =	vor.u32 $0x80, v19;
	v42 =	vand.u32 $0xFFFFFF00, v17;
	v17 =	vshll.u32 v20, $0x1;
	v43 =	vld.idx.msk [tilespmem:v30+s23+$0x0], $0xffff  }
0xd5: {  	v19 =	vshll.u32 v37, $0x1;
	v37 =	vand.u32 $0xFFFFFF00, v17;
	v17 =	vor.u32 v32, v38;
	v50 =	vld.idx.msk [tilespmem:v45+s5+$0x0], $0xffff  }
0xd6: {  	v19 =	vand.u32 $0xFFFFFF00, v19;
	v20 =	vand.u32 $0x7F, v20;
	v32 =	vsub.f32 v33, v4;
	v24 =	vld.idx.msk [tilespmem:v12+s5+$0x0], $0xffff  }
0xd7: {  	v19 =	vor.u32 v48, v19;
	v33 =	vor.u32 v20, v37;
	v27 =	vadd.f32 v27, v41;
	v37 =	vld.idx.msk [tilespmem:v25+s23+$0x0], $0xffff  }
0xd8: {  	v22 =	vor.u32 v22, v44;
	v20 =	vor.u32 v40, v42;
	v38 =	vshll.u32 v46, $0x1;
	[tilespmem:v16+s24+$0x0] =	vst.idx.add.f32.msk $0xffff, v39  }
0xd9: {  	v38 =	vand.u32 $0xFFFFFF00, v38;
	v41 =	vmul.f32 $2.000000030e-01, v27;
	v39 =	vand.u32 $0x7F, v46;
	v16 =	vmovc v19;
	v40 =	vld.idx.msk [tilespmem:v26+s5+$0x0], $0xffff  }
0xda: {  	v31 =	vadd.f32 v31, v35;
	vm1 =	vgt.f32 v27, $0.0e+00;
	v19 =	vor.u32 v39, v38;
	v38 =	vld.idx.msk [tilespmem:v49+s23+$0x0], $0xffff  }
0xdb: {  	v32 =	vmul.f32 $1.442695020e+00, v32;
	v27 =	vsel vm1, v27, v41;
	v35 =	vadd.f32 v43, v50;
	v39 =	vld.idx.msk [tilespmem:v17+s5+$0x0], $0xffff  }
0xdc: {  	v42 =	vmul.f32 $2.000000030e-01, v31;
	vm1 =	vgt.f32 v31, $0.0e+00;
	v43 =	vsub.f32 v27, v4;
	v41 =	vld.idx.msk [tilespmem:v33+s23+$0x0], $0xffff;
	v44 =	vpop (erf)  }
0xdd: {  	vm2 =	vgt.f32 v35, $0.0e+00;
	v48 =	vmul.f32 $2.000000030e-01, v35;
	v46 =	vld.idx.msk [tilespmem:v20+s5+$0x0], $0xffff;
	(erf) = vpow2.f32 v32  }
0xde: {  	v27 =	vor.u32 $0x80, v15;
	v31 =	vsel vm1, v31, v42;
	v15 =	vmovc v33;
	v42 =	vmul.f32 $1.442695020e+00, v43;
	v32 =	vld.idx.msk [tilespmem:v22+s23+$0x0], $0xffff  }
0xdf: {  	v33 =	vsel vm2, v35, v48;
	v48 =	vor.u32 $0x80, v13;
	v35 =	vsub.f32 v31, v4;
	v13 =	vmovc v30;
	v43 =	vld.idx.msk [tilespmem:v19+s23+$0x0], $0xffff  }
0xe0: {  	v34 =	vadd.f32 v37, v34;
	v31 =	vadd.f32 v38, v40;
	v49 =	vld.idx.msk [tilespmem:v16+s5+$0x0], $0xffff;
	(erf) = vpow2.f32 v42  }
0xe1: {  	v21 =	vsel vm0, v21, v23;
	v30 =	vsub.f32 v33, v3;
	v23 =	vmul.f32 $1.442695020e+00, v35;
	[tilespmem:v8+s24+$0x0] =	vst.idx.add.f32.msk $0xffff, v47  }
.Ltmp5:
0xe2: {  	vm0 =	vgt.f32 v34, $0.0e+00;
	v33 =	vmul.f32 $2.000000030e-01, v34;
	v35 =	vsub.f32 v21, v3;
	v8 =	vmovc v26;
	[tilespmem:v10+s24+$0x0] =	vst.idx.add.f32.msk $0xffff, v44;
	(pc) =	sbr.rel @p0 .LBB2_12-.Ltmp5, $4  }
0xe3: {  	v30 =	vmul.f32 $1.442695020e+00, v30;
	v21 =	vadd.f32 v41, v46;
	v10 =	vmovc v28;
	[tilespmem:v14+s24+$0x0] =	vst.idx.add.f32.msk $0xffff, v36;
	(erf) = vpow2.f32 v23  }
0xe4: {  	v40 =	vsel vm0, v34, v33;
	v33 =	vadd.f32 v32, v39;
	v36 =	vmul.f32 $1.442695020e+00, v35;
	v14 =	vmovc v45;
	v28 =	vld.idx.msk [tilespmem:v28+s5+$0x0], $0xffff  }
0xe5: {  	v38 =	vsub.f32 v40, v3;
	vm0 =	vgt.f32 v21, $0.0e+00;
	v23 =	vmul.f32 $2.000000030e-01, v21;
	v29 =	vld.idx.msk [tilespmem:v29+s23+$0x0], $0xffff  }
0xe6: {  	s17 =	sadd.s32 $0x50, s17;
	s2 =	sadd.s32 $0x50, s2;
	v35 =	vmul.f32 $2.000000030e-01, v31;
	v34 =	vadd.f32 v43, v49;
	v37 =	vmul.f32 $2.000000030e-01, v33;
	v32 =	vld.idx.msk [tilespmem:v48+s23+$0x0], $0xffff;
	v26 =	vpop (erf)  }
0xe7: {  	(erf) = vpow2.f32 v36  }
0xe8: {  	v38 =	vmul.f32 $1.442695020e+00, v38;
	_ =	sdelay $0x1  }
0xe9: {  	(erf) = vpow2.f32 v38;
	_ =	sdelay $0x3  }
0xea: {  	v36 =	vpop (erf)  }
0xeb: {  	v38 =	vpop (erf)  }
0xec: {  	v39 =	vor.u32 $0x80, v18;
	v40 =	vpop (erf)  }
0xed: {  	v58 =	vor.u32 $0x80, v25;
	[tilespmem:v11+s24+$0x0] =	vst.idx.add.f32.msk $0xffff, v40  }
0xee: {  	v62 =	vld.idx.msk [tilespmem:v7+s5+$0x0], $0xffff  }
0xef: {  	vm1 =	vgt.f32 v33, $0.0e+00;
	v59 =	vpop (erf);
	v27 =	vld.idx.msk [tilespmem:v27+s23+$0x0], $0xffff  }
0xf0: {  	vm7 =	vgt.f32 v31, $0.0e+00;
	v21 =	vsel vm0, v21, v23;
	v61 =	vsel vm1, v33, v37;
	[tilespmem:v18+s24+$0x0] =	vst.idx.add.f32.msk $0xffff, v59  }
0xf1: {  	v60 =	vmul.f32 $2.000000030e-01, v34;
	v31 =	vsel vm7, v31, v35;
	v25 =	vsub.f32 v61, v3;
	v63 =	vld.idx.msk [tilespmem:v39+s5+$0x0], $0xffff  }
0xf2: {  	vm6 =	vgt.f32 v34, $0.0e+00;
	v31 =	vsub.f32 v31, v4;
	(erf) = vpow2.f32 v30;
	v11 =	vld.idx.msk [tilespmem:v58+s23+$0x0], $0xffff  }
0xf3: {  	v24 =	vadd.f32 v29, v24;
	v25 =	vmul.f32 $1.442695020e+00, v25;
	v18 =	vsel vm6, v34, v60  }
0xf4: {  	v28 =	vadd.f32 v32, v28;
	v32 =	vmul.f32 $1.442695020e+00, v31;
	v18 =	vsub.f32 v18, v3  }
0xf5: {  	vm9 =	vgt.f32 v24, $0.0e+00;
	(erf) = vpow2.f32 v25;
	v40 =	vmul.f32 $2.000000030e-01, v24  }
0xf6: {  	v35 =	vmul.f32 $2.000000030e-01, v28;
	v18 =	vmul.f32 $1.442695020e+00, v18;
	v37 =	vadd.f32 v27, v62  }
0xf7: {  	vm8 =	vgt.f32 v28, $0.0e+00;
	v24 =	vsel vm9, v24, v40;
	v11 =	vadd.f32 v11, v63  }
0xf8: {  	(erf) = vpow2.f32 v18;
	v18 =	vsel vm8, v28, v35;
	v41 =	vmul.f32 $2.000000030e-01, v37  }
0xf9: {  	v18 =	vsub.f32 v18, v4;
	vm10 =	vgt.f32 v37, $0.0e+00;
	v42 =	vmul.f32 $2.000000030e-01, v11  }
0xfa: {  	v24 =	vsub.f32 v24, v4;
	v25 =	vsel vm10, v37, v41;
	vm11 =	vgt.f32 v11, $0.0e+00  }
0xfb: {  	v18 =	vmul.f32 $1.442695020e+00, v18;
	v25 =	vsub.f32 v25, v4;
	v11 =	vsel vm11, v11, v42  }
0xfc: {  	v24 =	vmul.f32 $1.442695020e+00, v24;
	(erf) = vpow2.f32 v32;
	v11 =	vsub.f32 v11, v4  }
0xfd: {  	v21 =	vsub.f32 v21, v3;
	(erf) = vpow2.f32 v18;
	v43 =	vmul.f32 $1.442695020e+00, v25  }
0xfe: {  	v13 =	vor.u32 $0x80, v13;
	(erf) = vpow2.f32 v24;
	v11 =	vmul.f32 $1.442695020e+00, v11  }
0xff: {  	v45 =	vmul.f32 $1.442695020e+00, v21;
	(erf) = vpow2.f32 v43  }
0x100: {  	v44 =	vor.u32 $0x80, v17;
	v47 =	vpop (erf);
	(erf) = vpow2.f32 v11  }
0x101: {  	v22 =	vor.u32 $0x80, v22;
	v48 =	vpop (erf);
	(erf) = vpow2.f32 v45  }
0x102: {  	v50 =	vor.u32 $0x80, v14;
	[tilespmem:v14+s24+$0x0] =	vst.idx.add.f32.msk $0xffff, v47  }
0x103: {  	v13 =	vld.idx.msk [tilespmem:v13+s23+$0x0], $0xffff  }
0x104: {  	v46 =	vor.u32 $0x80, v16;
	[tilespmem:v17+s24+$0x0] =	vst.idx.add.f32.msk $0xffff, v48;
	v49 =	vpop (erf)  }
0x105: {  	v19 =	vor.u32 $0x80, v19;
	v51 =	vld.idx.msk [tilespmem:v44+s5+$0x0], $0xffff;
	v52 =	vpop (erf)  }
0x106: {  	v22 =	vld.idx.msk [tilespmem:v22+s23+$0x0], $0xffff;
	v53 =	vpop (erf)  }
0x107: {  	v54 =	vor.u32 $0x80, v20;
	v24 =	vld.idx.msk [tilespmem:v50+s5+$0x0], $0xffff;
	v55 =	vpop (erf)  }
0x108: {  	v15 =	vor.u32 $0x80, v15;
	[tilespmem:v16+s24+$0x0] =	vst.idx.add.f32.msk $0xffff, v49;
	v56 =	vpop (erf)  }
0x109: {  	v16 =	vld.idx.msk [tilespmem:v46+s5+$0x0], $0xffff;
	v57 =	vpop (erf)  }
0x10a: {  	v19 =	vld.idx.msk [tilespmem:v19+s23+$0x0], $0xffff;
	v58 =	vpop (erf)  }
0x10b: {  	[tilespmem:v20+s24+$0x0] =	vst.idx.add.f32.msk $0xffff, v58  }
0x10c: {  	v20 =	vld.idx.msk [tilespmem:v54+s5+$0x0], $0xffff  }
0x10d: {  	v15 =	vld.idx.msk [tilespmem:v15+s23+$0x0], $0xffff;
	_ =	sdelay $0x1  }
0x10e: {  	v18 =	vadd.f32 v22, v51;
	v16 =	vadd.f32 v19, v16  }
0x10f: {  	v13 =	vadd.f32 v13, v24  }
0x110: {  	v60 =	vmul.f32 $2.000000030e-01, v18;
	v19 =	vmul.f32 $2.000000030e-01, v16  }
0x111: {  	v59 =	vmul.f32 $2.000000030e-01, v13;
	vm12 =	vgt.f32 v16, $0.0e+00;
	v15 =	vadd.f32 v15, v20  }
0x112: {  	vm14 =	vgt.f32 v18, $0.0e+00;
	vm13 =	vgt.f32 v13, $0.0e+00;
	v16 =	vsel vm12, v16, v19  }
0x113: {  	v13 =	vsel vm13, v13, v59;
	v16 =	vsub.f32 v16, v4;
	v61 =	vmul.f32 $2.000000030e-01, v15  }
0x114: {  	v18 =	vsel vm14, v18, v60;
	v13 =	vsub.f32 v13, v4;
	vm15 =	vgt.f32 v15, $0.0e+00  }
0x115: {  	v18 =	vsub.f32 v18, v4;
	v16 =	vmul.f32 $1.442695020e+00, v16;
	v15 =	vsel vm15, v15, v61  }
0x116: {  	v13 =	vmul.f32 $1.442695020e+00, v13;
	v15 =	vsub.f32 v15, v4  }
0x117: {  	v62 =	vmul.f32 $1.442695020e+00, v18;
	(erf) = vpow2.f32 v16  }
0x118: {  	(erf) = vpow2.f32 v13;
	v63 =	vmul.f32 $1.442695020e+00, v15  }
0x119: {  	[tilespmem:v6+s24+$0x0] =	vst.idx.add.f32.msk $0xffff, v26;
	(erf) = vpow2.f32 v62  }
0x11a: {  	[tilespmem:v5+s24+$0x0] =	vst.idx.add.f32.msk $0xffff, v36;
	(erf) = vpow2.f32 v63  }
0x11b: {  	[tilespmem:v9+s24+$0x0] =	vst.idx.add.f32.msk $0xffff, v38  }
0x11c: {  	[tilespmem:v8+s24+$0x0] =	vst.idx.add.f32.msk $0xffff, v52  }
0x11d: {  	[tilespmem:v10+s24+$0x0] =	vst.idx.add.f32.msk $0xffff, v53  }
0x11e: {  	s29 =	sadd.s32 $0x1, s29;
	[tilespmem:v12+s24+$0x0] =	vst.idx.add.f32.msk $0xffff, v55  }
0x11f: {  	p0 =	sne.s32 s29, $0xA;
	[tilespmem:v7+s24+$0x0] =	vst.idx.add.f32.msk $0xffff, v56  }
.Ltmp6:
0x120: {  	[tilespmem:v39+s24+$0x0] =	vst.idx.add.f32.msk $0xffff, v57;
	v5 =	vpop (erf);
	(pc) =	sbr.rel @p0 .LBB2_11-.Ltmp6, $4  }
0x121: {  	v6 =	vpop (erf);
	[tilespmem:v46+s24+$0x0] =	vst.idx.add.f32.msk $0xffff, v5  }
0x122: {  	[tilespmem:v50+s24+$0x0] =	vst.idx.add.f32.msk $0xffff, v6;
	v5 =	vpop (erf)  }
0x123: {  	[tilespmem:v44+s24+$0x0] =	vst.idx.add.f32.msk $0xffff, v5;
	v5 =	vpop (erf)  }
0x124: {  	[tilespmem:v54+s24+$0x0] =	vst.idx.add.f32.msk $0xffff, v5  }
0x125: {  	s0 =	simm.s32 $0xA000;
	s2 =	sadd.s32 $0x0, s14  }
0x126: {  	[spmem:s2] =	stream.linear.scatter [tilespmem:s0], [sflag:$0x2], $0x80, $0x38;
	[tilespmem:$0x16D00] =	vst v63  }
0x127: {  	s2 =	simm.s32 $0x200  }
.LBB2_15:
0x128: {  	p0 =	sne.s32 s2, $0x9E00  }
.Ltmp7:
0x129: {  	_ = 	snop;
	(pc) =	sbr.rel @p0 .LBB2_15-.Ltmp7, $4  }
0x12a: {  	_ = 	snop  }
0x12b: {  	s17 =	sshra.s32 s2, $0x2;
	s2 =	sadd.s32 $0x200, s2  }
0x12c: {  	s0 =	sadd.s32 $0x100, s0;
	s17 =	sadd.s32 s17, s14  }
0x12d: {  	[spmem:s17] =	stream.linear.scatter [tilespmem:s0], [sflag:$0x2], $0x80, $0x38;
	[tilespmem:$0x16D00] =	vst v63  }
0x12e: {  	_ =	swait.ge [sflag:s4], $0x2800  }
0x12f: {  	[sflag:s4] =	ssyncset.done $0x0  }
0x130: {  	s0 =	simm.s32 $0xA080;
	s2 =	sadd.s32 $0x0, s15;
	[sflag:s4] =	ssyncadd.s32 $0xFFFFD800  }
0x131: {  	[spmem:s2] =	stream.linear.scatter [tilespmem:s0], [sflag:$0x2], $0x80, $0x38;
	[tilespmem:$0x16D00] =	vst v63  }
0x132: {  	s2 =	simm.s32 $0x200  }
.LBB2_17:
0x133: {  	p0 =	sne.s32 s2, $0x9E00  }
.Ltmp8:
0x134: {  	_ = 	snop;
	(pc) =	sbr.rel @p0 .LBB2_17-.Ltmp8, $4  }
0x135: {  	_ = 	snop  }
0x136: {  	s17 =	sshra.s32 s2, $0x2;
	s2 =	sadd.s32 $0x200, s2  }
0x137: {  	s0 =	sadd.s32 $0x100, s0;
	s17 =	sadd.s32 s17, s15  }
0x138: {  	[spmem:s17] =	stream.linear.scatter [tilespmem:s0], [sflag:$0x2], $0x80, $0x38;
	[tilespmem:$0x16D00] =	vst v63  }
0x139: {  	_ =	swait.ge [sflag:s4], $0x2800  }
0x13a: {  	s0 =	simm.s32 $0x0;
	[sflag:s4] =	ssyncset.done $0x0  }
0x13b: {  	s2 =	sand.u32 $0x70, s0;
	s17 =	sand.u32 $0x700, s0;
	[sflag:s4] =	ssyncadd.s32 $0xFFFFD800  }
0x13c: {  	s2 =	sor.u32 s2, s17;
	[bflag:$0x0] =	sbarrier.arrive $0xFFFF  }
0x13d: {  	s17 =	sadd.s32 $0x11280, s2;
	[tilespmem:s2+$0x11280] =	vst v2  }
0x13e: {  	s2 =	simm.s32 $0x10;
	[tilespmem:s17+$0x80] =	vst v2;
	s17 =	simm.s32 $0x0  }
.LBB2_19:
0x13f: {  	p0 =	sne.s32 s2, $0x270  }
.Ltmp9:
0x140: {  	s25 =	sand.u32 $0x70, s2;
	s17 =	sadd.s32 $0x20, s17;
	(pc) =	sbr.rel @p0 .LBB2_19-.Ltmp9, $4  }
0x141: {  	s2 =	sadd.s32 $0x10, s2;
	s26 =	sand.u32 $0x700, s17  }
0x142: {  	s25 =	sor.u32 s25, s26  }
0x143: {  	s26 =	sadd.s32 $0x11280, s25;
	[tilespmem:s25+$0x11280] =	vst v2  }
0x144: {  	[tilespmem:s26+$0x80] =	vst v2  }
.LBB2_20:
0x145: {  	s2 =	smul.u32 $0x14000, s0;
	_ =	sdelay $0x1  }
0x146: {  	s2 =	sshra.s32 s2, $0x2  }
0x147: {  	s2 =	sadd.s32 s2, s31  }
0x148: {  	s25 =	simm.s32 $0x11000;
	s2 =	sadd.s32 s16, s2  }
0x149: {  	[tilespmem:s25], [sflag:$0x2] =	stream.linear.gather [spmem:s2], $0x280, $0x38;
	[tilespmem:$0x16D00] =	vst v63  }
0x14a: {  	s17 =	simm.s32 $0x0;
	_ =	swait.ge [sflag:s4], $0x280  }
0x14b: {  	s26 =	sand.u32 $0x1C00, s17;
	[sflag:s4] =	ssyncset.done $0x0  }
0x14c: {  	s17 =	sand.u32 $0x70, s17;
	s26 =	sshrl.u32 s26, $0x2;
	[sflag:s4] =	ssyncadd.s32 $0xFFFFFD80  }
0x14d: {  	s17 =	sor.u32 s17, s26;
	v5 =	vld [tilespmem:s25+$0x0]  }
0x14e: {  	v6 =	vld [tilespmem:s17+$0x11280];
	_ =	sdelay $0x4  }
0x14f: {  	s29 =	simm.s32 $0x10;
	s26 =	simm.s32 $0x80;
	v5 =	vadd.f32 v5, v6  }
0x150: {  	s28 =	simm.s32 $0x20;
	s30 =	sand.u32 $0x1C00, s26;
	s25 =	simm.s32 $0x11010  }
.LBB2_21:
0x151: {  	p0 =	sne.s32 s28, $0x270;
	s29 =	sand.u32 $0x70, s29;
	s30 =	sshrl.u32 s30, $0x2;
	[tilespmem:s17+$0x11280] =	vst v5  }
0x152: {  	s17 =	sor.u32 s29, s30;
	v5 =	vld [tilespmem:s25+$0x0];
	s29 =	smov.u32 s28  }
0x153: {  	v6 =	vld [tilespmem:s17+$0x11280];
	_ =	sdelay $0x1  }
.Ltmp10:
0x154: {  	(pc) =	sbr.rel @p0 .LBB2_21-.Ltmp10, $3  }
0x155: {  	_ =	sdelay $0x1  }
0x156: {  	s26 =	sadd.s32 $0x80, s26;
	v5 =	vadd.f32 v5, v6  }
0x157: {  	s30 =	sand.u32 $0x1C00, s26;
	s28 =	sadd.s32 $0x10, s28;
	s25 =	sadd.s32 $0x10, s25  }
0x158: {  	s26 =	sand.u32 $0x70, s29;
	s28 =	sshrl.u32 s30, $0x2;
	[tilespmem:s17+$0x11280] =	vst v5  }
0x159: {  	s30 =	sor.u32 s26, s28;
	v5 =	vld [tilespmem:s25+$0x0]  }
0x15a: {  	v6 =	vld [tilespmem:s30+$0x11280];
	_ =	sdelay $0x4  }
0x15b: {  	v5 =	vadd.f32 v5, v6;
	_ =	sdelay $0x1  }
0x15c: {  	s2 =	sadd.s32 $0x2800, s2;
	s17 =	simm.s32 $0x11000;
	[tilespmem:s30+$0x11280] =	vst v5  }
0x15d: {  	[tilespmem:s17], [sflag:$0x2] =	stream.linear.gather [spmem:s2], $0x280, $0x38;
	[tilespmem:$0x16D00] =	vst v63  }
0x15e: {  	s26 =	simm.s32 $0x0;
	_ =	swait.ge [sflag:s4], $0x280  }
0x15f: {  	s30 =	sand.u32 $0x1C00, s26;
	[sflag:s4] =	ssyncset.done $0x0  }
0x160: {  	s2 =	sand.u32 $0x70, s26;
	s25 =	sshrl.u32 s30, $0x2;
	[sflag:s4] =	ssyncadd.s32 $0xFFFFFD80  }
0x161: {  	s2 =	sor.u32 s2, s25;
	v5 =	vld [tilespmem:s17+$0x0]  }
0x162: {  	v6 =	vld [tilespmem:s2+$0x11300];
	_ =	sdelay $0x4  }
0x163: {  	s28 =	simm.s32 $0x10;
	s25 =	simm.s32 $0x80;
	v5 =	vadd.f32 v5, v6  }
0x164: {  	s26 =	simm.s32 $0x20;
	s29 =	sand.u32 $0x1C00, s25;
	s17 =	simm.s32 $0x11010  }
.LBB2_23:
0x165: {  	p0 =	sne.s32 s26, $0x270;
	s28 =	sand.u32 $0x70, s28;
	s29 =	sshrl.u32 s29, $0x2;
	[tilespmem:s2+$0x11300] =	vst v5  }
0x166: {  	s2 =	sor.u32 s28, s29;
	v5 =	vld [tilespmem:s17+$0x0];
	s28 =	smov.u32 s26  }
0x167: {  	v6 =	vld [tilespmem:s2+$0x11300];
	_ =	sdelay $0x1  }
.Ltmp11:
0x168: {  	(pc) =	sbr.rel @p0 .LBB2_23-.Ltmp11, $3  }
0x169: {  	_ =	sdelay $0x1  }
0x16a: {  	s25 =	sadd.s32 $0x80, s25;
	v5 =	vadd.f32 v5, v6  }
0x16b: {  	s29 =	sand.u32 $0x1C00, s25;
	s26 =	sadd.s32 $0x10, s26;
	s17 =	sadd.s32 $0x10, s17  }
0x16c: {  	s25 =	sand.u32 $0x70, s28;
	s26 =	sshrl.u32 s29, $0x2;
	[tilespmem:s2+$0x11300] =	vst v5  }
0x16d: {  	s30 =	sor.u32 s25, s26;
	v5 =	vld [tilespmem:s17+$0x0]  }
0x16e: {  	v6 =	vld [tilespmem:s30+$0x11300]  }
0x16f: {  	s0 =	sadd.s32 $0x1, s0  }
0x170: {  	p0 =	sne.s32 s0, $0x10  }
.Ltmp12:
0x171: {  	_ = 	snop;
	(pc) =	sbr.rel @p0 .LBB2_20-.Ltmp12, $3  }
0x172: {  	_ = 	snop  }
0x173: {  	v5 =	vadd.f32 v5, v6;
	_ =	sdelay $0x1  }
0x174: {  	[tilespmem:s30+$0x11300] =	vst v5  }
0x175: {  	s0 =	rddreg [dreg:$0x7];
	s2 =	simm.s32 $0x11280  }
0x176: {  	[spmem:s0] =	stream.linear.scatter [tilespmem:s2], [sflag:$0x2], $0x80, $0x38;
	[tilespmem:$0x16D00] =	vst v63  }
0x177: {  	s28 =	rddreg [dreg:$0xa];
	s29 =	simm.s32 $0x11380  }
0x178: {  	[spmem:s28] =	stream.linear.scatter [tilespmem:s29], [sflag:$0x2], $0x80, $0x38;
	[tilespmem:$0x16D00] =	vst v63  }
0x179: {  	s30 =	rddreg [dreg:$0xb];
	s31 =	simm.s32 $0x11480  }
0x17a: {  	[spmem:s30] =	stream.linear.scatter [tilespmem:s31], [sflag:$0x2], $0x80, $0x38;
	[tilespmem:$0x16D00] =	vst v63  }
0x17b: {  	s17 =	simm.s32 $0x11580;
	s2 =	rddreg [dreg:$0xc]  }
0x17c: {  	[spmem:s2] =	stream.linear.scatter [tilespmem:s17], [sflag:$0x2], $0x80, $0x38;
	[tilespmem:$0x16D00] =	vst v63  }
0x17d: {  	s25 =	rddreg [dreg:$0xd];
	s26 =	simm.s32 $0x11680  }
0x17e: {  	[spmem:s25] =	stream.linear.scatter [tilespmem:s26], [sflag:$0x2], $0x80, $0x38;
	[tilespmem:$0x16D00] =	vst v63  }
0x17f: {  	_ =	swait.ge [sflag:s4], $0x280  }
0x180: {  	[sflag:s4] =	ssyncset.done $0x0  }
0x181: {  	s29 =	simm.s32 $0x11300;
	s28 =	rddreg [dreg:$0x8];
	[sflag:s4] =	ssyncadd.s32 $0xFFFFFD80  }
0x182: {  	[spmem:s28] =	stream.linear.scatter [tilespmem:s29], [sflag:$0x2], $0x80, $0x38;
	[tilespmem:$0x16D00] =	vst v63  }
0x183: {  	s31 =	simm.s32 $0x11400;
	s30 =	rddreg [dreg:$0xe]  }
0x184: {  	[spmem:s30] =	stream.linear.scatter [tilespmem:s31], [sflag:$0x2], $0x80, $0x38;
	[tilespmem:$0x16D00] =	vst v63  }
0x185: {  	s25 =	simm.s32 $0x11500;
	s17 =	rddreg [dreg:$0xf]  }
0x186: {  	[spmem:s17] =	stream.linear.scatter [tilespmem:s25], [sflag:$0x2], $0x80, $0x38;
	[tilespmem:$0x16D00] =	vst v63  }
0x187: {  	s26 =	rddreg [dreg:$0x10];
	s28 =	simm.s32 $0x11600  }
0x188: {  	[spmem:s26] =	stream.linear.scatter [tilespmem:s28], [sflag:$0x2], $0x80, $0x38;
	[tilespmem:$0x16D00] =	vst v63  }
0x189: {  	s29 =	rddreg [dreg:$0x11];
	s30 =	simm.s32 $0x11700  }
0x18a: {  	[spmem:s29] =	stream.linear.scatter [tilespmem:s30], [sflag:$0x2], $0x80, $0x38;
	[tilespmem:$0x16D00] =	vst v63  }
0x18b: {  	_ =	swait.ge [sflag:s4], $0x280  }
0x18c: {  	[sflag:s4] =	ssyncset.done $0x0  }
0x18d: {  	s0 =	simm.s32 $0xA000;
	[sflag:s4] =	ssyncadd.s32 $0xFFFFFD80  }
0x18e: {  	s2 =	simm.s32 $0x200;
	s31 =	sadd.s32 $0x0, s3;
	[bflag:$0x0] =	sbarrier.arrive $0xFFFF  }
0x18f: {  	[tilespmem:s0], [sflag:$0x2] =	stream.linear.gather [spmem:s31], $0x80, $0x38;
	[tilespmem:$0x16D00] =	vst v63  }
.LBB2_26:
0x190: {  	p0 =	sne.s32 s2, $0x9E00  }
.Ltmp13:
0x191: {  	_ = 	snop;
	(pc) =	sbr.rel @p0 .LBB2_26-.Ltmp13, $4  }
0x192: {  	_ = 	snop  }
0x193: {  	s17 =	sshra.s32 s2, $0x2;
	s2 =	sadd.s32 $0x200, s2  }
0x194: {  	s0 =	sadd.s32 $0x100, s0;
	s17 =	sadd.s32 s17, s3  }
0x195: {  	[tilespmem:s0], [sflag:$0x2] =	stream.linear.gather [spmem:s17], $0x80, $0x38;
	[tilespmem:$0x16D00] =	vst v63  }
0x196: {  	_ =	swait.ge [sflag:s4], $0x2800  }
0x197: {  	[sflag:s4] =	ssyncset.done $0x0  }
0x198: {  	s0 =	simm.s32 $0xA080;
	s2 =	sadd.s32 $0x0, s19;
	[sflag:s4] =	ssyncadd.s32 $0xFFFFD800  }
0x199: {  	[tilespmem:s0], [sflag:$0x2] =	stream.linear.gather [spmem:s2], $0x80, $0x38;
	[tilespmem:$0x16D00] =	vst v63  }
0x19a: {  	s2 =	simm.s32 $0x200  }
.LBB2_28:
0x19b: {  	p0 =	sne.s32 s2, $0x9E00  }
.Ltmp14:
0x19c: {  	_ = 	snop;
	(pc) =	sbr.rel @p0 .LBB2_28-.Ltmp14, $4  }
0x19d: {  	_ = 	snop  }
0x19e: {  	s17 =	sshra.s32 s2, $0x2;
	s2 =	sadd.s32 $0x200, s2  }
0x19f: {  	s0 =	sadd.s32 $0x100, s0;
	s17 =	sadd.s32 s17, s19  }
0x1a0: {  	[tilespmem:s0], [sflag:$0x2] =	stream.linear.gather [spmem:s17], $0x80, $0x38;
	[tilespmem:$0x16D00] =	vst v63  }
0x1a1: {  	_ =	swait.ge [sflag:s4], $0x2800  }
0x1a2: {  	[sflag:s4] =	ssyncset.done $0x0  }
0x1a3: {  	s29 =	simm.s32 $0x0;
	[sflag:s4] =	ssyncadd.s32 $0xFFFFD800  }
.LBB2_30:
0x1a4: {  	s0 =	smul.u32 $0x7D0, s29;
	_ =	sdelay $0x1  }
0x1a5: {  	s30 =	sadd.s32 s7, s0  }
0x1a6: {  	s0 =	sshrl.u32 s30, $0x3  }
0x1a7: {  	s2 =	sadd.s32 s8, s0  }
0x1a8: {  	[tilespmem:s6], [sflag:$0x1] =	stream.linear.gather [hbm4b:s2+s5], $0x7D0, $0x38;
	[tilespmem:$0x16D00] =	vst v63  }
0x1a9: {  	s0 =	sadd.s32 s1, s0  }
0x1aa: {  	[tilespmem:s18], [sflag:$0x1] =	stream.linear.gather [hbm4b:s0+s5], $0x7D0, $0x38;
	[tilespmem:$0x16D00] =	vst v63  }
0x1ab: {  	_ =	swait.ge [sflag:s22], $0x7D0  }
0x1ac: {  	[sflag:s22] =	ssyncset.done $0x0  }
0x1ad: {  	[sflag:s22] =	ssyncadd.s32 $0xFFFFF830  }
0x1ae: {  	_ =	swait.ge [sflag:s22], $0x7D0  }
0x1af: {  	[sflag:s22] =	ssyncset.done $0x0  }
0x1b0: {  	s17 =	simm.s32 $0xF020;
	[sflag:s22] =	ssyncadd.s32 $0xFFFFF830  }
0x1b1: {  	s25 =	simm.s32 $0xF820;
	v5 =	vld [tilespmem:s17+$0x20]  }
0x1b2: {  	v6 =	vld [tilespmem:s25+$0x20]  }
0x1b3: {  	v7 =	vld [tilespmem:s25+$0xFFFFFFF0]  }
0x1b4: {  	v8 =	vld [tilespmem:s25+$0xFFFFFFE0]  }
0x1b5: {  	v9 =	vld [tilespmem:s17+$0xFFFFFFF0]  }
0x1b6: {  	v10 =	vshll.u32 v5, $0x1  }
0x1b7: {  	v5 =	vand.u32 $0x7F, v5;
	v11 =	vshll.u32 v6, $0x1;
	v10 =	vand.u32 $0xFFFFFF00, v10  }
0x1b8: {  	v6 =	vand.u32 $0x7F, v6;
	v5 =	vor.u32 v5, v10;
	v10 =	vand.u32 $0xFFFFFF00, v11;
	v11 =	vld [tilespmem:s17+$0x10]  }
0x1b9: {  	v16 =	vld [tilespmem:s25+$0x10];
	v12 =	vshll.u32 v7, $0x1;
	v13 =	vshll.u32 v8, $0x1;
	v6 =	vor.u32 v6, v10  }
0x1ba: {  	v15 =	vshll.u32 v9, $0x1;
	v8 =	vand.u32 $0x7F, v8;
	v13 =	vand.u32 $0xFFFFFF00, v13;
	v10 =	vld [tilespmem:s25+$0x0]  }
0x1bb: {  	v14 =	vld [tilespmem:s17+$0x0];
	v7 =	vand.u32 $0x7F, v7;
	v12 =	vand.u32 $0xFFFFFF00, v12;
	v8 =	vor.u32 v8, v13  }
0x1bc: {  	v9 =	vand.u32 $0x7F, v9;
	v13 =	vand.u32 $0xFFFFFF00, v15;
	v7 =	vor.u32 v7, v12  }
0x1bd: {  	v9 =	vor.u32 v9, v13;
	v15 =	vld.idx.msk [tilespmem:v5+s23+$0x0], $0xffff;
	v13 =	vshll.u32 v11, $0x1  }
0x1be: {  	v20 =	vshll.u32 v16, $0x1;
	v11 =	vand.u32 $0x7F, v11;
	v12 =	vld.idx.msk [tilespmem:v6+s5+$0x0], $0xffff;
	v13 =	vand.u32 $0xFFFFFF00, v13  }
0x1bf: {  	v18 =	vld [tilespmem:s17+$0xFFFFFFE0];
	v17 =	vand.u32 $0x7F, v10;
	v10 =	vshll.u32 v10, $0x1;
	v11 =	vor.u32 v11, v13  }
0x1c0: {  	v19 =	vld.idx.msk [tilespmem:v8+s24+$0x0], $0xffff;
	v13 =	vshll.u32 v14, $0x1;
	v10 =	vand.u32 $0xFFFFFF00, v10;
	v14 =	vand.u32 $0x7F, v14  }
0x1c1: {  	v13 =	vand.u32 $0xFFFFFF00, v13;
	v10 =	vor.u32 v17, v10;
	v17 =	vand.u32 $0xFFFFFF00, v20;
	v20 =	vld.idx.msk [tilespmem:v7+s5+$0x0], $0xffff  }
0x1c2: {  	v13 =	vor.u32 v14, v13;
	v14 =	vld.idx.msk [tilespmem:v9+s23+$0x0], $0xffff  }
0x1c3: {  	v16 =	vand.u32 $0x7F, v16;
	v12 =	vadd.f32 v15, v12  }
0x1c4: {  	v15 =	vor.u32 v16, v17;
	v17 =	vld.idx.msk [tilespmem:v6+s24+$0x0], $0xffff  }
0x1c5: {  	v23 =	vld.idx.msk [tilespmem:v7+s24+$0x0], $0xffff;
	v19 =	vadd.f32 $1.000000020e-16, v19;
	v16 =	vshll.u32 v18, $0x1;
	v22 =	vmul.f32 $2.000000030e-01, v12  }
0x1c6: {  	v18 =	vand.u32 $0x7F, v18;
	v21 =	vld.idx.msk [tilespmem:v11+s23+$0x0], $0xffff;
	v16 =	vand.u32 $0xFFFFFF00, v16;
	vm0 =	vgt.f32 v12, $0.0e+00  }
0x1c7: {  	v16 =	vor.u32 v18, v16;
	v18 =	vld.idx.msk [tilespmem:v13+s23+$0x0], $0xffff;
	v14 =	vadd.f32 v14, v20;
	v12 =	vsel vm0, v12, v22  }
0x1c8: {  	v22 =	vld.idx.msk [tilespmem:v10+s5+$0x0], $0xffff;
	v12 =	vsub.f32 v12, v3  }
0x1c9: {  	(erf) = vrcp.f32 v19;
	v20 =	vld.idx.msk [tilespmem:v15+s5+$0x0], $0xffff;
	v17 =	vadd.f32 $1.000000020e-16, v17;
	v19 =	vmul.f32 $2.000000030e-01, v14  }
0x1ca: {  	vm6 =	vgt.f32 v14, $0.0e+00;
	v12 =	vmul.f32 $1.442695020e+00, v12  }
0x1cb: {  	v24 =	vld.idx.msk [tilespmem:v8+s5+$0x0], $0xffff;
	(erf) = vrcp.f32 v17;
	v14 =	vsel vm6, v14, v19  }
0x1cc: {  	v14 =	vsub.f32 v14, v3;
	(erf) = vpow2.f32 v12;
	v12 =	vld.idx.msk [tilespmem:v16+s23+$0x0], $0xffff  }
0x1cd: {  	v17 =	vadd.f32 v18, v22;
	v18 =	vadd.f32 $1.000000020e-16, v23  }
0x1ce: {  	v7 =	vor.u32 $0x80, v7;
	v19 =	vadd.f32 v21, v20;
	v14 =	vmul.f32 $1.442695020e+00, v14  }
0x1cf: {  	v26 =	vor.u32 $0x80, v10;
	v20 =	vmul.f32 $2.000000030e-01, v17;
	(erf) = vrcp.f32 v18  }
0x1d0: {  	s26 =	simm.s32 $0xF070;
	vm7 =	vgt.f32 v17, $0.0e+00;
	v18 =	vld.idx.msk [tilespmem:v10+s24+$0x0], $0xffff;
	v21 =	vmul.f32 $2.000000030e-01, v19;
	(erf) = vpow2.f32 v14  }
0x1d1: {  	v22 =	vld [tilespmem:s26+$0x20];
	vm8 =	vgt.f32 v19, $0.0e+00;
	v17 =	vsel vm7, v17, v20;
	v12 =	vadd.f32 v12, v24  }
0x1d2: {  	v23 =	vor.u32 $0x80, v5;
	v14 =	vsub.f32 v17, v3;
	v5 =	vsel vm8, v19, v21  }
0x1d3: {  	v28 =	vld [tilespmem:s26+$0xFFFFFFF0];
	s17 =	simm.s32 $0xF870;
	v9 =	vor.u32 $0x80, v9;
	v29 =	vor.u32 $0x80, v13;
	v20 =	vmul.f32 $2.000000030e-01, v12  }
0x1d4: {  	v6 =	vor.u32 $0x80, v6;
	v24 =	vpop (erf);
	v19 =	vld [tilespmem:s17+$0x20];
	v14 =	vmul.f32 $1.442695020e+00, v14;
	vm9 =	vgt.f32 v12, $0.0e+00  }
0x1d5: {  	v30 =	vld [tilespmem:s26+$0xFFFFFFE0];
	v17 =	vsub.f32 v5, v3;
	v18 =	vadd.f32 $1.000000020e-16, v18;
	v5 =	vpop (erf);
	v10 =	vsel vm9, v12, v20  }
0x1d6: {  	v25 =	vpop (erf);
	v12 =	vld [tilespmem:s17+$0xFFFFFFF0];
	(erf) = vpow2.f32 v14;
	v14 =	vshll.u32 v22, $0x1;
	v22 =	vand.u32 $0x7F, v22  }
0x1d7: {  	v21 =	vld [tilespmem:s26+$0x10];
	v5 =	vmul.f32 v25, v5;
	v10 =	vsub.f32 v10, v3;
	v14 =	vand.u32 $0xFFFFFF00, v14  }
0x1d8: {  	s0 =	simm.s32 $0x10020;
	v20 =	vor.u32 $0x80, v8;
	v8 =	vld [tilespmem:s17+$0xFFFFFFE0];
	(erf) = vrcp.f32 v18;
	v27 =	vpop (erf);
	v22 =	vor.u32 v22, v14  }
0x1d9: {  	v25 =	vld [tilespmem:s26+$0x0];
	v14 =	vshll.u32 v19, $0x1;
	v10 =	vmul.f32 $1.442695020e+00, v10;
	v13 =	vpop (erf);
	[tilespmem:s0+$0x20] =	vst v5;
	v5 =	vand.u32 $0x7F, v19  }
0x1da: {  	v18 =	vld [tilespmem:s17+$0x0];
	v19 =	vand.u32 $0x7F, v28;
	v14 =	vand.u32 $0xFFFFFF00, v14;
	v13 =	vmul.f32 v13, v27  }
0x1db: {  	v33 =	vld.idx.msk [tilespmem:v6+s24+$0x0], $0xffff;
	v14 =	vor.u32 v5, v14;
	v31 =	vshll.u32 v12, $0x1;
	(erf) = vpow2.f32 v10  }
0x1dc: {  	v6 =	vld.idx.msk [tilespmem:v6+s5+$0x0], $0xffff;
	v10 =	vand.u32 $0x7F, v21;
	v12 =	vand.u32 $0x7F, v12;
	[tilespmem:s0+$0xFFFFFFF0] =	vst v13;
	v13 =	vshll.u32 v21, $0x1  }
0x1dd: {  	v23 =	vld.idx.msk [tilespmem:v23+s23+$0x0], $0xffff;
	v34 =	vshll.u32 v8, $0x1;
	v8 =	vand.u32 $0x7F, v8;
	v13 =	vand.u32 $0xFFFFFF00, v13  }
0x1de: {  	v27 =	vand.u32 $0xFFFFFF00, v31;
	v21 =	vld.idx.msk [tilespmem:v7+s5+$0x0], $0xffff;
	v5 =	vor.u32 v10, v13;
	v10 =	vand.u32 $0xFFFFFF00, v34  }
0x1df: {  	v28 =	vshll.u32 v28, $0x1;
	v8 =	vor.u32 v8, v10;
	v10 =	vor.u32 v12, v27;
	v27 =	vld.idx.msk [tilespmem:v9+s23+$0x0], $0xffff  }
0x1e0: {  	v9 =	vand.u32 $0xFFFFFF00, v28;
	v28 =	vld.idx.msk [tilespmem:v15+s24+$0x0], $0xffff  }
0x1e1: {  	v31 =	vld [tilespmem:s17+$0x10];
	v13 =	vpop (erf)  }
0x1e2: {  	v16 =	vor.u32 $0x80, v16;
	v17 =	vmul.f32 $1.442695020e+00, v17;
	v35 =	vld.idx.msk [tilespmem:v22+s23+$0x0], $0xffff;
	v9 =	vor.u32 v19, v9;
	v12 =	vpop (erf)  }
0x1e3: {  	v32 =	vand.u32 $0x7F, v18;
	v53 =	vshll.u32 v25, $0x1;
	v19 =	vld.idx.msk [tilespmem:v7+s24+$0x0], $0xffff;
	v7 =	vmul.f32 v13, v12  }
0x1e4: {  	v18 =	vshll.u32 v18, $0x1;
	v54 =	vand.u32 $0xFFFFFF00, v53;
	v37 =	vld.idx.msk [tilespmem:v14+s5+$0x0], $0xffff;
	v23 =	vadd.f32 v23, v6  }
0x1e5: {  	v12 =	vand.u32 $0xFFFFFF00, v18;
	[tilespmem:s0+$0x0] =	vst v7;
	v21 =	vadd.f32 v27, v21;
	v27 =	vadd.f32 $1.000000020e-16, v28;
	v28 =	vld.idx.msk [tilespmem:v10+s24+$0x0], $0xffff  }
0x1e6: {  	v36 =	vshll.u32 v31, $0x1;
	v18 =	vand.u32 $0x7F, v30;
	v30 =	vshll.u32 v30, $0x1;
	v56 =	vld.idx.msk [tilespmem:v26+s24+$0x0], $0xffff  }
0x1e7: {  	vm10 =	vgt.f32 v23, $0.0e+00;
	v13 =	vor.u32 v32, v12;
	v6 =	vand.u32 $0xFFFFFF00, v30;
	v57 =	vld.idx.msk [tilespmem:v9+s23+$0x0], $0xffff  }
0x1e8: {  	v30 =	vmul.f32 $2.000000030e-01, v23;
	v7 =	vand.u32 $0x7F, v25;
	v25 =	vand.u32 $0x7F, v31;
	v12 =	vpop (erf);
	v26 =	vld.idx.msk [tilespmem:v26+s5+$0x0], $0xffff  }
0x1e9: {  	v6 =	vor.u32 v18, v6;
	v18 =	vadd.f32 $1.000000020e-16, v33;
	v31 =	vmul.f32 v12, v24;
	v24 =	vld.idx.msk [tilespmem:v29+s23+$0x0], $0xffff  }
0x1ea: {  	v23 =	vsel vm10, v23, v30;
	v12 =	vor.u32 v7, v54;
	v29 =	vld.idx.msk [tilespmem:v8+s24+$0x0], $0xffff;
	v7 =	vand.u32 $0xFFFFFF00, v36  }
0x1eb: {  	v19 =	vadd.f32 $1.000000020e-16, v19;
	v30 =	vadd.f32 v35, v37;
	v7 =	vor.u32 v25, v7;
	v25 =	vld.idx.msk [tilespmem:v14+s24+$0x0], $0xffff  }
0x1ec: {  	v23 =	vsub.f32 v23, v4;
	v58 =	vmul.f32 $2.000000030e-01, v21;
	(erf) = vrcp.f32 v27;
	v27 =	vld.idx.msk [tilespmem:v10+s5+$0x0], $0xffff  }
0x1ed: {  	vm11 =	vgt.f32 v21, $0.0e+00;
	(erf) = vrcp.f32 v18;
	v18 =	vor.u32 $0x80, v11  }
0x1ee: {  	v55 =	vld.idx.msk [tilespmem:v5+s23+$0x0], $0xffff;
	vm1 =	vgt.f32 v30, $0.0e+00;
	v59 =	vmul.f32 $2.000000030e-01, v30;
	v23 =	vmul.f32 $1.442695020e+00, v23  }
0x1ef: {  	(erf) = vrcp.f32 v19;
	v19 =	vor.u32 $0x80, v15;
	v28 =	vadd.f32 $1.000000020e-16, v28;
	v11 =	vld.idx.msk [tilespmem:v12+s23+$0x0], $0xffff  }
0x1f0: {  	(erf) = vpow2.f32 v23;
	v29 =	vadd.f32 $1.000000020e-16, v29;
	v23 =	vadd.f32 $1.000000020e-16, v25;
	v25 =	vld.idx.msk [tilespmem:v13+s5+$0x0], $0xffff  }
0x1f1: {  	v21 =	vsel vm11, v21, v58;
	v27 =	vadd.f32 v57, v27;
	v24 =	vadd.f32 v24, v26;
	v15 =	vld.idx.msk [tilespmem:v7+s5+$0x0], $0xffff  }
0x1f2: {  	(erf) = vrcp.f32 v29;
	v29 =	vsel vm1, v30, v59;
	v30 =	vadd.f32 $1.000000020e-16, v56  }
0x1f3: {  	vm12 =	vgt.f32 v24, $0.0e+00;
	vm13 =	vgt.f32 v27, $0.0e+00;
	v29 =	vsub.f32 v29, v3  }
0x1f4: {  	v60 =	vmul.f32 $2.000000030e-01, v27;
	(erf) = vrcp.f32 v23;
	v23 =	vsub.f32 v21, v4  }
0x1f5: {  	v26 =	vmul.f32 $1.442695020e+00, v29;
	v29 =	vmul.f32 $2.000000030e-01, v24;
	v61 =	vadd.f32 v11, v25  }
0x1f6: {  	v62 =	vld.idx.msk [tilespmem:v8+s5+$0x0], $0xffff;
	v21 =	vor.u32 $0x80, v22;
	v15 =	vadd.f32 v55, v15;
	v11 =	vsel vm13, v27, v60  }
0x1f7: {  	[tilespmem:s0+$0xFFFFFFE0] =	vst v31;
	v27 =	vld.idx.msk [tilespmem:v6+s23+$0x0], $0xffff;
	(erf) = vpow2.f32 v26;
	v22 =	vsel vm12, v24, v29;
	v26 =	vmul.f32 $2.000000030e-01, v61  }
0x1f8: {  	v25 =	vld.idx.msk [tilespmem:v20+s24+$0x0], $0xffff;
	v24 =	vpop (erf);
	(erf) = vrcp.f32 v28;
	v22 =	vsub.f32 v22, v4;
	vm15 =	vgt.f32 v61, $0.0e+00  }
0x1f9: {  	v28 =	vpop (erf);
	(erf) = vpow2.f32 v17;
	v17 =	vsel vm15, v61, v26;
	v26 =	vld.idx.msk [tilespmem:v16+s23+$0x0], $0xffff  }
0x1fa: {  	v29 =	vsub.f32 v11, v3;
	v34 =	vmul.f32 $2.000000030e-01, v15;
	v31 =	vmul.f32 $1.442695020e+00, v22;
	v22 =	vld.idx.msk [tilespmem:v20+s5+$0x0], $0xffff  }
0x1fb: {  	vm14 =	vgt.f32 v15, $0.0e+00;
	v11 =	vpop (erf);
	(erf) = vrcp.f32 v30;
	v20 =	vld.idx.msk [tilespmem:v13+s24+$0x0], $0xffff  }
0x1fc: {  	v63 =	vmul.f32 $1.442695020e+00, v29;
	v30 =	vpop (erf);
	v15 =	vsel vm14, v15, v34;
	v33 =	vsub.f32 v17, v3  }
0x1fd: {  	s31 =	simm.s32 $0x10820;
	s28 =	simm.s32 $0x10070;
	s2 =	simm.s32 $0x5;
	v15 =	vsub.f32 v15, v3;
	v16 =	vmul.f32 v30, v28;
	(erf) = vpow2.f32 v31;
	v17 =	vpop (erf)  }
0x1fe: {  	s25 =	simm.s32 $0xF0C0;
	s26 =	simm.s32 $0xF8C0;
	s17 =	simm.s32 $0x10870;
	v28 =	vadd.f32 v27, v62;
	v27 =	vmul.f32 $1.442695020e+00, v33;
	(erf) = vpow2.f32 v63;
	v29 =	vpop (erf)  }
.LBB2_31:
0x1ff: {  	v30 =	vld [tilespmem:s25+$0x20];
	s2 =	sadd.s32 $0x5, s2;
	v22 =	vadd.f32 v26, v22;
	v25 =	vadd.f32 $1.000000020e-16, v25;
	v26 =	vmul.f32 $1.442695020e+00, v23  }
0x200: {  	v20 =	vadd.f32 $1.000000020e-16, v20;
	v31 =	vld [tilespmem:s26+$0x20];
	vm0 =	vgt.f32 v28, $0.0e+00;
	v35 =	vmul.f32 $2.000000030e-01, v28;
	v33 =	vpop (erf)  }
0x201: {  	v23 =	vor.u32 $0x80, v13;
	p0 =	slt.u32 s2, $0x78;
	v34 =	vld [tilespmem:s25+$0x10];
	v13 =	vmul.f32 v33, v29;
	vm1 =	vgt.f32 v22, $0.0e+00  }
0x202: {  	v14 =	vor.u32 $0x80, v14;
	v29 =	vld [tilespmem:s25+$0x0];
	v28 =	vsel vm0, v28, v35;
	v32 =	vpop (erf);
	(erf) = vpow2.f32 v27  }
0x203: {  	v27 =	vld [tilespmem:s26+$0xFFFFFFF0];
	v28 =	vsub.f32 v28, v3;
	[tilespmem:s28+$0x20] =	vst v13;
	(erf) = vrcp.f32 v20;
	v13 =	vmul.f32 $2.000000030e-01, v22;
	v33 =	vpop (erf)  }
0x204: {  	v9 =	vor.u32 $0x80, v9;
	v20 =	vor.u32 $0x80, v8;
	v35 =	vld [tilespmem:s26+$0xFFFFFFE0];
	v37 =	vmul.f32 v33, v24;
	v24 =	vpop (erf)  }
0x205: {  	v33 =	vld [tilespmem:s26+$0x0];
	v28 =	vmul.f32 $1.442695020e+00, v28;
	v13 =	vsel vm1, v22, v13;
	(erf) = vrcp.f32 v25  }
0x206: {  	v12 =	vor.u32 $0x80, v12;
	v25 =	vld [tilespmem:s25+$0xFFFFFFF0];
	v13 =	vsub.f32 v13, v4;
	[tilespmem:s0+$0x10] =	vst v37;
	(erf) = vpow2.f32 v26;
	v8 =	vpop (erf);
	s0 =	smov.u32 s28  }
0x207: {  	v22 =	vshll.u32 v30, $0x1;
	v26 =	vand.u32 $0x7F, v31;
	v36 =	vpop (erf);
	v8 =	vmul.f32 v8, v24;
	v24 =	vld.idx.msk [tilespmem:v19+s24+$0x0], $0xffff  }
0x208: {  	v30 =	vand.u32 $0x7F, v30;
	v22 =	vand.u32 $0xFFFFFF00, v22;
	v37 =	vld [tilespmem:s25+$0xFFFFFFE0];
	v32 =	vmul.f32 v36, v32  }
0x209: {  	v22 =	vor.u32 v30, v22;
	v30 =	vor.u32 $0x80, v10;
	v38 =	vshll.u32 v27, $0x1;
	[tilespmem:s31+$0x0] =	vst v8;
	v8 =	vld.idx.msk [tilespmem:v19+s5+$0x0], $0xffff  }
0x20a: {  	v10 =	vand.u32 $0xFFFFFF00, v38;
	v19 =	vand.u32 $0x7F, v33;
	[tilespmem:s28+$0xFFFFFFF0] =	vst v32;
	(erf) = vpow2.f32 v28;
	v18 =	vld.idx.msk [tilespmem:v18+s23+$0x0], $0xffff  }
0x20b: {  	v38 =	vmul.f32 $1.442695020e+00, v13;
	v32 =	vand.u32 $0x7F, v34;
	v34 =	vshll.u32 v34, $0x1;
	v28 =	vld [tilespmem:s26+$0x10];
	v36 =	vpop (erf)  }
0x20c: {  	v43 =	vshll.u32 v31, $0x1;
	v13 =	vand.u32 $0x7F, v27;
	v27 =	vand.u32 $0x7F, v25;
	v39 =	vld.idx.msk [tilespmem:v14+s24+$0x0], $0xffff;
	v40 =	vpop (erf)  }
0x20d: {  	v42 =	vand.u32 $0xFFFFFF00, v43;
	v34 =	vand.u32 $0xFFFFFF00, v34;
	v24 =	vadd.f32 $1.000000020e-16, v24;
	v41 =	vld.idx.msk [tilespmem:v14+s5+$0x0], $0xffff  }
0x20e: {  	v25 =	vshll.u32 v25, $0x1;
	v32 =	vor.u32 v32, v34;
	v14 =	vor.u32 v26, v42;
	v26 =	vld.idx.msk [tilespmem:v30+s5+$0x0], $0xffff;
	v31 =	vpop (erf)  }
0x20f: {  	v34 =	vshll.u32 v35, $0x1;
	v42 =	vshll.u32 v29, $0x1;
	v43 =	vld.idx.msk [tilespmem:v22+s23+$0x0], $0xffff;
	v44 =	vpop (erf);
	(erf) = vrcp.f32 v24  }
0x210: {  	v34 =	vand.u32 $0xFFFFFF00, v34;
	v24 =	vand.u32 $0x7F, v35;
	v18 =	vadd.f32 v18, v8;
	v21 =	vld.idx.msk [tilespmem:v21+s23+$0x0], $0xffff  }
0x211: {  	v10 =	vor.u32 v13, v10;
	v8 =	vor.u32 v24, v34;
	v24 =	vshll.u32 v28, $0x1;
	v34 =	vld.idx.msk [tilespmem:v9+s23+$0x0], $0xffff  }
0x212: {  	v13 =	vshll.u32 v33, $0x1;
	v9 =	vand.u32 $0xFFFFFF00, v25;
	vm0 =	vgt.f32 v18, $0.0e+00;
	v25 =	vld.idx.msk [tilespmem:v7+s24+$0x0], $0xffff  }
0x213: {  	v35 =	vmul.f32 $2.000000030e-01, v18;
	v9 =	vor.u32 v27, v9;
	v27 =	vld.idx.msk [tilespmem:v30+s24+$0x0], $0xffff;
	v30 =	vmul.f32 v36, v40;
	v33 =	vpop (erf)  }
0x214: {  	v13 =	vand.u32 $0xFFFFFF00, v13;
	v36 =	vand.u32 $0x7F, v37;
	v37 =	vshll.u32 v37, $0x1;
	v40 =	vld.idx.msk [tilespmem:v14+s5+$0x0], $0xffff;
	[tilespmem:s31+$0x20] =	vst v16  }
0x215: {  	v13 =	vor.u32 v19, v13;
	v18 =	vsel vm0, v18, v35;
	v16 =	vand.u32 $0xFFFFFF00, v42;
	v42 =	vld.idx.msk [tilespmem:v32+s23+$0x0], $0xffff;
	[tilespmem:s28+$0x0] =	vst v30  }
0x216: {  	v19 =	vand.u32 $0x7F, v29;
	v28 =	vand.u32 $0x7F, v28;
	v17 =	vmul.f32 v33, v17;
	v29 =	vld.idx.msk [tilespmem:v12+s23+$0x0], $0xffff  }
0x217: {  	v18 =	vsub.f32 v18, v4;
	v12 =	vor.u32 v19, v16;
	v16 =	vld.idx.msk [tilespmem:v23+s24+$0x0], $0xffff;
	(erf) = vpow2.f32 v38  }
0x218: {  	v24 =	vand.u32 $0xFFFFFF00, v24;
	v19 =	vand.u32 $0xFFFFFF00, v37;
	v30 =	vld.idx.msk [tilespmem:v8+s24+$0x0], $0xffff;
	[tilespmem:s28+$0xFFFFFFE0] =	vst v17;
	v17 =	vadd.f32 v21, v41;
	v21 =	vpop (erf)  }
0x219: {  	v24 =	vor.u32 v28, v24;
	v18 =	vmul.f32 $1.442695020e+00, v18;
	v33 =	vor.u32 v36, v19;
	v35 =	vld.idx.msk [tilespmem:v9+s23+$0x0], $0xffff  }
0x21a: {  	v36 =	vadd.f32 $1.000000020e-16, v39;
	v28 =	vld.idx.msk [tilespmem:v14+s24+$0x0], $0xffff;
	vm0 =	vgt.f32 v17, $0.0e+00;
	v19 =	vmul.f32 $2.000000030e-01, v17  }
0x21b: {  	v11 =	vmul.f32 v44, v11;
	v26 =	vadd.f32 v34, v26;
	v37 =	vld.idx.msk [tilespmem:v10+s24+$0x0], $0xffff;
	(erf) = vpow2.f32 v18  }
0x21c: {  	v27 =	vadd.f32 $1.000000020e-16, v27;
	v18 =	vadd.f32 $1.000000020e-16, v25;
	v34 =	vld.idx.msk [tilespmem:v12+s23+$0x0], $0xffff;
	v17 =	vsel vm0, v17, v19  }
0x21d: {  	v39 =	vmul.f32 $2.000000030e-01, v26;
	v25 =	vadd.f32 v43, v40;
	v38 =	vld.idx.msk [tilespmem:v10+s5+$0x0], $0xffff;
	v17 =	vsub.f32 v17, v4;
	[tilespmem:s31+$0xFFFFFFF0] =	vst v11  }
0x21e: {  	vm0 =	vgt.f32 v26, $0.0e+00;
	v11 =	vadd.f32 $1.000000020e-16, v30;
	v23 =	vld.idx.msk [tilespmem:v23+s5+$0x0], $0xffff;
	(erf) = vrcp.f32 v18  }
0x21f: {  	v18 =	vor.u32 $0x80, v5;
	v5 =	vmovc v32;
	v30 =	vld.idx.msk [tilespmem:v8+s5+$0x0], $0xffff;
	v17 =	vmul.f32 $1.442695020e+00, v17;
	(erf) = vrcp.f32 v36  }
0x220: {  	v19 =	vor.u32 $0x80, v7;
	vm1 =	vgt.f32 v25, $0.0e+00;
	v32 =	vld.idx.msk [tilespmem:v13+s5+$0x0], $0xffff;
	(erf) = vrcp.f32 v27;
	v27 =	vpop (erf)  }
0x221: {  	v7 =	vmovc v24;
	v40 =	vmul.f32 $2.000000030e-01, v25;
	v28 =	vadd.f32 $1.000000020e-16, v28;
	v36 =	vld.idx.msk [tilespmem:v24+s5+$0x0], $0xffff;
	(erf) = vpow2.f32 v17  }
0x222: {  	v41 =	vmul.f32 v27, v31;
	(erf) = vrcp.f32 v11;
	v11 =	vor.u32 $0x80, v6;
	v6 =	vmovc v33  }
0x223: {  	v16 =	vadd.f32 $1.000000020e-16, v16;
	v27 =	vadd.f32 $1.000000020e-16, v37;
	v24 =	vsel vm1, v25, v40;
	v25 =	vld.idx.msk [tilespmem:v20+s24+$0x0], $0xffff  }
0x224: {  	v26 =	vsel vm0, v26, v39;
	v31 =	vadd.f32 v35, v38;
	v37 =	vsub.f32 v24, v3;
	[tilespmem:s31+$0xFFFFFFE0] =	vst v41;
	v17 =	vpop (erf)  }
0x225: {  	v15 =	vmul.f32 $1.442695020e+00, v15;
	v29 =	vadd.f32 v29, v23;
	v17 =	vmul.f32 v17, v21  }
0x226: {  	v23 =	vsub.f32 v26, v4;
	v33 =	vmul.f32 $1.442695020e+00, v37;
	(erf) = vrcp.f32 v28  }
0x227: {  	s28 =	sadd.s32 $0x50, s28;
	vm0 =	vgt.f32 v29, $0.0e+00;
	v37 =	vmul.f32 $2.000000030e-01, v29;
	v28 =	vadd.f32 v42, v36;
	v24 =	vpop (erf);
	[tilespmem:s31+$0x10] =	vst v17;
	s31 =	smov.u32 s17  }
0x228: {  	vm1 =	vgt.f32 v31, $0.0e+00;
	v38 =	vmul.f32 $2.000000030e-01, v31;
	v32 =	vadd.f32 v34, v32;
	v26 =	vld.idx.msk [tilespmem:v11+s23+$0x0], $0xffff;
	v34 =	vpop (erf)  }
0x229: {  	v21 =	vor.u32 $0x80, v22;
	v36 =	vmul.f32 $2.000000030e-01, v28;
	(erf) = vpow2.f32 v33;
	v11 =	vpop (erf)  }
0x22a: {  	v31 =	vsel vm1, v31, v38;
	v29 =	vsel vm0, v29, v37;
	vm1 =	vgt.f32 v28, $0.0e+00;
	v33 =	vld.idx.msk [tilespmem:v6+s23+$0x0], $0xffff;
	v35 =	vpop (erf)  }
0x22b: {  	v37 =	vmul.f32 $2.000000030e-01, v32;
	v17 =	vpop (erf);
	(erf) = vrcp.f32 v27;
	v22 =	vld.idx.msk [tilespmem:v20+s5+$0x0], $0xffff;
	v27 =	vsub.f32 v29, v4  }
.Ltmp15:
0x22c: {  	v38 =	vsub.f32 v31, v3;
	vm0 =	vgt.f32 v32, $0.0e+00;
	v20 =	vld.idx.msk [tilespmem:v13+s24+$0x0], $0xffff;
	(erf) = vpow2.f32 v15;
	(pc) =	sbr.rel @p0 .LBB2_31-.Ltmp15, $4  }
0x22d: {  	v15 =	vsel vm0, v32, v37;
	v27 =	vmul.f32 $1.442695020e+00, v27;
	(erf) = vrcp.f32 v16  }
0x22e: {  	v31 =	vmul.f32 $1.442695020e+00, v38;
	v32 =	vsub.f32 v15, v3;
	v15 =	vsel vm1, v28, v36  }
0x22f: {  	v16 =	vmul.f32 v35, v34;
	v15 =	vsub.f32 v15, v3;
	v29 =	vpop (erf);
	(erf) = vpow2.f32 v27  }
0x230: {  	s25 =	sadd.s32 $0x50, s25;
	s26 =	sadd.s32 $0x50, s26;
	s17 =	sadd.s32 $0x50, s17;
	v28 =	vadd.f32 v33, v30;
	v27 =	vmul.f32 $1.442695020e+00, v32;
	(erf) = vpow2.f32 v31  }
0x231: {  	_ =	sdelay $0x1  }
0x232: {  	v30 =	vpop (erf)  }
0x233: {  	v31 =	vpop (erf)  }
0x234: {  	v32 =	vpop (erf)  }
0x235: {  	v24 =	vmul.f32 v32, v24;
	_ =	sdelay $0x1  }
0x236: {  	v14 =	vor.u32 $0x80, v14;
	[tilespmem:s0+$0x10] =	vst v24  }
0x237: {  	v24 =	vld.idx.msk [tilespmem:v19+s5+$0x0], $0xffff  }
0x238: {  	v29 =	vmul.f32 v30, v29;
	v18 =	vld.idx.msk [tilespmem:v18+s23+$0x0], $0xffff  }
0x239: {  	v60 =	vmul.f32 $2.000000030e-01, v28  }
0x23a: {  	v22 =	vadd.f32 v26, v22;
	vm0 =	vgt.f32 v28, $0.0e+00;
	[tilespmem:s28+$0x20] =	vst v29  }
0x23b: {  	v25 =	vadd.f32 $1.000000020e-16, v25;
	v23 =	vmul.f32 $1.442695020e+00, v23;
	v61 =	vsel vm0, v28, v60;
	v62 =	vld.idx.msk [tilespmem:v14+s5+$0x0], $0xffff  }
0x23c: {  	v20 =	vadd.f32 $1.000000020e-16, v20;
	v10 =	vor.u32 $0x80, v10;
	v26 =	vsub.f32 v61, v3;
	v63 =	vpop (erf);
	v21 =	vld.idx.msk [tilespmem:v21+s23+$0x0], $0xffff  }
0x23d: {  	(erf) = vpow2.f32 v27;
	v32 =	vmul.f32 $2.000000030e-01, v22;
	v33 =	vpop (erf);
	v34 =	vld.idx.msk [tilespmem:v19+s24+$0x0], $0xffff;
	v18 =	vadd.f32 v18, v24  }
0x23e: {  	vm9 =	vgt.f32 v22, $0.0e+00;
	(erf) = vrcp.f32 v20;
	v35 =	vmul.f32 $1.442695020e+00, v26;
	v36 =	vpop (erf)  }
0x23f: {  	v22 =	vsel vm9, v22, v32;
	v26 =	vmul.f32 v36, v31;
	v37 =	vmul.f32 $2.000000030e-01, v18  }
0x240: {  	v38 =	vld.idx.msk [tilespmem:v7+s24+$0x0], $0xffff;
	(erf) = vrcp.f32 v25;
	v22 =	vsub.f32 v22, v4;
	vm10 =	vgt.f32 v18, $0.0e+00  }
0x241: {  	v14 =	vld.idx.msk [tilespmem:v14+s24+$0x0], $0xffff;
	(erf) = vpow2.f32 v23;
	v21 =	vadd.f32 v21, v62;
	[tilespmem:s28+$0xFFFFFFF0] =	vst v26;
	v18 =	vsel vm10, v18, v37  }
0x242: {  	(erf) = vpow2.f32 v35;
	v39 =	vld.idx.msk [tilespmem:v10+s24+$0x0], $0xffff;
	v19 =	vadd.f32 $1.000000020e-16, v34;
	v18 =	vsub.f32 v18, v4  }
0x243: {  	v22 =	vmul.f32 $1.442695020e+00, v22;
	v40 =	vmul.f32 $2.000000030e-01, v21  }
0x244: {  	vm11 =	vgt.f32 v21, $0.0e+00;
	(erf) = vrcp.f32 v19;
	v18 =	vmul.f32 $1.442695020e+00, v18  }
0x245: {  	v41 =	vadd.f32 $1.000000020e-16, v38;
	v21 =	vsel vm11, v21, v40;
	(erf) = vpow2.f32 v22  }
0x246: {  	v14 =	vadd.f32 $1.000000020e-16, v14;
	v42 =	vsub.f32 v21, v4;
	(erf) = vpow2.f32 v18  }
0x247: {  	v20 =	vadd.f32 $1.000000020e-16, v39;
	(erf) = vrcp.f32 v41  }
0x248: {  	v43 =	vpop (erf);
	v18 =	vmul.f32 $1.442695020e+00, v42;
	(erf) = vrcp.f32 v14  }
0x249: {  	v15 =	vmul.f32 $1.442695020e+00, v15;
	v44 =	vpop (erf);
	(erf) = vrcp.f32 v20  }
0x24a: {  	v45 =	vpop (erf);
	(erf) = vpow2.f32 v18  }
0x24b: {  	v46 =	vpop (erf);
	(erf) = vpow2.f32 v15  }
0x24c: {  	v47 =	vpop (erf)  }
0x24d: {  	v9 =	vor.u32 $0x80, v9;
	v48 =	vpop (erf)  }
0x24e: {  	v12 =	vor.u32 $0x80, v12;
	v49 =	vpop (erf)  }
0x24f: {  	v13 =	vor.u32 $0x80, v13;
	v50 =	vpop (erf)  }
0x250: {  	v14 =	vmul.f32 v43, v44;
	v51 =	vpop (erf)  }
0x251: {  	v6 =	vor.u32 $0x80, v6;
	v10 =	vld.idx.msk [tilespmem:v10+s5+$0x0], $0xffff;
	v52 =	vpop (erf)  }
0x252: {  	v8 =	vor.u32 $0x80, v8;
	v9 =	vld.idx.msk [tilespmem:v9+s23+$0x0], $0xffff;
	[tilespmem:s28+$0x0] =	vst v14;
	v54 =	vpop (erf)  }
0x253: {  	v7 =	vor.u32 $0x80, v7;
	v12 =	vld.idx.msk [tilespmem:v12+s23+$0x0], $0xffff;
	v15 =	vmul.f32 v47, v17;
	v55 =	vpop (erf)  }
0x254: {  	v5 =	vor.u32 $0x80, v5;
	v53 =	vld.idx.msk [tilespmem:v13+s5+$0x0], $0xffff;
	v56 =	vpop (erf)  }
0x255: {  	v13 =	vld.idx.msk [tilespmem:v13+s24+$0x0], $0xffff;
	[tilespmem:s28+$0xFFFFFFE0] =	vst v15;
	v14 =	vmul.f32 v56, v51  }
0x256: {  	v6 =	vld.idx.msk [tilespmem:v6+s23+$0x0], $0xffff  }
0x257: {  	v9 =	vadd.f32 v9, v10;
	v15 =	vld.idx.msk [tilespmem:v8+s5+$0x0], $0xffff;
	[tilespmem:s28+$0x10] =	vst v14  }
0x258: {  	v14 =	vld.idx.msk [tilespmem:v7+s5+$0x0], $0xffff  }
0x259: {  	v58 =	vmul.f32 $2.000000030e-01, v9;
	v12 =	vadd.f32 v12, v53;
	v5 =	vld.idx.msk [tilespmem:v5+s23+$0x0], $0xffff  }
0x25a: {  	vm13 =	vgt.f32 v9, $0.0e+00  }
0x25b: {  	v9 =	vsel vm13, v9, v58;
	v25 =	vmul.f32 $2.000000030e-01, v12  }
0x25c: {  	v9 =	vsub.f32 v9, v4;
	v8 =	vld.idx.msk [tilespmem:v8+s24+$0x0], $0xffff;
	vm12 =	vgt.f32 v12, $0.0e+00  }
0x25d: {  	v13 =	vadd.f32 $1.000000020e-16, v13;
	v6 =	vadd.f32 v6, v15;
	v57 =	vsel vm12, v12, v25  }
0x25e: {  	v9 =	vmul.f32 $1.442695020e+00, v9;
	v10 =	vsub.f32 v57, v4;
	v7 =	vld.idx.msk [tilespmem:v7+s24+$0x0], $0xffff;
	v5 =	vadd.f32 v5, v14  }
0x25f: {  	(erf) = vrcp.f32 v13;
	v59 =	vmul.f32 $2.000000030e-01, v6  }
0x260: {  	vm14 =	vgt.f32 v6, $0.0e+00;
	v10 =	vmul.f32 $1.442695020e+00, v10;
	v60 =	vmul.f32 $2.000000030e-01, v5  }
0x261: {  	v8 =	vadd.f32 $1.000000020e-16, v8;
	v6 =	vsel vm14, v6, v59;
	vm15 =	vgt.f32 v5, $0.0e+00  }
0x262: {  	v6 =	vsub.f32 v6, v4;
	(erf) = vpow2.f32 v10;
	v5 =	vsel vm15, v5, v60  }
0x263: {  	(erf) = vrcp.f32 v8;
	v7 =	vadd.f32 $1.000000020e-16, v7;
	v5 =	vsub.f32 v5, v4  }
0x264: {  	v6 =	vmul.f32 $1.442695020e+00, v6;
	(erf) = vpow2.f32 v9  }
0x265: {  	(erf) = vrcp.f32 v7;
	v5 =	vmul.f32 $1.442695020e+00, v5  }
0x266: {  	(erf) = vpow2.f32 v6  }
0x267: {  	(erf) = vpow2.f32 v5  }
0x268: {  	v5 =	vmul.f32 v33, v63  }
0x269: {  	v7 =	vmul.f32 v49, v45  }
0x26a: {  	v6 =	vpop (erf);
	[tilespmem:s31+$0x0] =	vst v5;
	v5 =	vmul.f32 v46, v11  }
0x26b: {  	[tilespmem:s31+$0x20] =	vst v16;
	v61 =	vpop (erf)  }
0x26c: {  	v62 =	vpop (erf);
	[tilespmem:s31+$0xFFFFFFF0] =	vst v5;
	v5 =	vmul.f32 v50, v48  }
0x26d: {  	[tilespmem:s31+$0xFFFFFFE0] =	vst v7;
	v6 =	vmul.f32 v61, v6;
	v7 =	vpop (erf)  }
0x26e: {  	v63 =	vpop (erf);
	[tilespmem:s31+$0x10] =	vst v5;
	v5 =	vmul.f32 v55, v52  }
0x26f: {  	[tilespmem:s17+$0x0] =	vst v6;
	v6 =	vmul.f32 v7, v54;
	v7 =	vpop (erf)  }
0x270: {  	[tilespmem:s17+$0x20] =	vst v5;
	v5 =	vmul.f32 v7, v62;
	v7 =	vpop (erf)  }
0x271: {  	s28 =	sadd.s32 s20, s30;
	[tilespmem:s17+$0xFFFFFFF0] =	vst v6;
	v6 =	vmul.f32 v7, v63  }
0x272: {  	s0 =	sshrl.u32 s28, $0x3;
	[tilespmem:s17+$0xFFFFFFE0] =	vst v5  }
0x273: {  	s2 =	simm.s32 $0x10000;
	s29 =	sadd.s32 $0x1, s29;
	s0 =	sadd.s32 s9, s0;
	[tilespmem:s17+$0x10] =	vst v6  }
0x274: {  	[hbm4b:s0+s5] =	stream.linear.scatter [tilespmem:s2], [sflag:$0x2], $0x7D0, $0x38;
	[tilespmem:$0x16D00] =	vst v63  }
0x275: {  	p0 =	sne.s32 s29, $0xA;
	s30 =	sadd.s32 s21, s30;
	_ =	swait.ge [sflag:s4], $0x7D0  }
0x276: {  	s31 =	simm.s32 $0x10800;
	s0 =	sshrl.u32 s30, $0x3;
	[sflag:s4] =	ssyncset.done $0x0  }
.Ltmp16:
0x277: {  	s0 =	sadd.s32 s9, s0;
	[sflag:s4] =	ssyncadd.s32 $0xFFFFF830;
	(pc) =	sbr.rel @p0 .LBB2_30-.Ltmp16, $4  }
0x278: {  	[hbm4b:s0+s5] =	stream.linear.scatter [tilespmem:s31], [sflag:$0x2], $0x7D0, $0x38;
	[tilespmem:$0x16D00] =	vst v63  }
0x279: {  	_ =	swait.ge [sflag:s4], $0x7D0  }
0x27a: {  	[sflag:s4] =	ssyncset.done $0x0  }
0x27b: {  	[sflag:s4] =	ssyncadd.s32 $0xFFFFF830  }
0x27c: {  	s2 =	rddreg [dreg:$0x12]  }
0x27d: {  	s0 =	rddreg [dreg:$0x9];
	s2 =	sadd.s32 $0x1, s2  }
0x27e: {  	p0 =	sne.s32 s2, s0  }
.Ltmp17:
0x27f: {  	_ = 	snop;
	(pc) =	sbr.rel @p0 .LBB2_1-.Ltmp17, $2  }
0x280: {  	_ =	sdelay $0x2  }
0x281: {  	s31 =	rddreg [dreg:$0x3]  }
0x282: {  	_ =	sfence.sel $0x180000  }
0x283: {  	[bflag:$0x0] =	sbarrier.arrive $0xFFFF  }
0x284: {  	_ =	strace $0x90000047  }
0x285: {  	s0 =	stileid.u32;
	[bflag:$0x2] =	sbarrier.arrive $0xFFFF  }
0x286: {  	p0 =	sne.s32 s0, $0x0;
	s0 =	rddreg [dreg:$0x5]  }
0x287: {  	s0 =	sadd.s32 @!p0 $0x100000, s0  }
0x288: {  	[sflag:s0] =	ssyncadd.tile.s32 @!p0 $0x1;
	_ =	shalt  }
.Lfunc_end2:
_tile_overlayer_lowered:
.L_overlay_start_2:
0x289: {  	(tag) =	ssettag $0x2  }
0x28a: {  	s0 =	rddreg [dreg:$0x0];
	s2 =	stileid.u32  }
0x28b: {  	s1 =	rddreg [dreg:$0x1];
	p0 =	sne.s32 s2, $0x0  }
0x28c: {  	s3 =	rddreg [dreg:$0x2];
	[bflag:$0x3] =	sbarrier.arrive $0xFFFF;
	s2 =	simm.s32 @!p0 $0x1C02  }
0x28d: {  	[timem:s3], [sflag:s2] =	dma.local @!p0 [hbm:s0], s1  }
0x28e: {  	s0 =	simm.s32 @!p0 $0x2  }
0x28f: {  	_ =	swait.ge @!p0 [sflag:s0], s1  }
0x290: {  	s1 =	ssub.s32 @!p0 $0x0, s1;
	[sflag:s0] =	ssyncset.done @!p0 $0x0  }
0x291: {  	[sflag:s0] =	ssyncadd.s32 @!p0 s1  }
0x292: {  	[bflag:$0x3] =	sbarrier.arrive $0xFFFF  }
0x293: {  	_ =	shalt  }

// kernel: kernel.9.cloned.1.call-start
scs
__scs_entry_jumppad:
0x0: {  	(pc) =	sbr.rel $0x88, $3  }
0x1: {  	(tag) =	ssettag $0x0;
	lr =	simm.s32 $0x1  }
0x2: {  	[smem:$0x3F9C] =	sst lr;
	_ =	strace $0xD0000000  }
0x3: {  	_ = 	snop  }
0x4: {  	_ = 	snop  }
0x5: {  	_ = 	snop  }
0x6: {  	_ = 	snop  }
0x7: {  	_ = 	snop  }
__scs_overlays_trampoline_lowered:
0x8: {  	[smem:$0x3FAB] =	sst s0  }
0x9: {  	[smem:$0x3FAC] =	sst s1  }
0xa: {  	[smem:$0x3FAD] =	sst s2  }
0xb: {  	[smem:$0x3FAE] =	sst s3  }
0xc: {  	[smem:$0x3FAF] =	sst s4  }
0xd: {  	[smem:$0x3FB0] =	sst s5  }
0xe: {  	[smem:$0x3FB1] =	sst s6  }
0xf: {  	[smem:$0x3FB2] =	sst s7  }
0x10: {  	[smem:$0x3FB3] =	sst s8  }
0x11: {  	[smem:$0x3FB4] =	sst s9;
	s0 =	simm.s32 @!p0 $0x0  }
0x12: {  	s1 =	sld [smem:$0x3F9A];
	s0 =	simm.s32 @p0 $0x1  }
0x13: {  	[smem:$0x3FB5] =	sst s0;
	s0 =	simm.s32 @!p1 $0x0  }
0x14: {  	s2 =	sld [smem:$0x3F99];
	s0 =	simm.s32 @p1 $0x1  }
0x15: {  	[smem:$0x3FB6] =	sst s0;
	s0 =	simm.s32 @!p2 $0x0  }
0x16: {  	s3 =	sld [smem:$0x3FDB];
	s0 =	simm.s32 @p2 $0x1  }
0x17: {  	s4 =	simm.s32 $0x1BF5;
	[smem:$0x3FB8] =	sst s0  }
0x18: {  	s0 =	sld [smem:$0x3F9B];
	_ =	swait.ge [sflag:s4], $0x0  }
0x19: {  	s7 =	sld [smem:$0x3F9C]  }
0x1a: {  	s8 =	sadd.s32 $0xFFFFE003, lr  }
0x1b: {  	s9 =	sadd.s32 $0xFFFFFEF7, lr;
	s5 =	simm.s32 $0xFFFFFFFF;
	p2 =	slt.u32 s8, $0xFFFFF086  }
0x1c: {  	p1 =	slt.u32 s9, $0xF7A;
	s5 =	simm.s32 @!p2 $0x0  }
0x1d: {  	s5 =	simm.s32 @p1 $0x1;
	p0 =	seq.s32 s7, s2  }
0x1e: {  	s7 =	smul.u32 @!p0 $0xF7A, s2;
	p2 =	seq.s32 @!p0 s5, $0x0  }
0x1f: {  	s9 =	smul.u32 $0xF7A, s1;
	s8 =	simm.s32 @!p0 $0x1BF5;
	p2 =	por !p2, p0  }
0x20: {  	[sflag:s8] =	ssyncset.s32 @!p0 $0xFFFFF086;
	s6 =	sadd.s32 @!p0 s3, s7;
	s7 =	simm.s32 @!p0 $0x108  }
0x21: {  	s3 =	sadd.s32 s3, s9;
	s6 =	sadd.s32 @!p0 $0x88, s6;
	s7 =	simm.s32 @p2 $0x1082  }
0x22: {  	[simem:s7], [sflag:s8] =	dma.local @!p0 [hbm:s6], $0xF7A  }
0x23: {  	s9 =	sor.u32 $0xD0000000, s2;
	s6 =	simm.s32 $0x108;
	_ =	swait.ge @!p0 [sflag:s8], $0x0  }
0x24: {  	s3 =	sadd.s32 $0x88, s3;
	s6 =	simm.s32 @!p1 $0x1082;
	[sflag:s4] =	ssyncset.s32 $0xFFFFF086  }
0x25: {  	[simem:s6], [sflag:s4] =	dma.local [hbm:s3], $0xF7A  }
0x26: {  	[smem:$0x3F9C] =	sst s1;
	(tag) =	ssettag s2;
	_ =	strace s9  }
0x27: {  	s1 =	sld [smem:$0x3FAC]  }
0x28: {  	s2 =	sld [smem:$0x3FAD]  }
0x29: {  	s4 =	sld [smem:$0x3FAF]  }
0x2a: {  	p0 =	seq.s32 s5, $0x0;
	s5 =	sld [smem:$0x3FB0]  }
0x2b: {  	s6 =	sld [smem:$0x3FB1]  }
0x2c: {  	s7 =	sld [smem:$0x3FB2]  }
0x2d: {  	s3 =	simm.s32 $0x108;
	s8 =	sld [smem:$0x3FB3]  }
0x2e: {  	s3 =	simm.s32 @!p0 $0x1082;
	s9 =	sld [smem:$0x3FB4]  }
0x2f: {  	lr =	sadd.s32 s0, s3;
	s0 =	sld [smem:$0x3FAB]  }
0x30: {  	s3 =	sld [smem:$0x3FAE]  }
0x31: {  	[smem:$0x3FB7] =	sst s10  }
0x32: {  	s10 =	sld [smem:$0x3FB5];
	_ =	sdelay $0x3  }
0x33: {  	p0 =	seq.s32 s10, $0x1;
	s10 =	sld [smem:$0x3FB7];
	_ =	sdelay $0x3  }
0x34: {  	[smem:$0x3FB7] =	sst s10  }
0x35: {  	s10 =	sld [smem:$0x3FB6];
	_ =	sdelay $0x3  }
0x36: {  	p1 =	seq.s32 s10, $0x1;
	s10 =	sld [smem:$0x3FB7];
	_ =	sdelay $0x3  }
0x37: {  	[smem:$0x3FB7] =	sst s10  }
0x38: {  	s10 =	sld [smem:$0x3FB8]  }
0x39: {  	_ = 	snop;
	(pc) =	sbr.ind lr, $3  }
0x3a: {  	_ = 	snop  }
0x3b: {  	_ = 	snop  }
0x3c: {  	p2 =	seq.s32 s10, $0x1;
	s10 =	sld [smem:$0x3FB7]  }
0x3d: {  	_ =	shalt  }
0x3e: {  	_ =	shalt  }
0x3f: {  	_ =	shalt  }
0x40: {  	_ =	shalt  }
0x41: {  	_ =	shalt  }
0x42: {  	_ =	shalt  }
0x43: {  	_ =	shalt  }
0x44: {  	_ =	shalt  }
0x45: {  	_ =	shalt  }
0x46: {  	_ =	shalt  }
0x47: {  	_ =	shalt  }
0x48: {  	_ =	shalt  }
0x49: {  	_ =	shalt  }
0x4a: {  	_ =	shalt  }
0x4b: {  	_ =	shalt  }
0x4c: {  	_ =	shalt  }
0x4d: {  	_ =	shalt  }
0x4e: {  	_ =	shalt  }
0x4f: {  	_ =	shalt  }
0x50: {  	_ =	shalt  }
0x51: {  	_ =	shalt  }
0x52: {  	_ =	shalt  }
0x53: {  	_ =	shalt  }
0x54: {  	_ =	shalt  }
0x55: {  	_ =	shalt  }
0x56: {  	_ =	shalt  }
0x57: {  	_ =	shalt  }
0x58: {  	_ =	shalt  }
0x59: {  	_ =	shalt  }
0x5a: {  	_ =	shalt  }
0x5b: {  	_ =	shalt  }
0x5c: {  	_ =	shalt  }
0x5d: {  	_ =	shalt  }
0x5e: {  	_ =	shalt  }
0x5f: {  	_ =	shalt  }
0x60: {  	_ =	shalt  }
0x61: {  	_ =	shalt  }
0x62: {  	_ =	shalt  }
0x63: {  	_ =	shalt  }
0x64: {  	_ =	shalt  }
0x65: {  	_ =	shalt  }
0x66: {  	_ =	shalt  }
0x67: {  	_ =	shalt  }
0x68: {  	_ =	shalt  }
0x69: {  	_ =	shalt  }
0x6a: {  	_ =	shalt  }
0x6b: {  	_ =	shalt  }
0x6c: {  	_ =	shalt  }
0x6d: {  	_ =	shalt  }
0x6e: {  	_ =	shalt  }
0x6f: {  	_ =	shalt  }
0x70: {  	_ =	shalt  }
0x71: {  	_ =	shalt  }
0x72: {  	_ =	shalt  }
0x73: {  	_ =	shalt  }
0x74: {  	_ =	shalt  }
0x75: {  	_ =	shalt  }
0x76: {  	_ =	shalt  }
0x77: {  	_ =	shalt  }
0x78: {  	_ =	shalt  }
0x79: {  	_ =	shalt  }
0x7a: {  	_ =	shalt  }
0x7b: {  	_ =	shalt  }
0x7c: {  	_ =	shalt  }
0x7d: {  	_ =	shalt  }
0x7e: {  	_ =	shalt  }
0x7f: {  	_ =	shalt  }
0x80: {  	_ =	shalt  }
0x81: {  	_ =	shalt  }
0x82: {  	_ =	shalt  }
0x83: {  	_ =	shalt  }
0x84: {  	_ =	shalt  }
0x85: {  	_ =	shalt  }
0x86: {  	_ =	shalt  }
0x87: {  	_ =	shalt  }
.Lfunc_end0:
.L_simem_size_0:
called_computation.1_lowered:
.L_overlay_start_0:
0x88: {  	s2 =	sld [smem:$0x3FD9]  }
0x89: {  	s3 =	sld [smem:$0x3FFE];
	_ =	sdelay $0x1  }
0x8a: {  	s1 =	srdreg.scid  }
0x8b: {  	s0 =	sand.u32 $0x1, s1  }
0x8c: {  	s14 =	sshll.u32 s0, $0xA;
	s2 =	sadd.s32 s3, s2  }
0x8d: {  	s2 =	sadd.s32 s2, s14  }
0x8e: {  	[smem:$0x3FC3] =	sst s2  }
0x8f: {  	_ = 	snop  }
0x90: {  	s2 =	sld [smem:$0x3FD0];
	_ =	sdelay $0x2  }
0x91: {  	s15 =	simm.s32 $0xA;
	s4 =	simm.s32 $0x10  }
0x92: {  	[smem:s4], [sflag:s15] =	dma.local [hbm:s2], $0x1  }
0x93: {  	_ =	swait.eq [sflag:s15], $0x1  }
0x94: {  	[sflag:s15] =	ssyncset.done $0x0  }
0x95: {  	[sflag:s15] =	ssyncadd.s32 $0xFFFFFFFF  }
0x96: {  	s16 =	sld [smem:$0x10];
	(tm) =	ssettm $0x1  }
0x97: {  	s17 =	sld [smem:$0x3FFB];
	_ =	sdelay $0x3  }
0x98: {  	_ =	strace s17  }
0x99: {  	s3 =	sld [smem:$0x3FFC];
	_ =	sdelay $0x3  }
0x9a: {  	_ =	strace s3  }
0x9b: {  	s3 =	sld [smem:$0x3FFD];
	_ =	sdelay $0x3  }
0x9c: {  	_ =	strace s3  }
0x9d: {  	_ =	strace $0x8FFFFFFF  }
0x9e: {  	s18 =	sld [smem:$0x3FDB];
	_ =	sdelay $0x1  }
0x9f: {  	s19 =	simm.s32 $_scs_section_size  }
0xa0: {  	s5 =	simm.s32 $_size__tile_overlayer_lowered;
	s6 =	simm.s32 $_tile_overlayer_lowered  }
0xa1: {  	s22 =	simm.s32 $0x1BFF;
	s21 =	sshll.u32 s6, $0x1;
	s3 =	sadd.s32 s19, s18  }
0xa2: {  	s7 =	simm.s32 $0x0;
	s20 =	sshll.u32 s5, $0x1;
	s5 =	sadd.s32 s21, s3  }
0xa3: {  	[timem:s7], [sflag:s22] =	dma.local [hbm:s5], s20  }
0xa4: {  	_ =	swait.ge [sflag:s22], s20  }
0xa5: {  	s4 =	ssub.s32 $0x0, s20;
	[sflag:s22] =	ssyncset.done $0x0  }
0xa6: {  	[sflag:s22] =	ssyncadd.s32 s4;
	_ =	sdelay $0x1  }
0xa7: {  	s23 =	simm.s32 $0x1B8B  }
0xa8: {  	_ =	swait.ge [sflag:s23], $0x1  }
0xa9: {  	[sflag:s23] =	ssyncset.done $0x0  }
0xaa: {  	s25 =	simm.s32 $0x1B8E;
	s24 =	sld [smem:$0x3FFE];
	[sflag:s23] =	ssyncadd.s32 $0xFFFFFFFF  }
0xab: {  	s26 =	simm.s32 $execute0_lowered;
	[smem:$0x3FD2] =	sst s25  }
0xac: {  	s5 =	sshll.u32 s26, $0x1;
	_ =	strace $0x80000049;
	[dreg:$0x1] =	wrdreg $0xFFFFFFFF  }
0xad: {  	s28 =	simm.s32 $_size_execute0_lowered;
	s3 =	sadd.s32 s3, s5;
	[dreg:$0x0] =	wrdreg $0x0  }
0xae: {  	s5 =	sshll.u32 s28, $0x1;
	[dreg:$0x2] =	wrdreg s3  }
0xaf: {  	[dreg:$0x3] =	wrdreg s5  }
0xb0: {  	[dreg:$0x4] =	wrdreg $0xC0  }
0xb1: {  	_ =	task [dreg:s7], $0x5FFFF  }
0xb2: {  	[dreg:$0x1] =	wrdreg $0xFFFFFFFF  }
0xb3: {  	[dreg:$0x0] =	wrdreg $0x60  }
0xb4: {  	[dreg:$0x2] =	wrdreg s24  }
0xb5: {  	[dreg:$0x3] =	wrdreg s16  }
0xb6: {  	[dreg:$0x4] =	wrdreg $0xB6000  }
0xb7: {  	[dreg:$0x5] =	wrdreg $0x9  }
0xb8: {  	_ =	task.clear_ibuf [dreg:s7], $0x6FFFF;
	_ =	strace $0x90000049  }
0xb9: {  	s29 =	simm.s32 $0x9;
	_ =	strace $0x8000004B  }
0xba: {  	_ =	swait.ge [sflag:s29], $0x1  }
0xbb: {  	[sflag:s29] =	ssyncadd.s32 $0xFFFFFFFF  }
0xbc: {  	_ =	strace $0x9000004B  }
0xbd: {  	_ =	sfence  }
0xbe: {  	s30 =	sld [smem:$0x0];
	_ =	sdelay $0x2  }
0xbf: {  	s31 =	sshll.u32 s1, $0xD;
	s1 =	sshrl.u32 s1, $0x2  }
0xc0: {  	s3 =	sand.u32 $0x4000, s31;
	s1 =	sadd.s32 s1, s30  }
0xc1: {  	s0 =	sor.u32 s3, s0;
	s1 =	sshll.u32 s1, $0x11  }
0xc2: {  	s0 =	sor.u32 s1, s0  }
0xc3: {  	s0 =	sadd.s32 $0x8F2B, s0  }
0xc4: {  	[sflag:s0] =	ssyncadd.remote.s32 $0x1  }
0xc5: {  	_ =	sfence.sel $0xFFFF  }
0xc6: {  	[dreg:$0x0] =	wrdreg $0xFFFFFFFF;
	(pc) =	sbr.abs _section_cstart, $3  }
0xc7: {  	[dreg:$0x1] =	wrdreg $0xFFFFFFFF  }
0xc8: {  	_ =	task.clear_ibuf [dreg:s7], $0x2FFFF;
	_ =	strace $0x9FFFFFFF  }
0xc9: {  	(tm) =	ssettm $0x7FFFFFFF  }
tec
execute0_lowered:
.L_overlay_start_1:
0x0: {  	(tag) =	ssettag $0x1  }
0x1: {  	s0 =	rddreg [dreg:$0x0]  }
0x2: {  	s2 =	rddreg [dreg:$0x2]  }
0x3: {  	s3 =	simm.s32 $0x0;
	s1 =	srdreg.scid;
	s7 =	stileid.u32  }
0x4: {  	s12 =	simm.s32 $0xAF00;
	s13 =	simm.s32 $0xB280;
	s14 =	simm.s32 $0x5  }
0x5: {  	s15 =	simm.s32 $0x50;
	s18 =	simm.s32 $0x2800;
	s9 =	smul.u32 $0x2800, s7  }
0x6: {  	[smem:$0x7FF] =	sst s3;
	s1 =	sand.u32 $0x1, s1;
	s11 =	smul.u32 $0x50000, s7  }
0x7: {  	s5 =	sadd.s32 $0x1400, s0;
	s6 =	sadd.s32 $0x59600, s0;
	s7 =	smul.u32 $0x4E20, s7  }
0x8: {  	s8 =	sadd.s32 $0x4F600, s0;
	_ =	strace $0x8000004A;
	s4 =	smul.u32 $0x28000, s1  }
0x9: {  	[dreg:$0x4] =	wrdreg s8;
	s10 =	ssub.s32 $0x2, s1;
	s19 =	smul.u32 $0x9C400, s1  }
0xa: {  	s1 =	smul.u32 $0x2710, s1;
	s8 =	simm.s32 $0x6;
	s20 =	sshrl.u32 s10, $0x1  }
0xb: {  	[dreg:$0x5] =	wrdreg s7;
	s11 =	sshrl.u32 s11, $0x2;
	s22 =	sadd.s32 $0x4E200, s19  }
0xc: {  	s21 =	ssub.s32 s10, s20;
	s7 =	sadd.s32 s11, s2;
	[dreg:$0x6] =	wrdreg s22  }
0xd: {  	s4 =	sadd.s32 s9, s4;
	s23 =	smax.u32 s21, $0x1;
	[dreg:$0x7] =	wrdreg s7  }
0xe: {  	s10 =	smov.u32 s19;
	s24 =	sadd.s32 $0x2800, s7;
	[dreg:$0x9] =	wrdreg s23  }
0xf: {  	s19 =	simm.s32 $0x1;
	s25 =	sadd.s32 $0x5000, s7;
	[dreg:$0xa] =	wrdreg s24  }
0x10: {  	s20 =	simm.s32 $0x5000;
	s26 =	sadd.s32 $0x7800, s7;
	[dreg:$0xb] =	wrdreg s25  }
0x11: {  	s11 =	simm.s32 $0x2;
	s28 =	sadd.s32 $0xA000, s7;
	[dreg:$0xc] =	wrdreg s26  }
.Ltmp0:
0x12: {  	s29 =	sadd.s32 $0xC800, s7;
	[dreg:$0xd] =	wrdreg s28;
	(pc) =	sbr.rel .LBB2_1-.Ltmp0, $4  }
0x13: {  	v0 =	vmov s1;
	s1 =	simm.s32 $0x3;
	s30 =	sadd.s32 $0xF000, s7;
	[dreg:$0xe] =	wrdreg s29  }
0x14: {  	s0 =	sadd.s32 s4, s0;
	s31 =	sadd.s32 $0x11800, s7;
	[dreg:$0xf] =	wrdreg s30  }
0x15: {  	s21 =	simm.s32 $0x7800;
	s0 =	sadd.s32 $0x80800, s0;
	[dreg:$0x10] =	wrdreg s31  }
0x16: {  	v1 =	vimm.f32 $0.0e+00;
	s22 =	simm.s32 $0x4;
	s4 =	simm.s32 $0x0;
	[dreg:$0x8] =	wrdreg s0  }
.LBB2_14:
0x17: {  	s0 =	stileid.u32;
	[bflag:$0x0] =	sbarrier.arrive $0xFFFF  }
0x18: {  	s0 =	sshll.u32 s0, $0x6;
	s7 =	rddreg [dreg:$0x7]  }
0x19: {  	s8 =	rddreg [dreg:$0x8];
	s0 =	sor.u32 $0x1C06, s0;
	s4 =	sshrl.u32 s7, $0x3  }
0x1a: {  	[hbm:s8], [sflag:s0] =	dma.local [spmem:s4], $0x2800  }
0x1b: {  	s8 =	simm.s32 $0x6  }
0x1c: {  	_ =	swait.ge [sflag:s8], $0x2800  }
0x1d: {  	s30 =	rddreg [dreg:$0x11]  }
0x1e: {  	s31 =	rddreg [dreg:$0x9];
	s4 =	sadd.s32 $0x1, s30  }
0x1f: {  	p0 =	sne.s32 s4, s31  }
.Ltmp1:
0x20: {  	_ = 	snop;
	(pc) =	sbr.rel @!p0 .LBB2_15-.Ltmp1, $3  }
0x21: {  	_ =	sdelay $0x1  }
0x22: {  	[sflag:s8] =	ssyncset.done $0x0  }
0x23: {  	[sflag:s8] =	ssyncadd.s32 $0xFFFFD800  }
.LBB2_1:
0x24: {  	[dreg:$0x11] =	wrdreg s4;
	s0 =	simm.s32 $0x0;
	s4 =	simm.s32 $0x200  }
.LBB2_2:
0x25: {  	p0 =	sne.s32 s4, $0x9E00;
	[tilespmem:s0+$0x70] =	vst v1  }
0x26: {  	[tilespmem:s0+$0x0] =	vst v1  }
0x27: {  	[tilespmem:s0+$0x10] =	vst v1  }
.Ltmp2:
0x28: {  	[tilespmem:s0+$0x20] =	vst v1;
	(pc) =	sbr.rel @p0 .LBB2_2-.Ltmp2, $4  }
0x29: {  	[tilespmem:s0+$0x30] =	vst v1  }
0x2a: {  	[tilespmem:s0+$0x40] =	vst v1  }
0x2b: {  	[tilespmem:s0+$0x50] =	vst v1  }
0x2c: {  	[tilespmem:s0+$0x60] =	vst v1;
	s0 =	sshra.s32 s4, $0x2;
	s4 =	sadd.s32 $0x200, s4  }
0x2d: {  	[tilespmem:s0+$0x70] =	vst v1  }
0x2e: {  	[tilespmem:s0+$0x0] =	vst v1  }
0x2f: {  	[tilespmem:s0+$0x10] =	vst v1  }
0x30: {  	[tilespmem:s0+$0x20] =	vst v1  }
0x31: {  	[tilespmem:s0+$0x30] =	vst v1  }
0x32: {  	[tilespmem:s0+$0x40] =	vst v1  }
0x33: {  	[tilespmem:s0+$0x50] =	vst v1  }
0x34: {  	[tilespmem:s0+$0x60] =	vst v1;
	s23 =	simm.s32 $0x0  }
0x35: {  	[spmem:s7] =	stream.linear.scatter [tilespmem:s23], [sflag:$0x6], $0x2800, $0x38;
	[tilespmem:$0x1F600] =	vst v63  }
0x36: {  	_ =	swait.ge [sflag:s8], $0x2800  }
0x37: {  	[sflag:s8] =	ssyncset.done $0x0  }
0x38: {  	s24 =	rddreg [dreg:$0xa];
	[sflag:s8] =	ssyncadd.s32 $0xFFFFD800  }
0x39: {  	[spmem:s24] =	stream.linear.scatter [tilespmem:s23], [sflag:$0x6], $0x2800, $0x38;
	[tilespmem:$0x1F600] =	vst v63  }
0x3a: {  	_ =	swait.ge [sflag:s8], $0x2800  }
0x3b: {  	[sflag:s8] =	ssyncset.done $0x0  }
0x3c: {  	s25 =	rddreg [dreg:$0xb];
	[sflag:s8] =	ssyncadd.s32 $0xFFFFD800  }
0x3d: {  	[spmem:s25] =	stream.linear.scatter [tilespmem:s23], [sflag:$0x6], $0x2800, $0x38;
	[tilespmem:$0x1F600] =	vst v63  }
0x3e: {  	_ =	swait.ge [sflag:s8], $0x2800  }
0x3f: {  	[sflag:s8] =	ssyncset.done $0x0  }
0x40: {  	s26 =	rddreg [dreg:$0xc];
	[sflag:s8] =	ssyncadd.s32 $0xFFFFD800  }
0x41: {  	[spmem:s26] =	stream.linear.scatter [tilespmem:s23], [sflag:$0x6], $0x2800, $0x38;
	[tilespmem:$0x1F600] =	vst v63  }
0x42: {  	_ =	swait.ge [sflag:s8], $0x2800  }
0x43: {  	[sflag:s8] =	ssyncset.done $0x0  }
0x44: {  	s28 =	rddreg [dreg:$0xd];
	[sflag:s8] =	ssyncadd.s32 $0xFFFFD800  }
0x45: {  	[spmem:s28] =	stream.linear.scatter [tilespmem:s23], [sflag:$0x6], $0x2800, $0x38;
	[tilespmem:$0x1F600] =	vst v63  }
0x46: {  	_ =	swait.ge [sflag:s8], $0x2800  }
0x47: {  	[sflag:s8] =	ssyncset.done $0x0  }
0x48: {  	s29 =	rddreg [dreg:$0xe];
	[sflag:s8] =	ssyncadd.s32 $0xFFFFD800  }
0x49: {  	[spmem:s29] =	stream.linear.scatter [tilespmem:s23], [sflag:$0x6], $0x2800, $0x38;
	[tilespmem:$0x1F600] =	vst v63  }
0x4a: {  	_ =	swait.ge [sflag:s8], $0x2800  }
0x4b: {  	[sflag:s8] =	ssyncset.done $0x0  }
0x4c: {  	s30 =	rddreg [dreg:$0xf];
	[sflag:s8] =	ssyncadd.s32 $0xFFFFD800  }
0x4d: {  	[spmem:s30] =	stream.linear.scatter [tilespmem:s23], [sflag:$0x6], $0x2800, $0x38;
	[tilespmem:$0x1F600] =	vst v63  }
0x4e: {  	_ =	swait.ge [sflag:s8], $0x2800  }
0x4f: {  	[sflag:s8] =	ssyncset.done $0x0  }
0x50: {  	s31 =	rddreg [dreg:$0x10];
	[sflag:s8] =	ssyncadd.s32 $0xFFFFD800  }
0x51: {  	[spmem:s31] =	stream.linear.scatter [tilespmem:s23], [sflag:$0x6], $0x2800, $0x38;
	[tilespmem:$0x1F600] =	vst v63  }
.Ltmp3:
0x52: {  	_ =	swait.ge [sflag:s8], $0x2800;
	(pc) =	sbr.rel .LBB2_4-.Ltmp3, $3  }
0x53: {  	[sflag:s8] =	ssyncset.done $0x0  }
0x54: {  	[sflag:s8] =	ssyncadd.s32 $0xFFFFD800  }
0x55: {  	[bflag:$0x0] =	sbarrier.arrive $0xFFFF;
	_ =	sdelay $0x1  }
.LBB2_13:
0x56: {  	s23 =	sadd.s32 $0x1, s23  }
0x57: {  	_ =	swait.ge [sflag:s1], $0x2800;
	p0 =	sne.s32 s23, $0x19  }
.Ltmp4:
0x58: {  	[sflag:s1] =	ssyncset.done $0x0;
	(pc) =	sbr.rel @!p0 .LBB2_14-.Ltmp4, $4  }
0x59: {  	[sflag:s1] =	ssyncadd.s32 $0xFFFFD800  }
0x5a: {  	_ =	swait.ge [sflag:s22], $0x2800  }
0x5b: {  	[sflag:s22] =	ssyncset.done $0x0  }
0x5c: {  	[sflag:s22] =	ssyncadd.s32 $0xFFFFD800  }
.LBB2_4:
0x5d: {  	s0 =	smul.u32 $0x320, s23  }
0x5e: {  	s4 =	rddreg [dreg:$0x5]  }
0x5f: {  	s0 =	sadd.s32 s4, s0  }
0x60: {  	s7 =	rddreg [dreg:$0x4];
	s4 =	sshrl.u32 s0, $0x3  }
0x61: {  	s29 =	simm.s32 $0xA000;
	s30 =	rddreg [dreg:$0x1];
	s24 =	sadd.s32 s7, s4  }
0x62: {  	[tilespmem:s29], [sflag:$0x5] =	stream.linear.gather [hbm4b:s24+s3], $0x320, $0x38;
	[tilespmem:$0x1F600] =	vst v63  }
0x63: {  	s31 =	simm.s32 $0xA700;
	s4 =	sadd.s32 s30, s4  }
0x64: {  	[tilespmem:s31], [sflag:$0x5] =	stream.linear.gather [hbm4b:s4+s3], $0x50, $0x38;
	[tilespmem:$0x1F600] =	vst v63  }
0x65: {  	s9 =	simm.s32 $0xA780;
	s8 =	sadd.s32 $0xA, s4  }
0x66: {  	[tilespmem:s9], [sflag:$0x5] =	stream.linear.gather [hbm4b:s8+s3], $0x50, $0x38;
	[tilespmem:$0x1F600] =	vst v63  }
0x67: {  	s17 =	simm.s32 $0xA800;
	s16 =	sadd.s32 $0x14, s4  }
0x68: {  	[tilespmem:s17], [sflag:$0x5] =	stream.linear.gather [hbm4b:s16+s3], $0x50, $0x38;
	[tilespmem:$0x1F600] =	vst v63  }
0x69: {  	s26 =	simm.s32 $0xA880;
	s25 =	sadd.s32 $0x1E, s4  }
0x6a: {  	[tilespmem:s26], [sflag:$0x5] =	stream.linear.gather [hbm4b:s25+s3], $0x50, $0x38;
	[tilespmem:$0x1F600] =	vst v63  }
0x6b: {  	s28 =	sadd.s32 $0x28, s4;
	s29 =	simm.s32 $0xA900  }
0x6c: {  	[tilespmem:s29], [sflag:$0x5] =	stream.linear.gather [hbm4b:s28+s3], $0x50, $0x38;
	[tilespmem:$0x1F600] =	vst v63  }
0x6d: {  	s30 =	sadd.s32 $0x32, s4;
	s31 =	simm.s32 $0xA980  }
0x6e: {  	[tilespmem:s31], [sflag:$0x5] =	stream.linear.gather [hbm4b:s30+s3], $0x50, $0x38;
	[tilespmem:$0x1F600] =	vst v63  }
0x6f: {  	s7 =	sadd.s32 $0x3C, s4;
	s8 =	simm.s32 $0xAA00;
	s9 =	sadd.s32 $0x46, s4  }
0x70: {  	[tilespmem:s8], [sflag:$0x5] =	stream.linear.gather [hbm4b:s7+s3], $0x50, $0x38;
	[tilespmem:$0x1F600] =	vst v63  }
0x71: {  	s16 =	simm.s32 $0xAA80;
	s17 =	sadd.s32 $0x50, s4;
	s4 =	sadd.s32 $0x5A, s4  }
0x72: {  	[tilespmem:s16], [sflag:$0x5] =	stream.linear.gather [hbm4b:s9+s3], $0x50, $0x38;
	[tilespmem:$0x1F600] =	vst v63  }
0x73: {  	s25 =	simm.s32 $0xAB00;
	s26 =	sadd.s32 s10, s0;
	s30 =	rddreg [dreg:$0x6]  }
0x74: {  	[tilespmem:s25], [sflag:$0x5] =	stream.linear.gather [hbm4b:s17+s3], $0x50, $0x38;
	[tilespmem:$0x1F600] =	vst v63  }
0x75: {  	s28 =	simm.s32 $0xAB80;
	s29 =	sshrl.u32 s26, $0x3;
	s0 =	sadd.s32 s30, s0  }
0x76: {  	[tilespmem:s28], [sflag:$0x5] =	stream.linear.gather [hbm4b:s4+s3], $0x50, $0x38;
	[tilespmem:$0x1F600] =	vst v63  }
0x77: {  	s0 =	sshrl.u32 s0, $0x3;
	s4 =	sadd.s32 s6, s29  }
0x78: {  	[tilespmem:s12], [sflag:$0x5] =	stream.linear.gather [hbm4b:s4+s3], $0x320, $0x38;
	[tilespmem:$0x1F600] =	vst v63  }
0x79: {  	s0 =	sadd.s32 s6, s0  }
0x7a: {  	[tilespmem:s13], [sflag:$0x5] =	stream.linear.gather [hbm4b:s0+s3], $0x320, $0x38;
	[tilespmem:$0x1F600] =	vst v63  }
0x7b: {  	_ =	swait.ge [sflag:s14], $0x320  }
0x7c: {  	[sflag:s14] =	ssyncset.done $0x0  }
0x7d: {  	[sflag:s14] =	ssyncadd.s32 $0xFFFFFCE0  }
0x7e: {  	_ =	swait.ge [sflag:s14], $0x50  }
0x7f: {  	[sflag:s14] =	ssyncset.done $0x0  }
0x80: {  	[sflag:s14] =	ssyncadd.s32 $0xFFFFFFB0  }
0x81: {  	_ =	swait.ge [sflag:s14], $0x50  }
0x82: {  	[sflag:s14] =	ssyncset.done $0x0  }
0x83: {  	[sflag:s14] =	ssyncadd.s32 $0xFFFFFFB0  }
0x84: {  	_ =	swait.ge [sflag:s14], $0x50  }
0x85: {  	[sflag:s14] =	ssyncset.done $0x0  }
0x86: {  	[sflag:s14] =	ssyncadd.s32 $0xFFFFFFB0  }
0x87: {  	_ =	swait.ge [sflag:s14], $0x50  }
0x88: {  	[sflag:s14] =	ssyncset.done $0x0  }
0x89: {  	[sflag:s14] =	ssyncadd.s32 $0xFFFFFFB0  }
0x8a: {  	_ =	swait.ge [sflag:s14], $0x50  }
0x8b: {  	[sflag:s14] =	ssyncset.done $0x0  }
0x8c: {  	[sflag:s14] =	ssyncadd.s32 $0xFFFFFFB0  }
0x8d: {  	_ =	swait.ge [sflag:s14], $0x50  }
0x8e: {  	[sflag:s14] =	ssyncset.done $0x0  }
0x8f: {  	[sflag:s14] =	ssyncadd.s32 $0xFFFFFFB0  }
0x90: {  	_ =	swait.ge [sflag:s14], $0x50  }
0x91: {  	[sflag:s14] =	ssyncset.done $0x0  }
0x92: {  	[sflag:s14] =	ssyncadd.s32 $0xFFFFFFB0  }
0x93: {  	_ =	swait.ge [sflag:s14], $0x50  }
0x94: {  	[sflag:s14] =	ssyncset.done $0x0  }
0x95: {  	[sflag:s14] =	ssyncadd.s32 $0xFFFFFFB0  }
0x96: {  	_ =	swait.ge [sflag:s14], $0x50  }
0x97: {  	[sflag:s14] =	ssyncset.done $0x0  }
0x98: {  	[sflag:s14] =	ssyncadd.s32 $0xFFFFFFB0  }
0x99: {  	_ =	swait.ge [sflag:s14], $0x50  }
0x9a: {  	[sflag:s14] =	ssyncset.done $0x0  }
0x9b: {  	[sflag:s14] =	ssyncadd.s32 $0xFFFFFFB0  }
0x9c: {  	_ =	swait.ge [sflag:s14], $0x320  }
0x9d: {  	[sflag:s14] =	ssyncset.done $0x0  }
0x9e: {  	[sflag:s14] =	ssyncadd.s32 $0xFFFFFCE0  }
0x9f: {  	_ =	swait.ge [sflag:s14], $0x320  }
0xa0: {  	[sflag:s14] =	ssyncset.done $0x0  }
0xa1: {  	s31 =	simm.s32 $0xA020;
	[sflag:s14] =	ssyncadd.s32 $0xFFFFFCE0  }
0xa2: {  	v2 =	vld [tilespmem:s31+$0xFFFFFFE0]  }
0xa3: {  	v4 =	vld [tilespmem:s31+$0x10]  }
0xa4: {  	v3 =	vld [tilespmem:s31+$0x20]  }
0xa5: {  	v5 =	vld [tilespmem:s31+$0x0]  }
0xa6: {  	v6 =	vld [tilespmem:s31+$0xFFFFFFF0]  }
0xa7: {  	s4 =	simm.s32 $0xA070;
	s0 =	simm.s32 $0xA3A0;
	v7 =	vadd.s32 v0, v2  }
0xa8: {  	v2 =	vld [tilespmem:s4+$0xFFFFFFE0];
	v8 =	vadd.s32 v0, v4;
	[tilespmem:s0+$0xFFFFFFE0] =	vst v7  }
0xa9: {  	v4 =	vld [tilespmem:s4+$0x10];
	v7 =	vadd.s32 v0, v3;
	[tilespmem:s0+$0x10] =	vst v8  }
0xaa: {  	v3 =	vld [tilespmem:s4+$0x20];
	[tilespmem:s0+$0x20] =	vst v7;
	v7 =	vadd.s32 v0, v5  }
0xab: {  	s24 =	simm.s32 $0x5;
	v6 =	vadd.s32 v0, v6;
	v5 =	vld [tilespmem:s4+$0x0];
	[tilespmem:s0+$0x0] =	vst v7  }
.LBB2_5:
0xac: {  	s24 =	sadd.s32 $0x5, s24  }
0xad: {  	v7 =	vld [tilespmem:s4+$0xFFFFFFF0];
	[tilespmem:s0+$0xFFFFFFF0] =	vst v6;
	s0 =	sadd.s32 $0x50, s0;
	p0 =	slt.u32 s24, $0x2D  }
.Ltmp5:
0xae: {  	s4 =	sadd.s32 $0x50, s4;
	v6 =	vadd.s32 v0, v2;
	(pc) =	sbr.rel @p0 .LBB2_5-.Ltmp5, $4  }
0xaf: {  	v2 =	vld [tilespmem:s4+$0xFFFFFFE0];
	[tilespmem:s0+$0xFFFFFFE0] =	vst v6;
	v6 =	vadd.s32 v0, v3  }
0xb0: {  	v3 =	vld [tilespmem:s4+$0x20];
	v8 =	vadd.s32 v0, v4;
	[tilespmem:s0+$0x20] =	vst v6  }
0xb1: {  	v4 =	vld [tilespmem:s4+$0x10];
	v9 =	vadd.s32 v0, v5;
	[tilespmem:s0+$0x10] =	vst v8  }
0xb2: {  	v5 =	vld [tilespmem:s4+$0x0];
	v6 =	vadd.s32 v0, v7;
	[tilespmem:s0+$0x0] =	vst v9  }
0xb3: {  	v7 =	vld [tilespmem:s4+$0xFFFFFFF0]  }
0xb4: {  	[tilespmem:s0+$0xFFFFFFF0] =	vst v6;
	s29 =	sadd.s32 $0x50, s0;
	v2 =	vadd.s32 v0, v2  }
0xb5: {  	[tilespmem:s29+$0xFFFFFFE0] =	vst v2;
	v2 =	vadd.s32 v0, v3  }
0xb6: {  	v3 =	vadd.s32 v0, v4;
	[tilespmem:s29+$0x20] =	vst v2  }
0xb7: {  	v2 =	vadd.s32 v0, v5;
	[tilespmem:s29+$0x10] =	vst v3  }
0xb8: {  	v3 =	vadd.s32 v0, v7;
	[tilespmem:s29+$0x0] =	vst v2  }
0xb9: {  	s24 =	simm.s32 $0x0;
	s30 =	simm.s32 $0xA380;
	[tilespmem:s29+$0xFFFFFFF0] =	vst v3  }
0xba: {  	[tilespmem:s24], [sflag:$0x1] =	stream.indirect.gather [hbm4b:s5+s15], $0x80, s30, s15, $0xb8;
	[tilespmem:$0x1F600] =	vst v63  }
0xbb: {  	s31 =	simm.s32 $0xA3D0;
	s25 =	simm.s32 $0x0  }
0xbc: {  	[tilespmem:s18], [sflag:$0x2] =	stream.indirect.gather [hbm4b:s5+s15], $0x80, s31, s15, $0xb8;
	[tilespmem:$0x1F600] =	vst v63  }
.LBB2_7:
0xbd: {  	s0 =	sadd.s32 $0xFFFFFFF8, s24;
	_ =	swait.ge [sflag:s19], $0x2800  }
0xbe: {  	p0 =	seq.s32 s25, $0x0;
	s4 =	sadd.s32 $0xE, s0;
	[sflag:s19] =	ssyncset.done $0x0  }
0xbf: {  	s26 =	simm.s32 @!p0 $0x3;
	s28 =	sadd.s32 $0xA, s0;
	v2 =	vmov s4;
	[sflag:s19] =	ssyncadd.s32 $0xFFFFD800  }
0xc0: {  	v5 =	vmov s28;
	s28 =	sadd.s32 $0xC, s0;
	v2 =	vand.u32 $0xFFFFFFFE, v2;
	_ =	swait.ge @!p0 [sflag:s26], $0x2800  }
0xc1: {  	s16 =	sadd.s32 $0xD, s0;
	v7 =	vmov s28;
	v2 =	vbroadcast v2, $0x0;
	[sflag:s26] =	ssyncset.done @!p0 $0x0  }
0xc2: {  	s29 =	simm.s32 $0x200;
	v8 =	vmov s16;
	v7 =	vand.u32 $0xFFFFFFFC, v7;
	[sflag:s26] =	ssyncadd.s32 @!p0 $0xFFFFD800  }
0xc3: {  	v8 =	vand.u32 $0xFFFFFFFD, v8;
	v10 =	vbroadcast v7, $0x0;
	v7 =	vld [tilespmem:s29+$0x100]  }
0xc4: {  	v11 =	vbroadcast v8, $0x0;
	v8 =	vld [tilespmem:s29+$0xFFFFFE00]  }
0xc5: {  	v20 =	vld [tilespmem:s29+$0xFFFFFE80]  }
0xc6: {  	v21 =	vld [tilespmem:s29+$0xFFFFFF00]  }
0xc7: {  	s7 =	sadd.s32 $0x8, s0;
	v9 =	vld.idx.msk [tilespmem:v2+s12+$0x0], $0xffff  }
0xc8: {  	s8 =	sadd.s32 $0x9, s0;
	s9 =	sadd.s32 $0xB, s0;
	v3 =	vmov s7;
	s0 =	sadd.s32 $0xF, s0;
	v22 =	vld [tilespmem:s29+$0xFFFFFF80]  }
0xc9: {  	v4 =	vmov s8;
	v3 =	vand.u32 $0xFFFFFFF8, v3;
	v14 =	vmov s0;
	v23 =	vld [tilespmem:s29+$0x0]  }
0xca: {  	s30 =	simm.s32 $0x600;
	v4 =	vand.u32 $0xFFFFFFF9, v4;
	v3 =	vbroadcast v3, $0x0;
	v24 =	vld [tilespmem:s29+$0x80]  }
0xcb: {  	v6 =	vmov s9;
	v5 =	vand.u32 $0xFFFFFFFA, v5;
	v4 =	vbroadcast v4, $0x0;
	v27 =	vld [tilespmem:s30+$0x100]  }
0xcc: {  	v6 =	vand.u32 $0xFFFFFFFB, v6;
	v5 =	vbroadcast v5, $0x0;
	v28 =	vld [tilespmem:s30+$0xFFFFFE00];
	v7 =	vmul.f32 v7, v9  }
0xcd: {  	s28 =	simm.s32 $0x5200;
	v6 =	vbroadcast v6, $0x0;
	v36 =	vld [tilespmem:s30+$0xFFFFFE80]  }
0xce: {  	v19 =	vld.idx.msk [tilespmem:v14+s12+$0x0], $0xffff;
	[tilespmem:s28+$0x100] =	vst v7  }
0xcf: {  	v7 =	vld [tilespmem:s29+$0x110]  }
0xd0: {  	v12 =	vld.idx.msk [tilespmem:v3+s12+$0x0], $0xffff  }
0xd1: {  	v13 =	vld.idx.msk [tilespmem:v4+s12+$0x0], $0xffff  }
0xd2: {  	v15 =	vld.idx.msk [tilespmem:v5+s12+$0x0], $0xffff  }
0xd3: {  	v16 =	vld.idx.msk [tilespmem:v6+s12+$0x0], $0xffff  }
0xd4: {  	v17 =	vld.idx.msk [tilespmem:v10+s12+$0x0], $0xffff;
	v7 =	vmul.f32 v7, v9  }
0xd5: {  	v18 =	vld.idx.msk [tilespmem:v11+s12+$0x0], $0xffff;
	v8 =	vmul.f32 v8, v12  }
0xd6: {  	v20 =	vmul.f32 v20, v13;
	[tilespmem:s28+$0x110] =	vst v7;
	v7 =	vld [tilespmem:s29+$0x180]  }
0xd7: {  	[tilespmem:s28+$0xFFFFFE00] =	vst v8;
	v8 =	vmul.f32 v21, v15;
	v21 =	vld [tilespmem:s29+$0x120]  }
0xd8: {  	[tilespmem:s28+$0xFFFFFE80] =	vst v20;
	v20 =	vmul.f32 v22, v16;
	v25 =	vld [tilespmem:s29+$0xFFFFFE10]  }
0xd9: {  	v22 =	vld [tilespmem:s29+$0xFFFFFE90];
	[tilespmem:s28+$0xFFFFFF00] =	vst v8;
	v8 =	vmul.f32 v23, v17  }
0xda: {  	[tilespmem:s28+$0xFFFFFF80] =	vst v20;
	v20 =	vmul.f32 v24, v18;
	v23 =	vld [tilespmem:s29+$0xFFFFFF10]  }
0xdb: {  	v52 =	vld [tilespmem:s29+$0xFFFFFF90];
	[tilespmem:s28+$0x0] =	vst v8;
	v7 =	vmul.f32 v7, v19  }
0xdc: {  	[tilespmem:s28+$0x80] =	vst v20;
	v8 =	vld [tilespmem:s29+$0x10];
	v20 =	vmul.f32 v21, v9  }
0xdd: {  	v53 =	vld [tilespmem:s29+$0x90];
	v21 =	vmul.f32 v25, v12;
	[tilespmem:s28+$0x180] =	vst v7  }
0xde: {  	v7 =	vmul.f32 v22, v13;
	[tilespmem:s28+$0x120] =	vst v20;
	v20 =	vld [tilespmem:s29+$0x190]  }
0xdf: {  	[tilespmem:s28+$0xFFFFFE10] =	vst v21;
	v21 =	vmul.f32 v23, v15;
	v22 =	vld [tilespmem:s29+$0x130]  }
0xe0: {  	v23 =	vld [tilespmem:s29+$0xFFFFFE20];
	[tilespmem:s28+$0xFFFFFE90] =	vst v7;
	v7 =	vmul.f32 v52, v16  }
0xe1: {  	v8 =	vmul.f32 v8, v17;
	v54 =	vld [tilespmem:s29+$0xFFFFFEA0];
	[tilespmem:s28+$0xFFFFFF10] =	vst v21  }
0xe2: {  	v21 =	vld [tilespmem:s29+$0xFFFFFF20];
	[tilespmem:s28+$0xFFFFFF90] =	vst v7;
	v7 =	vmul.f32 v53, v18  }
0xe3: {  	[tilespmem:s28+$0x10] =	vst v8;
	v55 =	vld [tilespmem:s29+$0xFFFFFFA0];
	v8 =	vmul.f32 v20, v19  }
0xe4: {  	v20 =	vld [tilespmem:s29+$0x20];
	[tilespmem:s28+$0x90] =	vst v7;
	v7 =	vmul.f32 v22, v9  }
0xe5: {  	v9 =	vld [tilespmem:s29+$0xA0];
	[tilespmem:s28+$0x190] =	vst v8  }
0xe6: {  	v22 =	vmul.f32 v23, v12;
	[tilespmem:s28+$0x130] =	vst v7;
	v7 =	vld [tilespmem:s29+$0x1A0]  }
0xe7: {  	v23 =	vmul.f32 v54, v13;
	v8 =	vld.idx.msk [tilespmem:v2+s13+$0x0], $0xffff  }
0xe8: {  	[tilespmem:s28+$0xFFFFFE20] =	vst v22;
	v2 =	vmul.f32 v21, v15;
	v21 =	vld [tilespmem:s29+$0x140]  }
0xe9: {  	[tilespmem:s28+$0xFFFFFEA0] =	vst v23;
	v22 =	vmul.f32 v55, v16;
	v23 =	vld [tilespmem:s29+$0xFFFFFE30]  }
0xea: {  	[tilespmem:s28+$0xFFFFFF20] =	vst v2;
	v2 =	vmul.f32 v20, v17;
	v20 =	vld [tilespmem:s29+$0xFFFFFEB0]  }
0xeb: {  	[tilespmem:s28+$0xFFFFFFA0] =	vst v22;
	v9 =	vmul.f32 v9, v18;
	v22 =	vld [tilespmem:s29+$0xFFFFFF30]  }
0xec: {  	[tilespmem:s28+$0x20] =	vst v2;
	v2 =	vmul.f32 v7, v19;
	v7 =	vld [tilespmem:s29+$0xFFFFFFB0]  }
0xed: {  	[tilespmem:s28+$0xA0] =	vst v9;
	v9 =	vld [tilespmem:s29+$0x30];
	v21 =	vmul.f32 v21, v8  }
0xee: {  	[tilespmem:s28+$0x1A0] =	vst v2;
	v2 =	vmul.f32 v23, v12;
	v12 =	vld [tilespmem:s29+$0xB0]  }
0xef: {  	v20 =	vmul.f32 v20, v13;
	[tilespmem:s28+$0x140] =	vst v21;
	v21 =	vld [tilespmem:s29+$0x1B0]  }
0xf0: {  	[tilespmem:s28+$0xFFFFFE30] =	vst v2;
	v2 =	vmul.f32 v22, v15;
	v15 =	vld [tilespmem:s29+$0x150]  }
0xf1: {  	v13 =	vld.idx.msk [tilespmem:v3+s13+$0x0], $0xffff;
	[tilespmem:s28+$0xFFFFFEB0] =	vst v20;
	v3 =	vmul.f32 v7, v16  }
0xf2: {  	v7 =	vld.idx.msk [tilespmem:v4+s13+$0x0], $0xffff;
	[tilespmem:s28+$0xFFFFFF30] =	vst v2  }
0xf3: {  	v2 =	vld.idx.msk [tilespmem:v5+s13+$0x0], $0xffff;
	[tilespmem:s28+$0xFFFFFFB0] =	vst v3  }
0xf4: {  	v4 =	vmul.f32 v9, v17;
	v3 =	vld.idx.msk [tilespmem:v6+s13+$0x0], $0xffff  }
0xf5: {  	v6 =	vld [tilespmem:s29+$0xFFFFFE40]  }
0xf6: {  	v9 =	vmul.f32 v12, v18;
	[tilespmem:s28+$0x30] =	vst v4;
	v12 =	vld [tilespmem:s29+$0xFFFFFFC0]  }
0xf7: {  	v5 =	vld.idx.msk [tilespmem:v10+s13+$0x0], $0xffff  }
0xf8: {  	[tilespmem:s28+$0xB0] =	vst v9;
	v9 =	vld [tilespmem:s29+$0xFFFFFEC0]  }
0xf9: {  	v10 =	vld [tilespmem:s29+$0xFFFFFF40]  }
0xfa: {  	v4 =	vld.idx.msk [tilespmem:v11+s13+$0x0], $0xffff;
	v11 =	vmul.f32 v21, v19  }
0xfb: {  	s0 =	sadd.s32 $0x0, s24;
	v16 =	vld [tilespmem:s29+$0x40]  }
0xfc: {  	s9 =	sadd.s32 $0xB, s0;
	v17 =	vld [tilespmem:s29+$0xC0];
	[tilespmem:s28+$0x1B0] =	vst v11;
	v11 =	vmul.f32 v6, v13  }
0xfd: {  	v22 =	vmov s9;
	v6 =	vld.idx.msk [tilespmem:v14+s13+$0x0], $0xffff;
	v9 =	vmul.f32 v9, v7  }
0xfe: {  	v22 =	vand.u32 $0xFFFFFFFB, v22;
	v10 =	vmul.f32 v10, v2;
	[tilespmem:s28+$0xFFFFFE40] =	vst v11;
	v11 =	vld [tilespmem:s29+$0x1C0]  }
0xff: {  	v22 =	vbroadcast v22, $0x0;
	v15 =	vmul.f32 v15, v8;
	v14 =	vld [tilespmem:s29+$0xFFFFFE50];
	[tilespmem:s28+$0xFFFFFEC0] =	vst v9  }
0x100: {  	v9 =	vmul.f32 v12, v3;
	[tilespmem:s28+$0xFFFFFF40] =	vst v10;
	v12 =	vld [tilespmem:s29+$0xFFFFFED0]  }
0x101: {  	[tilespmem:s28+$0x150] =	vst v15;
	v10 =	vmul.f32 v16, v5;
	v16 =	vld [tilespmem:s29+$0xFFFFFF50]  }
0x102: {  	v37 =	vld [tilespmem:s30+$0xFFFFFF00];
	[tilespmem:s28+$0xFFFFFFC0] =	vst v9;
	v9 =	vmul.f32 v17, v4  }
0x103: {  	v38 =	vld [tilespmem:s30+$0xFFFFFF80];
	[tilespmem:s28+$0x40] =	vst v10;
	v11 =	vmul.f32 v11, v6  }
0x104: {  	v15 =	vld [tilespmem:s29+$0x160];
	[tilespmem:s28+$0xC0] =	vst v9;
	v14 =	vmul.f32 v14, v13  }
0x105: {  	v32 =	vld.idx.msk [tilespmem:v22+s12+$0x0], $0xffff;
	[tilespmem:s28+$0x1C0] =	vst v11;
	v11 =	vmul.f32 v12, v7  }
0x106: {  	s17 =	sadd.s32 $0xE, s0;
	v9 =	vld [tilespmem:s29+$0x50];
	[tilespmem:s28+$0xFFFFFE50] =	vst v14;
	v14 =	vmul.f32 v16, v2  }
0x107: {  	v18 =	vld [tilespmem:s29+$0xFFFFFE60];
	[tilespmem:s28+$0xFFFFFED0] =	vst v11;
	v11 =	vmov s17  }
0x108: {  	v39 =	vld [tilespmem:s30+$0x0];
	[tilespmem:s28+$0xFFFFFF50] =	vst v14;
	v14 =	vand.u32 $0xFFFFFFFE, v11  }
0x109: {  	v12 =	vld [tilespmem:s29+$0x1D0];
	v14 =	vbroadcast v14, $0x0  }
0x10a: {  	v40 =	vld [tilespmem:s30+$0x80];
	v15 =	vmul.f32 v15, v8  }
0x10b: {  	s7 =	sadd.s32 $0x9, s0;
	v38 =	vmul.f32 v38, v32;
	v10 =	vld [tilespmem:s29+$0xFFFFFFD0]  }
0x10c: {  	s31 =	simm.s32 $0x5600;
	v58 =	vld [tilespmem:s30+$0x180];
	[tilespmem:s28+$0x160] =	vst v15;
	v9 =	vmul.f32 v9, v5;
	v19 =	vmul.f32 v18, v13;
	v18 =	vmov s7  }
0x10d: {  	s26 =	sadd.s32 $0x8, s0;
	[tilespmem:s31+$0xFFFFFF80] =	vst v38;
	v21 =	vld [tilespmem:s29+$0x170];
	v20 =	vand.u32 $0xFFFFFFF9, v18  }
0x10e: {  	v44 =	vld [tilespmem:s30+$0xFFFFFF90];
	[tilespmem:s28+$0x50] =	vst v9;
	v9 =	vmul.f32 v12, v6;
	v12 =	vmov s26;
	v23 =	vbroadcast v20, $0x0  }
0x10f: {  	s17 =	sadd.s32 $0xD, s0;
	v12 =	vand.u32 $0xFFFFFFF8, v12;
	v57 =	vld.idx.msk [tilespmem:v14+s12+$0x0], $0xffff  }
0x110: {  	s8 =	sadd.s32 $0xA, s0;
	v17 =	vld [tilespmem:s29+$0xD0];
	v15 =	vmul.f32 v10, v3;
	v56 =	vmov s17;
	v12 =	vbroadcast v12, $0x0  }
0x111: {  	s16 =	sadd.s32 $0xC, s0;
	v10 =	vld [tilespmem:s29+$0xFFFFFEE0];
	v24 =	vand.u32 $0xFFFFFFFD, v56;
	[tilespmem:s28+$0x1D0] =	vst v9;
	v9 =	vmov s8  }
0x112: {  	v11 =	vld [tilespmem:s29+$0xFFFFFF60];
	[tilespmem:s28+$0xFFFFFFD0] =	vst v15;
	v24 =	vbroadcast v24, $0x0;
	v9 =	vand.u32 $0xFFFFFFFA, v9;
	v20 =	vmov s16  }
0x113: {  	v15 =	vld [tilespmem:s29+$0xFFFFFFE0];
	v9 =	vbroadcast v9, $0x0;
	v20 =	vand.u32 $0xFFFFFFFC, v20  }
0x114: {  	v26 =	vbroadcast v20, $0x0;
	v30 =	vld.idx.msk [tilespmem:v23+s12+$0x0], $0xffff;
	v27 =	vmul.f32 v27, v57  }
0x115: {  	s0 =	sadd.s32 $0xF, s0;
	v16 =	vld [tilespmem:s29+$0x60]  }
0x116: {  	v20 =	vmov s0;
	v29 =	vld.idx.msk [tilespmem:v12+s12+$0x0], $0xffff;
	[tilespmem:s31+$0x100] =	vst v27  }
0x117: {  	v27 =	vld [tilespmem:s30+$0x110]  }
0x118: {  	v8 =	vmul.f32 v21, v8;
	v34 =	vld.idx.msk [tilespmem:v24+s12+$0x0], $0xffff  }
0x119: {  	v31 =	vld.idx.msk [tilespmem:v9+s12+$0x0], $0xffff;
	v36 =	vmul.f32 v36, v30  }
0x11a: {  	v17 =	vmul.f32 v17, v4;
	[tilespmem:s28+$0x170] =	vst v8;
	v33 =	vld.idx.msk [tilespmem:v26+s12+$0x0], $0xffff  }
0x11b: {  	v35 =	vld.idx.msk [tilespmem:v20+s12+$0x0], $0xffff;
	v28 =	vmul.f32 v28, v29;
	[tilespmem:s31+$0xFFFFFE80] =	vst v36  }
0x11c: {  	[tilespmem:s28+$0xD0] =	vst v17;
	v27 =	vmul.f32 v27, v57;
	v62 =	vld [tilespmem:s30+$0xFFFFFE90]  }
0x11d: {  	v17 =	vld [tilespmem:s29+$0xE0];
	v40 =	vmul.f32 v40, v34;
	[tilespmem:s31+$0xFFFFFE00] =	vst v28  }
0x11e: {  	v59 =	vmul.f32 v37, v31;
	v61 =	vld [tilespmem:s30+$0xFFFFFE10];
	[tilespmem:s31+$0x110] =	vst v27  }
0x11f: {  	[tilespmem:s31+$0x80] =	vst v40;
	v39 =	vmul.f32 v39, v33;
	v60 =	vld [tilespmem:s30+$0x120]  }
0x120: {  	v46 =	vld [tilespmem:s30+$0x90];
	[tilespmem:s31+$0xFFFFFF00] =	vst v59;
	v27 =	vmul.f32 v58, v35  }
0x121: {  	v63 =	vld [tilespmem:s30+$0xFFFFFF10];
	[tilespmem:s31+$0x0] =	vst v39;
	v28 =	vmul.f32 v62, v30  }
0x122: {  	v39 =	vmul.f32 v44, v32;
	v45 =	vld [tilespmem:s30+$0x10];
	[tilespmem:s31+$0x180] =	vst v27  }
0x123: {  	v36 =	vmul.f32 v61, v29;
	v47 =	vld [tilespmem:s30+$0x190];
	[tilespmem:s31+$0xFFFFFE90] =	vst v28  }
0x124: {  	[tilespmem:s31+$0xFFFFFF90] =	vst v39;
	v37 =	vmul.f32 v60, v57;
	v51 =	vld [tilespmem:s30+$0xFFFFFEA0]  }
0x125: {  	v18 =	vld [tilespmem:s29+$0x1E0];
	v27 =	vmul.f32 v46, v34;
	[tilespmem:s31+$0xFFFFFE10] =	vst v36  }
0x126: {  	v53 =	vld [tilespmem:s30+$0xFFFFFFA0];
	v48 =	vmul.f32 v63, v31;
	[tilespmem:s31+$0x120] =	vst v37  }
0x127: {  	[tilespmem:s31+$0x90] =	vst v27;
	v40 =	vmul.f32 v45, v33;
	v49 =	vld [tilespmem:s30+$0x130]  }
0x128: {  	v50 =	vld [tilespmem:s30+$0xFFFFFE20];
	[tilespmem:s31+$0xFFFFFF10] =	vst v48;
	v37 =	vmul.f32 v47, v35  }
0x129: {  	v21 =	vld [tilespmem:s30+$0xA0];
	[tilespmem:s31+$0x10] =	vst v40;
	v8 =	vmul.f32 v51, v30  }
0x12a: {  	v52 =	vld [tilespmem:s30+$0xFFFFFF20];
	[tilespmem:s31+$0x190] =	vst v37  }
0x12b: {  	v54 =	vld [tilespmem:s30+$0x20];
	[tilespmem:s31+$0xFFFFFEA0] =	vst v8;
	v8 =	vmul.f32 v53, v32  }
0x12c: {  	[tilespmem:s28+$0xFFFFFE60] =	vst v19;
	v55 =	vld [tilespmem:s30+$0x1A0];
	v25 =	vmul.f32 v49, v57  }
0x12d: {  	v15 =	vmul.f32 v15, v3;
	v59 =	vld [tilespmem:s30+$0xFFFFFEB0];
	[tilespmem:s31+$0xFFFFFFA0] =	vst v8  }
0x12e: {  	v28 =	vmul.f32 v50, v29;
	[tilespmem:s31+$0x130] =	vst v25;
	v60 =	vld [tilespmem:s30+$0xFFFFFFB0]  }
0x12f: {  	[tilespmem:s28+$0xFFFFFFE0] =	vst v15;
	v56 =	vld.idx.msk [tilespmem:v14+s13+$0x0], $0xffff;
	v14 =	vmul.f32 v52, v31  }
0x130: {  	[tilespmem:s31+$0xFFFFFE20] =	vst v28;
	v8 =	vmul.f32 v21, v34;
	v57 =	vld [tilespmem:s30+$0x140]  }
0x131: {  	v58 =	vld [tilespmem:s30+$0xFFFFFE30];
	[tilespmem:s31+$0xFFFFFF20] =	vst v14;
	v14 =	vmul.f32 v54, v33  }
0x132: {  	v19 =	vld [tilespmem:s29+$0xFFFFFE70];
	[tilespmem:s31+$0xA0] =	vst v8;
	v27 =	vmul.f32 v59, v30  }
0x133: {  	v21 =	vld [tilespmem:s30+$0xFFFFFF30];
	[tilespmem:s31+$0x20] =	vst v14;
	v14 =	vmul.f32 v55, v35  }
0x134: {  	v61 =	vld [tilespmem:s30+$0xB0];
	[tilespmem:s31+$0xFFFFFEB0] =	vst v27;
	v25 =	vmul.f32 v60, v32  }
0x135: {  	v8 =	vld [tilespmem:s30+$0x30];
	v28 =	vmul.f32 v57, v56;
	[tilespmem:s31+$0x1A0] =	vst v14  }
0x136: {  	v15 =	vld [tilespmem:s30+$0xFFFFFEC0];
	v14 =	vmul.f32 v58, v29;
	[tilespmem:s31+$0xFFFFFFB0] =	vst v25  }
0x137: {  	[tilespmem:s31+$0x140] =	vst v28;
	v62 =	vld [tilespmem:s30+$0x1B0]  }
0x138: {  	[tilespmem:s31+$0xFFFFFE30] =	vst v14;
	v14 =	vmul.f32 v21, v31;
	v21 =	vld [tilespmem:s30+$0x150]  }
0x139: {  	v63 =	vmul.f32 v10, v7;
	v10 =	vld.idx.msk [tilespmem:v22+s13+$0x0], $0xffff  }
0x13a: {  	v16 =	vmul.f32 v16, v5;
	v12 =	vld.idx.msk [tilespmem:v12+s13+$0x0], $0xffff  }
0x13b: {  	[tilespmem:s31+$0xFFFFFF30] =	vst v14;
	v14 =	vld.idx.msk [tilespmem:v23+s13+$0x0], $0xffff;
	v8 =	vmul.f32 v8, v33  }
0x13c: {  	[tilespmem:s28+$0x60] =	vst v16;
	v23 =	vmul.f32 v61, v34;
	v9 =	vld.idx.msk [tilespmem:v9+s13+$0x0], $0xffff  }
0x13d: {  	v16 =	vld [tilespmem:s30+$0xFFFFFF40];
	[tilespmem:s31+$0x30] =	vst v8;
	v21 =	vmul.f32 v21, v56  }
0x13e: {  	v17 =	vmul.f32 v17, v4;
	[tilespmem:s31+$0xB0] =	vst v23;
	v23 =	vld [tilespmem:s30+$0xFFFFFE40]  }
0x13f: {  	v18 =	vmul.f32 v18, v6;
	v8 =	vld.idx.msk [tilespmem:v26+s13+$0x0], $0xffff;
	[tilespmem:s31+$0x150] =	vst v21  }
0x140: {  	[tilespmem:s28+$0xE0] =	vst v17;
	v22 =	vmul.f32 v11, v2;
	v21 =	vld [tilespmem:s30+$0x160]  }
0x141: {  	v13 =	vmul.f32 v19, v13;
	[tilespmem:s28+$0x1E0] =	vst v18;
	v18 =	vld [tilespmem:s30+$0x40]  }
0x142: {  	[tilespmem:s28+$0xFFFFFF60] =	vst v22;
	v22 =	vld [tilespmem:s30+$0xFFFFFFC0];
	v17 =	vmul.f32 v62, v35  }
0x143: {  	[tilespmem:s28+$0xFFFFFE70] =	vst v13;
	v11 =	vld.idx.msk [tilespmem:v24+s13+$0x0], $0xffff;
	v15 =	vmul.f32 v15, v14  }
0x144: {  	[tilespmem:s31+$0x1B0] =	vst v17;
	v17 =	vld [tilespmem:s30+$0xC0];
	v16 =	vmul.f32 v16, v9  }
0x145: {  	v13 =	vld.idx.msk [tilespmem:v20+s13+$0x0], $0xffff;
	[tilespmem:s31+$0xFFFFFEC0] =	vst v15;
	v19 =	vmul.f32 v21, v56  }
0x146: {  	[tilespmem:s31+$0xFFFFFF40] =	vst v16;
	v16 =	vmul.f32 v18, v8;
	v18 =	vld [tilespmem:s30+$0xFFFFFED0];
	v21 =	vmul.f32 v23, v12  }
0x147: {  	[tilespmem:s31+$0x160] =	vst v19;
	v19 =	vld [tilespmem:s30+$0x1C0]  }
0x148: {  	[tilespmem:s31+$0xFFFFFE40] =	vst v21;
	v20 =	vld [tilespmem:s30+$0x170]  }
0x149: {  	v15 =	vmul.f32 v22, v10;
	v21 =	vld [tilespmem:s30+$0xFFFFFE50]  }
0x14a: {  	[tilespmem:s28+$0xFFFFFEE0] =	vst v63  }
0x14b: {  	[tilespmem:s31+$0xFFFFFFC0] =	vst v15;
	v15 =	vmul.f32 v17, v11;
	v22 =	vld [tilespmem:s30+$0xFFFFFF50]  }
0x14c: {  	[tilespmem:s31+$0x40] =	vst v16;
	v23 =	vld [tilespmem:s30+$0xFFFFFFD0];
	v16 =	vmul.f32 v19, v13  }
0x14d: {  	[tilespmem:s31+$0xC0] =	vst v15;
	v18 =	vmul.f32 v18, v14;
	v19 =	vld [tilespmem:s30+$0x50]  }
0x14e: {  	v15 =	vmul.f32 v20, v56;
	v20 =	vmul.f32 v21, v12;
	v21 =	vld [tilespmem:s30+$0xD0];
	[tilespmem:s31+$0x1C0] =	vst v16  }
0x14f: {  	[tilespmem:s31+$0xFFFFFED0] =	vst v18;
	v17 =	vld [tilespmem:s30+$0x1D0]  }
0x150: {  	v16 =	vld [tilespmem:s29+$0xFFFFFEF0];
	[tilespmem:s31+$0xFFFFFE50] =	vst v20;
	v20 =	vmul.f32 v22, v9  }
0x151: {  	v18 =	vmul.f32 v23, v10;
	[tilespmem:s31+$0x170] =	vst v15;
	v15 =	vld [tilespmem:s30+$0xFFFFFE60]  }
0x152: {  	v22 =	vld [tilespmem:s30+$0xFFFFFEE0];
	[tilespmem:s31+$0xFFFFFF50] =	vst v20;
	v19 =	vmul.f32 v19, v8  }
0x153: {  	s4 =	simm.s32 $0x8;
	s26 =	sshll.u32 s25, $0x1;
	s0 =	simm.s32 $0x5600;
	[tilespmem:s31+$0xFFFFFFD0] =	vst v18;
	v23 =	vld [tilespmem:s30+$0xFFFFFF60];
	v18 =	vmul.f32 v21, v11  }
.LBB2_8:
0x154: {  	s16 =	sadd.s32 s4, s24;
	s4 =	sadd.s32 $0x8, s4;
	v24 =	vld [tilespmem:s30+$0xFFFFFFE0];
	[tilespmem:s31+$0x50] =	vst v19;
	v17 =	vmul.f32 v17, v13  }
0x155: {  	s17 =	sadd.s32 $0x8, s16;
	s7 =	sadd.s32 $0xE, s16;
	p1 =	slt.u32 s4, $0x48;
	v25 =	vld [tilespmem:s30+$0x60];
	[tilespmem:s31+$0xD0] =	vst v18;
	v16 =	vmul.f32 v16, v7;
	v7 =	vmov v14  }
0x156: {  	s8 =	sadd.s32 $0xA, s16;
	s9 =	sadd.s32 $0xB, s16;
	v14 =	vmov s17;
	s17 =	sadd.s32 $0x9, s16;
	v18 =	vmov s7;
	v15 =	vmul.f32 v15, v12;
	v26 =	vld [tilespmem:s30+$0xE0];
	[tilespmem:s31+$0x1D0] =	vst v17  }
0x157: {  	v19 =	vmov s8;
	s7 =	sadd.s32 $0xC, s16;
	s8 =	sadd.s32 $0xD, s16;
	s16 =	sadd.s32 $0xF, s16;
	v17 =	vmov s17;
	v18 =	vand.u32 $0xFFFFFFFE, v18;
	v27 =	vld [tilespmem:s30+$0x1E0];
	[tilespmem:s28+$0xFFFFFEF0] =	vst v16  }
0x158: {  	v16 =	vmov s9;
	v20 =	vmov s7;
	v21 =	vbroadcast v18, $0x0;
	[tilespmem:s31+$0xFFFFFE60] =	vst v15;
	v28 =	vld [tilespmem:s29+$0xFFFFFF70]  }
0x159: {  	v14 =	vand.u32 $0xFFFFFFF8, v14;
	v15 =	vand.u32 $0xFFFFFFF9, v17;
	v17 =	vmov s8;
	v29 =	vld [tilespmem:s30+$0xFFFFFE70]  }
0x15a: {  	v18 =	vand.u32 $0xFFFFFFFA, v19;
	v16 =	vand.u32 $0xFFFFFFFB, v16;
	v30 =	vand.u32 $0xFFFFFFFC, v20;
	v31 =	vld [tilespmem:s29+$0xFFFFFFF0]  }
0x15b: {  	v20 =	vbroadcast v14, $0x0;
	v14 =	vbroadcast v15, $0x0;
	v32 =	vand.u32 $0xFFFFFFFD, v17;
	v33 =	vld [tilespmem:s29+$0x70]  }
0x15c: {  	v19 =	vbroadcast v18, $0x0;
	v17 =	vbroadcast v16, $0x0;
	v15 =	vmov s16;
	v34 =	vld [tilespmem:s29+$0xF0]  }
0x15d: {  	v18 =	vbroadcast v30, $0x0;
	v16 =	vbroadcast v32, $0x0;
	v30 =	vld [tilespmem:s29+$0x1F0];
	s29 =	smov.u32 s30  }
0x15e: {  	v22 =	vmul.f32 v22, v7;
	v23 =	vmul.f32 v23, v9;
	s30 =	sadd.s32 $0x400, s30;
	v32 =	vld.idx.msk [tilespmem:v21+s12+$0x0], $0xffff  }
0x15f: {  	v24 =	vmul.f32 v24, v10;
	v25 =	vmul.f32 v25, v8;
	v35 =	vld [tilespmem:s30+$0x100]  }
0x160: {  	v26 =	vmul.f32 v26, v11;
	v27 =	vmul.f32 v27, v13;
	v36 =	vld [tilespmem:s30+$0xFFFFFE00];
	[tilespmem:s31+$0xFFFFFEE0] =	vst v22  }
0x161: {  	v28 =	vmul.f32 v28, v2;
	v2 =	vmov v9;
	v12 =	vmul.f32 v29, v12;
	v22 =	vld.idx.msk [tilespmem:v20+s12+$0x0], $0xffff;
	[tilespmem:s31+$0xFFFFFF60] =	vst v23  }
0x162: {  	v29 =	vmul.f32 v33, v5;
	v9 =	vld.idx.msk [tilespmem:v14+s12+$0x0], $0xffff;
	[tilespmem:s31+$0xFFFFFFE0] =	vst v24;
	v24 =	vmul.f32 v31, v3;
	v3 =	vmov v10  }
0x163: {  	v5 =	vmov v8;
	v30 =	vmul.f32 v30, v6;
	v10 =	vld.idx.msk [tilespmem:v19+s12+$0x0], $0xffff;
	[tilespmem:s31+$0x60] =	vst v25;
	v25 =	vmul.f32 v34, v4  }
0x164: {  	v6 =	vmov v13;
	v4 =	vmov v11;
	v8 =	vld.idx.msk [tilespmem:v17+s12+$0x0], $0xffff;
	v23 =	vmul.f32 v35, v32;
	[tilespmem:s31+$0xE0] =	vst v26  }
0x165: {  	s31 =	sadd.s32 $0x400, s31;
	v11 =	vld.idx.msk [tilespmem:v18+s12+$0x0], $0xffff;
	[tilespmem:s0+$0x1E0] =	vst v27  }
0x166: {  	v13 =	vld.idx.msk [tilespmem:v16+s12+$0x0], $0xffff;
	[tilespmem:s31+$0x100] =	vst v23  }
0x167: {  	v26 =	vmul.f32 v36, v22;
	v27 =	vld [tilespmem:s30+$0x110];
	[tilespmem:s0+$0xFFFFFE70] =	vst v12  }
0x168: {  	v23 =	vld.idx.msk [tilespmem:v15+s12+$0x0], $0xffff;
	[tilespmem:s28+$0xFFFFFF70] =	vst v28  }
0x169: {  	[tilespmem:s31+$0xFFFFFE00] =	vst v26;
	v12 =	vld [tilespmem:s30+$0xFFFFFE80]  }
0x16a: {  	v26 =	vld [tilespmem:s30+$0xFFFFFF00];
	[tilespmem:s28+$0xFFFFFFF0] =	vst v24  }
0x16b: {  	v24 =	vld [tilespmem:s30+$0xFFFFFF80];
	[tilespmem:s28+$0x70] =	vst v29  }
0x16c: {  	v28 =	vld [tilespmem:s30+$0x0];
	v27 =	vmul.f32 v27, v32;
	[tilespmem:s28+$0xF0] =	vst v25  }
0x16d: {  	v25 =	vld [tilespmem:s30+$0x80];
	[tilespmem:s28+$0x1F0] =	vst v30;
	s28 =	smov.u32 s0;
	s0 =	smov.u32 s31  }
0x16e: {  	v12 =	vmul.f32 v12, v9;
	[tilespmem:s31+$0x110] =	vst v27;
	v27 =	vld [tilespmem:s30+$0x180]  }
0x16f: {  	v26 =	vmul.f32 v26, v10;
	v29 =	vld [tilespmem:s30+$0x120]  }
0x170: {  	v30 =	vld [tilespmem:s30+$0xFFFFFE10];
	[tilespmem:s31+$0xFFFFFE80] =	vst v12;
	v12 =	vmul.f32 v24, v8  }
0x171: {  	v24 =	vld [tilespmem:s30+$0xFFFFFE90];
	[tilespmem:s31+$0xFFFFFF00] =	vst v26;
	v26 =	vmul.f32 v28, v11  }
0x172: {  	v28 =	vld [tilespmem:s30+$0xFFFFFF10];
	[tilespmem:s31+$0xFFFFFF80] =	vst v12;
	v12 =	vmul.f32 v25, v13  }
0x173: {  	v25 =	vld [tilespmem:s30+$0xFFFFFF90];
	[tilespmem:s31+$0x0] =	vst v26;
	v26 =	vmul.f32 v27, v23  }
0x174: {  	v27 =	vld [tilespmem:s30+$0x10];
	[tilespmem:s31+$0x80] =	vst v12;
	v12 =	vmul.f32 v29, v32  }
0x175: {  	v29 =	vmul.f32 v30, v22;
	v30 =	vld [tilespmem:s30+$0x90];
	[tilespmem:s31+$0x180] =	vst v26  }
0x176: {  	v24 =	vmul.f32 v24, v9;
	[tilespmem:s31+$0x120] =	vst v12;
	v12 =	vld [tilespmem:s30+$0x190]  }
0x177: {  	[tilespmem:s31+$0xFFFFFE10] =	vst v29;
	v26 =	vmul.f32 v28, v10;
	v28 =	vld [tilespmem:s30+$0x130]  }
0x178: {  	v29 =	vld [tilespmem:s30+$0xFFFFFE20];
	[tilespmem:s31+$0xFFFFFE90] =	vst v24;
	v24 =	vmul.f32 v25, v8  }
0x179: {  	v25 =	vld [tilespmem:s30+$0xFFFFFEA0];
	[tilespmem:s31+$0xFFFFFF10] =	vst v26;
	v26 =	vmul.f32 v27, v11  }
0x17a: {  	v27 =	vld [tilespmem:s30+$0xFFFFFF20];
	[tilespmem:s31+$0xFFFFFF90] =	vst v24;
	v24 =	vmul.f32 v30, v13  }
0x17b: {  	v30 =	vld [tilespmem:s30+$0xFFFFFFA0];
	[tilespmem:s31+$0x10] =	vst v26;
	v12 =	vmul.f32 v12, v23  }
0x17c: {  	v26 =	vld [tilespmem:s30+$0x20];
	[tilespmem:s31+$0x90] =	vst v24;
	v24 =	vmul.f32 v28, v32  }
0x17d: {  	v28 =	vmul.f32 v29, v22;
	v29 =	vld [tilespmem:s30+$0xA0];
	[tilespmem:s31+$0x190] =	vst v12  }
0x17e: {  	v12 =	vmul.f32 v25, v9;
	[tilespmem:s31+$0x130] =	vst v24;
	v24 =	vld [tilespmem:s30+$0x1A0]  }
0x17f: {  	[tilespmem:s31+$0xFFFFFE20] =	vst v28;
	v25 =	vmul.f32 v27, v10;
	v21 =	vld.idx.msk [tilespmem:v21+s13+$0x0], $0xffff  }
0x180: {  	[tilespmem:s31+$0xFFFFFEA0] =	vst v12;
	v12 =	vmul.f32 v30, v8;
	v27 =	vld [tilespmem:s30+$0x140]  }
0x181: {  	v28 =	vld [tilespmem:s30+$0xFFFFFE30];
	[tilespmem:s31+$0xFFFFFF20] =	vst v25;
	v25 =	vmul.f32 v26, v11  }
0x182: {  	v26 =	vld [tilespmem:s30+$0xFFFFFEB0];
	[tilespmem:s31+$0xFFFFFFA0] =	vst v12;
	v12 =	vmul.f32 v29, v13  }
0x183: {  	v29 =	vld [tilespmem:s30+$0xFFFFFF30];
	[tilespmem:s31+$0x20] =	vst v25;
	v24 =	vmul.f32 v24, v23  }
0x184: {  	v25 =	vld [tilespmem:s30+$0xFFFFFFB0];
	[tilespmem:s31+$0xA0] =	vst v12  }
0x185: {  	v30 =	vld [tilespmem:s30+$0x30];
	v12 =	vmul.f32 v27, v21;
	[tilespmem:s31+$0x1A0] =	vst v24  }
0x186: {  	v22 =	vmul.f32 v28, v22;
	v24 =	vld [tilespmem:s30+$0xB0]  }
0x187: {  	v9 =	vmul.f32 v26, v9;
	[tilespmem:s31+$0x140] =	vst v12;
	v26 =	vld [tilespmem:s30+$0x1B0]  }
0x188: {  	[tilespmem:s31+$0xFFFFFE30] =	vst v22;
	v10 =	vmul.f32 v29, v10;
	v22 =	vld [tilespmem:s30+$0x150]  }
0x189: {  	v12 =	vld.idx.msk [tilespmem:v20+s13+$0x0], $0xffff;
	[tilespmem:s31+$0xFFFFFEB0] =	vst v9;
	v8 =	vmul.f32 v25, v8  }
0x18a: {  	v14 =	vld.idx.msk [tilespmem:v14+s13+$0x0], $0xffff;
	[tilespmem:s31+$0xFFFFFF30] =	vst v10;
	v11 =	vmul.f32 v30, v11  }
0x18b: {  	v9 =	vld.idx.msk [tilespmem:v19+s13+$0x0], $0xffff;
	[tilespmem:s31+$0xFFFFFFB0] =	vst v8;
	v13 =	vmul.f32 v24, v13  }
0x18c: {  	v10 =	vld.idx.msk [tilespmem:v17+s13+$0x0], $0xffff;
	[tilespmem:s31+$0x30] =	vst v11;
	v17 =	vmul.f32 v26, v23  }
0x18d: {  	v8 =	vld.idx.msk [tilespmem:v18+s13+$0x0], $0xffff;
	[tilespmem:s31+$0xB0] =	vst v13;
	v13 =	vmul.f32 v22, v21  }
0x18e: {  	v11 =	vld.idx.msk [tilespmem:v16+s13+$0x0], $0xffff;
	[tilespmem:s31+$0x1B0] =	vst v17  }
0x18f: {  	v16 =	vld [tilespmem:s30+$0xFFFFFE40];
	[tilespmem:s31+$0x150] =	vst v13  }
0x190: {  	v13 =	vld [tilespmem:s30+$0x160]  }
0x191: {  	v17 =	vld [tilespmem:s30+$0xFFFFFEC0]  }
0x192: {  	v18 =	vld [tilespmem:s30+$0xFFFFFF40]  }
0x193: {  	v19 =	vld [tilespmem:s30+$0xFFFFFFC0]  }
0x194: {  	v16 =	vmul.f32 v16, v12;
	v20 =	vld [tilespmem:s30+$0x40]  }
0x195: {  	v22 =	vld [tilespmem:s30+$0xC0];
	v23 =	vmul.f32 v13, v21  }
0x196: {  	[tilespmem:s31+$0xFFFFFE40] =	vst v16;
	v16 =	vmul.f32 v17, v14;
	v13 =	vld.idx.msk [tilespmem:v15+s13+$0x0], $0xffff  }
0x197: {  	v15 =	vmul.f32 v18, v9;
	[tilespmem:s31+$0x160] =	vst v23;
	v17 =	vld [tilespmem:s30+$0x1C0]  }
0x198: {  	[tilespmem:s31+$0xFFFFFEC0] =	vst v16;
	v16 =	vmul.f32 v19, v10;
	v18 =	vld [tilespmem:s30+$0x170]  }
0x199: {  	v19 =	vld [tilespmem:s30+$0xFFFFFE50];
	[tilespmem:s31+$0xFFFFFF40] =	vst v15;
	v15 =	vmul.f32 v20, v8  }
0x19a: {  	v20 =	vld [tilespmem:s30+$0xFFFFFED0];
	[tilespmem:s31+$0xFFFFFFC0] =	vst v16;
	v16 =	vmul.f32 v22, v11  }
0x19b: {  	v22 =	vld [tilespmem:s30+$0xFFFFFF50];
	[tilespmem:s31+$0x40] =	vst v15  }
0x19c: {  	v23 =	vld [tilespmem:s30+$0xFFFFFFD0];
	[tilespmem:s31+$0xC0] =	vst v16;
	v15 =	vmul.f32 v17, v13  }
0x19d: {  	v24 =	vld [tilespmem:s30+$0x50];
	v16 =	vmul.f32 v18, v21  }
0x19e: {  	v18 =	vmul.f32 v19, v12;
	v21 =	vld [tilespmem:s30+$0xD0];
	[tilespmem:s31+$0x1C0] =	vst v15  }
.Ltmp6:
0x19f: {  	v19 =	vmul.f32 v20, v14;
	[tilespmem:s31+$0x170] =	vst v16;
	v17 =	vld [tilespmem:s30+$0x1D0];
	(pc) =	sbr.rel @p1 .LBB2_8-.Ltmp6, $4  }
0x1a0: {  	[tilespmem:s31+$0xFFFFFE50] =	vst v18;
	v18 =	vmul.f32 v22, v9;
	v16 =	vld [tilespmem:s29+$0xFFFFFEF0]  }
0x1a1: {  	v15 =	vld [tilespmem:s30+$0xFFFFFE60];
	[tilespmem:s31+$0xFFFFFED0] =	vst v19;
	v20 =	vmul.f32 v23, v10  }
0x1a2: {  	v22 =	vld [tilespmem:s30+$0xFFFFFEE0];
	[tilespmem:s31+$0xFFFFFF50] =	vst v18;
	v19 =	vmul.f32 v24, v8  }
0x1a3: {  	v23 =	vld [tilespmem:s30+$0xFFFFFF60];
	[tilespmem:s31+$0xFFFFFFD0] =	vst v20;
	v18 =	vmul.f32 v21, v11  }
0x1a4: {  	v20 =	vld [tilespmem:s30+$0xFFFFFFE0]  }
0x1a5: {  	[tilespmem:s31+$0x50] =	vst v19;
	v17 =	vmul.f32 v17, v13;
	v21 =	vld [tilespmem:s29+$0xFFFFFF70]  }
0x1a6: {  	v19 =	vld [tilespmem:s30+$0x60];
	[tilespmem:s31+$0xD0] =	vst v18;
	v15 =	vmul.f32 v15, v12  }
0x1a7: {  	v7 =	vmul.f32 v16, v7;
	v16 =	vld [tilespmem:s30+$0xE0];
	[tilespmem:s31+$0x1D0] =	vst v17  }
0x1a8: {  	v17 =	vld [tilespmem:s30+$0x1E0];
	[tilespmem:s31+$0xFFFFFE60] =	vst v15;
	v15 =	vmul.f32 v22, v14  }
0x1a9: {  	[tilespmem:s28+$0xFFFFFEF0] =	vst v7;
	v18 =	vmul.f32 v23, v9;
	v7 =	vld [tilespmem:s30+$0xFFFFFE70]  }
0x1aa: {  	v20 =	vmul.f32 v20, v10;
	[tilespmem:s31+$0xFFFFFEE0] =	vst v15;
	v15 =	vld [tilespmem:s29+$0xFFFFFFF0]  }
0x1ab: {  	v19 =	vmul.f32 v19, v8;
	[tilespmem:s31+$0xFFFFFF60] =	vst v18;
	v18 =	vld [tilespmem:s29+$0x70]  }
0x1ac: {  	v2 =	vmul.f32 v21, v2;
	[tilespmem:s31+$0xFFFFFFE0] =	vst v20;
	v20 =	vld [tilespmem:s29+$0xF0]  }
0x1ad: {  	v16 =	vmul.f32 v16, v11;
	[tilespmem:s31+$0x60] =	vst v19;
	v19 =	vld [tilespmem:s29+$0x1F0]  }
0x1ae: {  	[tilespmem:s28+$0xFFFFFF70] =	vst v2;
	v17 =	vmul.f32 v17, v13;
	v2 =	vld [tilespmem:s30+$0xFFFFFFF0]  }
0x1af: {  	[tilespmem:s31+$0xE0] =	vst v16;
	v7 =	vmul.f32 v7, v12;
	v12 =	vld [tilespmem:s30+$0xFFFFFEF0]  }
0x1b0: {  	[tilespmem:s0+$0x1E0] =	vst v17;
	v3 =	vmul.f32 v15, v3  }
0x1b1: {  	v5 =	vmul.f32 v18, v5;
	[tilespmem:s0+$0xFFFFFE70] =	vst v7;
	v7 =	vld [tilespmem:s30+$0xFFFFFF70]  }
0x1b2: {  	v4 =	vmul.f32 v20, v4;
	[tilespmem:s28+$0xFFFFFFF0] =	vst v3;
	v3 =	vld [tilespmem:s30+$0x70]  }
0x1b3: {  	v6 =	vmul.f32 v19, v6;
	[tilespmem:s28+$0x70] =	vst v5;
	v5 =	vld [tilespmem:s30+$0xF0]  }
0x1b4: {  	v2 =	vmul.f32 v2, v10;
	[tilespmem:s28+$0xF0] =	vst v4;
	v4 =	vmul.f32 v12, v14;
	v12 =	vld [tilespmem:s30+$0x1F0]  }
0x1b5: {  	[tilespmem:s28+$0x1F0] =	vst v6  }
0x1b6: {  	[tilespmem:s0+$0xFFFFFFF0] =	vst v2;
	v6 =	vmul.f32 v7, v9  }
0x1b7: {  	[tilespmem:s0+$0xFFFFFEF0] =	vst v4;
	v3 =	vmul.f32 v3, v8  }
0x1b8: {  	v4 =	vmul.f32 v5, v11;
	[tilespmem:s0+$0xFFFFFF70] =	vst v6  }
0x1b9: {  	s4 =	sshll.u32 s25, $0x8;
	v2 =	vmul.f32 v12, v13;
	[tilespmem:s0+$0x70] =	vst v3  }
0x1ba: {  	p1 =	seq.s32 s25, $0x4;
	s4 =	sand.u32 $0x3FFFFF00, s4;
	[tilespmem:s0+$0xF0] =	vst v4  }
0x1bb: {  	s4 =	sadd.s32 $0xA700, s4;
	[tilespmem:s0+$0x1F0] =	vst v2;
	s0 =	smul.u32 @!p1 $0x280, s25  }
0x1bc: {  	[spmem:s2] =	stream.indirect.scatter.add.f32 [tilespmem:s20], [sflag:$0x3], $0x80, s4, s15, $0xb8;
	[tilespmem:$0x1F600] =	vst v63  }
0x1bd: {  	s4 =	sadd.s32 $0xFFFFFFF8, s24  }
0x1be: {  	s8 =	simm.s32 @!p1 $0x50;
	s0 =	sshra.s32 @!p1 s0, $0x2;
	s7 =	sadd.s32 $0x5E, s4  }
0x1bf: {  	s9 =	simm.s32 @!p1 $0x0;
	s16 =	sadd.s32 $0x5B, s4;
	s0 =	sadd.s32 @!p1 $0xA420, s0;
	v2 =	vmov s7  }
0x1c0: {  	[tilespmem:s9], [sflag:$0x1] =	stream.indirect.gather @!p1 [hbm4b:s5+s8], $0x80, s0, s8, $0xb8;
	v2 =	vand.u32 $0xFFFFFFFE, v2;
	[tilespmem:$0x1F600] =	vst v63  }
0x1c1: {  	s17 =	sadd.s32 $0x5C, s4;
	v6 =	vmov s16;
	_ =	swait.ge [sflag:s11], $0x2800;
	v2 =	vbroadcast v2, $0x0  }
0x1c2: {  	s7 =	sadd.s32 $0x58, s4;
	v7 =	vmov s17;
	v6 =	vand.u32 $0xFFFFFFFB, v6;
	[sflag:s11] =	ssyncset.done $0x0  }
0x1c3: {  	v3 =	vmov s7;
	s7 =	simm.s32 @!p0 $0x4;
	v7 =	vand.u32 $0xFFFFFFFC, v7;
	v6 =	vbroadcast v6, $0x0;
	[sflag:s11] =	ssyncadd.s32 $0xFFFFD800  }
0x1c4: {  	s9 =	sadd.s32 $0x5A, s4;
	v10 =	vbroadcast v7, $0x0;
	_ =	swait.ge @!p0 [sflag:s7], $0x2800  }
0x1c5: {  	v5 =	vmov s9;
	s9 =	sadd.s32 $0x5F, s4;
	[sflag:s7] =	ssyncset.done @!p0 $0x0  }
0x1c6: {  	v14 =	vmov s9;
	[sflag:s7] =	ssyncadd.s32 @!p0 $0xFFFFD800  }
0x1c7: {  	s29 =	simm.s32 $0x2A00;
	v9 =	vld.idx.msk [tilespmem:v2+s12+$0x0], $0xffff  }
0x1c8: {  	v7 =	vld [tilespmem:s29+$0x100]  }
0x1c9: {  	v16 =	vld.idx.msk [tilespmem:v6+s12+$0x0], $0xffff  }
0x1ca: {  	v17 =	vld.idx.msk [tilespmem:v10+s12+$0x0], $0xffff  }
0x1cb: {  	v3 =	vand.u32 $0xFFFFFFF8, v3;
	v19 =	vld.idx.msk [tilespmem:v14+s12+$0x0], $0xffff  }
0x1cc: {  	s8 =	sadd.s32 $0x59, s4;
	v3 =	vbroadcast v3, $0x0;
	v20 =	vld [tilespmem:s29+$0xFFFFFE80]  }
0x1cd: {  	v4 =	vmov s8;
	v21 =	vld [tilespmem:s29+$0xFFFFFF00]  }
0x1ce: {  	v4 =	vand.u32 $0xFFFFFFF9, v4;
	v22 =	vld [tilespmem:s29+$0xFFFFFF80]  }
0x1cf: {  	v5 =	vand.u32 $0xFFFFFFFA, v5;
	v4 =	vbroadcast v4, $0x0;
	v23 =	vld [tilespmem:s29+$0x0]  }
0x1d0: {  	s30 =	simm.s32 $0x2E00;
	v5 =	vbroadcast v5, $0x0;
	s7 =	sadd.s32 $0x5D, s4;
	v24 =	vld [tilespmem:s29+$0x80];
	v7 =	vmul.f32 v7, v9  }
0x1d1: {  	s28 =	simm.s32 $0x7A00;
	v8 =	vmov s7;
	v27 =	vld [tilespmem:s30+$0x100]  }
0x1d2: {  	v8 =	vand.u32 $0xFFFFFFFD, v8;
	v12 =	vld.idx.msk [tilespmem:v3+s12+$0x0], $0xffff;
	[tilespmem:s28+$0x100] =	vst v7  }
0x1d3: {  	v11 =	vbroadcast v8, $0x0;
	v7 =	vld [tilespmem:s29+$0x110]  }
0x1d4: {  	v8 =	vld [tilespmem:s29+$0xFFFFFE00]  }
0x1d5: {  	v13 =	vld.idx.msk [tilespmem:v4+s12+$0x0], $0xffff  }
0x1d6: {  	v15 =	vld.idx.msk [tilespmem:v5+s12+$0x0], $0xffff  }
0x1d7: {  	v28 =	vld [tilespmem:s30+$0xFFFFFE00]  }
0x1d8: {  	v36 =	vld [tilespmem:s30+$0xFFFFFE80];
	v7 =	vmul.f32 v7, v9  }
0x1d9: {  	v8 =	vmul.f32 v8, v12;
	v18 =	vld.idx.msk [tilespmem:v11+s12+$0x0], $0xffff  }
0x1da: {  	v20 =	vmul.f32 v20, v13;
	[tilespmem:s28+$0x110] =	vst v7;
	v7 =	vld [tilespmem:s29+$0x180]  }
0x1db: {  	[tilespmem:s28+$0xFFFFFE00] =	vst v8;
	v8 =	vmul.f32 v21, v15;
	v21 =	vld [tilespmem:s29+$0x120]  }
0x1dc: {  	[tilespmem:s28+$0xFFFFFE80] =	vst v20;
	v20 =	vmul.f32 v22, v16;
	v25 =	vld [tilespmem:s29+$0xFFFFFE10]  }
0x1dd: {  	v22 =	vld [tilespmem:s29+$0xFFFFFE90];
	[tilespmem:s28+$0xFFFFFF00] =	vst v8;
	v8 =	vmul.f32 v23, v17  }
0x1de: {  	[tilespmem:s28+$0xFFFFFF80] =	vst v20;
	v23 =	vld [tilespmem:s29+$0xFFFFFF10];
	v20 =	vmul.f32 v24, v18  }
0x1df: {  	v52 =	vld [tilespmem:s29+$0xFFFFFF90];
	[tilespmem:s28+$0x0] =	vst v8;
	v7 =	vmul.f32 v7, v19  }
0x1e0: {  	v8 =	vld [tilespmem:s29+$0x10];
	[tilespmem:s28+$0x80] =	vst v20;
	v20 =	vmul.f32 v21, v9  }
0x1e1: {  	v53 =	vld [tilespmem:s29+$0x90];
	v21 =	vmul.f32 v25, v12;
	[tilespmem:s28+$0x180] =	vst v7  }
0x1e2: {  	v7 =	vmul.f32 v22, v13;
	[tilespmem:s28+$0x120] =	vst v20;
	v20 =	vld [tilespmem:s29+$0x190]  }
0x1e3: {  	[tilespmem:s28+$0xFFFFFE10] =	vst v21;
	v21 =	vmul.f32 v23, v15;
	v22 =	vld [tilespmem:s29+$0x130]  }
0x1e4: {  	v23 =	vld [tilespmem:s29+$0xFFFFFE20];
	[tilespmem:s28+$0xFFFFFE90] =	vst v7;
	v7 =	vmul.f32 v52, v16  }
0x1e5: {  	v8 =	vmul.f32 v8, v17;
	v54 =	vld [tilespmem:s29+$0xFFFFFEA0];
	[tilespmem:s28+$0xFFFFFF10] =	vst v21  }
0x1e6: {  	v21 =	vld [tilespmem:s29+$0xFFFFFF20];
	[tilespmem:s28+$0xFFFFFF90] =	vst v7;
	v7 =	vmul.f32 v53, v18  }
0x1e7: {  	[tilespmem:s28+$0x10] =	vst v8;
	v55 =	vld [tilespmem:s29+$0xFFFFFFA0];
	v8 =	vmul.f32 v20, v19  }
0x1e8: {  	v20 =	vld [tilespmem:s29+$0x20];
	[tilespmem:s28+$0x90] =	vst v7;
	v7 =	vmul.f32 v22, v9  }
0x1e9: {  	v9 =	vld [tilespmem:s29+$0xA0];
	[tilespmem:s28+$0x190] =	vst v8  }
0x1ea: {  	v22 =	vmul.f32 v23, v12;
	[tilespmem:s28+$0x130] =	vst v7;
	v7 =	vld [tilespmem:s29+$0x1A0]  }
0x1eb: {  	v23 =	vmul.f32 v54, v13;
	v8 =	vld.idx.msk [tilespmem:v2+s13+$0x0], $0xffff  }
0x1ec: {  	[tilespmem:s28+$0xFFFFFE20] =	vst v22;
	v2 =	vmul.f32 v21, v15;
	v21 =	vld [tilespmem:s29+$0x140]  }
0x1ed: {  	[tilespmem:s28+$0xFFFFFEA0] =	vst v23;
	v22 =	vmul.f32 v55, v16;
	v23 =	vld [tilespmem:s29+$0xFFFFFE30]  }
0x1ee: {  	[tilespmem:s28+$0xFFFFFF20] =	vst v2;
	v2 =	vmul.f32 v20, v17;
	v20 =	vld [tilespmem:s29+$0xFFFFFEB0]  }
0x1ef: {  	[tilespmem:s28+$0xFFFFFFA0] =	vst v22;
	v9 =	vmul.f32 v9, v18;
	v22 =	vld [tilespmem:s29+$0xFFFFFF30]  }
0x1f0: {  	[tilespmem:s28+$0x20] =	vst v2;
	v2 =	vmul.f32 v7, v19;
	v7 =	vld [tilespmem:s29+$0xFFFFFFB0]  }
0x1f1: {  	[tilespmem:s28+$0xA0] =	vst v9;
	v9 =	vld [tilespmem:s29+$0x30];
	v21 =	vmul.f32 v21, v8  }
0x1f2: {  	[tilespmem:s28+$0x1A0] =	vst v2;
	v2 =	vmul.f32 v23, v12;
	v12 =	vld [tilespmem:s29+$0xB0]  }
0x1f3: {  	v20 =	vmul.f32 v20, v13;
	[tilespmem:s28+$0x140] =	vst v21;
	v21 =	vld [tilespmem:s29+$0x1B0]  }
0x1f4: {  	[tilespmem:s28+$0xFFFFFE30] =	vst v2;
	v2 =	vmul.f32 v22, v15;
	v15 =	vld [tilespmem:s29+$0x150]  }
0x1f5: {  	v13 =	vld.idx.msk [tilespmem:v3+s13+$0x0], $0xffff;
	[tilespmem:s28+$0xFFFFFEB0] =	vst v20;
	v3 =	vmul.f32 v7, v16  }
0x1f6: {  	v7 =	vld.idx.msk [tilespmem:v4+s13+$0x0], $0xffff;
	[tilespmem:s28+$0xFFFFFF30] =	vst v2  }
0x1f7: {  	v2 =	vld.idx.msk [tilespmem:v5+s13+$0x0], $0xffff;
	[tilespmem:s28+$0xFFFFFFB0] =	vst v3  }
0x1f8: {  	v4 =	vmul.f32 v9, v17;
	v3 =	vld.idx.msk [tilespmem:v6+s13+$0x0], $0xffff  }
0x1f9: {  	v6 =	vld [tilespmem:s29+$0xFFFFFE40]  }
0x1fa: {  	v9 =	vmul.f32 v12, v18;
	[tilespmem:s28+$0x30] =	vst v4;
	v12 =	vld [tilespmem:s29+$0xFFFFFFC0]  }
0x1fb: {  	v5 =	vld.idx.msk [tilespmem:v10+s13+$0x0], $0xffff  }
0x1fc: {  	[tilespmem:s28+$0xB0] =	vst v9;
	v9 =	vld [tilespmem:s29+$0xFFFFFEC0]  }
0x1fd: {  	v10 =	vld [tilespmem:s29+$0xFFFFFF40]  }
0x1fe: {  	v4 =	vld.idx.msk [tilespmem:v11+s13+$0x0], $0xffff;
	v11 =	vmul.f32 v21, v19  }
0x1ff: {  	s0 =	sadd.s32 $0x0, s24;
	v16 =	vld [tilespmem:s29+$0x40]  }
0x200: {  	s9 =	sadd.s32 $0x5B, s0;
	v17 =	vld [tilespmem:s29+$0xC0];
	[tilespmem:s28+$0x1B0] =	vst v11;
	v11 =	vmul.f32 v6, v13  }
0x201: {  	v22 =	vmov s9;
	v6 =	vld.idx.msk [tilespmem:v14+s13+$0x0], $0xffff;
	v9 =	vmul.f32 v9, v7  }
0x202: {  	v22 =	vand.u32 $0xFFFFFFFB, v22;
	v10 =	vmul.f32 v10, v2;
	[tilespmem:s28+$0xFFFFFE40] =	vst v11;
	v11 =	vld [tilespmem:s29+$0x1C0]  }
0x203: {  	v22 =	vbroadcast v22, $0x0;
	v15 =	vmul.f32 v15, v8;
	v14 =	vld [tilespmem:s29+$0xFFFFFE50];
	[tilespmem:s28+$0xFFFFFEC0] =	vst v9  }
0x204: {  	v9 =	vmul.f32 v12, v3;
	[tilespmem:s28+$0xFFFFFF40] =	vst v10;
	v12 =	vld [tilespmem:s29+$0xFFFFFED0]  }
0x205: {  	[tilespmem:s28+$0x150] =	vst v15;
	v10 =	vmul.f32 v16, v5;
	v16 =	vld [tilespmem:s29+$0xFFFFFF50]  }
0x206: {  	v37 =	vld [tilespmem:s30+$0xFFFFFF00];
	[tilespmem:s28+$0xFFFFFFC0] =	vst v9;
	v9 =	vmul.f32 v17, v4  }
0x207: {  	v38 =	vld [tilespmem:s30+$0xFFFFFF80];
	[tilespmem:s28+$0x40] =	vst v10;
	v11 =	vmul.f32 v11, v6  }
0x208: {  	v15 =	vld [tilespmem:s29+$0x160];
	[tilespmem:s28+$0xC0] =	vst v9;
	v14 =	vmul.f32 v14, v13  }
0x209: {  	v32 =	vld.idx.msk [tilespmem:v22+s12+$0x0], $0xffff;
	[tilespmem:s28+$0x1C0] =	vst v11;
	v11 =	vmul.f32 v12, v7  }
0x20a: {  	s16 =	sadd.s32 $0x5E, s0;
	v9 =	vld [tilespmem:s29+$0x50];
	[tilespmem:s28+$0xFFFFFE50] =	vst v14;
	v14 =	vmul.f32 v16, v2  }
0x20b: {  	v18 =	vld [tilespmem:s29+$0xFFFFFE60];
	[tilespmem:s28+$0xFFFFFED0] =	vst v11;
	v11 =	vmov s16  }
0x20c: {  	v39 =	vld [tilespmem:s30+$0x0];
	[tilespmem:s28+$0xFFFFFF50] =	vst v14;
	v14 =	vand.u32 $0xFFFFFFFE, v11  }
0x20d: {  	v12 =	vld [tilespmem:s29+$0x1D0];
	v14 =	vbroadcast v14, $0x0  }
0x20e: {  	v40 =	vld [tilespmem:s30+$0x80];
	v15 =	vmul.f32 v15, v8  }
0x20f: {  	s7 =	sadd.s32 $0x59, s0;
	v38 =	vmul.f32 v38, v32;
	v10 =	vld [tilespmem:s29+$0xFFFFFFD0]  }
0x210: {  	s31 =	simm.s32 $0x7E00;
	v58 =	vld [tilespmem:s30+$0x180];
	[tilespmem:s28+$0x160] =	vst v15;
	v9 =	vmul.f32 v9, v5;
	v19 =	vmul.f32 v18, v13;
	v18 =	vmov s7  }
0x211: {  	s17 =	sadd.s32 $0x58, s0;
	[tilespmem:s31+$0xFFFFFF80] =	vst v38;
	v21 =	vld [tilespmem:s29+$0x170];
	v20 =	vand.u32 $0xFFFFFFF9, v18  }
0x212: {  	v44 =	vld [tilespmem:s30+$0xFFFFFF90];
	[tilespmem:s28+$0x50] =	vst v9;
	v9 =	vmul.f32 v12, v6;
	v12 =	vmov s17;
	v23 =	vbroadcast v20, $0x0  }
0x213: {  	s17 =	sadd.s32 $0x5D, s0;
	v12 =	vand.u32 $0xFFFFFFF8, v12;
	v57 =	vld.idx.msk [tilespmem:v14+s12+$0x0], $0xffff  }
0x214: {  	s8 =	sadd.s32 $0x5A, s0;
	v17 =	vld [tilespmem:s29+$0xD0];
	v15 =	vmul.f32 v10, v3;
	v56 =	vmov s17;
	v12 =	vbroadcast v12, $0x0  }
0x215: {  	s16 =	sadd.s32 $0x5C, s0;
	v10 =	vld [tilespmem:s29+$0xFFFFFEE0];
	[tilespmem:s28+$0x1D0] =	vst v9;
	v9 =	vmov s8;
	v24 =	vand.u32 $0xFFFFFFFD, v56  }
0x216: {  	v11 =	vld [tilespmem:s29+$0xFFFFFF60];
	[tilespmem:s28+$0xFFFFFFD0] =	vst v15;
	v9 =	vand.u32 $0xFFFFFFFA, v9;
	v20 =	vmov s16;
	v24 =	vbroadcast v24, $0x0  }
0x217: {  	v15 =	vld [tilespmem:s29+$0xFFFFFFE0];
	v9 =	vbroadcast v9, $0x0;
	v20 =	vand.u32 $0xFFFFFFFC, v20  }
0x218: {  	v26 =	vbroadcast v20, $0x0;
	v30 =	vld.idx.msk [tilespmem:v23+s12+$0x0], $0xffff;
	v27 =	vmul.f32 v27, v57  }
0x219: {  	v16 =	vld [tilespmem:s29+$0x60];
	s0 =	sadd.s32 $0x5F, s0  }
0x21a: {  	v20 =	vmov s0;
	v29 =	vld.idx.msk [tilespmem:v12+s12+$0x0], $0xffff;
	[tilespmem:s31+$0x100] =	vst v27  }
0x21b: {  	v27 =	vld [tilespmem:s30+$0x110]  }
0x21c: {  	v8 =	vmul.f32 v21, v8;
	v34 =	vld.idx.msk [tilespmem:v24+s12+$0x0], $0xffff  }
0x21d: {  	v31 =	vld.idx.msk [tilespmem:v9+s12+$0x0], $0xffff;
	v36 =	vmul.f32 v36, v30  }
0x21e: {  	v17 =	vmul.f32 v17, v4;
	[tilespmem:s28+$0x170] =	vst v8;
	v33 =	vld.idx.msk [tilespmem:v26+s12+$0x0], $0xffff  }
0x21f: {  	v35 =	vld.idx.msk [tilespmem:v20+s12+$0x0], $0xffff;
	v28 =	vmul.f32 v28, v29;
	[tilespmem:s31+$0xFFFFFE80] =	vst v36  }
0x220: {  	[tilespmem:s28+$0xD0] =	vst v17;
	v27 =	vmul.f32 v27, v57;
	v62 =	vld [tilespmem:s30+$0xFFFFFE90]  }
0x221: {  	v17 =	vld [tilespmem:s29+$0xE0];
	v40 =	vmul.f32 v40, v34;
	[tilespmem:s31+$0xFFFFFE00] =	vst v28  }
0x222: {  	v59 =	vmul.f32 v37, v31;
	v61 =	vld [tilespmem:s30+$0xFFFFFE10];
	[tilespmem:s31+$0x110] =	vst v27  }
0x223: {  	v39 =	vmul.f32 v39, v33;
	[tilespmem:s31+$0x80] =	vst v40;
	v60 =	vld [tilespmem:s30+$0x120]  }
0x224: {  	[tilespmem:s31+$0xFFFFFF00] =	vst v59;
	v46 =	vld [tilespmem:s30+$0x90];
	v27 =	vmul.f32 v58, v35  }
0x225: {  	v63 =	vld [tilespmem:s30+$0xFFFFFF10];
	[tilespmem:s31+$0x0] =	vst v39;
	v28 =	vmul.f32 v62, v30  }
0x226: {  	v39 =	vmul.f32 v44, v32;
	v45 =	vld [tilespmem:s30+$0x10];
	[tilespmem:s31+$0x180] =	vst v27  }
0x227: {  	v36 =	vmul.f32 v61, v29;
	v47 =	vld [tilespmem:s30+$0x190];
	[tilespmem:s31+$0xFFFFFE90] =	vst v28  }
0x228: {  	[tilespmem:s31+$0xFFFFFF90] =	vst v39;
	v37 =	vmul.f32 v60, v57;
	v51 =	vld [tilespmem:s30+$0xFFFFFEA0]  }
0x229: {  	v18 =	vld [tilespmem:s29+$0x1E0];
	v27 =	vmul.f32 v46, v34;
	[tilespmem:s31+$0xFFFFFE10] =	vst v36  }
0x22a: {  	v53 =	vld [tilespmem:s30+$0xFFFFFFA0];
	v48 =	vmul.f32 v63, v31;
	[tilespmem:s31+$0x120] =	vst v37  }
0x22b: {  	v40 =	vmul.f32 v45, v33;
	[tilespmem:s31+$0x90] =	vst v27;
	v49 =	vld [tilespmem:s30+$0x130]  }
0x22c: {  	v50 =	vld [tilespmem:s30+$0xFFFFFE20];
	[tilespmem:s31+$0xFFFFFF10] =	vst v48;
	v37 =	vmul.f32 v47, v35  }
0x22d: {  	v21 =	vld [tilespmem:s30+$0xA0];
	[tilespmem:s31+$0x10] =	vst v40;
	v8 =	vmul.f32 v51, v30  }
0x22e: {  	v52 =	vld [tilespmem:s30+$0xFFFFFF20];
	[tilespmem:s31+$0x190] =	vst v37  }
0x22f: {  	v54 =	vld [tilespmem:s30+$0x20];
	[tilespmem:s31+$0xFFFFFEA0] =	vst v8;
	v8 =	vmul.f32 v53, v32  }
0x230: {  	[tilespmem:s28+$0xFFFFFE60] =	vst v19;
	v55 =	vld [tilespmem:s30+$0x1A0];
	v25 =	vmul.f32 v49, v57  }
0x231: {  	v15 =	vmul.f32 v15, v3;
	v59 =	vld [tilespmem:s30+$0xFFFFFEB0];
	[tilespmem:s31+$0xFFFFFFA0] =	vst v8  }
0x232: {  	v28 =	vmul.f32 v50, v29;
	[tilespmem:s31+$0x130] =	vst v25;
	v60 =	vld [tilespmem:s30+$0xFFFFFFB0]  }
0x233: {  	[tilespmem:s28+$0xFFFFFFE0] =	vst v15;
	v56 =	vld.idx.msk [tilespmem:v14+s13+$0x0], $0xffff;
	v14 =	vmul.f32 v52, v31  }
0x234: {  	[tilespmem:s31+$0xFFFFFE20] =	vst v28;
	v8 =	vmul.f32 v21, v34;
	v57 =	vld [tilespmem:s30+$0x140]  }
0x235: {  	v58 =	vld [tilespmem:s30+$0xFFFFFE30];
	[tilespmem:s31+$0xFFFFFF20] =	vst v14;
	v14 =	vmul.f32 v54, v33  }
0x236: {  	v19 =	vld [tilespmem:s29+$0xFFFFFE70];
	[tilespmem:s31+$0xA0] =	vst v8;
	v27 =	vmul.f32 v59, v30  }
0x237: {  	v21 =	vld [tilespmem:s30+$0xFFFFFF30];
	[tilespmem:s31+$0x20] =	vst v14;
	v14 =	vmul.f32 v55, v35  }
0x238: {  	v61 =	vld [tilespmem:s30+$0xB0];
	[tilespmem:s31+$0xFFFFFEB0] =	vst v27;
	v25 =	vmul.f32 v60, v32  }
0x239: {  	v8 =	vld [tilespmem:s30+$0x30];
	v28 =	vmul.f32 v57, v56;
	[tilespmem:s31+$0x1A0] =	vst v14  }
0x23a: {  	v15 =	vld [tilespmem:s30+$0xFFFFFEC0];
	v14 =	vmul.f32 v58, v29;
	[tilespmem:s31+$0xFFFFFFB0] =	vst v25  }
0x23b: {  	[tilespmem:s31+$0x140] =	vst v28;
	v62 =	vld [tilespmem:s30+$0x1B0]  }
0x23c: {  	[tilespmem:s31+$0xFFFFFE30] =	vst v14;
	v14 =	vmul.f32 v21, v31;
	v21 =	vld [tilespmem:s30+$0x150]  }
0x23d: {  	v63 =	vmul.f32 v10, v7;
	v10 =	vld.idx.msk [tilespmem:v22+s13+$0x0], $0xffff  }
0x23e: {  	v16 =	vmul.f32 v16, v5;
	v12 =	vld.idx.msk [tilespmem:v12+s13+$0x0], $0xffff  }
0x23f: {  	[tilespmem:s31+$0xFFFFFF30] =	vst v14;
	v14 =	vld.idx.msk [tilespmem:v23+s13+$0x0], $0xffff;
	v8 =	vmul.f32 v8, v33  }
0x240: {  	[tilespmem:s28+$0x60] =	vst v16;
	v23 =	vmul.f32 v61, v34;
	v9 =	vld.idx.msk [tilespmem:v9+s13+$0x0], $0xffff  }
0x241: {  	v16 =	vld [tilespmem:s30+$0xFFFFFF40];
	[tilespmem:s31+$0x30] =	vst v8;
	v21 =	vmul.f32 v21, v56  }
0x242: {  	v17 =	vmul.f32 v17, v4;
	[tilespmem:s31+$0xB0] =	vst v23;
	v23 =	vld [tilespmem:s30+$0xFFFFFE40]  }
0x243: {  	v18 =	vmul.f32 v18, v6;
	v8 =	vld.idx.msk [tilespmem:v26+s13+$0x0], $0xffff;
	[tilespmem:s31+$0x150] =	vst v21  }
0x244: {  	[tilespmem:s28+$0xE0] =	vst v17;
	v22 =	vmul.f32 v11, v2;
	v21 =	vld [tilespmem:s30+$0x160]  }
0x245: {  	v13 =	vmul.f32 v19, v13;
	[tilespmem:s28+$0x1E0] =	vst v18;
	v18 =	vld [tilespmem:s30+$0x40]  }
0x246: {  	[tilespmem:s28+$0xFFFFFF60] =	vst v22;
	v22 =	vld [tilespmem:s30+$0xFFFFFFC0];
	v17 =	vmul.f32 v62, v35  }
0x247: {  	[tilespmem:s28+$0xFFFFFE70] =	vst v13;
	v11 =	vld.idx.msk [tilespmem:v24+s13+$0x0], $0xffff;
	v15 =	vmul.f32 v15, v14  }
0x248: {  	[tilespmem:s31+$0x1B0] =	vst v17;
	v17 =	vld [tilespmem:s30+$0xC0];
	v16 =	vmul.f32 v16, v9  }
0x249: {  	v13 =	vld.idx.msk [tilespmem:v20+s13+$0x0], $0xffff;
	[tilespmem:s31+$0xFFFFFEC0] =	vst v15;
	v19 =	vmul.f32 v21, v56  }
0x24a: {  	[tilespmem:s31+$0xFFFFFF40] =	vst v16;
	v16 =	vmul.f32 v18, v8;
	v18 =	vld [tilespmem:s30+$0xFFFFFED0];
	v21 =	vmul.f32 v23, v12  }
0x24b: {  	[tilespmem:s31+$0x160] =	vst v19;
	v19 =	vld [tilespmem:s30+$0x1C0]  }
0x24c: {  	[tilespmem:s31+$0xFFFFFE40] =	vst v21;
	v20 =	vld [tilespmem:s30+$0x170]  }
0x24d: {  	v15 =	vmul.f32 v22, v10;
	v21 =	vld [tilespmem:s30+$0xFFFFFE50]  }
0x24e: {  	[tilespmem:s28+$0xFFFFFEE0] =	vst v63  }
0x24f: {  	[tilespmem:s31+$0xFFFFFFC0] =	vst v15;
	v15 =	vmul.f32 v17, v11;
	v22 =	vld [tilespmem:s30+$0xFFFFFF50]  }
0x250: {  	[tilespmem:s31+$0x40] =	vst v16;
	v23 =	vld [tilespmem:s30+$0xFFFFFFD0];
	v16 =	vmul.f32 v19, v13  }
0x251: {  	[tilespmem:s31+$0xC0] =	vst v15;
	v18 =	vmul.f32 v18, v14;
	v19 =	vld [tilespmem:s30+$0x50]  }
0x252: {  	v15 =	vmul.f32 v20, v56;
	v20 =	vmul.f32 v21, v12;
	v21 =	vld [tilespmem:s30+$0xD0];
	[tilespmem:s31+$0x1C0] =	vst v16  }
0x253: {  	[tilespmem:s31+$0xFFFFFED0] =	vst v18;
	v17 =	vld [tilespmem:s30+$0x1D0]  }
0x254: {  	v16 =	vld [tilespmem:s29+$0xFFFFFEF0];
	[tilespmem:s31+$0xFFFFFE50] =	vst v20;
	v20 =	vmul.f32 v22, v9  }
0x255: {  	v18 =	vmul.f32 v23, v10;
	[tilespmem:s31+$0x170] =	vst v15;
	v15 =	vld [tilespmem:s30+$0xFFFFFE60]  }
0x256: {  	v22 =	vld [tilespmem:s30+$0xFFFFFEE0];
	[tilespmem:s31+$0xFFFFFF50] =	vst v20;
	v19 =	vmul.f32 v19, v8  }
0x257: {  	s26 =	sor.u32 $0x1, s26;
	s4 =	simm.s32 $0x8;
	s0 =	simm.s32 $0x7E00;
	[tilespmem:s31+$0xFFFFFFD0] =	vst v18;
	v23 =	vld [tilespmem:s30+$0xFFFFFF60];
	v18 =	vmul.f32 v21, v11  }
.LBB2_10:
0x258: {  	s7 =	sadd.s32 s4, s24;
	s4 =	sadd.s32 $0x8, s4;
	v24 =	vld [tilespmem:s30+$0xFFFFFFE0];
	[tilespmem:s31+$0x50] =	vst v19;
	v17 =	vmul.f32 v17, v13  }
0x259: {  	s8 =	sadd.s32 $0x58, s7;
	s9 =	sadd.s32 $0x5E, s7;
	p0 =	slt.u32 s4, $0x48;
	v25 =	vld [tilespmem:s30+$0x60];
	[tilespmem:s31+$0xD0] =	vst v18;
	v16 =	vmul.f32 v16, v7;
	v7 =	vmov v14  }
0x25a: {  	s16 =	sadd.s32 $0x5A, s7;
	s17 =	sadd.s32 $0x5B, s7;
	v14 =	vmov s8;
	s8 =	sadd.s32 $0x59, s7;
	v18 =	vmov s9;
	v15 =	vmul.f32 v15, v12;
	v26 =	vld [tilespmem:s30+$0xE0];
	[tilespmem:s31+$0x1D0] =	vst v17  }
0x25b: {  	v19 =	vmov s16;
	s9 =	sadd.s32 $0x5D, s7;
	v17 =	vmov s8;
	s8 =	sadd.s32 $0x5C, s7;
	v18 =	vand.u32 $0xFFFFFFFE, v18;
	s7 =	sadd.s32 $0x5F, s7;
	v27 =	vld [tilespmem:s30+$0x1E0];
	[tilespmem:s28+$0xFFFFFEF0] =	vst v16  }
0x25c: {  	v16 =	vmov s17;
	v20 =	vmov s8;
	v21 =	vbroadcast v18, $0x0;
	[tilespmem:s31+$0xFFFFFE60] =	vst v15;
	v28 =	vld [tilespmem:s29+$0xFFFFFF70]  }
0x25d: {  	v14 =	vand.u32 $0xFFFFFFF8, v14;
	v15 =	vand.u32 $0xFFFFFFF9, v17;
	v17 =	vmov s9;
	v29 =	vld [tilespmem:s30+$0xFFFFFE70]  }
0x25e: {  	v18 =	vand.u32 $0xFFFFFFFA, v19;
	v16 =	vand.u32 $0xFFFFFFFB, v16;
	v30 =	vand.u32 $0xFFFFFFFC, v20;
	v31 =	vld [tilespmem:s29+$0xFFFFFFF0]  }
0x25f: {  	v20 =	vbroadcast v14, $0x0;
	v14 =	vbroadcast v15, $0x0;
	v32 =	vand.u32 $0xFFFFFFFD, v17;
	v33 =	vld [tilespmem:s29+$0x70]  }
0x260: {  	v19 =	vbroadcast v18, $0x0;
	v17 =	vbroadcast v16, $0x0;
	v15 =	vmov s7;
	v34 =	vld [tilespmem:s29+$0xF0]  }
0x261: {  	v18 =	vbroadcast v30, $0x0;
	v16 =	vbroadcast v32, $0x0;
	v30 =	vld [tilespmem:s29+$0x1F0];
	s29 =	smov.u32 s30  }
0x262: {  	v22 =	vmul.f32 v22, v7;
	v23 =	vmul.f32 v23, v9;
	s30 =	sadd.s32 $0x400, s30;
	v32 =	vld.idx.msk [tilespmem:v21+s12+$0x0], $0xffff  }
0x263: {  	v24 =	vmul.f32 v24, v10;
	v25 =	vmul.f32 v25, v8;
	v35 =	vld [tilespmem:s30+$0x100]  }
0x264: {  	v26 =	vmul.f32 v26, v11;
	v27 =	vmul.f32 v27, v13;
	v36 =	vld [tilespmem:s30+$0xFFFFFE00];
	[tilespmem:s31+$0xFFFFFEE0] =	vst v22  }
0x265: {  	v28 =	vmul.f32 v28, v2;
	v2 =	vmov v9;
	v12 =	vmul.f32 v29, v12;
	v22 =	vld.idx.msk [tilespmem:v20+s12+$0x0], $0xffff;
	[tilespmem:s31+$0xFFFFFF60] =	vst v23  }
0x266: {  	v29 =	vmul.f32 v33, v5;
	v9 =	vld.idx.msk [tilespmem:v14+s12+$0x0], $0xffff;
	[tilespmem:s31+$0xFFFFFFE0] =	vst v24;
	v24 =	vmul.f32 v31, v3;
	v3 =	vmov v10  }
0x267: {  	v5 =	vmov v8;
	v30 =	vmul.f32 v30, v6;
	v10 =	vld.idx.msk [tilespmem:v19+s12+$0x0], $0xffff;
	[tilespmem:s31+$0x60] =	vst v25;
	v25 =	vmul.f32 v34, v4  }
0x268: {  	v6 =	vmov v13;
	v4 =	vmov v11;
	v8 =	vld.idx.msk [tilespmem:v17+s12+$0x0], $0xffff;
	v23 =	vmul.f32 v35, v32;
	[tilespmem:s31+$0xE0] =	vst v26  }
0x269: {  	s31 =	sadd.s32 $0x400, s31;
	v11 =	vld.idx.msk [tilespmem:v18+s12+$0x0], $0xffff;
	[tilespmem:s0+$0x1E0] =	vst v27  }
0x26a: {  	v13 =	vld.idx.msk [tilespmem:v16+s12+$0x0], $0xffff;
	[tilespmem:s31+$0x100] =	vst v23  }
0x26b: {  	v26 =	vmul.f32 v36, v22;
	v27 =	vld [tilespmem:s30+$0x110];
	[tilespmem:s0+$0xFFFFFE70] =	vst v12  }
0x26c: {  	v23 =	vld.idx.msk [tilespmem:v15+s12+$0x0], $0xffff;
	[tilespmem:s28+$0xFFFFFF70] =	vst v28  }
0x26d: {  	[tilespmem:s31+$0xFFFFFE00] =	vst v26;
	v12 =	vld [tilespmem:s30+$0xFFFFFE80]  }
0x26e: {  	v26 =	vld [tilespmem:s30+$0xFFFFFF00];
	[tilespmem:s28+$0xFFFFFFF0] =	vst v24  }
0x26f: {  	v24 =	vld [tilespmem:s30+$0xFFFFFF80];
	[tilespmem:s28+$0x70] =	vst v29  }
0x270: {  	v28 =	vld [tilespmem:s30+$0x0];
	v27 =	vmul.f32 v27, v32;
	[tilespmem:s28+$0xF0] =	vst v25  }
0x271: {  	v25 =	vld [tilespmem:s30+$0x80];
	[tilespmem:s28+$0x1F0] =	vst v30;
	s28 =	smov.u32 s0;
	s0 =	smov.u32 s31  }
0x272: {  	v12 =	vmul.f32 v12, v9;
	[tilespmem:s31+$0x110] =	vst v27;
	v27 =	vld [tilespmem:s30+$0x180]  }
0x273: {  	v26 =	vmul.f32 v26, v10;
	v29 =	vld [tilespmem:s30+$0x120]  }
0x274: {  	v30 =	vld [tilespmem:s30+$0xFFFFFE10];
	[tilespmem:s31+$0xFFFFFE80] =	vst v12;
	v12 =	vmul.f32 v24, v8  }
0x275: {  	v24 =	vld [tilespmem:s30+$0xFFFFFE90];
	[tilespmem:s31+$0xFFFFFF00] =	vst v26;
	v26 =	vmul.f32 v28, v11  }
0x276: {  	v28 =	vld [tilespmem:s30+$0xFFFFFF10];
	[tilespmem:s31+$0xFFFFFF80] =	vst v12;
	v12 =	vmul.f32 v25, v13  }
0x277: {  	v25 =	vld [tilespmem:s30+$0xFFFFFF90];
	[tilespmem:s31+$0x0] =	vst v26;
	v26 =	vmul.f32 v27, v23  }
0x278: {  	v27 =	vld [tilespmem:s30+$0x10];
	[tilespmem:s31+$0x80] =	vst v12;
	v12 =	vmul.f32 v29, v32  }
0x279: {  	v29 =	vmul.f32 v30, v22;
	v30 =	vld [tilespmem:s30+$0x90];
	[tilespmem:s31+$0x180] =	vst v26  }
0x27a: {  	v24 =	vmul.f32 v24, v9;
	[tilespmem:s31+$0x120] =	vst v12;
	v12 =	vld [tilespmem:s30+$0x190]  }
0x27b: {  	[tilespmem:s31+$0xFFFFFE10] =	vst v29;
	v26 =	vmul.f32 v28, v10;
	v28 =	vld [tilespmem:s30+$0x130]  }
0x27c: {  	v29 =	vld [tilespmem:s30+$0xFFFFFE20];
	[tilespmem:s31+$0xFFFFFE90] =	vst v24;
	v24 =	vmul.f32 v25, v8  }
0x27d: {  	v25 =	vld [tilespmem:s30+$0xFFFFFEA0];
	[tilespmem:s31+$0xFFFFFF10] =	vst v26;
	v26 =	vmul.f32 v27, v11  }
0x27e: {  	v27 =	vld [tilespmem:s30+$0xFFFFFF20];
	[tilespmem:s31+$0xFFFFFF90] =	vst v24;
	v24 =	vmul.f32 v30, v13  }
0x27f: {  	v30 =	vld [tilespmem:s30+$0xFFFFFFA0];
	[tilespmem:s31+$0x10] =	vst v26;
	v12 =	vmul.f32 v12, v23  }
0x280: {  	v26 =	vld [tilespmem:s30+$0x20];
	[tilespmem:s31+$0x90] =	vst v24;
	v24 =	vmul.f32 v28, v32  }
0x281: {  	v28 =	vmul.f32 v29, v22;
	v29 =	vld [tilespmem:s30+$0xA0];
	[tilespmem:s31+$0x190] =	vst v12  }
0x282: {  	v12 =	vmul.f32 v25, v9;
	[tilespmem:s31+$0x130] =	vst v24;
	v24 =	vld [tilespmem:s30+$0x1A0]  }
0x283: {  	[tilespmem:s31+$0xFFFFFE20] =	vst v28;
	v25 =	vmul.f32 v27, v10;
	v21 =	vld.idx.msk [tilespmem:v21+s13+$0x0], $0xffff  }
0x284: {  	[tilespmem:s31+$0xFFFFFEA0] =	vst v12;
	v12 =	vmul.f32 v30, v8;
	v27 =	vld [tilespmem:s30+$0x140]  }
0x285: {  	v28 =	vld [tilespmem:s30+$0xFFFFFE30];
	[tilespmem:s31+$0xFFFFFF20] =	vst v25;
	v25 =	vmul.f32 v26, v11  }
0x286: {  	v26 =	vld [tilespmem:s30+$0xFFFFFEB0];
	[tilespmem:s31+$0xFFFFFFA0] =	vst v12;
	v12 =	vmul.f32 v29, v13  }
0x287: {  	v29 =	vld [tilespmem:s30+$0xFFFFFF30];
	[tilespmem:s31+$0x20] =	vst v25;
	v24 =	vmul.f32 v24, v23  }
0x288: {  	v25 =	vld [tilespmem:s30+$0xFFFFFFB0];
	[tilespmem:s31+$0xA0] =	vst v12  }
0x289: {  	v30 =	vld [tilespmem:s30+$0x30];
	v12 =	vmul.f32 v27, v21;
	[tilespmem:s31+$0x1A0] =	vst v24  }
0x28a: {  	v22 =	vmul.f32 v28, v22;
	v24 =	vld [tilespmem:s30+$0xB0]  }
0x28b: {  	v9 =	vmul.f32 v26, v9;
	[tilespmem:s31+$0x140] =	vst v12;
	v26 =	vld [tilespmem:s30+$0x1B0]  }
0x28c: {  	[tilespmem:s31+$0xFFFFFE30] =	vst v22;
	v10 =	vmul.f32 v29, v10;
	v22 =	vld [tilespmem:s30+$0x150]  }
0x28d: {  	v12 =	vld.idx.msk [tilespmem:v20+s13+$0x0], $0xffff;
	[tilespmem:s31+$0xFFFFFEB0] =	vst v9;
	v8 =	vmul.f32 v25, v8  }
0x28e: {  	v14 =	vld.idx.msk [tilespmem:v14+s13+$0x0], $0xffff;
	[tilespmem:s31+$0xFFFFFF30] =	vst v10;
	v11 =	vmul.f32 v30, v11  }
0x28f: {  	v9 =	vld.idx.msk [tilespmem:v19+s13+$0x0], $0xffff;
	[tilespmem:s31+$0xFFFFFFB0] =	vst v8;
	v13 =	vmul.f32 v24, v13  }
0x290: {  	v10 =	vld.idx.msk [tilespmem:v17+s13+$0x0], $0xffff;
	[tilespmem:s31+$0x30] =	vst v11;
	v17 =	vmul.f32 v26, v23  }
0x291: {  	v8 =	vld.idx.msk [tilespmem:v18+s13+$0x0], $0xffff;
	[tilespmem:s31+$0xB0] =	vst v13;
	v13 =	vmul.f32 v22, v21  }
0x292: {  	v11 =	vld.idx.msk [tilespmem:v16+s13+$0x0], $0xffff;
	[tilespmem:s31+$0x1B0] =	vst v17  }
0x293: {  	v16 =	vld [tilespmem:s30+$0xFFFFFE40];
	[tilespmem:s31+$0x150] =	vst v13  }
0x294: {  	v13 =	vld [tilespmem:s30+$0x160]  }
0x295: {  	v17 =	vld [tilespmem:s30+$0xFFFFFEC0]  }
0x296: {  	v18 =	vld [tilespmem:s30+$0xFFFFFF40]  }
0x297: {  	v19 =	vld [tilespmem:s30+$0xFFFFFFC0]  }
0x298: {  	v16 =	vmul.f32 v16, v12;
	v20 =	vld [tilespmem:s30+$0x40]  }
0x299: {  	v22 =	vld [tilespmem:s30+$0xC0];
	v23 =	vmul.f32 v13, v21  }
0x29a: {  	[tilespmem:s31+$0xFFFFFE40] =	vst v16;
	v16 =	vmul.f32 v17, v14;
	v13 =	vld.idx.msk [tilespmem:v15+s13+$0x0], $0xffff  }
0x29b: {  	v15 =	vmul.f32 v18, v9;
	[tilespmem:s31+$0x160] =	vst v23;
	v17 =	vld [tilespmem:s30+$0x1C0]  }
0x29c: {  	[tilespmem:s31+$0xFFFFFEC0] =	vst v16;
	v16 =	vmul.f32 v19, v10;
	v18 =	vld [tilespmem:s30+$0x170]  }
0x29d: {  	v19 =	vld [tilespmem:s30+$0xFFFFFE50];
	[tilespmem:s31+$0xFFFFFF40] =	vst v15;
	v15 =	vmul.f32 v20, v8  }
0x29e: {  	v20 =	vld [tilespmem:s30+$0xFFFFFED0];
	[tilespmem:s31+$0xFFFFFFC0] =	vst v16;
	v16 =	vmul.f32 v22, v11  }
0x29f: {  	v22 =	vld [tilespmem:s30+$0xFFFFFF50];
	[tilespmem:s31+$0x40] =	vst v15  }
0x2a0: {  	v23 =	vld [tilespmem:s30+$0xFFFFFFD0];
	[tilespmem:s31+$0xC0] =	vst v16;
	v15 =	vmul.f32 v17, v13  }
0x2a1: {  	v24 =	vld [tilespmem:s30+$0x50];
	v16 =	vmul.f32 v18, v21  }
0x2a2: {  	v18 =	vmul.f32 v19, v12;
	v21 =	vld [tilespmem:s30+$0xD0];
	[tilespmem:s31+$0x1C0] =	vst v15  }
.Ltmp7:
0x2a3: {  	v19 =	vmul.f32 v20, v14;
	[tilespmem:s31+$0x170] =	vst v16;
	v17 =	vld [tilespmem:s30+$0x1D0];
	(pc) =	sbr.rel @p0 .LBB2_10-.Ltmp7, $4  }
0x2a4: {  	[tilespmem:s31+$0xFFFFFE50] =	vst v18;
	v18 =	vmul.f32 v22, v9;
	v16 =	vld [tilespmem:s29+$0xFFFFFEF0]  }
0x2a5: {  	v15 =	vld [tilespmem:s30+$0xFFFFFE60];
	[tilespmem:s31+$0xFFFFFED0] =	vst v19;
	v20 =	vmul.f32 v23, v10  }
0x2a6: {  	v22 =	vld [tilespmem:s30+$0xFFFFFEE0];
	[tilespmem:s31+$0xFFFFFF50] =	vst v18;
	v19 =	vmul.f32 v24, v8  }
0x2a7: {  	v23 =	vld [tilespmem:s30+$0xFFFFFF60];
	[tilespmem:s31+$0xFFFFFFD0] =	vst v20;
	v18 =	vmul.f32 v21, v11  }
0x2a8: {  	v20 =	vld [tilespmem:s30+$0xFFFFFFE0];
	[tilespmem:s31+$0x50] =	vst v19;
	v17 =	vmul.f32 v17, v13  }
0x2a9: {  	v21 =	vld [tilespmem:s29+$0xFFFFFF70];
	[tilespmem:s31+$0xD0] =	vst v18;
	v7 =	vmul.f32 v16, v7  }
0x2aa: {  	v53 =	vld [tilespmem:s29+$0xFFFFFFF0];
	v15 =	vmul.f32 v15, v12;
	[tilespmem:s31+$0x1D0] =	vst v17  }
0x2ab: {  	v54 =	vld [tilespmem:s29+$0x70];
	v50 =	vmul.f32 v22, v14;
	[tilespmem:s28+$0xFFFFFEF0] =	vst v7  }
0x2ac: {  	v55 =	vld [tilespmem:s29+$0xF0];
	[tilespmem:s31+$0xFFFFFE60] =	vst v15;
	v52 =	vmul.f32 v23, v9  }
0x2ad: {  	v19 =	vld [tilespmem:s30+$0x60];
	v20 =	vmul.f32 v20, v10;
	[tilespmem:s31+$0xFFFFFEE0] =	vst v50  }
0x2ae: {  	v49 =	vld [tilespmem:s30+$0xE0];
	v2 =	vmul.f32 v21, v2;
	[tilespmem:s31+$0xFFFFFF60] =	vst v52  }
0x2af: {  	v17 =	vld [tilespmem:s30+$0x1E0];
	v3 =	vmul.f32 v53, v3;
	[tilespmem:s31+$0xFFFFFFE0] =	vst v20  }
0x2b0: {  	v56 =	vld [tilespmem:s29+$0x1F0];
	v5 =	vmul.f32 v54, v5;
	[tilespmem:s28+$0xFFFFFF70] =	vst v2  }
0x2b1: {  	v51 =	vld [tilespmem:s30+$0xFFFFFE70];
	v4 =	vmul.f32 v55, v4;
	[tilespmem:s28+$0xFFFFFFF0] =	vst v3  }
0x2b2: {  	v19 =	vmul.f32 v19, v8;
	v57 =	vld [tilespmem:s30+$0xFFFFFEF0];
	[tilespmem:s28+$0x70] =	vst v5  }
0x2b3: {  	v16 =	vmul.f32 v49, v11;
	v58 =	vld [tilespmem:s30+$0xFFFFFF70];
	[tilespmem:s28+$0xF0] =	vst v4  }
0x2b4: {  	v17 =	vmul.f32 v17, v13;
	[tilespmem:s31+$0x60] =	vst v19;
	v2 =	vld [tilespmem:s30+$0xFFFFFFF0]  }
0x2b5: {  	v6 =	vmul.f32 v56, v6;
	[tilespmem:s31+$0xE0] =	vst v16;
	v3 =	vld [tilespmem:s30+$0x70]  }
0x2b6: {  	v7 =	vmul.f32 v51, v12;
	[tilespmem:s0+$0x1E0] =	vst v17;
	v59 =	vld [tilespmem:s30+$0xF0]  }
0x2b7: {  	[tilespmem:s28+$0x1F0] =	vst v6;
	v60 =	vmul.f32 v57, v14;
	v61 =	vld [tilespmem:s30+$0x1F0]  }
0x2b8: {  	[tilespmem:s0+$0xFFFFFE70] =	vst v7;
	v62 =	vmul.f32 v58, v9  }
0x2b9: {  	[tilespmem:s0+$0xFFFFFEF0] =	vst v60;
	v2 =	vmul.f32 v2, v10  }
0x2ba: {  	v3 =	vmul.f32 v3, v8;
	[tilespmem:s0+$0xFFFFFF70] =	vst v62  }
.Ltmp8:
0x2bb: {  	v63 =	vmul.f32 v59, v11;
	[tilespmem:s0+$0xFFFFFFF0] =	vst v2;
	(pc) =	sbr.rel @p1 .LBB2_13-.Ltmp8, $4  }
0x2bc: {  	s4 =	sshll.u32 s26, $0x7;
	v2 =	vmul.f32 v61, v13;
	[tilespmem:s0+$0x70] =	vst v3  }
0x2bd: {  	s4 =	sand.u32 $0x3FFFFF80, s4;
	[tilespmem:s0+$0xF0] =	vst v63  }
0x2be: {  	s31 =	sadd.s32 $0xA700, s4;
	[tilespmem:s0+$0x1F0] =	vst v2  }
0x2bf: {  	[spmem:s2] =	stream.indirect.scatter.add.f32 [tilespmem:s21], [sflag:$0x4], $0x80, s31, s15, $0xb8;
	[tilespmem:$0x1F600] =	vst v63  }
0x2c0: {  	s0 =	smul.u32 $0x280, s25  }
.Ltmp9:
0x2c1: {  	_ = 	snop;
	(pc) =	sbr.rel .LBB2_7-.Ltmp9, $4  }
0x2c2: {  	_ = 	snop  }
0x2c3: {  	s0 =	sshra.s32 s0, $0x2  }
0x2c4: {  	s25 =	sadd.s32 $0x1, s25;
	s24 =	sadd.s32 $0xA0, s24;
	s0 =	sadd.s32 $0xA470, s0  }
0x2c5: {  	[tilespmem:s18], [sflag:$0x2] =	stream.indirect.gather [hbm4b:s5+s15], $0x80, s0, s15, $0xb8;
	[tilespmem:$0x1F600] =	vst v63  }
.LBB2_15:
0x2c6: {  	_ =	sfence.sel $0x180000  }
0x2c7: {  	[bflag:$0x0] =	sbarrier.arrive $0xFFFF  }
0x2c8: {  	_ =	strace $0x9000004A  }
0x2c9: {  	s0 =	stileid.u32;
	[bflag:$0x2] =	sbarrier.arrive $0xFFFF  }
0x2ca: {  	p0 =	sne.s32 s0, $0x0;
	s0 =	rddreg [dreg:$0x3]  }
0x2cb: {  	s0 =	sadd.s32 @!p0 $0x100000, s0  }
0x2cc: {  	[sflag:s0] =	ssyncadd.tile.s32 @!p0 $0x1;
	_ =	shalt  }
.Lfunc_end2:
_tile_overlayer_lowered:
.L_overlay_start_2:
0x2cd: {  	(tag) =	ssettag $0x2  }
0x2ce: {  	s0 =	rddreg [dreg:$0x0];
	s2 =	stileid.u32  }
0x2cf: {  	s1 =	rddreg [dreg:$0x1];
	p0 =	sne.s32 s2, $0x0  }
0x2d0: {  	s3 =	rddreg [dreg:$0x2];
	[bflag:$0x3] =	sbarrier.arrive $0xFFFF;
	s2 =	simm.s32 @!p0 $0x1C06  }
0x2d1: {  	[timem:s3], [sflag:s2] =	dma.local @!p0 [hbm:s0], s1  }
0x2d2: {  	s0 =	simm.s32 @!p0 $0x6  }
0x2d3: {  	_ =	swait.ge @!p0 [sflag:s0], s1  }
0x2d4: {  	s1 =	ssub.s32 @!p0 $0x0, s1;
	[sflag:s0] =	ssyncset.done @!p0 $0x0  }
0x2d5: {  	[sflag:s0] =	ssyncadd.s32 @!p0 s1  }
0x2d6: {  	[bflag:$0x3] =	sbarrier.arrive $0xFFFF  }
0x2d7: {  	_ =	shalt  }

</sc_bundles>
